<compile_context>
chip_gen: v7x
topology: tpu7x:2x2x1
jax: 0.10.2.dev20260603
libtpu: 0.0.44.dev20260713+nightly
codegen_flags: <defaults>
</compile_context>

<pallas_src>
import functools

import jax
import jax.numpy as jnp
from jax import lax
from jax.experimental import pallas as pl
from jax.experimental.pallas import tpu as pltpu
from jax.experimental.pallas import tpu_sc as plsc

N = 10000
E = 320000
D = 128
DE = 16
DU = 32

NC = 2
NS = 16
NW = NC * NS
CH = 400
SUB = 100
NSUB = CH // SUB
NCHUNK = E // CH
GRP = 5
NGRP = NCHUNK // NW // GRP
N_PAD = 10240
ROWS_PER_TILE = N_PAD // NS


_sc_mesh = plsc.VectorSubcoreMesh(
    core_axis_name="c", subcore_axis_name="s", num_cores=NC, num_subcores=NS
)


@functools.partial(
    pl.kernel,
    out_type=(
        jax.ShapeDtypeStruct((DE, E), jnp.float32),
        jax.ShapeDtypeStruct((NC, N_PAD, DE), jnp.float32),
    ),
    mesh=_sc_mesh,
    scratch_types=[
        pltpu.VMEM((GRP, NSUB, SUB), jnp.int32),
        pltpu.VMEM((GRP, NSUB, SUB), jnp.int32),
        pltpu.VMEM((GRP, DE, CH + 1), jnp.float32),
        pltpu.VMEM((GRP, CH, DE), jnp.float32),
        pltpu.VMEM((GRP, CH, DE), jnp.float32),
        pltpu.VMEM((CH, DE), jnp.float32),
        pltpu.VMEM((DE, CH + 1), jnp.float32),
        pltpu.VMEM((ROWS_PER_TILE // 4, DE), jnp.float32),
        pltpu.VMEM_SHARED((N_PAD, DE), jnp.float32),
        pltpu.SemaphoreType.DMA,
        pltpu.SemaphoreType.DMA,
    ],
    compiler_params=pltpu.CompilerParams(use_tc_tiling_on_sc=False,
                                         needs_layout_passes=False),
)
def _edge_sc(row_hbm, col_hbm, etT_hbm, psrc_hbm, pdst_hbm,
             eoutT_hbm, aggp_hbm,
             idxr_v, idxc_v, etT_v, src_v, dst_v, eo_v, eoT_v, z_v, agg_sh,
             sem1, sem2):
    cid = lax.axis_index("c")
    sid = lax.axis_index("s")
    wid = sid * NC + cid
    lane = lax.iota(jnp.int32, 16)

    QR = ROWS_PER_TILE // 4
    def zero_body(i, _):
        z_v[i] = jnp.zeros((DE,), jnp.float32)
        return 0
    lax.fori_loop(0, QR, zero_body, 0)
    for q in range(4):
        pltpu.sync_copy(z_v, agg_sh.at[pl.ds(sid * ROWS_PER_TILE + q * QR, QR)])
    plsc.subcore_barrier()

    def group_body(g, _):
        chunk0 = wid + g * GRP * NW
        idx_cps = []
        et_cps = []
        for k in range(GRP):
            chunk = chunk0 + k * NW
            idx_cps.append(pltpu.async_copy(
                row_hbm.at[pl.ds(chunk * NSUB, NSUB)], idxr_v.at[k], sem2))
            idx_cps.append(pltpu.async_copy(
                col_hbm.at[pl.ds(chunk * NSUB, NSUB)], idxc_v.at[k], sem2))
            et_cps.append(pltpu.async_copy(
                etT_hbm.at[:, pl.ds(chunk * CH, CH)],
                etT_v.at[k, :, pl.ds(0, CH)], sem2))
        gather_cps = [[] for _ in range(GRP)]
        for k in range(GRP):
            idx_cps[2 * k].wait()
            idx_cps[2 * k + 1].wait()
            for s in range(NSUB):
                gather_cps[k].append(pltpu.async_copy(
                    psrc_hbm.at[idxr_v.at[k, s]],
                    src_v.at[k, pl.ds(s * SUB, SUB)], sem1))
                gather_cps[k].append(pltpu.async_copy(
                    pdst_hbm.at[idxc_v.at[k, s]],
                    dst_v.at[k, pl.ds(s * SUB, SUB)], sem1))
        for k in range(GRP):
            chunk = chunk0 + k * NW
            for cp in gather_cps[k]:
                cp.wait()
            et_cps[k].wait()

            @plsc.parallel_loop(0, CH, 1, unroll=16)
            def _edge(i):
                col = jnp.broadcast_to(i, (16,)).astype(jnp.int32)
                et = plsc.load_gather(etT_v.at[k], [lane, col])
                val = jnp.maximum(src_v[k, i] + dst_v[k, i] + et, 0.0)
                eo_v[i] = val
                plsc.store_scatter(eoT_v, [lane, col], val)

            pltpu.sync_copy(eoT_v.at[:, pl.ds(0, CH)],
                            eoutT_hbm.at[:, pl.ds(chunk * CH, CH)])
            for s in range(NSUB):
                pltpu.sync_copy(
                    eo_v.at[pl.ds(s * SUB, SUB)],
                    agg_sh.at[idxc_v.at[k, s]], add=True)
        return 0

    lax.fori_loop(0, NGRP, group_body, 0)

    plsc.subcore_barrier()
    pltpu.sync_copy(
        agg_sh.at[pl.ds(sid * ROWS_PER_TILE, ROWS_PER_TILE)],
        aggp_hbm.at[cid, pl.ds(sid * ROWS_PER_TILE, ROWS_PER_TILE)],
    )


def _proj_body(node_ref, wsrc_ref, wdst_ref, psrc_ref, pdst_ref):
    x = node_ref[...]
    psrc_ref[...] = jnp.dot(x, wsrc_ref[...], preferred_element_type=jnp.float32)
    pdst_ref[...] = jnp.dot(x, wdst_ref[...], preferred_element_type=jnp.float32)


def _edge_term_body(eat_ref, wt_ref, b_ref, out_ref):
    out_ref[...] = (
        jnp.dot(wt_ref[...], eat_ref[...], preferred_element_type=jnp.float32)
        + b_ref[...]
    )


def _node_body(node_ref, aggp_ref, wv1_ref, wv2_ref, bv_ref,
               vout_ref, vsum_ref, esum_ref):
    i = pl.program_id(0)
    agg = aggp_ref[0] + aggp_ref[1]
    v = jnp.dot(node_ref[...], wv1_ref[...], preferred_element_type=jnp.float32)
    v += jnp.dot(agg, wv2_ref[...], preferred_element_type=jnp.float32)
    v = jnp.maximum(v + bv_ref[...], 0.0)
    vout_ref[...] = v

    @pl.when(i == 0)
    def _():
        vsum_ref[...] = jnp.zeros_like(vsum_ref)
        esum_ref[...] = jnp.zeros_like(esum_ref)
    vsum_ref[...] += jnp.sum(v, axis=0, keepdims=True)
    esum_ref[...] += jnp.sum(agg, axis=0, keepdims=True)


def _global_body(vsum_ref, esum_ref, u_ref, wuv_ref, wue_ref, wuu_ref, bu_ref,
                 out_ref):
    mean_v = vsum_ref[...] / N
    mean_e = esum_ref[...] / E
    acc = jnp.dot(mean_v, wuv_ref[...], preferred_element_type=jnp.float32)
    acc += jnp.dot(mean_e, wue_ref[...], preferred_element_type=jnp.float32)
    acc += jnp.dot(u_ref[...], wuu_ref[...], preferred_element_type=jnp.float32)
    out_ref[...] = jnp.maximum(acc + bu_ref[...], 0.0)


def kernel(node_attr, connectivity, edge_attr, u, W_e, b_e, W_v, b_v, W_u, b_u):
    row = connectivity[0]
    col = connectivity[1]
    row2d = row.reshape(E // SUB, SUB)
    col2d = col.reshape(E // SUB, SUB)
    W_src = W_e[:D]
    W_dst = W_e[D:2 * D]
    W_eg = W_e[2 * D:]
    W_v1 = W_v[:D]
    W_v2 = W_v[D:]
    W_uv = W_u[:D]
    W_ue = W_u[D:D + DE]
    W_uu = W_u[D + DE:]

    eye8 = jnp.eye(8, dtype=jnp.float32)
    psrc_p, pdst_p = pl.pallas_call(
        _proj_body,
        out_shape=(
            jax.ShapeDtypeStruct((N // 8, 128), jnp.float32),
            jax.ShapeDtypeStruct((N // 8, 128), jnp.float32),
        ),
    )(node_attr.reshape(N // 8, 8 * D), jnp.kron(eye8, W_src),
      jnp.kron(eye8, W_dst))
    psrc = psrc_p.reshape(N, DE)
    pdst = pdst_p.reshape(N, DE)

    EB = 16000
    etT = pl.pallas_call(
        _edge_term_body,
        grid=(E // EB,),
        in_specs=[
            pl.BlockSpec((DE, EB), lambda i: (0, i)),
            pl.BlockSpec((DE, DE), lambda i: (0, 0)),
            pl.BlockSpec((DE, 1), lambda i: (0, 0)),
        ],
        out_specs=pl.BlockSpec((DE, EB), lambda i: (0, i)),
        out_shape=jax.ShapeDtypeStruct((DE, E), jnp.float32),
    )(edge_attr.T, W_eg.T, b_e.reshape(DE, 1))

    eoutT, aggp = _edge_sc(row2d, col2d, etT, psrc, pdst)
    e_out = eoutT.T

    NB = 2000
    v_out, vsum, esum = pl.pallas_call(
        _node_body,
        grid=(N // NB,),
        in_specs=[
            pl.BlockSpec((NB, D), lambda i: (i, 0)),
            pl.BlockSpec((NC, NB, DE), lambda i: (0, i, 0)),
            pl.BlockSpec((D, D), lambda i: (0, 0)),
            pl.BlockSpec((DE, D), lambda i: (0, 0)),
            pl.BlockSpec((1, D), lambda i: (0, 0)),
        ],
        out_specs=(
            pl.BlockSpec((NB, D), lambda i: (i, 0)),
            pl.BlockSpec((1, D), lambda i: (0, 0)),
            pl.BlockSpec((1, DE), lambda i: (0, 0)),
        ),
        out_shape=(
            jax.ShapeDtypeStruct((N, D), jnp.float32),
            jax.ShapeDtypeStruct((1, D), jnp.float32),
            jax.ShapeDtypeStruct((1, DE), jnp.float32),
        ),
    )(node_attr, aggp, W_v1, W_v2, b_v.reshape(1, D))

    u_out = pl.pallas_call(
        _global_body,
        out_shape=jax.ShapeDtypeStruct((1, DU), jnp.float32),
    )(vsum, esum, u, W_uv, W_ue, W_uu, b_u.reshape(1, DU))

    return (v_out, e_out, u_out)

# --- scband reference (transcript-rebuilt; emitter-appended) ---
"""Pipeline reference for scband-graph-encoder-51891794871088 (READ-ONLY COPY).

The authoritative reference and input builder live on the scoring server;
editing this copy changes nothing except your own understanding.
"""

import jax, jax.numpy as jnp
import numpy as np

N = 10000
E = 320000
D = 128
DE = 16
DU = 32


def setup_inputs(seed: int = 0) -> dict:
    key = jax.random.key(seed)
    ks = jax.random.split(key, 10)
    node_attr = jax.random.normal(ks[0], (N, D), dtype=jnp.float32)
    connectivity = jax.random.randint(ks[1], (2, E), 0, N, dtype=jnp.int32)
    edge_attr = jax.random.normal(ks[2], (E, DE), dtype=jnp.float32)
    u = jax.random.normal(ks[3], (1, DU), dtype=jnp.float32)
    # learned parameters for the canonical GraphNets encoder blocks
    W_e = jax.random.normal(ks[4], (2 * D + DE, DE), dtype=jnp.float32) * 0.02
    b_e = jnp.zeros((DE,), dtype=jnp.float32)
    W_v = jax.random.normal(ks[5], (D + DE, D), dtype=jnp.float32) * 0.02
    b_v = jnp.zeros((D,), dtype=jnp.float32)
    W_u = jax.random.normal(ks[6], (D + DE + DU, DU), dtype=jnp.float32) * 0.02
    b_u = jnp.zeros((DU,), dtype=jnp.float32)
    return {
        "node_attr": node_attr,
        "connectivity": connectivity,
        "edge_attr": edge_attr,
        "u": u,
        "W_e": W_e,
        "b_e": b_e,
        "W_v": W_v,
        "b_v": b_v,
        "W_u": W_u,
        "b_u": b_u,
    }


def reference(node_attr, connectivity, edge_attr, u, W_e, b_e, W_v, b_v, W_u, b_u):
    row = connectivity[0]
    col = connectivity[1]
    # edge model: gather src/dst node features (SparseCore gather), concat, linear
    e_in = jnp.concatenate([node_attr[row], node_attr[col], edge_attr], axis=-1)
    e_out = jax.nn.relu(e_in @ W_e + b_e)
    # node model: scatter-add edge messages to dst nodes (SparseCore segment_sum)
    agg = jax.ops.segment_sum(e_out, col, num_segments=N)
    v_in = jnp.concatenate([node_attr, agg], axis=-1)
    v_out = jax.nn.relu(v_in @ W_v + b_v)
    # global model: aggregate nodes and edges, combine with global attr
    u_in = jnp.concatenate(
        [jnp.mean(v_out, axis=0, keepdims=True), jnp.mean(e_out, axis=0, keepdims=True), u], axis=-1
    )
    u_out = jax.nn.relu(u_in @ W_u + b_u)
    return (v_out, e_out, u_out)

if __name__ == "__main__":
    import jax
    _d = setup_inputs()
    print(jax.jit(kernel)(*tuple(_d.values())))

</pallas_src>

<mosaic_0001>
#map = affine_map<(d0, d1) -> (0, 0)>
#map1 = affine_map<(d0, d1) -> (0, 0, 0)>
module attributes {stable_mosaic.version = 14 : i64} {
  func.func @_edge_sc(%arg0: i32, %arg1: i32, %arg2: memref<3200x100xi32, #tpu.memory_space<hbm>>, %arg3: memref<3200x100xi32, #tpu.memory_space<hbm>>, %arg4: memref<16x320000xf32, #tpu.memory_space<hbm>>, %arg5: memref<10000x16xf32, #tpu.memory_space<hbm>>, %arg6: memref<10000x16xf32, #tpu.memory_space<hbm>>, %arg7: memref<16x320000xf32, #tpu.memory_space<hbm>>, %arg8: memref<2x10240x16xf32, #tpu.memory_space<hbm>>, %arg9: memref<5x4x100xi32, #tpu.memory_space<vmem>>, %arg10: memref<5x4x100xi32, #tpu.memory_space<vmem>>, %arg11: memref<5x16x401xf32, #tpu.memory_space<vmem>>, %arg12: memref<5x400x16xf32, #tpu.memory_space<vmem>>, %arg13: memref<5x400x16xf32, #tpu.memory_space<vmem>>, %arg14: memref<400x16xf32, #tpu.memory_space<vmem>>, %arg15: memref<16x401xf32, #tpu.memory_space<vmem>>, %arg16: memref<160x16xf32, #tpu.memory_space<vmem>>, %arg17: memref<10240x16xf32, #tpu.memory_space<vmem_shared>>, %arg18: memref<!tpu.dma_semaphore, #tpu.memory_space<semaphore_mem>>, %arg19: memref<!tpu.dma_semaphore, #tpu.memory_space<semaphore_mem>>) attributes {dimension_semantics = [#tpu.dimension_semantics<core_parallel>, #tpu.dimension_semantics<subcore_parallel>], iteration_bounds = array<i64: 2, 16>, scalar_prefetch = 0 : i64, scratch_operands = 11 : i64, tpu.core_type = #tpu.core_type<sc_vector_subcore>, window_params = [{transform_indices = #map}, {transform_indices = #map}, {transform_indices = #map}, {transform_indices = #map}, {transform_indices = #map}, {transform_indices = #map}, {transform_indices = #map1}]} {
    %mul3A = arith.constant 2 : i32
    %mul3A_0 = arith.muli %arg1, %mul3A : i32
    %add3A = arith.addi %mul3A_0, %arg0 : i32
    %iota3A = tpu.iota {dimensions = array<i32: 0>} : vector<16xi32>
    %scan3A = arith.constant 0 : i32
    %scan3A_1 = arith.constant 0 : i32
    %scan3A_2 = arith.constant 160 : i32
    %scan3A_3 = arith.addi %scan3A_1, %scan3A_2 : i32
    %scan3A_4 = arith.constant 1 : i32
    %scan3A_5 = scf.for %scan3A_35 = %scan3A_1 to %scan3A_3 step %scan3A_4 iter_args(%scan3A_36 = %scan3A) -> (i32)  : i32 {
      %broadcast_in_dim3A = arith.constant 0.000000e+00 : f32
      %broadcast_in_dim3A_37 = vector.broadcast %broadcast_in_dim3A : f32 to vector<16xf32>
      %swap3A = arith.index_cast %scan3A_35 : i32 to index
      %swap3A_38 = arith.constant 0 : index
      %swap3A_39 = tpu.vector_load %arg16[%swap3A, %swap3A_38] {strides = array<i32>} : memref<160x16xf32, #tpu.memory_space<vmem>>, vector<16xf32>,
      tpu.vector_store %arg16[%swap3A, %swap3A_38], %broadcast_in_dim3A_37 {strides = array<i32>} : memref<160x16xf32, #tpu.memory_space<vmem>>, vector<16xf32>,
      %scan3A_40 = arith.constant 0 : i32
      scf.yield %scan3A_40 : i32
    }
    %scan3A_6 = arith.constant 160 : i32
    %mul3A_7 = arith.constant 640 : i32
    %mul3A_8 = arith.muli %arg1, %mul3A_7 : i32
    %add3A_9 = arith.constant 0 : i32
    %add3A_10 = arith.addi %mul3A_8, %add3A_9 : i32
    "tpu.region"() ({
      %run_scoped3A = tpu.sem_alloc : memref<!tpu.dma_semaphore, #tpu.memory_space<semaphore_mem>>
      %dma_start3A = arith.constant 0 : i32
      %dma_start3A_35 = tpu.memref_slice %arg17[%add3A_10, %dma_start3A] : memref<10240x16xf32, #tpu.memory_space<vmem_shared>> -> memref<160x16xf32, #tpu.memory_space<vmem_shared>>
      %dma_start3A_36 = arith.constant 0 : i32
      %dma_start3A_37 = tpu.memref_slice %arg17[%add3A_10, %dma_start3A_36] : memref<10240x16xf32, #tpu.memory_space<vmem_shared>> -> memref<160x16xf32, #tpu.memory_space<vmem_shared>>
      tpu.enqueue_dma source(%arg16 : memref<160x16xf32, #tpu.memory_space<vmem>>) target(%dma_start3A_37 : memref<160x16xf32, #tpu.memory_space<vmem_shared>>) target_semaphore(%run_scoped3A : memref<!tpu.dma_semaphore, #tpu.memory_space<semaphore_mem>>)
      %dma_wait3A = arith.constant 0 : i32
      %dma_wait3A_38 = tpu.memref_slice %arg17[%add3A_10, %dma_wait3A] : memref<10240x16xf32, #tpu.memory_space<vmem_shared>> -> memref<160x16xf32, #tpu.memory_space<vmem_shared>>
      %dma_wait3A_39 = arith.constant 0 : i32
      %dma_wait3A_40 = tpu.memref_slice %arg17[%add3A_10, %dma_wait3A_39] : memref<10240x16xf32, #tpu.memory_space<vmem_shared>> -> memref<160x16xf32, #tpu.memory_space<vmem_shared>>
      tpu.wait_dma2 semaphore(%run_scoped3A : memref<!tpu.dma_semaphore, #tpu.memory_space<semaphore_mem>>) src(%arg16 : memref<160x16xf32, #tpu.memory_space<vmem>>) dst(%dma_wait3A_40 : memref<160x16xf32, #tpu.memory_space<vmem_shared>>)
      tpu.yield
    }) : () -> ()
    %mul3A_11 = arith.constant 640 : i32
    %mul3A_12 = arith.muli %arg1, %mul3A_11 : i32
    %add3A_13 = arith.constant 160 : i32
    %add3A_14 = arith.addi %mul3A_12, %add3A_13 : i32
    "tpu.region"() ({
      %run_scoped3A = tpu.sem_alloc : memref<!tpu.dma_semaphore, #tpu.memory_space<semaphore_mem>>
      %dma_start3A = arith.constant 0 : i32
      %dma_start3A_35 = tpu.memref_slice %arg17[%add3A_14, %dma_start3A] : memref<10240x16xf32, #tpu.memory_space<vmem_shared>> -> memref<160x16xf32, #tpu.memory_space<vmem_shared>>
      %dma_start3A_36 = arith.constant 0 : i32
      %dma_start3A_37 = tpu.memref_slice %arg17[%add3A_14, %dma_start3A_36] : memref<10240x16xf32, #tpu.memory_space<vmem_shared>> -> memref<160x16xf32, #tpu.memory_space<vmem_shared>>
      tpu.enqueue_dma source(%arg16 : memref<160x16xf32, #tpu.memory_space<vmem>>) target(%dma_start3A_37 : memref<160x16xf32, #tpu.memory_space<vmem_shared>>) target_semaphore(%run_scoped3A : memref<!tpu.dma_semaphore, #tpu.memory_space<semaphore_mem>>)
      %dma_wait3A = arith.constant 0 : i32
      %dma_wait3A_38 = tpu.memref_slice %arg17[%add3A_14, %dma_wait3A] : memref<10240x16xf32, #tpu.memory_space<vmem_shared>> -> memref<160x16xf32, #tpu.memory_space<vmem_shared>>
      %dma_wait3A_39 = arith.constant 0 : i32
      %dma_wait3A_40 = tpu.memref_slice %arg17[%add3A_14, %dma_wait3A_39] : memref<10240x16xf32, #tpu.memory_space<vmem_shared>> -> memref<160x16xf32, #tpu.memory_space<vmem_shared>>
      tpu.wait_dma2 semaphore(%run_scoped3A : memref<!tpu.dma_semaphore, #tpu.memory_space<semaphore_mem>>) src(%arg16 : memref<160x16xf32, #tpu.memory_space<vmem>>) dst(%dma_wait3A_40 : memref<160x16xf32, #tpu.memory_space<vmem_shared>>)
      tpu.yield
    }) : () -> ()
    %mul3A_15 = arith.constant 640 : i32
    %mul3A_16 = arith.muli %arg1, %mul3A_15 : i32
    %add3A_17 = arith.constant 320 : i32
    %add3A_18 = arith.addi %mul3A_16, %add3A_17 : i32
    "tpu.region"() ({
      %run_scoped3A = tpu.sem_alloc : memref<!tpu.dma_semaphore, #tpu.memory_space<semaphore_mem>>
      %dma_start3A = arith.constant 0 : i32
      %dma_start3A_35 = tpu.memref_slice %arg17[%add3A_18, %dma_start3A] : memref<10240x16xf32, #tpu.memory_space<vmem_shared>> -> memref<160x16xf32, #tpu.memory_space<vmem_shared>>
      %dma_start3A_36 = arith.constant 0 : i32
      %dma_start3A_37 = tpu.memref_slice %arg17[%add3A_18, %dma_start3A_36] : memref<10240x16xf32, #tpu.memory_space<vmem_shared>> -> memref<160x16xf32, #tpu.memory_space<vmem_shared>>
      tpu.enqueue_dma source(%arg16 : memref<160x16xf32, #tpu.memory_space<vmem>>) target(%dma_start3A_37 : memref<160x16xf32, #tpu.memory_space<vmem_shared>>) target_semaphore(%run_scoped3A : memref<!tpu.dma_semaphore, #tpu.memory_space<semaphore_mem>>)
      %dma_wait3A = arith.constant 0 : i32
      %dma_wait3A_38 = tpu.memref_slice %arg17[%add3A_18, %dma_wait3A] : memref<10240x16xf32, #tpu.memory_space<vmem_shared>> -> memref<160x16xf32, #tpu.memory_space<vmem_shared>>
      %dma_wait3A_39 = arith.constant 0 : i32
      %dma_wait3A_40 = tpu.memref_slice %arg17[%add3A_18, %dma_wait3A_39] : memref<10240x16xf32, #tpu.memory_space<vmem_shared>> -> memref<160x16xf32, #tpu.memory_space<vmem_shared>>
      tpu.wait_dma2 semaphore(%run_scoped3A : memref<!tpu.dma_semaphore, #tpu.memory_space<semaphore_mem>>) src(%arg16 : memref<160x16xf32, #tpu.memory_space<vmem>>) dst(%dma_wait3A_40 : memref<160x16xf32, #tpu.memory_space<vmem_shared>>)
      tpu.yield
    }) : () -> ()
    %mul3A_19 = arith.constant 640 : i32
    %mul3A_20 = arith.muli %arg1, %mul3A_19 : i32
    %add3A_21 = arith.constant 480 : i32
    %add3A_22 = arith.addi %mul3A_20, %add3A_21 : i32
    "tpu.region"() ({
      %run_scoped3A = tpu.sem_alloc : memref<!tpu.dma_semaphore, #tpu.memory_space<semaphore_mem>>
      %dma_start3A = arith.constant 0 : i32
      %dma_start3A_35 = tpu.memref_slice %arg17[%add3A_22, %dma_start3A] : memref<10240x16xf32, #tpu.memory_space<vmem_shared>> -> memref<160x16xf32, #tpu.memory_space<vmem_shared>>
      %dma_start3A_36 = arith.constant 0 : i32
      %dma_start3A_37 = tpu.memref_slice %arg17[%add3A_22, %dma_start3A_36] : memref<10240x16xf32, #tpu.memory_space<vmem_shared>> -> memref<160x16xf32, #tpu.memory_space<vmem_shared>>
      tpu.enqueue_dma source(%arg16 : memref<160x16xf32, #tpu.memory_space<vmem>>) target(%dma_start3A_37 : memref<160x16xf32, #tpu.memory_space<vmem_shared>>) target_semaphore(%run_scoped3A : memref<!tpu.dma_semaphore, #tpu.memory_space<semaphore_mem>>)
      %dma_wait3A = arith.constant 0 : i32
      %dma_wait3A_38 = tpu.memref_slice %arg17[%add3A_22, %dma_wait3A] : memref<10240x16xf32, #tpu.memory_space<vmem_shared>> -> memref<160x16xf32, #tpu.memory_space<vmem_shared>>
      %dma_wait3A_39 = arith.constant 0 : i32
      %dma_wait3A_40 = tpu.memref_slice %arg17[%add3A_22, %dma_wait3A_39] : memref<10240x16xf32, #tpu.memory_space<vmem_shared>> -> memref<160x16xf32, #tpu.memory_space<vmem_shared>>
      tpu.wait_dma2 semaphore(%run_scoped3A : memref<!tpu.dma_semaphore, #tpu.memory_space<semaphore_mem>>) src(%arg16 : memref<160x16xf32, #tpu.memory_space<vmem>>) dst(%dma_wait3A_40 : memref<160x16xf32, #tpu.memory_space<vmem_shared>>)
      tpu.yield
    }) : () -> ()
    %barrier3A = arith.constant 0 : index
    tpu.barrier barrier_id(%barrier3A)
    %scan3A_23 = arith.constant 0 : i32
    %scan3A_24 = arith.constant 0 : i32
    %scan3A_25 = arith.constant 5 : i32
    %scan3A_26 = arith.addi %scan3A_24, %scan3A_25 : i32
    %scan3A_27 = arith.constant 1 : i32
    %scan3A_28 = scf.for %scan3A_35 = %scan3A_24 to %scan3A_26 step %scan3A_27 iter_args(%scan3A_36 = %scan3A_23) -> (i32)  : i32 {
      %mul3A_37 = arith.constant 5 : i32
      %mul3A_38 = arith.muli %scan3A_35, %mul3A_37 : i32
      %mul3A_39 = arith.constant 32 : i32
      %mul3A_40 = arith.muli %mul3A_38, %mul3A_39 : i32
      %add3A_41 = arith.addi %add3A, %mul3A_40 : i32
      %add3A_42 = arith.constant 0 : i32
      %add3A_43 = arith.addi %add3A_41, %add3A_42 : i32
      %mul3A_44 = arith.constant 4 : i32
      %mul3A_45 = arith.muli %add3A_43, %mul3A_44 : i32
      %dma_start3A = arith.constant 0 : i32
      %dma_start3A_46 = arith.constant 0 : i32
      %dma_start3A_47 = arith.constant 0 : i32
      %dma_start3A_48 = tpu.memref_slice %arg9[%dma_start3A, %dma_start3A_46, %dma_start3A_47] : memref<5x4x100xi32, #tpu.memory_space<vmem>> -> memref<1x4x100xi32, #tpu.memory_space<vmem>>
      %dma_start3A_49 = tpu.memref_squeeze %dma_start3A_48 : memref<1x4x100xi32, #tpu.memory_space<vmem>> -> memref<4x100xi32, #tpu.memory_space<vmem>>
      %dma_start3A_50 = arith.constant 0 : i32
      %dma_start3A_51 = tpu.memref_slice %arg2[%mul3A_45, %dma_start3A_50] : memref<3200x100xi32, #tpu.memory_space<hbm>> -> memref<4x100xi32, #tpu.memory_space<hbm>>
      %dma_start3A_52 = arith.constant 0 : i32
      %dma_start3A_53 = arith.constant 0 : i32
      %dma_start3A_54 = tpu.memref_slice %arg9[%dma_start3A, %dma_start3A_52, %dma_start3A_53] : memref<5x4x100xi32, #tpu.memory_space<vmem>> -> memref<1x4x100xi32, #tpu.memory_space<vmem>>
      %dma_start3A_55 = tpu.memref_squeeze %dma_start3A_54 : memref<1x4x100xi32, #tpu.memory_space<vmem>> -> memref<4x100xi32, #tpu.memory_space<vmem>>
      %dma_start3A_56 = arith.constant 0 : i32
      %dma_start3A_57 = tpu.memref_slice %arg2[%mul3A_45, %dma_start3A_56] : memref<3200x100xi32, #tpu.memory_space<hbm>> -> memref<4x100xi32, #tpu.memory_space<hbm>>
      tpu.enqueue_dma source(%dma_start3A_57 : memref<4x100xi32, #tpu.memory_space<hbm>>) target(%dma_start3A_55 : memref<4x100xi32, #tpu.memory_space<vmem>>) target_semaphore(%arg19 : memref<!tpu.dma_semaphore, #tpu.memory_space<semaphore_mem>>)
      %mul3A_58 = arith.constant 4 : i32
      %mul3A_59 = arith.muli %add3A_43, %mul3A_58 : i32
      %dma_start3A_60 = arith.constant 0 : i32
      %dma_start3A_61 = arith.constant 0 : i32
      %dma_start3A_62 = arith.constant 0 : i32
      %dma_start3A_63 = tpu.memref_slice %arg10[%dma_start3A_60, %dma_start3A_61, %dma_start3A_62] : memref<5x4x100xi32, #tpu.memory_space<vmem>> -> memref<1x4x100xi32, #tpu.memory_space<vmem>>
      %dma_start3A_64 = tpu.memref_squeeze %dma_start3A_63 : memref<1x4x100xi32, #tpu.memory_space<vmem>> -> memref<4x100xi32, #tpu.memory_space<vmem>>
      %dma_start3A_65 = arith.constant 0 : i32
      %dma_start3A_66 = tpu.memref_slice %arg3[%mul3A_59, %dma_start3A_65] : memref<3200x100xi32, #tpu.memory_space<hbm>> -> memref<4x100xi32, #tpu.memory_space<hbm>>
      %dma_start3A_67 = arith.constant 0 : i32
      %dma_start3A_68 = arith.constant 0 : i32
      %dma_start3A_69 = tpu.memref_slice %arg10[%dma_start3A_60, %dma_start3A_67, %dma_start3A_68] : memref<5x4x100xi32, #tpu.memory_space<vmem>> -> memref<1x4x100xi32, #tpu.memory_space<vmem>>
      %dma_start3A_70 = tpu.memref_squeeze %dma_start3A_69 : memref<1x4x100xi32, #tpu.memory_space<vmem>> -> memref<4x100xi32, #tpu.memory_space<vmem>>
      %dma_start3A_71 = arith.constant 0 : i32
      %dma_start3A_72 = tpu.memref_slice %arg3[%mul3A_59, %dma_start3A_71] : memref<3200x100xi32, #tpu.memory_space<hbm>> -> memref<4x100xi32, #tpu.memory_space<hbm>>
      tpu.enqueue_dma source(%dma_start3A_72 : memref<4x100xi32, #tpu.memory_space<hbm>>) target(%dma_start3A_70 : memref<4x100xi32, #tpu.memory_space<vmem>>) target_semaphore(%arg19 : memref<!tpu.dma_semaphore, #tpu.memory_space<semaphore_mem>>)
      %mul3A_73 = arith.constant 400 : i32
      %mul3A_74 = arith.muli %add3A_43, %mul3A_73 : i32
      %dma_start3A_75 = arith.constant 0 : i32
      %dma_start3A_76 = arith.constant 0 : i32
      %dma_start3A_77 = arith.constant 0 : i32
      %dma_start3A_78 = tpu.memref_slice %arg11[%dma_start3A_75, %dma_start3A_76, %dma_start3A_77] : memref<5x16x401xf32, #tpu.memory_space<vmem>> -> memref<1x16x400xf32, #tpu.memory_space<vmem>>
      %dma_start3A_79 = tpu.memref_squeeze %dma_start3A_78 : memref<1x16x400xf32, #tpu.memory_space<vmem>> -> memref<16x400xf32, #tpu.memory_space<vmem>>
      %dma_start3A_80 = arith.constant 0 : i32
      %dma_start3A_81 = tpu.memref_slice %arg4[%dma_start3A_80, %mul3A_74] : memref<16x320000xf32, #tpu.memory_space<hbm>> -> memref<16x400xf32, #tpu.memory_space<hbm>>
      %dma_start3A_82 = arith.constant 0 : i32
      %dma_start3A_83 = arith.constant 0 : i32
      %dma_start3A_84 = tpu.memref_slice %arg11[%dma_start3A_75, %dma_start3A_82, %dma_start3A_83] : memref<5x16x401xf32, #tpu.memory_space<vmem>> -> memref<1x16x400xf32, #tpu.memory_space<vmem>>
      %dma_start3A_85 = tpu.memref_squeeze %dma_start3A_84 : memref<1x16x400xf32, #tpu.memory_space<vmem>> -> memref<16x400xf32, #tpu.memory_space<vmem>>
      %dma_start3A_86 = arith.constant 0 : i32
      %dma_start3A_87 = tpu.memref_slice %arg4[%dma_start3A_86, %mul3A_74] : memref<16x320000xf32, #tpu.memory_space<hbm>> -> memref<16x400xf32, #tpu.memory_space<hbm>>
      tpu.enqueue_dma source(%dma_start3A_87 : memref<16x400xf32, #tpu.memory_space<hbm>>) target(%dma_start3A_85 : memref<16x400xf32, #tpu.memory_space<vmem>>) target_semaphore(%arg19 : memref<!tpu.dma_semaphore, #tpu.memory_space<semaphore_mem>>)
      %add3A_88 = arith.constant 32 : i32
      %add3A_89 = arith.addi %add3A_41, %add3A_88 : i32
      %mul3A_90 = arith.constant 4 : i32
      %mul3A_91 = arith.muli %add3A_89, %mul3A_90 : i32
      %dma_start3A_92 = arith.constant 1 : i32
      %dma_start3A_93 = arith.constant 0 : i32
      %dma_start3A_94 = arith.constant 0 : i32
      %dma_start3A_95 = tpu.memref_slice %arg9[%dma_start3A_92, %dma_start3A_93, %dma_start3A_94] : memref<5x4x100xi32, #tpu.memory_space<vmem>> -> memref<1x4x100xi32, #tpu.memory_space<vmem>>
      %dma_start3A_96 = tpu.memref_squeeze %dma_start3A_95 : memref<1x4x100xi32, #tpu.memory_space<vmem>> -> memref<4x100xi32, #tpu.memory_space<vmem>>
      %dma_start3A_97 = arith.constant 0 : i32
      %dma_start3A_98 = tpu.memref_slice %arg2[%mul3A_91, %dma_start3A_97] : memref<3200x100xi32, #tpu.memory_space<hbm>> -> memref<4x100xi32, #tpu.memory_space<hbm>>
      %dma_start3A_99 = arith.constant 0 : i32
      %dma_start3A_100 = arith.constant 0 : i32
      %dma_start3A_101 = tpu.memref_slice %arg9[%dma_start3A_92, %dma_start3A_99, %dma_start3A_100] : memref<5x4x100xi32, #tpu.memory_space<vmem>> -> memref<1x4x100xi32, #tpu.memory_space<vmem>>
      %dma_start3A_102 = tpu.memref_squeeze %dma_start3A_101 : memref<1x4x100xi32, #tpu.memory_space<vmem>> -> memref<4x100xi32, #tpu.memory_space<vmem>>
      %dma_start3A_103 = arith.constant 0 : i32
      %dma_start3A_104 = tpu.memref_slice %arg2[%mul3A_91, %dma_start3A_103] : memref<3200x100xi32, #tpu.memory_space<hbm>> -> memref<4x100xi32, #tpu.memory_space<hbm>>
      tpu.enqueue_dma source(%dma_start3A_104 : memref<4x100xi32, #tpu.memory_space<hbm>>) target(%dma_start3A_102 : memref<4x100xi32, #tpu.memory_space<vmem>>) target_semaphore(%arg19 : memref<!tpu.dma_semaphore, #tpu.memory_space<semaphore_mem>>)
      %mul3A_105 = arith.constant 4 : i32
      %mul3A_106 = arith.muli %add3A_89, %mul3A_105 : i32
      %dma_start3A_107 = arith.constant 1 : i32
      %dma_start3A_108 = arith.constant 0 : i32
      %dma_start3A_109 = arith.constant 0 : i32
      %dma_start3A_110 = tpu.memref_slice %arg10[%dma_start3A_107, %dma_start3A_108, %dma_start3A_109] : memref<5x4x100xi32, #tpu.memory_space<vmem>> -> memref<1x4x100xi32, #tpu.memory_space<vmem>>
      %dma_start3A_111 = tpu.memref_squeeze %dma_start3A_110 : memref<1x4x100xi32, #tpu.memory_space<vmem>> -> memref<4x100xi32, #tpu.memory_space<vmem>>
      %dma_start3A_112 = arith.constant 0 : i32
      %dma_start3A_113 = tpu.memref_slice %arg3[%mul3A_106, %dma_start3A_112] : memref<3200x100xi32, #tpu.memory_space<hbm>> -> memref<4x100xi32, #tpu.memory_space<hbm>>
      %dma_start3A_114 = arith.constant 0 : i32
      %dma_start3A_115 = arith.constant 0 : i32
      %dma_start3A_116 = tpu.memref_slice %arg10[%dma_start3A_107, %dma_start3A_114, %dma_start3A_115] : memref<5x4x100xi32, #tpu.memory_space<vmem>> -> memref<1x4x100xi32, #tpu.memory_space<vmem>>
      %dma_start3A_117 = tpu.memref_squeeze %dma_start3A_116 : memref<1x4x100xi32, #tpu.memory_space<vmem>> -> memref<4x100xi32, #tpu.memory_space<vmem>>
      %dma_start3A_118 = arith.constant 0 : i32
      %dma_start3A_119 = tpu.memref_slice %arg3[%mul3A_106, %dma_start3A_118] : memref<3200x100xi32, #tpu.memory_space<hbm>> -> memref<4x100xi32, #tpu.memory_space<hbm>>
      tpu.enqueue_dma source(%dma_start3A_119 : memref<4x100xi32, #tpu.memory_space<hbm>>) target(%dma_start3A_117 : memref<4x100xi32, #tpu.memory_space<vmem>>) target_semaphore(%arg19 : memref<!tpu.dma_semaphore, #tpu.memory_space<semaphore_mem>>)
      %mul3A_120 = arith.constant 400 : i32
      %mul3A_121 = arith.muli %add3A_89, %mul3A_120 : i32
      %dma_start3A_122 = arith.constant 1 : i32
      %dma_start3A_123 = arith.constant 0 : i32
      %dma_start3A_124 = arith.constant 0 : i32
      %dma_start3A_125 = tpu.memref_slice %arg11[%dma_start3A_122, %dma_start3A_123, %dma_start3A_124] : memref<5x16x401xf32, #tpu.memory_space<vmem>> -> memref<1x16x400xf32, #tpu.memory_space<vmem>>
      %dma_start3A_126 = tpu.memref_squeeze %dma_start3A_125 : memref<1x16x400xf32, #tpu.memory_space<vmem>> -> memref<16x400xf32, #tpu.memory_space<vmem>>
      %dma_start3A_127 = arith.constant 0 : i32
      %dma_start3A_128 = tpu.memref_slice %arg4[%dma_start3A_127, %mul3A_121] : memref<16x320000xf32, #tpu.memory_space<hbm>> -> memref<16x400xf32, #tpu.memory_space<hbm>>
      %dma_start3A_129 = arith.constant 0 : i32
      %dma_start3A_130 = arith.constant 0 : i32
      %dma_start3A_131 = tpu.memref_slice %arg11[%dma_start3A_122, %dma_start3A_129, %dma_start3A_130] : memref<5x16x401xf32, #tpu.memory_space<vmem>> -> memref<1x16x400xf32, #tpu.memory_space<vmem>>
      %dma_start3A_132 = tpu.memref_squeeze %dma_start3A_131 : memref<1x16x400xf32, #tpu.memory_space<vmem>> -> memref<16x400xf32, #tpu.memory_space<vmem>>
      %dma_start3A_133 = arith.constant 0 : i32
      %dma_start3A_134 = tpu.memref_slice %arg4[%dma_start3A_133, %mul3A_121] : memref<16x320000xf32, #tpu.memory_space<hbm>> -> memref<16x400xf32, #tpu.memory_space<hbm>>
      tpu.enqueue_dma source(%dma_start3A_134 : memref<16x400xf32, #tpu.memory_space<hbm>>) target(%dma_start3A_132 : memref<16x400xf32, #tpu.memory_space<vmem>>) target_semaphore(%arg19 : memref<!tpu.dma_semaphore, #tpu.memory_space<semaphore_mem>>)
      %add3A_135 = arith.constant 64 : i32
      %add3A_136 = arith.addi %add3A_41, %add3A_135 : i32
      %mul3A_137 = arith.constant 4 : i32
      %mul3A_138 = arith.muli %add3A_136, %mul3A_137 : i32
      %dma_start3A_139 = arith.constant 2 : i32
      %dma_start3A_140 = arith.constant 0 : i32
      %dma_start3A_141 = arith.constant 0 : i32
      %dma_start3A_142 = tpu.memref_slice %arg9[%dma_start3A_139, %dma_start3A_140, %dma_start3A_141] : memref<5x4x100xi32, #tpu.memory_space<vmem>> -> memref<1x4x100xi32, #tpu.memory_space<vmem>>
      %dma_start3A_143 = tpu.memref_squeeze %dma_start3A_142 : memref<1x4x100xi32, #tpu.memory_space<vmem>> -> memref<4x100xi32, #tpu.memory_space<vmem>>
      %dma_start3A_144 = arith.constant 0 : i32
      %dma_start3A_145 = tpu.memref_slice %arg2[%mul3A_138, %dma_start3A_144] : memref<3200x100xi32, #tpu.memory_space<hbm>> -> memref<4x100xi32, #tpu.memory_space<hbm>>
      %dma_start3A_146 = arith.constant 0 : i32
      %dma_start3A_147 = arith.constant 0 : i32
      %dma_start3A_148 = tpu.memref_slice %arg9[%dma_start3A_139, %dma_start3A_146, %dma_start3A_147] : memref<5x4x100xi32, #tpu.memory_space<vmem>> -> memref<1x4x100xi32, #tpu.memory_space<vmem>>
      %dma_start3A_149 = tpu.memref_squeeze %dma_start3A_148 : memref<1x4x100xi32, #tpu.memory_space<vmem>> -> memref<4x100xi32, #tpu.memory_space<vmem>>
      %dma_start3A_150 = arith.constant 0 : i32
      %dma_start3A_151 = tpu.memref_slice %arg2[%mul3A_138, %dma_start3A_150] : memref<3200x100xi32, #tpu.memory_space<hbm>> -> memref<4x100xi32, #tpu.memory_space<hbm>>
      tpu.enqueue_dma source(%dma_start3A_151 : memref<4x100xi32, #tpu.memory_space<hbm>>) target(%dma_start3A_149 : memref<4x100xi32, #tpu.memory_space<vmem>>) target_semaphore(%arg19 : memref<!tpu.dma_semaphore, #tpu.memory_space<semaphore_mem>>)
      %mul3A_152 = arith.constant 4 : i32
      %mul3A_153 = arith.muli %add3A_136, %mul3A_152 : i32
      %dma_start3A_154 = arith.constant 2 : i32
      %dma_start3A_155 = arith.constant 0 : i32
      %dma_start3A_156 = arith.constant 0 : i32
      %dma_start3A_157 = tpu.memref_slice %arg10[%dma_start3A_154, %dma_start3A_155, %dma_start3A_156] : memref<5x4x100xi32, #tpu.memory_space<vmem>> -> memref<1x4x100xi32, #tpu.memory_space<vmem>>
      %dma_start3A_158 = tpu.memref_squeeze %dma_start3A_157 : memref<1x4x100xi32, #tpu.memory_space<vmem>> -> memref<4x100xi32, #tpu.memory_space<vmem>>
      %dma_start3A_159 = arith.constant 0 : i32
      %dma_start3A_160 = tpu.memref_slice %arg3[%mul3A_153, %dma_start3A_159] : memref<3200x100xi32, #tpu.memory_space<hbm>> -> memref<4x100xi32, #tpu.memory_space<hbm>>
      %dma_start3A_161 = arith.constant 0 : i32
      %dma_start3A_162 = arith.constant 0 : i32
      %dma_start3A_163 = tpu.memref_slice %arg10[%dma_start3A_154, %dma_start3A_161, %dma_start3A_162] : memref<5x4x100xi32, #tpu.memory_space<vmem>> -> memref<1x4x100xi32, #tpu.memory_space<vmem>>
      %dma_start3A_164 = tpu.memref_squeeze %dma_start3A_163 : memref<1x4x100xi32, #tpu.memory_space<vmem>> -> memref<4x100xi32, #tpu.memory_space<vmem>>
      %dma_start3A_165 = arith.constant 0 : i32
      %dma_start3A_166 = tpu.memref_slice %arg3[%mul3A_153, %dma_start3A_165] : memref<3200x100xi32, #tpu.memory_space<hbm>> -> memref<4x100xi32, #tpu.memory_space<hbm>>
      tpu.enqueue_dma source(%dma_start3A_166 : memref<4x100xi32, #tpu.memory_space<hbm>>) target(%dma_start3A_164 : memref<4x100xi32, #tpu.memory_space<vmem>>) target_semaphore(%arg19 : memref<!tpu.dma_semaphore, #tpu.memory_space<semaphore_mem>>)
      %mul3A_167 = arith.constant 400 : i32
      %mul3A_168 = arith.muli %add3A_136, %mul3A_167 : i32
      %dma_start3A_169 = arith.constant 2 : i32
      %dma_start3A_170 = arith.constant 0 : i32
      %dma_start3A_171 = arith.constant 0 : i32
      %dma_start3A_172 = tpu.memref_slice %arg11[%dma_start3A_169, %dma_start3A_170, %dma_start3A_171] : memref<5x16x401xf32, #tpu.memory_space<vmem>> -> memref<1x16x400xf32, #tpu.memory_space<vmem>>
      %dma_start3A_173 = tpu.memref_squeeze %dma_start3A_172 : memref<1x16x400xf32, #tpu.memory_space<vmem>> -> memref<16x400xf32, #tpu.memory_space<vmem>>
      %dma_start3A_174 = arith.constant 0 : i32
      %dma_start3A_175 = tpu.memref_slice %arg4[%dma_start3A_174, %mul3A_168] : memref<16x320000xf32, #tpu.memory_space<hbm>> -> memref<16x400xf32, #tpu.memory_space<hbm>>
      %dma_start3A_176 = arith.constant 0 : i32
      %dma_start3A_177 = arith.constant 0 : i32
      %dma_start3A_178 = tpu.memref_slice %arg11[%dma_start3A_169, %dma_start3A_176, %dma_start3A_177] : memref<5x16x401xf32, #tpu.memory_space<vmem>> -> memref<1x16x400xf32, #tpu.memory_space<vmem>>
      %dma_start3A_179 = tpu.memref_squeeze %dma_start3A_178 : memref<1x16x400xf32, #tpu.memory_space<vmem>> -> memref<16x400xf32, #tpu.memory_space<vmem>>
      %dma_start3A_180 = arith.constant 0 : i32
      %dma_start3A_181 = tpu.memref_slice %arg4[%dma_start3A_180, %mul3A_168] : memref<16x320000xf32, #tpu.memory_space<hbm>> -> memref<16x400xf32, #tpu.memory_space<hbm>>
      tpu.enqueue_dma source(%dma_start3A_181 : memref<16x400xf32, #tpu.memory_space<hbm>>) target(%dma_start3A_179 : memref<16x400xf32, #tpu.memory_space<vmem>>) target_semaphore(%arg19 : memref<!tpu.dma_semaphore, #tpu.memory_space<semaphore_mem>>)
      %add3A_182 = arith.constant 96 : i32
      %add3A_183 = arith.addi %add3A_41, %add3A_182 : i32
      %mul3A_184 = arith.constant 4 : i32
      %mul3A_185 = arith.muli %add3A_183, %mul3A_184 : i32
      %dma_start3A_186 = arith.constant 3 : i32
      %dma_start3A_187 = arith.constant 0 : i32
      %dma_start3A_188 = arith.constant 0 : i32
      %dma_start3A_189 = tpu.memref_slice %arg9[%dma_start3A_186, %dma_start3A_187, %dma_start3A_188] : memref<5x4x100xi32, #tpu.memory_space<vmem>> -> memref<1x4x100xi32, #tpu.memory_space<vmem>>
      %dma_start3A_190 = tpu.memref_squeeze %dma_start3A_189 : memref<1x4x100xi32, #tpu.memory_space<vmem>> -> memref<4x100xi32, #tpu.memory_space<vmem>>
      %dma_start3A_191 = arith.constant 0 : i32
      %dma_start3A_192 = tpu.memref_slice %arg2[%mul3A_185, %dma_start3A_191] : memref<3200x100xi32, #tpu.memory_space<hbm>> -> memref<4x100xi32, #tpu.memory_space<hbm>>
      %dma_start3A_193 = arith.constant 0 : i32
      %dma_start3A_194 = arith.constant 0 : i32
      %dma_start3A_195 = tpu.memref_slice %arg9[%dma_start3A_186, %dma_start3A_193, %dma_start3A_194] : memref<5x4x100xi32, #tpu.memory_space<vmem>> -> memref<1x4x100xi32, #tpu.memory_space<vmem>>
      %dma_start3A_196 = tpu.memref_squeeze %dma_start3A_195 : memref<1x4x100xi32, #tpu.memory_space<vmem>> -> memref<4x100xi32, #tpu.memory_space<vmem>>
      %dma_start3A_197 = arith.constant 0 : i32
      %dma_start3A_198 = tpu.memref_slice %arg2[%mul3A_185, %dma_start3A_197] : memref<3200x100xi32, #tpu.memory_space<hbm>> -> memref<4x100xi32, #tpu.memory_space<hbm>>
      tpu.enqueue_dma source(%dma_start3A_198 : memref<4x100xi32, #tpu.memory_space<hbm>>) target(%dma_start3A_196 : memref<4x100xi32, #tpu.memory_space<vmem>>) target_semaphore(%arg19 : memref<!tpu.dma_semaphore, #tpu.memory_space<semaphore_mem>>)
      %mul3A_199 = arith.constant 4 : i32
      %mul3A_200 = arith.muli %add3A_183, %mul3A_199 : i32
      %dma_start3A_201 = arith.constant 3 : i32
      %dma_start3A_202 = arith.constant 0 : i32
      %dma_start3A_203 = arith.constant 0 : i32
      %dma_start3A_204 = tpu.memref_slice %arg10[%dma_start3A_201, %dma_start3A_202, %dma_start3A_203] : memref<5x4x100xi32, #tpu.memory_space<vmem>> -> memref<1x4x100xi32, #tpu.memory_space<vmem>>
      %dma_start3A_205 = tpu.memref_squeeze %dma_start3A_204 : memref<1x4x100xi32, #tpu.memory_space<vmem>> -> memref<4x100xi32, #tpu.memory_space<vmem>>
      %dma_start3A_206 = arith.constant 0 : i32
      %dma_start3A_207 = tpu.memref_slice %arg3[%mul3A_200, %dma_start3A_206] : memref<3200x100xi32, #tpu.memory_space<hbm>> -> memref<4x100xi32, #tpu.memory_space<hbm>>
      %dma_start3A_208 = arith.constant 0 : i32
      %dma_start3A_209 = arith.constant 0 : i32
      %dma_start3A_210 = tpu.memref_slice %arg10[%dma_start3A_201, %dma_start3A_208, %dma_start3A_209] : memref<5x4x100xi32, #tpu.memory_space<vmem>> -> memref<1x4x100xi32, #tpu.memory_space<vmem>>
      %dma_start3A_211 = tpu.memref_squeeze %dma_start3A_210 : memref<1x4x100xi32, #tpu.memory_space<vmem>> -> memref<4x100xi32, #tpu.memory_space<vmem>>
      %dma_start3A_212 = arith.constant 0 : i32
      %dma_start3A_213 = tpu.memref_slice %arg3[%mul3A_200, %dma_start3A_212] : memref<3200x100xi32, #tpu.memory_space<hbm>> -> memref<4x100xi32, #tpu.memory_space<hbm>>
      tpu.enqueue_dma source(%dma_start3A_213 : memref<4x100xi32, #tpu.memory_space<hbm>>) target(%dma_start3A_211 : memref<4x100xi32, #tpu.memory_space<vmem>>) target_semaphore(%arg19 : memref<!tpu.dma_semaphore, #tpu.memory_space<semaphore_mem>>)
      %mul3A_214 = arith.constant 400 : i32
      %mul3A_215 = arith.muli %add3A_183, %mul3A_214 : i32
      %dma_start3A_216 = arith.constant 3 : i32
      %dma_start3A_217 = arith.constant 0 : i32
      %dma_start3A_218 = arith.constant 0 : i32
      %dma_start3A_219 = tpu.memref_slice %arg11[%dma_start3A_216, %dma_start3A_217, %dma_start3A_218] : memref<5x16x401xf32, #tpu.memory_space<vmem>> -> memref<1x16x400xf32, #tpu.memory_space<vmem>>
      %dma_start3A_220 = tpu.memref_squeeze %dma_start3A_219 : memref<1x16x400xf32, #tpu.memory_space<vmem>> -> memref<16x400xf32, #tpu.memory_space<vmem>>
      %dma_start3A_221 = arith.constant 0 : i32
      %dma_start3A_222 = tpu.memref_slice %arg4[%dma_start3A_221, %mul3A_215] : memref<16x320000xf32, #tpu.memory_space<hbm>> -> memref<16x400xf32, #tpu.memory_space<hbm>>
      %dma_start3A_223 = arith.constant 0 : i32
      %dma_start3A_224 = arith.constant 0 : i32
      %dma_start3A_225 = tpu.memref_slice %arg11[%dma_start3A_216, %dma_start3A_223, %dma_start3A_224] : memref<5x16x401xf32, #tpu.memory_space<vmem>> -> memref<1x16x400xf32, #tpu.memory_space<vmem>>
      %dma_start3A_226 = tpu.memref_squeeze %dma_start3A_225 : memref<1x16x400xf32, #tpu.memory_space<vmem>> -> memref<16x400xf32, #tpu.memory_space<vmem>>
      %dma_start3A_227 = arith.constant 0 : i32
      %dma_start3A_228 = tpu.memref_slice %arg4[%dma_start3A_227, %mul3A_215] : memref<16x320000xf32, #tpu.memory_space<hbm>> -> memref<16x400xf32, #tpu.memory_space<hbm>>
      tpu.enqueue_dma source(%dma_start3A_228 : memref<16x400xf32, #tpu.memory_space<hbm>>) target(%dma_start3A_226 : memref<16x400xf32, #tpu.memory_space<vmem>>) target_semaphore(%arg19 : memref<!tpu.dma_semaphore, #tpu.memory_space<semaphore_mem>>)
      %add3A_229 = arith.constant 128 : i32
      %add3A_230 = arith.addi %add3A_41, %add3A_229 : i32
      %mul3A_231 = arith.constant 4 : i32
      %mul3A_232 = arith.muli %add3A_230, %mul3A_231 : i32
      %dma_start3A_233 = arith.constant 4 : i32
      %dma_start3A_234 = arith.constant 0 : i32
      %dma_start3A_235 = arith.constant 0 : i32
      %dma_start3A_236 = tpu.memref_slice %arg9[%dma_start3A_233, %dma_start3A_234, %dma_start3A_235] : memref<5x4x100xi32, #tpu.memory_space<vmem>> -> memref<1x4x100xi32, #tpu.memory_space<vmem>>
      %dma_start3A_237 = tpu.memref_squeeze %dma_start3A_236 : memref<1x4x100xi32, #tpu.memory_space<vmem>> -> memref<4x100xi32, #tpu.memory_space<vmem>>
      %dma_start3A_238 = arith.constant 0 : i32
      %dma_start3A_239 = tpu.memref_slice %arg2[%mul3A_232, %dma_start3A_238] : memref<3200x100xi32, #tpu.memory_space<hbm>> -> memref<4x100xi32, #tpu.memory_space<hbm>>
      %dma_start3A_240 = arith.constant 0 : i32
      %dma_start3A_241 = arith.constant 0 : i32
      %dma_start3A_242 = tpu.memref_slice %arg9[%dma_start3A_233, %dma_start3A_240, %dma_start3A_241] : memref<5x4x100xi32, #tpu.memory_space<vmem>> -> memref<1x4x100xi32, #tpu.memory_space<vmem>>
      %dma_start3A_243 = tpu.memref_squeeze %dma_start3A_242 : memref<1x4x100xi32, #tpu.memory_space<vmem>> -> memref<4x100xi32, #tpu.memory_space<vmem>>
      %dma_start3A_244 = arith.constant 0 : i32
      %dma_start3A_245 = tpu.memref_slice %arg2[%mul3A_232, %dma_start3A_244] : memref<3200x100xi32, #tpu.memory_space<hbm>> -> memref<4x100xi32, #tpu.memory_space<hbm>>
      tpu.enqueue_dma source(%dma_start3A_245 : memref<4x100xi32, #tpu.memory_space<hbm>>) target(%dma_start3A_243 : memref<4x100xi32, #tpu.memory_space<vmem>>) target_semaphore(%arg19 : memref<!tpu.dma_semaphore, #tpu.memory_space<semaphore_mem>>)
      %mul3A_246 = arith.constant 4 : i32
      %mul3A_247 = arith.muli %add3A_230, %mul3A_246 : i32
      %dma_start3A_248 = arith.constant 4 : i32
      %dma_start3A_249 = arith.constant 0 : i32
      %dma_start3A_250 = arith.constant 0 : i32
      %dma_start3A_251 = tpu.memref_slice %arg10[%dma_start3A_248, %dma_start3A_249, %dma_start3A_250] : memref<5x4x100xi32, #tpu.memory_space<vmem>> -> memref<1x4x100xi32, #tpu.memory_space<vmem>>
      %dma_start3A_252 = tpu.memref_squeeze %dma_start3A_251 : memref<1x4x100xi32, #tpu.memory_space<vmem>> -> memref<4x100xi32, #tpu.memory_space<vmem>>
      %dma_start3A_253 = arith.constant 0 : i32
      %dma_start3A_254 = tpu.memref_slice %arg3[%mul3A_247, %dma_start3A_253] : memref<3200x100xi32, #tpu.memory_space<hbm>> -> memref<4x100xi32, #tpu.memory_space<hbm>>
      %dma_start3A_255 = arith.constant 0 : i32
      %dma_start3A_256 = arith.constant 0 : i32
      %dma_start3A_257 = tpu.memref_slice %arg10[%dma_start3A_248, %dma_start3A_255, %dma_start3A_256] : memref<5x4x100xi32, #tpu.memory_space<vmem>> -> memref<1x4x100xi32, #tpu.memory_space<vmem>>
      %dma_start3A_258 = tpu.memref_squeeze %dma_start3A_257 : memref<1x4x100xi32, #tpu.memory_space<vmem>> -> memref<4x100xi32, #tpu.memory_space<vmem>>
      %dma_start3A_259 = arith.constant 0 : i32
      %dma_start3A_260 = tpu.memref_slice %arg3[%mul3A_247, %dma_start3A_259] : memref<3200x100xi32, #tpu.memory_space<hbm>> -> memref<4x100xi32, #tpu.memory_space<hbm>>
      tpu.enqueue_dma source(%dma_start3A_260 : memref<4x100xi32, #tpu.memory_space<hbm>>) target(%dma_start3A_258 : memref<4x100xi32, #tpu.memory_space<vmem>>) target_semaphore(%arg19 : memref<!tpu.dma_semaphore, #tpu.memory_space<semaphore_mem>>)
      %mul3A_261 = arith.constant 400 : i32
      %mul3A_262 = arith.muli %add3A_230, %mul3A_261 : i32
      %dma_start3A_263 = arith.constant 4 : i32
      %dma_start3A_264 = arith.constant 0 : i32
      %dma_start3A_265 = arith.constant 0 : i32
      %dma_start3A_266 = tpu.memref_slice %arg11[%dma_start3A_263, %dma_start3A_264, %dma_start3A_265] : memref<5x16x401xf32, #tpu.memory_space<vmem>> -> memref<1x16x400xf32, #tpu.memory_space<vmem>>
      %dma_start3A_267 = tpu.memref_squeeze %dma_start3A_266 : memref<1x16x400xf32, #tpu.memory_space<vmem>> -> memref<16x400xf32, #tpu.memory_space<vmem>>
      %dma_start3A_268 = arith.constant 0 : i32
      %dma_start3A_269 = tpu.memref_slice %arg4[%dma_start3A_268, %mul3A_262] : memref<16x320000xf32, #tpu.memory_space<hbm>> -> memref<16x400xf32, #tpu.memory_space<hbm>>
      %dma_start3A_270 = arith.constant 0 : i32
      %dma_start3A_271 = arith.constant 0 : i32
      %dma_start3A_272 = tpu.memref_slice %arg11[%dma_start3A_263, %dma_start3A_270, %dma_start3A_271] : memref<5x16x401xf32, #tpu.memory_space<vmem>> -> memref<1x16x400xf32, #tpu.memory_space<vmem>>
      %dma_start3A_273 = tpu.memref_squeeze %dma_start3A_272 : memref<1x16x400xf32, #tpu.memory_space<vmem>> -> memref<16x400xf32, #tpu.memory_space<vmem>>
      %dma_start3A_274 = arith.constant 0 : i32
      %dma_start3A_275 = tpu.memref_slice %arg4[%dma_start3A_274, %mul3A_262] : memref<16x320000xf32, #tpu.memory_space<hbm>> -> memref<16x400xf32, #tpu.memory_space<hbm>>
      tpu.enqueue_dma source(%dma_start3A_275 : memref<16x400xf32, #tpu.memory_space<hbm>>) target(%dma_start3A_273 : memref<16x400xf32, #tpu.memory_space<vmem>>) target_semaphore(%arg19 : memref<!tpu.dma_semaphore, #tpu.memory_space<semaphore_mem>>)
      %dma_wait3A = arith.constant 0 : i32
      %dma_wait3A_276 = arith.constant 0 : i32
      %dma_wait3A_277 = arith.constant 0 : i32
      %dma_wait3A_278 = tpu.memref_slice %arg9[%dma_wait3A, %dma_wait3A_276, %dma_wait3A_277] : memref<5x4x100xi32, #tpu.memory_space<vmem>> -> memref<1x4x100xi32, #tpu.memory_space<vmem>>
      %dma_wait3A_279 = tpu.memref_squeeze %dma_wait3A_278 : memref<1x4x100xi32, #tpu.memory_space<vmem>> -> memref<4x100xi32, #tpu.memory_space<vmem>>
      %dma_wait3A_280 = arith.constant 0 : i32
      %dma_wait3A_281 = tpu.memref_slice %arg2[%mul3A_45, %dma_wait3A_280] : memref<3200x100xi32, #tpu.memory_space<hbm>> -> memref<4x100xi32, #tpu.memory_space<hbm>>
      %dma_wait3A_282 = arith.constant 0 : i32
      %dma_wait3A_283 = arith.constant 0 : i32
      %dma_wait3A_284 = tpu.memref_slice %arg9[%dma_wait3A, %dma_wait3A_282, %dma_wait3A_283] : memref<5x4x100xi32, #tpu.memory_space<vmem>> -> memref<1x4x100xi32, #tpu.memory_space<vmem>>
      %dma_wait3A_285 = tpu.memref_squeeze %dma_wait3A_284 : memref<1x4x100xi32, #tpu.memory_space<vmem>> -> memref<4x100xi32, #tpu.memory_space<vmem>>
      %dma_wait3A_286 = arith.constant 0 : i32
      %dma_wait3A_287 = tpu.memref_slice %arg2[%mul3A_45, %dma_wait3A_286] : memref<3200x100xi32, #tpu.memory_space<hbm>> -> memref<4x100xi32, #tpu.memory_space<hbm>>
      tpu.wait_dma2 semaphore(%arg19 : memref<!tpu.dma_semaphore, #tpu.memory_space<semaphore_mem>>) src(%dma_wait3A_287 : memref<4x100xi32, #tpu.memory_space<hbm>>) dst(%dma_wait3A_285 : memref<4x100xi32, #tpu.memory_space<vmem>>)
      %dma_wait3A_288 = arith.constant 0 : i32
      %dma_wait3A_289 = arith.constant 0 : i32
      %dma_wait3A_290 = arith.constant 0 : i32
      %dma_wait3A_291 = tpu.memref_slice %arg10[%dma_wait3A_288, %dma_wait3A_289, %dma_wait3A_290] : memref<5x4x100xi32, #tpu.memory_space<vmem>> -> memref<1x4x100xi32, #tpu.memory_space<vmem>>
      %dma_wait3A_292 = tpu.memref_squeeze %dma_wait3A_291 : memref<1x4x100xi32, #tpu.memory_space<vmem>> -> memref<4x100xi32, #tpu.memory_space<vmem>>
      %dma_wait3A_293 = arith.constant 0 : i32
      %dma_wait3A_294 = tpu.memref_slice %arg3[%mul3A_59, %dma_wait3A_293] : memref<3200x100xi32, #tpu.memory_space<hbm>> -> memref<4x100xi32, #tpu.memory_space<hbm>>
      %dma_wait3A_295 = arith.constant 0 : i32
      %dma_wait3A_296 = arith.constant 0 : i32
      %dma_wait3A_297 = tpu.memref_slice %arg10[%dma_wait3A_288, %dma_wait3A_295, %dma_wait3A_296] : memref<5x4x100xi32, #tpu.memory_space<vmem>> -> memref<1x4x100xi32, #tpu.memory_space<vmem>>
      %dma_wait3A_298 = tpu.memref_squeeze %dma_wait3A_297 : memref<1x4x100xi32, #tpu.memory_space<vmem>> -> memref<4x100xi32, #tpu.memory_space<vmem>>
      %dma_wait3A_299 = arith.constant 0 : i32
      %dma_wait3A_300 = tpu.memref_slice %arg3[%mul3A_59, %dma_wait3A_299] : memref<3200x100xi32, #tpu.memory_space<hbm>> -> memref<4x100xi32, #tpu.memory_space<hbm>>
      tpu.wait_dma2 semaphore(%arg19 : memref<!tpu.dma_semaphore, #tpu.memory_space<semaphore_mem>>) src(%dma_wait3A_300 : memref<4x100xi32, #tpu.memory_space<hbm>>) dst(%dma_wait3A_298 : memref<4x100xi32, #tpu.memory_space<vmem>>)
      %dma_start3A_301 = arith.constant 0 : i32
      %dma_start3A_302 = arith.constant 0 : i32
      %dma_start3A_303 = arith.constant 0 : i32
      %dma_start3A_304 = arith.constant 0 : i32
      %dma_start3A_305 = arith.constant 0 : i32
      %dma_start3A_306 = tpu.memref_slice %arg12[%dma_start3A_303, %dma_start3A_304, %dma_start3A_305] : memref<5x400x16xf32, #tpu.memory_space<vmem>> -> memref<1x100x16xf32, #tpu.memory_space<vmem>>
      %dma_start3A_307 = tpu.memref_squeeze %dma_start3A_306 : memref<1x100x16xf32, #tpu.memory_space<vmem>> -> memref<100x16xf32, #tpu.memory_space<vmem>>
      %dma_start3A_308 = arith.constant 0 : i32
      %dma_start3A_309 = tpu.memref_slice %arg9[%dma_start3A_301, %dma_start3A_302, %dma_start3A_308] : memref<5x4x100xi32, #tpu.memory_space<vmem>> -> memref<1x1x100xi32, #tpu.memory_space<vmem>>
      %dma_start3A_310 = tpu.memref_squeeze %dma_start3A_309 : memref<1x1x100xi32, #tpu.memory_space<vmem>> -> memref<100xi32, #tpu.memory_space<vmem>>
      %dma_start3A_311 = arith.constant 0 : i32
      %dma_start3A_312 = arith.constant 0 : i32
      %dma_start3A_313 = tpu.memref_slice %arg5[%dma_start3A_311, %dma_start3A_312] : memref<10000x16xf32, #tpu.memory_space<hbm>> -> memref<10000x16xf32, #tpu.memory_space<hbm>>
      tpu.enqueue_indirect_dma source(%dma_start3A_313 : memref<10000x16xf32, #tpu.memory_space<hbm>>) target(%dma_start3A_307 : memref<100x16xf32, #tpu.memory_space<vmem>>) offsets(%dma_start3A_310 : memref<100xi32, #tpu.memory_space<vmem>>) semaphore(%arg18 : memref<!tpu.dma_semaphore, #tpu.memory_space<semaphore_mem>>)
      %dma_start3A_314 = arith.constant 0 : i32
      %dma_start3A_315 = arith.constant 0 : i32
      %dma_start3A_316 = arith.constant 0 : i32
      %dma_start3A_317 = arith.constant 0 : i32
      %dma_start3A_318 = arith.constant 0 : i32
      %dma_start3A_319 = tpu.memref_slice %arg13[%dma_start3A_316, %dma_start3A_317, %dma_start3A_318] : memref<5x400x16xf32, #tpu.memory_space<vmem>> -> memref<1x100x16xf32, #tpu.memory_space<vmem>>
      %dma_start3A_320 = tpu.memref_squeeze %dma_start3A_319 : memref<1x100x16xf32, #tpu.memory_space<vmem>> -> memref<100x16xf32, #tpu.memory_space<vmem>>
      %dma_start3A_321 = arith.constant 0 : i32
      %dma_start3A_322 = tpu.memref_slice %arg10[%dma_start3A_314, %dma_start3A_315, %dma_start3A_321] : memref<5x4x100xi32, #tpu.memory_space<vmem>> -> memref<1x1x100xi32, #tpu.memory_space<vmem>>
      %dma_start3A_323 = tpu.memref_squeeze %dma_start3A_322 : memref<1x1x100xi32, #tpu.memory_space<vmem>> -> memref<100xi32, #tpu.memory_space<vmem>>
      %dma_start3A_324 = arith.constant 0 : i32
      %dma_start3A_325 = arith.constant 0 : i32
      %dma_start3A_326 = tpu.memref_slice %arg6[%dma_start3A_324, %dma_start3A_325] : memref<10000x16xf32, #tpu.memory_space<hbm>> -> memref<10000x16xf32, #tpu.memory_space<hbm>>
      tpu.enqueue_indirect_dma source(%dma_start3A_326 : memref<10000x16xf32, #tpu.memory_space<hbm>>) target(%dma_start3A_320 : memref<100x16xf32, #tpu.memory_space<vmem>>) offsets(%dma_start3A_323 : memref<100xi32, #tpu.memory_space<vmem>>) semaphore(%arg18 : memref<!tpu.dma_semaphore, #tpu.memory_space<semaphore_mem>>)
      %dma_start3A_327 = arith.constant 0 : i32
      %dma_start3A_328 = arith.constant 1 : i32
      %dma_start3A_329 = arith.constant 0 : i32
      %dma_start3A_330 = arith.constant 100 : i32
      %dma_start3A_331 = arith.constant 0 : i32
      %dma_start3A_332 = tpu.memref_slice %arg12[%dma_start3A_329, %dma_start3A_330, %dma_start3A_331] : memref<5x400x16xf32, #tpu.memory_space<vmem>> -> memref<1x100x16xf32, #tpu.memory_space<vmem>>
      %dma_start3A_333 = tpu.memref_squeeze %dma_start3A_332 : memref<1x100x16xf32, #tpu.memory_space<vmem>> -> memref<100x16xf32, #tpu.memory_space<vmem>>
      %dma_start3A_334 = arith.constant 0 : i32
      %dma_start3A_335 = tpu.memref_slice %arg9[%dma_start3A_327, %dma_start3A_328, %dma_start3A_334] : memref<5x4x100xi32, #tpu.memory_space<vmem>> -> memref<1x1x100xi32, #tpu.memory_space<vmem>>
      %dma_start3A_336 = tpu.memref_squeeze %dma_start3A_335 : memref<1x1x100xi32, #tpu.memory_space<vmem>> -> memref<100xi32, #tpu.memory_space<vmem>>
      %dma_start3A_337 = arith.constant 0 : i32
      %dma_start3A_338 = arith.constant 0 : i32
      %dma_start3A_339 = tpu.memref_slice %arg5[%dma_start3A_337, %dma_start3A_338] : memref<10000x16xf32, #tpu.memory_space<hbm>> -> memref<10000x16xf32, #tpu.memory_space<hbm>>
      tpu.enqueue_indirect_dma source(%dma_start3A_339 : memref<10000x16xf32, #tpu.memory_space<hbm>>) target(%dma_start3A_333 : memref<100x16xf32, #tpu.memory_space<vmem>>) offsets(%dma_start3A_336 : memref<100xi32, #tpu.memory_space<vmem>>) semaphore(%arg18 : memref<!tpu.dma_semaphore, #tpu.memory_space<semaphore_mem>>)
      %dma_start3A_340 = arith.constant 0 : i32
      %dma_start3A_341 = arith.constant 1 : i32
      %dma_start3A_342 = arith.constant 0 : i32
      %dma_start3A_343 = arith.constant 100 : i32
      %dma_start3A_344 = arith.constant 0 : i32
      %dma_start3A_345 = tpu.memref_slice %arg13[%dma_start3A_342, %dma_start3A_343, %dma_start3A_344] : memref<5x400x16xf32, #tpu.memory_space<vmem>> -> memref<1x100x16xf32, #tpu.memory_space<vmem>>
      %dma_start3A_346 = tpu.memref_squeeze %dma_start3A_345 : memref<1x100x16xf32, #tpu.memory_space<vmem>> -> memref<100x16xf32, #tpu.memory_space<vmem>>
      %dma_start3A_347 = arith.constant 0 : i32
      %dma_start3A_348 = tpu.memref_slice %arg10[%dma_start3A_340, %dma_start3A_341, %dma_start3A_347] : memref<5x4x100xi32, #tpu.memory_space<vmem>> -> memref<1x1x100xi32, #tpu.memory_space<vmem>>
      %dma_start3A_349 = tpu.memref_squeeze %dma_start3A_348 : memref<1x1x100xi32, #tpu.memory_space<vmem>> -> memref<100xi32, #tpu.memory_space<vmem>>
      %dma_start3A_350 = arith.constant 0 : i32
      %dma_start3A_351 = arith.constant 0 : i32
      %dma_start3A_352 = tpu.memref_slice %arg6[%dma_start3A_350, %dma_start3A_351] : memref<10000x16xf32, #tpu.memory_space<hbm>> -> memref<10000x16xf32, #tpu.memory_space<hbm>>
      tpu.enqueue_indirect_dma source(%dma_start3A_352 : memref<10000x16xf32, #tpu.memory_space<hbm>>) target(%dma_start3A_346 : memref<100x16xf32, #tpu.memory_space<vmem>>) offsets(%dma_start3A_349 : memref<100xi32, #tpu.memory_space<vmem>>) semaphore(%arg18 : memref<!tpu.dma_semaphore, #tpu.memory_space<semaphore_mem>>)
      %dma_start3A_353 = arith.constant 0 : i32
      %dma_start3A_354 = arith.constant 2 : i32
      %dma_start3A_355 = arith.constant 0 : i32
      %dma_start3A_356 = arith.constant 200 : i32
      %dma_start3A_357 = arith.constant 0 : i32
      %dma_start3A_358 = tpu.memref_slice %arg12[%dma_start3A_355, %dma_start3A_356, %dma_start3A_357] : memref<5x400x16xf32, #tpu.memory_space<vmem>> -> memref<1x100x16xf32, #tpu.memory_space<vmem>>
      %dma_start3A_359 = tpu.memref_squeeze %dma_start3A_358 : memref<1x100x16xf32, #tpu.memory_space<vmem>> -> memref<100x16xf32, #tpu.memory_space<vmem>>
      %dma_start3A_360 = arith.constant 0 : i32
      %dma_start3A_361 = tpu.memref_slice %arg9[%dma_start3A_353, %dma_start3A_354, %dma_start3A_360] : memref<5x4x100xi32, #tpu.memory_space<vmem>> -> memref<1x1x100xi32, #tpu.memory_space<vmem>>
      %dma_start3A_362 = tpu.memref_squeeze %dma_start3A_361 : memref<1x1x100xi32, #tpu.memory_space<vmem>> -> memref<100xi32, #tpu.memory_space<vmem>>
      %dma_start3A_363 = arith.constant 0 : i32
      %dma_start3A_364 = arith.constant 0 : i32
      %dma_start3A_365 = tpu.memref_slice %arg5[%dma_start3A_363, %dma_start3A_364] : memref<10000x16xf32, #tpu.memory_space<hbm>> -> memref<10000x16xf32, #tpu.memory_space<hbm>>
      tpu.enqueue_indirect_dma source(%dma_start3A_365 : memref<10000x16xf32, #tpu.memory_space<hbm>>) target(%dma_start3A_359 : memref<100x16xf32, #tpu.memory_space<vmem>>) offsets(%dma_start3A_362 : memref<100xi32, #tpu.memory_space<vmem>>) semaphore(%arg18 : memref<!tpu.dma_semaphore, #tpu.memory_space<semaphore_mem>>)
      %dma_start3A_366 = arith.constant 0 : i32
      %dma_start3A_367 = arith.constant 2 : i32
      %dma_start3A_368 = arith.constant 0 : i32
      %dma_start3A_369 = arith.constant 200 : i32
      %dma_start3A_370 = arith.constant 0 : i32
      %dma_start3A_371 = tpu.memref_slice %arg13[%dma_start3A_368, %dma_start3A_369, %dma_start3A_370] : memref<5x400x16xf32, #tpu.memory_space<vmem>> -> memref<1x100x16xf32, #tpu.memory_space<vmem>>
      %dma_start3A_372 = tpu.memref_squeeze %dma_start3A_371 : memref<1x100x16xf32, #tpu.memory_space<vmem>> -> memref<100x16xf32, #tpu.memory_space<vmem>>
      %dma_start3A_373 = arith.constant 0 : i32
      %dma_start3A_374 = tpu.memref_slice %arg10[%dma_start3A_366, %dma_start3A_367, %dma_start3A_373] : memref<5x4x100xi32, #tpu.memory_space<vmem>> -> memref<1x1x100xi32, #tpu.memory_space<vmem>>
      %dma_start3A_375 = tpu.memref_squeeze %dma_start3A_374 : memref<1x1x100xi32, #tpu.memory_space<vmem>> -> memref<100xi32, #tpu.memory_space<vmem>>
      %dma_start3A_376 = arith.constant 0 : i32
      %dma_start3A_377 = arith.constant 0 : i32
      %dma_start3A_378 = tpu.memref_slice %arg6[%dma_start3A_376, %dma_start3A_377] : memref<10000x16xf32, #tpu.memory_space<hbm>> -> memref<10000x16xf32, #tpu.memory_space<hbm>>
      tpu.enqueue_indirect_dma source(%dma_start3A_378 : memref<10000x16xf32, #tpu.memory_space<hbm>>) target(%dma_start3A_372 : memref<100x16xf32, #tpu.memory_space<vmem>>) offsets(%dma_start3A_375 : memref<100xi32, #tpu.memory_space<vmem>>) semaphore(%arg18 : memref<!tpu.dma_semaphore, #tpu.memory_space<semaphore_mem>>)
      %dma_start3A_379 = arith.constant 0 : i32
      %dma_start3A_380 = arith.constant 3 : i32
      %dma_start3A_381 = arith.constant 0 : i32
      %dma_start3A_382 = arith.constant 300 : i32
      %dma_start3A_383 = arith.constant 0 : i32
      %dma_start3A_384 = tpu.memref_slice %arg12[%dma_start3A_381, %dma_start3A_382, %dma_start3A_383] : memref<5x400x16xf32, #tpu.memory_space<vmem>> -> memref<1x100x16xf32, #tpu.memory_space<vmem>>
      %dma_start3A_385 = tpu.memref_squeeze %dma_start3A_384 : memref<1x100x16xf32, #tpu.memory_space<vmem>> -> memref<100x16xf32, #tpu.memory_space<vmem>>
      %dma_start3A_386 = arith.constant 0 : i32
      %dma_start3A_387 = tpu.memref_slice %arg9[%dma_start3A_379, %dma_start3A_380, %dma_start3A_386] : memref<5x4x100xi32, #tpu.memory_space<vmem>> -> memref<1x1x100xi32, #tpu.memory_space<vmem>>
      %dma_start3A_388 = tpu.memref_squeeze %dma_start3A_387 : memref<1x1x100xi32, #tpu.memory_space<vmem>> -> memref<100xi32, #tpu.memory_space<vmem>>
      %dma_start3A_389 = arith.constant 0 : i32
      %dma_start3A_390 = arith.constant 0 : i32
      %dma_start3A_391 = tpu.memref_slice %arg5[%dma_start3A_389, %dma_start3A_390] : memref<10000x16xf32, #tpu.memory_space<hbm>> -> memref<10000x16xf32, #tpu.memory_space<hbm>>
      tpu.enqueue_indirect_dma source(%dma_start3A_391 : memref<10000x16xf32, #tpu.memory_space<hbm>>) target(%dma_start3A_385 : memref<100x16xf32, #tpu.memory_space<vmem>>) offsets(%dma_start3A_388 : memref<100xi32, #tpu.memory_space<vmem>>) semaphore(%arg18 : memref<!tpu.dma_semaphore, #tpu.memory_space<semaphore_mem>>)
      %dma_start3A_392 = arith.constant 0 : i32
      %dma_start3A_393 = arith.constant 3 : i32
      %dma_start3A_394 = arith.constant 0 : i32
      %dma_start3A_395 = arith.constant 300 : i32
      %dma_start3A_396 = arith.constant 0 : i32
      %dma_start3A_397 = tpu.memref_slice %arg13[%dma_start3A_394, %dma_start3A_395, %dma_start3A_396] : memref<5x400x16xf32, #tpu.memory_space<vmem>> -> memref<1x100x16xf32, #tpu.memory_space<vmem>>
      %dma_start3A_398 = tpu.memref_squeeze %dma_start3A_397 : memref<1x100x16xf32, #tpu.memory_space<vmem>> -> memref<100x16xf32, #tpu.memory_space<vmem>>
      %dma_start3A_399 = arith.constant 0 : i32
      %dma_start3A_400 = tpu.memref_slice %arg10[%dma_start3A_392, %dma_start3A_393, %dma_start3A_399] : memref<5x4x100xi32, #tpu.memory_space<vmem>> -> memref<1x1x100xi32, #tpu.memory_space<vmem>>
      %dma_start3A_401 = tpu.memref_squeeze %dma_start3A_400 : memref<1x1x100xi32, #tpu.memory_space<vmem>> -> memref<100xi32, #tpu.memory_space<vmem>>
      %dma_start3A_402 = arith.constant 0 : i32
      %dma_start3A_403 = arith.constant 0 : i32
      %dma_start3A_404 = tpu.memref_slice %arg6[%dma_start3A_402, %dma_start3A_403] : memref<10000x16xf32, #tpu.memory_space<hbm>> -> memref<10000x16xf32, #tpu.memory_space<hbm>>
      tpu.enqueue_indirect_dma source(%dma_start3A_404 : memref<10000x16xf32, #tpu.memory_space<hbm>>) target(%dma_start3A_398 : memref<100x16xf32, #tpu.memory_space<vmem>>) offsets(%dma_start3A_401 : memref<100xi32, #tpu.memory_space<vmem>>) semaphore(%arg18 : memref<!tpu.dma_semaphore, #tpu.memory_space<semaphore_mem>>)
      %dma_wait3A_405 = arith.constant 1 : i32
      %dma_wait3A_406 = arith.constant 0 : i32
      %dma_wait3A_407 = arith.constant 0 : i32
      %dma_wait3A_408 = tpu.memref_slice %arg9[%dma_wait3A_405, %dma_wait3A_406, %dma_wait3A_407] : memref<5x4x100xi32, #tpu.memory_space<vmem>> -> memref<1x4x100xi32, #tpu.memory_space<vmem>>
      %dma_wait3A_409 = tpu.memref_squeeze %dma_wait3A_408 : memref<1x4x100xi32, #tpu.memory_space<vmem>> -> memref<4x100xi32, #tpu.memory_space<vmem>>
      %dma_wait3A_410 = arith.constant 0 : i32
      %dma_wait3A_411 = tpu.memref_slice %arg2[%mul3A_91, %dma_wait3A_410] : memref<3200x100xi32, #tpu.memory_space<hbm>> -> memref<4x100xi32, #tpu.memory_space<hbm>>
      %dma_wait3A_412 = arith.constant 0 : i32
      %dma_wait3A_413 = arith.constant 0 : i32
      %dma_wait3A_414 = tpu.memref_slice %arg9[%dma_wait3A_405, %dma_wait3A_412, %dma_wait3A_413] : memref<5x4x100xi32, #tpu.memory_space<vmem>> -> memref<1x4x100xi32, #tpu.memory_space<vmem>>
      %dma_wait3A_415 = tpu.memref_squeeze %dma_wait3A_414 : memref<1x4x100xi32, #tpu.memory_space<vmem>> -> memref<4x100xi32, #tpu.memory_space<vmem>>
      %dma_wait3A_416 = arith.constant 0 : i32
      %dma_wait3A_417 = tpu.memref_slice %arg2[%mul3A_91, %dma_wait3A_416] : memref<3200x100xi32, #tpu.memory_space<hbm>> -> memref<4x100xi32, #tpu.memory_space<hbm>>
      tpu.wait_dma2 semaphore(%arg19 : memref<!tpu.dma_semaphore, #tpu.memory_space<semaphore_mem>>) src(%dma_wait3A_417 : memref<4x100xi32, #tpu.memory_space<hbm>>) dst(%dma_wait3A_415 : memref<4x100xi32, #tpu.memory_space<vmem>>)
      %dma_wait3A_418 = arith.constant 1 : i32
      %dma_wait3A_419 = arith.constant 0 : i32
      %dma_wait3A_420 = arith.constant 0 : i32
      %dma_wait3A_421 = tpu.memref_slice %arg10[%dma_wait3A_418, %dma_wait3A_419, %dma_wait3A_420] : memref<5x4x100xi32, #tpu.memory_space<vmem>> -> memref<1x4x100xi32, #tpu.memory_space<vmem>>
      %dma_wait3A_422 = tpu.memref_squeeze %dma_wait3A_421 : memref<1x4x100xi32, #tpu.memory_space<vmem>> -> memref<4x100xi32, #tpu.memory_space<vmem>>
      %dma_wait3A_423 = arith.constant 0 : i32
      %dma_wait3A_424 = tpu.memref_slice %arg3[%mul3A_106, %dma_wait3A_423] : memref<3200x100xi32, #tpu.memory_space<hbm>> -> memref<4x100xi32, #tpu.memory_space<hbm>>
      %dma_wait3A_425 = arith.constant 0 : i32
      %dma_wait3A_426 = arith.constant 0 : i32
      %dma_wait3A_427 = tpu.memref_slice %arg10[%dma_wait3A_418, %dma_wait3A_425, %dma_wait3A_426] : memref<5x4x100xi32, #tpu.memory_space<vmem>> -> memref<1x4x100xi32, #tpu.memory_space<vmem>>
      %dma_wait3A_428 = tpu.memref_squeeze %dma_wait3A_427 : memref<1x4x100xi32, #tpu.memory_space<vmem>> -> memref<4x100xi32, #tpu.memory_space<vmem>>
      %dma_wait3A_429 = arith.constant 0 : i32
      %dma_wait3A_430 = tpu.memref_slice %arg3[%mul3A_106, %dma_wait3A_429] : memref<3200x100xi32, #tpu.memory_space<hbm>> -> memref<4x100xi32, #tpu.memory_space<hbm>>
      tpu.wait_dma2 semaphore(%arg19 : memref<!tpu.dma_semaphore, #tpu.memory_space<semaphore_mem>>) src(%dma_wait3A_430 : memref<4x100xi32, #tpu.memory_space<hbm>>) dst(%dma_wait3A_428 : memref<4x100xi32, #tpu.memory_space<vmem>>)
      %dma_start3A_431 = arith.constant 1 : i32
      %dma_start3A_432 = arith.constant 0 : i32
      %dma_start3A_433 = arith.constant 1 : i32
      %dma_start3A_434 = arith.constant 0 : i32
      %dma_start3A_435 = arith.constant 0 : i32
      %dma_start3A_436 = tpu.memref_slice %arg12[%dma_start3A_433, %dma_start3A_434, %dma_start3A_435] : memref<5x400x16xf32, #tpu.memory_space<vmem>> -> memref<1x100x16xf32, #tpu.memory_space<vmem>>
      %dma_start3A_437 = tpu.memref_squeeze %dma_start3A_436 : memref<1x100x16xf32, #tpu.memory_space<vmem>> -> memref<100x16xf32, #tpu.memory_space<vmem>>
      %dma_start3A_438 = arith.constant 0 : i32
      %dma_start3A_439 = tpu.memref_slice %arg9[%dma_start3A_431, %dma_start3A_432, %dma_start3A_438] : memref<5x4x100xi32, #tpu.memory_space<vmem>> -> memref<1x1x100xi32, #tpu.memory_space<vmem>>
      %dma_start3A_440 = tpu.memref_squeeze %dma_start3A_439 : memref<1x1x100xi32, #tpu.memory_space<vmem>> -> memref<100xi32, #tpu.memory_space<vmem>>
      %dma_start3A_441 = arith.constant 0 : i32
      %dma_start3A_442 = arith.constant 0 : i32
      %dma_start3A_443 = tpu.memref_slice %arg5[%dma_start3A_441, %dma_start3A_442] : memref<10000x16xf32, #tpu.memory_space<hbm>> -> memref<10000x16xf32, #tpu.memory_space<hbm>>
      tpu.enqueue_indirect_dma source(%dma_start3A_443 : memref<10000x16xf32, #tpu.memory_space<hbm>>) target(%dma_start3A_437 : memref<100x16xf32, #tpu.memory_space<vmem>>) offsets(%dma_start3A_440 : memref<100xi32, #tpu.memory_space<vmem>>) semaphore(%arg18 : memref<!tpu.dma_semaphore, #tpu.memory_space<semaphore_mem>>)
      %dma_start3A_444 = arith.constant 1 : i32
      %dma_start3A_445 = arith.constant 0 : i32
      %dma_start3A_446 = arith.constant 1 : i32
      %dma_start3A_447 = arith.constant 0 : i32
      %dma_start3A_448 = arith.constant 0 : i32
      %dma_start3A_449 = tpu.memref_slice %arg13[%dma_start3A_446, %dma_start3A_447, %dma_start3A_448] : memref<5x400x16xf32, #tpu.memory_space<vmem>> -> memref<1x100x16xf32, #tpu.memory_space<vmem>>
      %dma_start3A_450 = tpu.memref_squeeze %dma_start3A_449 : memref<1x100x16xf32, #tpu.memory_space<vmem>> -> memref<100x16xf32, #tpu.memory_space<vmem>>
      %dma_start3A_451 = arith.constant 0 : i32
      %dma_start3A_452 = tpu.memref_slice %arg10[%dma_start3A_444, %dma_start3A_445, %dma_start3A_451] : memref<5x4x100xi32, #tpu.memory_space<vmem>> -> memref<1x1x100xi32, #tpu.memory_space<vmem>>
      %dma_start3A_453 = tpu.memref_squeeze %dma_start3A_452 : memref<1x1x100xi32, #tpu.memory_space<vmem>> -> memref<100xi32, #tpu.memory_space<vmem>>
      %dma_start3A_454 = arith.constant 0 : i32
      %dma_start3A_455 = arith.constant 0 : i32
      %dma_start3A_456 = tpu.memref_slice %arg6[%dma_start3A_454, %dma_start3A_455] : memref<10000x16xf32, #tpu.memory_space<hbm>> -> memref<10000x16xf32, #tpu.memory_space<hbm>>
      tpu.enqueue_indirect_dma source(%dma_start3A_456 : memref<10000x16xf32, #tpu.memory_space<hbm>>) target(%dma_start3A_450 : memref<100x16xf32, #tpu.memory_space<vmem>>) offsets(%dma_start3A_453 : memref<100xi32, #tpu.memory_space<vmem>>) semaphore(%arg18 : memref<!tpu.dma_semaphore, #tpu.memory_space<semaphore_mem>>)
      %dma_start3A_457 = arith.constant 1 : i32
      %dma_start3A_458 = arith.constant 1 : i32
      %dma_start3A_459 = arith.constant 1 : i32
      %dma_start3A_460 = arith.constant 100 : i32
      %dma_start3A_461 = arith.constant 0 : i32
      %dma_start3A_462 = tpu.memref_slice %arg12[%dma_start3A_459, %dma_start3A_460, %dma_start3A_461] : memref<5x400x16xf32, #tpu.memory_space<vmem>> -> memref<1x100x16xf32, #tpu.memory_space<vmem>>
      %dma_start3A_463 = tpu.memref_squeeze %dma_start3A_462 : memref<1x100x16xf32, #tpu.memory_space<vmem>> -> memref<100x16xf32, #tpu.memory_space<vmem>>
      %dma_start3A_464 = arith.constant 0 : i32
      %dma_start3A_465 = tpu.memref_slice %arg9[%dma_start3A_457, %dma_start3A_458, %dma_start3A_464] : memref<5x4x100xi32, #tpu.memory_space<vmem>> -> memref<1x1x100xi32, #tpu.memory_space<vmem>>
      %dma_start3A_466 = tpu.memref_squeeze %dma_start3A_465 : memref<1x1x100xi32, #tpu.memory_space<vmem>> -> memref<100xi32, #tpu.memory_space<vmem>>
      %dma_start3A_467 = arith.constant 0 : i32
      %dma_start3A_468 = arith.constant 0 : i32
      %dma_start3A_469 = tpu.memref_slice %arg5[%dma_start3A_467, %dma_start3A_468] : memref<10000x16xf32, #tpu.memory_space<hbm>> -> memref<10000x16xf32, #tpu.memory_space<hbm>>
      tpu.enqueue_indirect_dma source(%dma_start3A_469 : memref<10000x16xf32, #tpu.memory_space<hbm>>) target(%dma_start3A_463 : memref<100x16xf32, #tpu.memory_space<vmem>>) offsets(%dma_start3A_466 : memref<100xi32, #tpu.memory_space<vmem>>) semaphore(%arg18 : memref<!tpu.dma_semaphore, #tpu.memory_space<semaphore_mem>>)
      %dma_start3A_470 = arith.constant 1 : i32
      %dma_start3A_471 = arith.constant 1 : i32
      %dma_start3A_472 = arith.constant 1 : i32
      %dma_start3A_473 = arith.constant 100 : i32
      %dma_start3A_474 = arith.constant 0 : i32
      %dma_start3A_475 = tpu.memref_slice %arg13[%dma_start3A_472, %dma_start3A_473, %dma_start3A_474] : memref<5x400x16xf32, #tpu.memory_space<vmem>> -> memref<1x100x16xf32, #tpu.memory_space<vmem>>
      %dma_start3A_476 = tpu.memref_squeeze %dma_start3A_475 : memref<1x100x16xf32, #tpu.memory_space<vmem>> -> memref<100x16xf32, #tpu.memory_space<vmem>>
      %dma_start3A_477 = arith.constant 0 : i32
      %dma_start3A_478 = tpu.memref_slice %arg10[%dma_start3A_470, %dma_start3A_471, %dma_start3A_477] : memref<5x4x100xi32, #tpu.memory_space<vmem>> -> memref<1x1x100xi32, #tpu.memory_space<vmem>>
      %dma_start3A_479 = tpu.memref_squeeze %dma_start3A_478 : memref<1x1x100xi32, #tpu.memory_space<vmem>> -> memref<100xi32, #tpu.memory_space<vmem>>
      %dma_start3A_480 = arith.constant 0 : i32
      %dma_start3A_481 = arith.constant 0 : i32
      %dma_start3A_482 = tpu.memref_slice %arg6[%dma_start3A_480, %dma_start3A_481] : memref<10000x16xf32, #tpu.memory_space<hbm>> -> memref<10000x16xf32, #tpu.memory_space<hbm>>
      tpu.enqueue_indirect_dma source(%dma_start3A_482 : memref<10000x16xf32, #tpu.memory_space<hbm>>) target(%dma_start3A_476 : memref<100x16xf32, #tpu.memory_space<vmem>>) offsets(%dma_start3A_479 : memref<100xi32, #tpu.memory_space<vmem>>) semaphore(%arg18 : memref<!tpu.dma_semaphore, #tpu.memory_space<semaphore_mem>>)
      %dma_start3A_483 = arith.constant 1 : i32
      %dma_start3A_484 = arith.constant 2 : i32
      %dma_start3A_485 = arith.constant 1 : i32
      %dma_start3A_486 = arith.constant 200 : i32
      %dma_start3A_487 = arith.constant 0 : i32
      %dma_start3A_488 = tpu.memref_slice %arg12[%dma_start3A_485, %dma_start3A_486, %dma_start3A_487] : memref<5x400x16xf32, #tpu.memory_space<vmem>> -> memref<1x100x16xf32, #tpu.memory_space<vmem>>
      %dma_start3A_489 = tpu.memref_squeeze %dma_start3A_488 : memref<1x100x16xf32, #tpu.memory_space<vmem>> -> memref<100x16xf32, #tpu.memory_space<vmem>>
      %dma_start3A_490 = arith.constant 0 : i32
      %dma_start3A_491 = tpu.memref_slice %arg9[%dma_start3A_483, %dma_start3A_484, %dma_start3A_490] : memref<5x4x100xi32, #tpu.memory_space<vmem>> -> memref<1x1x100xi32, #tpu.memory_space<vmem>>
      %dma_start3A_492 = tpu.memref_squeeze %dma_start3A_491 : memref<1x1x100xi32, #tpu.memory_space<vmem>> -> memref<100xi32, #tpu.memory_space<vmem>>
      %dma_start3A_493 = arith.constant 0 : i32
      %dma_start3A_494 = arith.constant 0 : i32
      %dma_start3A_495 = tpu.memref_slice %arg5[%dma_start3A_493, %dma_start3A_494] : memref<10000x16xf32, #tpu.memory_space<hbm>> -> memref<10000x16xf32, #tpu.memory_space<hbm>>
      tpu.enqueue_indirect_dma source(%dma_start3A_495 : memref<10000x16xf32, #tpu.memory_space<hbm>>) target(%dma_start3A_489 : memref<100x16xf32, #tpu.memory_space<vmem>>) offsets(%dma_start3A_492 : memref<100xi32, #tpu.memory_space<vmem>>) semaphore(%arg18 : memref<!tpu.dma_semaphore, #tpu.memory_space<semaphore_mem>>)
      %dma_start3A_496 = arith.constant 1 : i32
      %dma_start3A_497 = arith.constant 2 : i32
      %dma_start3A_498 = arith.constant 1 : i32
      %dma_start3A_499 = arith.constant 200 : i32
      %dma_start3A_500 = arith.constant 0 : i32
      %dma_start3A_501 = tpu.memref_slice %arg13[%dma_start3A_498, %dma_start3A_499, %dma_start3A_500] : memref<5x400x16xf32, #tpu.memory_space<vmem>> -> memref<1x100x16xf32, #tpu.memory_space<vmem>>
      %dma_start3A_502 = tpu.memref_squeeze %dma_start3A_501 : memref<1x100x16xf32, #tpu.memory_space<vmem>> -> memref<100x16xf32, #tpu.memory_space<vmem>>
      %dma_start3A_503 = arith.constant 0 : i32
      %dma_start3A_504 = tpu.memref_slice %arg10[%dma_start3A_496, %dma_start3A_497, %dma_start3A_503] : memref<5x4x100xi32, #tpu.memory_space<vmem>> -> memref<1x1x100xi32, #tpu.memory_space<vmem>>
      %dma_start3A_505 = tpu.memref_squeeze %dma_start3A_504 : memref<1x1x100xi32, #tpu.memory_space<vmem>> -> memref<100xi32, #tpu.memory_space<vmem>>
      %dma_start3A_506 = arith.constant 0 : i32
      %dma_start3A_507 = arith.constant 0 : i32
      %dma_start3A_508 = tpu.memref_slice %arg6[%dma_start3A_506, %dma_start3A_507] : memref<10000x16xf32, #tpu.memory_space<hbm>> -> memref<10000x16xf32, #tpu.memory_space<hbm>>
      tpu.enqueue_indirect_dma source(%dma_start3A_508 : memref<10000x16xf32, #tpu.memory_space<hbm>>) target(%dma_start3A_502 : memref<100x16xf32, #tpu.memory_space<vmem>>) offsets(%dma_start3A_505 : memref<100xi32, #tpu.memory_space<vmem>>) semaphore(%arg18 : memref<!tpu.dma_semaphore, #tpu.memory_space<semaphore_mem>>)
      %dma_start3A_509 = arith.constant 1 : i32
      %dma_start3A_510 = arith.constant 3 : i32
      %dma_start3A_511 = arith.constant 1 : i32
      %dma_start3A_512 = arith.constant 300 : i32
      %dma_start3A_513 = arith.constant 0 : i32
      %dma_start3A_514 = tpu.memref_slice %arg12[%dma_start3A_511, %dma_start3A_512, %dma_start3A_513] : memref<5x400x16xf32, #tpu.memory_space<vmem>> -> memref<1x100x16xf32, #tpu.memory_space<vmem>>
      %dma_start3A_515 = tpu.memref_squeeze %dma_start3A_514 : memref<1x100x16xf32, #tpu.memory_space<vmem>> -> memref<100x16xf32, #tpu.memory_space<vmem>>
      %dma_start3A_516 = arith.constant 0 : i32
      %dma_start3A_517 = tpu.memref_slice %arg9[%dma_start3A_509, %dma_start3A_510, %dma_start3A_516] : memref<5x4x100xi32, #tpu.memory_space<vmem>> -> memref<1x1x100xi32, #tpu.memory_space<vmem>>
      %dma_start3A_518 = tpu.memref_squeeze %dma_start3A_517 : memref<1x1x100xi32, #tpu.memory_space<vmem>> -> memref<100xi32, #tpu.memory_space<vmem>>
      %dma_start3A_519 = arith.constant 0 : i32
      %dma_start3A_520 = arith.constant 0 : i32
      %dma_start3A_521 = tpu.memref_slice %arg5[%dma_start3A_519, %dma_start3A_520] : memref<10000x16xf32, #tpu.memory_space<hbm>> -> memref<10000x16xf32, #tpu.memory_space<hbm>>
      tpu.enqueue_indirect_dma source(%dma_start3A_521 : memref<10000x16xf32, #tpu.memory_space<hbm>>) target(%dma_start3A_515 : memref<100x16xf32, #tpu.memory_space<vmem>>) offsets(%dma_start3A_518 : memref<100xi32, #tpu.memory_space<vmem>>) semaphore(%arg18 : memref<!tpu.dma_semaphore, #tpu.memory_space<semaphore_mem>>)
      %dma_start3A_522 = arith.constant 1 : i32
      %dma_start3A_523 = arith.constant 3 : i32
      %dma_start3A_524 = arith.constant 1 : i32
      %dma_start3A_525 = arith.constant 300 : i32
      %dma_start3A_526 = arith.constant 0 : i32
      %dma_start3A_527 = tpu.memref_slice %arg13[%dma_start3A_524, %dma_start3A_525, %dma_start3A_526] : memref<5x400x16xf32, #tpu.memory_space<vmem>> -> memref<1x100x16xf32, #tpu.memory_space<vmem>>
      %dma_start3A_528 = tpu.memref_squeeze %dma_start3A_527 : memref<1x100x16xf32, #tpu.memory_space<vmem>> -> memref<100x16xf32, #tpu.memory_space<vmem>>
      %dma_start3A_529 = arith.constant 0 : i32
      %dma_start3A_530 = tpu.memref_slice %arg10[%dma_start3A_522, %dma_start3A_523, %dma_start3A_529] : memref<5x4x100xi32, #tpu.memory_space<vmem>> -> memref<1x1x100xi32, #tpu.memory_space<vmem>>
      %dma_start3A_531 = tpu.memref_squeeze %dma_start3A_530 : memref<1x1x100xi32, #tpu.memory_space<vmem>> -> memref<100xi32, #tpu.memory_space<vmem>>
      %dma_start3A_532 = arith.constant 0 : i32
      %dma_start3A_533 = arith.constant 0 : i32
      %dma_start3A_534 = tpu.memref_slice %arg6[%dma_start3A_532, %dma_start3A_533] : memref<10000x16xf32, #tpu.memory_space<hbm>> -> memref<10000x16xf32, #tpu.memory_space<hbm>>
      tpu.enqueue_indirect_dma source(%dma_start3A_534 : memref<10000x16xf32, #tpu.memory_space<hbm>>) target(%dma_start3A_528 : memref<100x16xf32, #tpu.memory_space<vmem>>) offsets(%dma_start3A_531 : memref<100xi32, #tpu.memory_space<vmem>>) semaphore(%arg18 : memref<!tpu.dma_semaphore, #tpu.memory_space<semaphore_mem>>)
      %dma_wait3A_535 = arith.constant 2 : i32
      %dma_wait3A_536 = arith.constant 0 : i32
      %dma_wait3A_537 = arith.constant 0 : i32
      %dma_wait3A_538 = tpu.memref_slice %arg9[%dma_wait3A_535, %dma_wait3A_536, %dma_wait3A_537] : memref<5x4x100xi32, #tpu.memory_space<vmem>> -> memref<1x4x100xi32, #tpu.memory_space<vmem>>
      %dma_wait3A_539 = tpu.memref_squeeze %dma_wait3A_538 : memref<1x4x100xi32, #tpu.memory_space<vmem>> -> memref<4x100xi32, #tpu.memory_space<vmem>>
      %dma_wait3A_540 = arith.constant 0 : i32
      %dma_wait3A_541 = tpu.memref_slice %arg2[%mul3A_138, %dma_wait3A_540] : memref<3200x100xi32, #tpu.memory_space<hbm>> -> memref<4x100xi32, #tpu.memory_space<hbm>>
      %dma_wait3A_542 = arith.constant 0 : i32
      %dma_wait3A_543 = arith.constant 0 : i32
      %dma_wait3A_544 = tpu.memref_slice %arg9[%dma_wait3A_535, %dma_wait3A_542, %dma_wait3A_543] : memref<5x4x100xi32, #tpu.memory_space<vmem>> -> memref<1x4x100xi32, #tpu.memory_space<vmem>>
      %dma_wait3A_545 = tpu.memref_squeeze %dma_wait3A_544 : memref<1x4x100xi32, #tpu.memory_space<vmem>> -> memref<4x100xi32, #tpu.memory_space<vmem>>
      %dma_wait3A_546 = arith.constant 0 : i32
      %dma_wait3A_547 = tpu.memref_slice %arg2[%mul3A_138, %dma_wait3A_546] : memref<3200x100xi32, #tpu.memory_space<hbm>> -> memref<4x100xi32, #tpu.memory_space<hbm>>
      tpu.wait_dma2 semaphore(%arg19 : memref<!tpu.dma_semaphore, #tpu.memory_space<semaphore_mem>>) src(%dma_wait3A_547 : memref<4x100xi32, #tpu.memory_space<hbm>>) dst(%dma_wait3A_545 : memref<4x100xi32, #tpu.memory_space<vmem>>)
      %dma_wait3A_548 = arith.constant 2 : i32
      %dma_wait3A_549 = arith.constant 0 : i32
      %dma_wait3A_550 = arith.constant 0 : i32
      %dma_wait3A_551 = tpu.memref_slice %arg10[%dma_wait3A_548, %dma_wait3A_549, %dma_wait3A_550] : memref<5x4x100xi32, #tpu.memory_space<vmem>> -> memref<1x4x100xi32, #tpu.memory_space<vmem>>
      %dma_wait3A_552 = tpu.memref_squeeze %dma_wait3A_551 : memref<1x4x100xi32, #tpu.memory_space<vmem>> -> memref<4x100xi32, #tpu.memory_space<vmem>>
      %dma_wait3A_553 = arith.constant 0 : i32
      %dma_wait3A_554 = tpu.memref_slice %arg3[%mul3A_153, %dma_wait3A_553] : memref<3200x100xi32, #tpu.memory_space<hbm>> -> memref<4x100xi32, #tpu.memory_space<hbm>>
      %dma_wait3A_555 = arith.constant 0 : i32
      %dma_wait3A_556 = arith.constant 0 : i32
      %dma_wait3A_557 = tpu.memref_slice %arg10[%dma_wait3A_548, %dma_wait3A_555, %dma_wait3A_556] : memref<5x4x100xi32, #tpu.memory_space<vmem>> -> memref<1x4x100xi32, #tpu.memory_space<vmem>>
      %dma_wait3A_558 = tpu.memref_squeeze %dma_wait3A_557 : memref<1x4x100xi32, #tpu.memory_space<vmem>> -> memref<4x100xi32, #tpu.memory_space<vmem>>
      %dma_wait3A_559 = arith.constant 0 : i32
      %dma_wait3A_560 = tpu.memref_slice %arg3[%mul3A_153, %dma_wait3A_559] : memref<3200x100xi32, #tpu.memory_space<hbm>> -> memref<4x100xi32, #tpu.memory_space<hbm>>
      tpu.wait_dma2 semaphore(%arg19 : memref<!tpu.dma_semaphore, #tpu.memory_space<semaphore_mem>>) src(%dma_wait3A_560 : memref<4x100xi32, #tpu.memory_space<hbm>>) dst(%dma_wait3A_558 : memref<4x100xi32, #tpu.memory_space<vmem>>)
      %dma_start3A_561 = arith.constant 2 : i32
      %dma_start3A_562 = arith.constant 0 : i32
      %dma_start3A_563 = arith.constant 2 : i32
      %dma_start3A_564 = arith.constant 0 : i32
      %dma_start3A_565 = arith.constant 0 : i32
      %dma_start3A_566 = tpu.memref_slice %arg12[%dma_start3A_563, %dma_start3A_564, %dma_start3A_565] : memref<5x400x16xf32, #tpu.memory_space<vmem>> -> memref<1x100x16xf32, #tpu.memory_space<vmem>>
      %dma_start3A_567 = tpu.memref_squeeze %dma_start3A_566 : memref<1x100x16xf32, #tpu.memory_space<vmem>> -> memref<100x16xf32, #tpu.memory_space<vmem>>
      %dma_start3A_568 = arith.constant 0 : i32
      %dma_start3A_569 = tpu.memref_slice %arg9[%dma_start3A_561, %dma_start3A_562, %dma_start3A_568] : memref<5x4x100xi32, #tpu.memory_space<vmem>> -> memref<1x1x100xi32, #tpu.memory_space<vmem>>
      %dma_start3A_570 = tpu.memref_squeeze %dma_start3A_569 : memref<1x1x100xi32, #tpu.memory_space<vmem>> -> memref<100xi32, #tpu.memory_space<vmem>>
      %dma_start3A_571 = arith.constant 0 : i32
      %dma_start3A_572 = arith.constant 0 : i32
      %dma_start3A_573 = tpu.memref_slice %arg5[%dma_start3A_571, %dma_start3A_572] : memref<10000x16xf32, #tpu.memory_space<hbm>> -> memref<10000x16xf32, #tpu.memory_space<hbm>>
      tpu.enqueue_indirect_dma source(%dma_start3A_573 : memref<10000x16xf32, #tpu.memory_space<hbm>>) target(%dma_start3A_567 : memref<100x16xf32, #tpu.memory_space<vmem>>) offsets(%dma_start3A_570 : memref<100xi32, #tpu.memory_space<vmem>>) semaphore(%arg18 : memref<!tpu.dma_semaphore, #tpu.memory_space<semaphore_mem>>)
      %dma_start3A_574 = arith.constant 2 : i32
      %dma_start3A_575 = arith.constant 0 : i32
      %dma_start3A_576 = arith.constant 2 : i32
      %dma_start3A_577 = arith.constant 0 : i32
      %dma_start3A_578 = arith.constant 0 : i32
      %dma_start3A_579 = tpu.memref_slice %arg13[%dma_start3A_576, %dma_start3A_577, %dma_start3A_578] : memref<5x400x16xf32, #tpu.memory_space<vmem>> -> memref<1x100x16xf32, #tpu.memory_space<vmem>>
      %dma_start3A_580 = tpu.memref_squeeze %dma_start3A_579 : memref<1x100x16xf32, #tpu.memory_space<vmem>> -> memref<100x16xf32, #tpu.memory_space<vmem>>
      %dma_start3A_581 = arith.constant 0 : i32
      %dma_start3A_582 = tpu.memref_slice %arg10[%dma_start3A_574, %dma_start3A_575, %dma_start3A_581] : memref<5x4x100xi32, #tpu.memory_space<vmem>> -> memref<1x1x100xi32, #tpu.memory_space<vmem>>
      %dma_start3A_583 = tpu.memref_squeeze %dma_start3A_582 : memref<1x1x100xi32, #tpu.memory_space<vmem>> -> memref<100xi32, #tpu.memory_space<vmem>>
      %dma_start3A_584 = arith.constant 0 : i32
      %dma_start3A_585 = arith.constant 0 : i32
      %dma_start3A_586 = tpu.memref_slice %arg6[%dma_start3A_584, %dma_start3A_585] : memref<10000x16xf32, #tpu.memory_space<hbm>> -> memref<10000x16xf32, #tpu.memory_space<hbm>>
      tpu.enqueue_indirect_dma source(%dma_start3A_586 : memref<10000x16xf32, #tpu.memory_space<hbm>>) target(%dma_start3A_580 : memref<100x16xf32, #tpu.memory_space<vmem>>) offsets(%dma_start3A_583 : memref<100xi32, #tpu.memory_space<vmem>>) semaphore(%arg18 : memref<!tpu.dma_semaphore, #tpu.memory_space<semaphore_mem>>)
      %dma_start3A_587 = arith.constant 2 : i32
      %dma_start3A_588 = arith.constant 1 : i32
      %dma_start3A_589 = arith.constant 2 : i32
      %dma_start3A_590 = arith.constant 100 : i32
      %dma_start3A_591 = arith.constant 0 : i32
      %dma_start3A_592 = tpu.memref_slice %arg12[%dma_start3A_589, %dma_start3A_590, %dma_start3A_591] : memref<5x400x16xf32, #tpu.memory_space<vmem>> -> memref<1x100x16xf32, #tpu.memory_space<vmem>>
      %dma_start3A_593 = tpu.memref_squeeze %dma_start3A_592 : memref<1x100x16xf32, #tpu.memory_space<vmem>> -> memref<100x16xf32, #tpu.memory_space<vmem>>
      %dma_start3A_594 = arith.constant 0 : i32
      %dma_start3A_595 = tpu.memref_slice %arg9[%dma_start3A_587, %dma_start3A_588, %dma_start3A_594] : memref<5x4x100xi32, #tpu.memory_space<vmem>> -> memref<1x1x100xi32, #tpu.memory_space<vmem>>
      %dma_start3A_596 = tpu.memref_squeeze %dma_start3A_595 : memref<1x1x100xi32, #tpu.memory_space<vmem>> -> memref<100xi32, #tpu.memory_space<vmem>>
      %dma_start3A_597 = arith.constant 0 : i32
      %dma_start3A_598 = arith.constant 0 : i32
      %dma_start3A_599 = tpu.memref_slice %arg5[%dma_start3A_597, %dma_start3A_598] : memref<10000x16xf32, #tpu.memory_space<hbm>> -> memref<10000x16xf32, #tpu.memory_space<hbm>>
      tpu.enqueue_indirect_dma source(%dma_start3A_599 : memref<10000x16xf32, #tpu.memory_space<hbm>>) target(%dma_start3A_593 : memref<100x16xf32, #tpu.memory_space<vmem>>) offsets(%dma_start3A_596 : memref<100xi32, #tpu.memory_space<vmem>>) semaphore(%arg18 : memref<!tpu.dma_semaphore, #tpu.memory_space<semaphore_mem>>)
      %dma_start3A_600 = arith.constant 2 : i32
      %dma_start3A_601 = arith.constant 1 : i32
      %dma_start3A_602 = arith.constant 2 : i32
      %dma_start3A_603 = arith.constant 100 : i32
      %dma_start3A_604 = arith.constant 0 : i32
      %dma_start3A_605 = tpu.memref_slice %arg13[%dma_start3A_602, %dma_start3A_603, %dma_start3A_604] : memref<5x400x16xf32, #tpu.memory_space<vmem>> -> memref<1x100x16xf32, #tpu.memory_space<vmem>>
      %dma_start3A_606 = tpu.memref_squeeze %dma_start3A_605 : memref<1x100x16xf32, #tpu.memory_space<vmem>> -> memref<100x16xf32, #tpu.memory_space<vmem>>
      %dma_start3A_607 = arith.constant 0 : i32
      %dma_start3A_608 = tpu.memref_slice %arg10[%dma_start3A_600, %dma_start3A_601, %dma_start3A_607] : memref<5x4x100xi32, #tpu.memory_space<vmem>> -> memref<1x1x100xi32, #tpu.memory_space<vmem>>
      %dma_start3A_609 = tpu.memref_squeeze %dma_start3A_608 : memref<1x1x100xi32, #tpu.memory_space<vmem>> -> memref<100xi32, #tpu.memory_space<vmem>>
      %dma_start3A_610 = arith.constant 0 : i32
      %dma_start3A_611 = arith.constant 0 : i32
      %dma_start3A_612 = tpu.memref_slice %arg6[%dma_start3A_610, %dma_start3A_611] : memref<10000x16xf32, #tpu.memory_space<hbm>> -> memref<10000x16xf32, #tpu.memory_space<hbm>>
      tpu.enqueue_indirect_dma source(%dma_start3A_612 : memref<10000x16xf32, #tpu.memory_space<hbm>>) target(%dma_start3A_606 : memref<100x16xf32, #tpu.memory_space<vmem>>) offsets(%dma_start3A_609 : memref<100xi32, #tpu.memory_space<vmem>>) semaphore(%arg18 : memref<!tpu.dma_semaphore, #tpu.memory_space<semaphore_mem>>)
      %dma_start3A_613 = arith.constant 2 : i32
      %dma_start3A_614 = arith.constant 2 : i32
      %dma_start3A_615 = arith.constant 2 : i32
      %dma_start3A_616 = arith.constant 200 : i32
      %dma_start3A_617 = arith.constant 0 : i32
      %dma_start3A_618 = tpu.memref_slice %arg12[%dma_start3A_615, %dma_start3A_616, %dma_start3A_617] : memref<5x400x16xf32, #tpu.memory_space<vmem>> -> memref<1x100x16xf32, #tpu.memory_space<vmem>>
      %dma_start3A_619 = tpu.memref_squeeze %dma_start3A_618 : memref<1x100x16xf32, #tpu.memory_space<vmem>> -> memref<100x16xf32, #tpu.memory_space<vmem>>
      %dma_start3A_620 = arith.constant 0 : i32
      %dma_start3A_621 = tpu.memref_slice %arg9[%dma_start3A_613, %dma_start3A_614, %dma_start3A_620] : memref<5x4x100xi32, #tpu.memory_space<vmem>> -> memref<1x1x100xi32, #tpu.memory_space<vmem>>
      %dma_start3A_622 = tpu.memref_squeeze %dma_start3A_621 : memref<1x1x100xi32, #tpu.memory_space<vmem>> -> memref<100xi32, #tpu.memory_space<vmem>>
      %dma_start3A_623 = arith.constant 0 : i32
      %dma_start3A_624 = arith.constant 0 : i32
      %dma_start3A_625 = tpu.memref_slice %arg5[%dma_start3A_623, %dma_start3A_624] : memref<10000x16xf32, #tpu.memory_space<hbm>> -> memref<10000x16xf32, #tpu.memory_space<hbm>>
      tpu.enqueue_indirect_dma source(%dma_start3A_625 : memref<10000x16xf32, #tpu.memory_space<hbm>>) target(%dma_start3A_619 : memref<100x16xf32, #tpu.memory_space<vmem>>) offsets(%dma_start3A_622 : memref<100xi32, #tpu.memory_space<vmem>>) semaphore(%arg18 : memref<!tpu.dma_semaphore, #tpu.memory_space<semaphore_mem>>)
      %dma_start3A_626 = arith.constant 2 : i32
      %dma_start3A_627 = arith.constant 2 : i32
      %dma_start3A_628 = arith.constant 2 : i32
      %dma_start3A_629 = arith.constant 200 : i32
      %dma_start3A_630 = arith.constant 0 : i32
      %dma_start3A_631 = tpu.memref_slice %arg13[%dma_start3A_628, %dma_start3A_629, %dma_start3A_630] : memref<5x400x16xf32, #tpu.memory_space<vmem>> -> memref<1x100x16xf32, #tpu.memory_space<vmem>>
      %dma_start3A_632 = tpu.memref_squeeze %dma_start3A_631 : memref<1x100x16xf32, #tpu.memory_space<vmem>> -> memref<100x16xf32, #tpu.memory_space<vmem>>
      %dma_start3A_633 = arith.constant 0 : i32
      %dma_start3A_634 = tpu.memref_slice %arg10[%dma_start3A_626, %dma_start3A_627, %dma_start3A_633] : memref<5x4x100xi32, #tpu.memory_space<vmem>> -> memref<1x1x100xi32, #tpu.memory_space<vmem>>
      %dma_start3A_635 = tpu.memref_squeeze %dma_start3A_634 : memref<1x1x100xi32, #tpu.memory_space<vmem>> -> memref<100xi32, #tpu.memory_space<vmem>>
      %dma_start3A_636 = arith.constant 0 : i32
      %dma_start3A_637 = arith.constant 0 : i32
      %dma_start3A_638 = tpu.memref_slice %arg6[%dma_start3A_636, %dma_start3A_637] : memref<10000x16xf32, #tpu.memory_space<hbm>> -> memref<10000x16xf32, #tpu.memory_space<hbm>>
      tpu.enqueue_indirect_dma source(%dma_start3A_638 : memref<10000x16xf32, #tpu.memory_space<hbm>>) target(%dma_start3A_632 : memref<100x16xf32, #tpu.memory_space<vmem>>) offsets(%dma_start3A_635 : memref<100xi32, #tpu.memory_space<vmem>>) semaphore(%arg18 : memref<!tpu.dma_semaphore, #tpu.memory_space<semaphore_mem>>)
      %dma_start3A_639 = arith.constant 2 : i32
      %dma_start3A_640 = arith.constant 3 : i32
      %dma_start3A_641 = arith.constant 2 : i32
      %dma_start3A_642 = arith.constant 300 : i32
      %dma_start3A_643 = arith.constant 0 : i32
      %dma_start3A_644 = tpu.memref_slice %arg12[%dma_start3A_641, %dma_start3A_642, %dma_start3A_643] : memref<5x400x16xf32, #tpu.memory_space<vmem>> -> memref<1x100x16xf32, #tpu.memory_space<vmem>>
      %dma_start3A_645 = tpu.memref_squeeze %dma_start3A_644 : memref<1x100x16xf32, #tpu.memory_space<vmem>> -> memref<100x16xf32, #tpu.memory_space<vmem>>
      %dma_start3A_646 = arith.constant 0 : i32
      %dma_start3A_647 = tpu.memref_slice %arg9[%dma_start3A_639, %dma_start3A_640, %dma_start3A_646] : memref<5x4x100xi32, #tpu.memory_space<vmem>> -> memref<1x1x100xi32, #tpu.memory_space<vmem>>
      %dma_start3A_648 = tpu.memref_squeeze %dma_start3A_647 : memref<1x1x100xi32, #tpu.memory_space<vmem>> -> memref<100xi32, #tpu.memory_space<vmem>>
      %dma_start3A_649 = arith.constant 0 : i32
      %dma_start3A_650 = arith.constant 0 : i32
      %dma_start3A_651 = tpu.memref_slice %arg5[%dma_start3A_649, %dma_start3A_650] : memref<10000x16xf32, #tpu.memory_space<hbm>> -> memref<10000x16xf32, #tpu.memory_space<hbm>>
      tpu.enqueue_indirect_dma source(%dma_start3A_651 : memref<10000x16xf32, #tpu.memory_space<hbm>>) target(%dma_start3A_645 : memref<100x16xf32, #tpu.memory_space<vmem>>) offsets(%dma_start3A_648 : memref<100xi32, #tpu.memory_space<vmem>>) semaphore(%arg18 : memref<!tpu.dma_semaphore, #tpu.memory_space<semaphore_mem>>)
      %dma_start3A_652 = arith.constant 2 : i32
      %dma_start3A_653 = arith.constant 3 : i32
      %dma_start3A_654 = arith.constant 2 : i32
      %dma_start3A_655 = arith.constant 300 : i32
      %dma_start3A_656 = arith.constant 0 : i32
      %dma_start3A_657 = tpu.memref_slice %arg13[%dma_start3A_654, %dma_start3A_655, %dma_start3A_656] : memref<5x400x16xf32, #tpu.memory_space<vmem>> -> memref<1x100x16xf32, #tpu.memory_space<vmem>>
      %dma_start3A_658 = tpu.memref_squeeze %dma_start3A_657 : memref<1x100x16xf32, #tpu.memory_space<vmem>> -> memref<100x16xf32, #tpu.memory_space<vmem>>
      %dma_start3A_659 = arith.constant 0 : i32
      %dma_start3A_660 = tpu.memref_slice %arg10[%dma_start3A_652, %dma_start3A_653, %dma_start3A_659] : memref<5x4x100xi32, #tpu.memory_space<vmem>> -> memref<1x1x100xi32, #tpu.memory_space<vmem>>
      %dma_start3A_661 = tpu.memref_squeeze %dma_start3A_660 : memref<1x1x100xi32, #tpu.memory_space<vmem>> -> memref<100xi32, #tpu.memory_space<vmem>>
      %dma_start3A_662 = arith.constant 0 : i32
      %dma_start3A_663 = arith.constant 0 : i32
      %dma_start3A_664 = tpu.memref_slice %arg6[%dma_start3A_662, %dma_start3A_663] : memref<10000x16xf32, #tpu.memory_space<hbm>> -> memref<10000x16xf32, #tpu.memory_space<hbm>>
      tpu.enqueue_indirect_dma source(%dma_start3A_664 : memref<10000x16xf32, #tpu.memory_space<hbm>>) target(%dma_start3A_658 : memref<100x16xf32, #tpu.memory_space<vmem>>) offsets(%dma_start3A_661 : memref<100xi32, #tpu.memory_space<vmem>>) semaphore(%arg18 : memref<!tpu.dma_semaphore, #tpu.memory_space<semaphore_mem>>)
      %dma_wait3A_665 = arith.constant 3 : i32
      %dma_wait3A_666 = arith.constant 0 : i32
      %dma_wait3A_667 = arith.constant 0 : i32
      %dma_wait3A_668 = tpu.memref_slice %arg9[%dma_wait3A_665, %dma_wait3A_666, %dma_wait3A_667] : memref<5x4x100xi32, #tpu.memory_space<vmem>> -> memref<1x4x100xi32, #tpu.memory_space<vmem>>
      %dma_wait3A_669 = tpu.memref_squeeze %dma_wait3A_668 : memref<1x4x100xi32, #tpu.memory_space<vmem>> -> memref<4x100xi32, #tpu.memory_space<vmem>>
      %dma_wait3A_670 = arith.constant 0 : i32
      %dma_wait3A_671 = tpu.memref_slice %arg2[%mul3A_185, %dma_wait3A_670] : memref<3200x100xi32, #tpu.memory_space<hbm>> -> memref<4x100xi32, #tpu.memory_space<hbm>>
      %dma_wait3A_672 = arith.constant 0 : i32
      %dma_wait3A_673 = arith.constant 0 : i32
      %dma_wait3A_674 = tpu.memref_slice %arg9[%dma_wait3A_665, %dma_wait3A_672, %dma_wait3A_673] : memref<5x4x100xi32, #tpu.memory_space<vmem>> -> memref<1x4x100xi32, #tpu.memory_space<vmem>>
      %dma_wait3A_675 = tpu.memref_squeeze %dma_wait3A_674 : memref<1x4x100xi32, #tpu.memory_space<vmem>> -> memref<4x100xi32, #tpu.memory_space<vmem>>
      %dma_wait3A_676 = arith.constant 0 : i32
      %dma_wait3A_677 = tpu.memref_slice %arg2[%mul3A_185, %dma_wait3A_676] : memref<3200x100xi32, #tpu.memory_space<hbm>> -> memref<4x100xi32, #tpu.memory_space<hbm>>
      tpu.wait_dma2 semaphore(%arg19 : memref<!tpu.dma_semaphore, #tpu.memory_space<semaphore_mem>>) src(%dma_wait3A_677 : memref<4x100xi32, #tpu.memory_space<hbm>>) dst(%dma_wait3A_675 : memref<4x100xi32, #tpu.memory_space<vmem>>)
      %dma_wait3A_678 = arith.constant 3 : i32
      %dma_wait3A_679 = arith.constant 0 : i32
      %dma_wait3A_680 = arith.constant 0 : i32
      %dma_wait3A_681 = tpu.memref_slice %arg10[%dma_wait3A_678, %dma_wait3A_679, %dma_wait3A_680] : memref<5x4x100xi32, #tpu.memory_space<vmem>> -> memref<1x4x100xi32, #tpu.memory_space<vmem>>
      %dma_wait3A_682 = tpu.memref_squeeze %dma_wait3A_681 : memref<1x4x100xi32, #tpu.memory_space<vmem>> -> memref<4x100xi32, #tpu.memory_space<vmem>>
      %dma_wait3A_683 = arith.constant 0 : i32
      %dma_wait3A_684 = tpu.memref_slice %arg3[%mul3A_200, %dma_wait3A_683] : memref<3200x100xi32, #tpu.memory_space<hbm>> -> memref<4x100xi32, #tpu.memory_space<hbm>>
      %dma_wait3A_685 = arith.constant 0 : i32
      %dma_wait3A_686 = arith.constant 0 : i32
      %dma_wait3A_687 = tpu.memref_slice %arg10[%dma_wait3A_678, %dma_wait3A_685, %dma_wait3A_686] : memref<5x4x100xi32, #tpu.memory_space<vmem>> -> memref<1x4x100xi32, #tpu.memory_space<vmem>>
      %dma_wait3A_688 = tpu.memref_squeeze %dma_wait3A_687 : memref<1x4x100xi32, #tpu.memory_space<vmem>> -> memref<4x100xi32, #tpu.memory_space<vmem>>
      %dma_wait3A_689 = arith.constant 0 : i32
      %dma_wait3A_690 = tpu.memref_slice %arg3[%mul3A_200, %dma_wait3A_689] : memref<3200x100xi32, #tpu.memory_space<hbm>> -> memref<4x100xi32, #tpu.memory_space<hbm>>
      tpu.wait_dma2 semaphore(%arg19 : memref<!tpu.dma_semaphore, #tpu.memory_space<semaphore_mem>>) src(%dma_wait3A_690 : memref<4x100xi32, #tpu.memory_space<hbm>>) dst(%dma_wait3A_688 : memref<4x100xi32, #tpu.memory_space<vmem>>)
      %dma_start3A_691 = arith.constant 3 : i32
      %dma_start3A_692 = arith.constant 0 : i32
      %dma_start3A_693 = arith.constant 3 : i32
      %dma_start3A_694 = arith.constant 0 : i32
      %dma_start3A_695 = arith.constant 0 : i32
      %dma_start3A_696 = tpu.memref_slice %arg12[%dma_start3A_693, %dma_start3A_694, %dma_start3A_695] : memref<5x400x16xf32, #tpu.memory_space<vmem>> -> memref<1x100x16xf32, #tpu.memory_space<vmem>>
      %dma_start3A_697 = tpu.memref_squeeze %dma_start3A_696 : memref<1x100x16xf32, #tpu.memory_space<vmem>> -> memref<100x16xf32, #tpu.memory_space<vmem>>
      %dma_start3A_698 = arith.constant 0 : i32
      %dma_start3A_699 = tpu.memref_slice %arg9[%dma_start3A_691, %dma_start3A_692, %dma_start3A_698] : memref<5x4x100xi32, #tpu.memory_space<vmem>> -> memref<1x1x100xi32, #tpu.memory_space<vmem>>
      %dma_start3A_700 = tpu.memref_squeeze %dma_start3A_699 : memref<1x1x100xi32, #tpu.memory_space<vmem>> -> memref<100xi32, #tpu.memory_space<vmem>>
      %dma_start3A_701 = arith.constant 0 : i32
      %dma_start3A_702 = arith.constant 0 : i32
      %dma_start3A_703 = tpu.memref_slice %arg5[%dma_start3A_701, %dma_start3A_702] : memref<10000x16xf32, #tpu.memory_space<hbm>> -> memref<10000x16xf32, #tpu.memory_space<hbm>>
      tpu.enqueue_indirect_dma source(%dma_start3A_703 : memref<10000x16xf32, #tpu.memory_space<hbm>>) target(%dma_start3A_697 : memref<100x16xf32, #tpu.memory_space<vmem>>) offsets(%dma_start3A_700 : memref<100xi32, #tpu.memory_space<vmem>>) semaphore(%arg18 : memref<!tpu.dma_semaphore, #tpu.memory_space<semaphore_mem>>)
      %dma_start3A_704 = arith.constant 3 : i32
      %dma_start3A_705 = arith.constant 0 : i32
      %dma_start3A_706 = arith.constant 3 : i32
      %dma_start3A_707 = arith.constant 0 : i32
      %dma_start3A_708 = arith.constant 0 : i32
      %dma_start3A_709 = tpu.memref_slice %arg13[%dma_start3A_706, %dma_start3A_707, %dma_start3A_708] : memref<5x400x16xf32, #tpu.memory_space<vmem>> -> memref<1x100x16xf32, #tpu.memory_space<vmem>>
      %dma_start3A_710 = tpu.memref_squeeze %dma_start3A_709 : memref<1x100x16xf32, #tpu.memory_space<vmem>> -> memref<100x16xf32, #tpu.memory_space<vmem>>
      %dma_start3A_711 = arith.constant 0 : i32
      %dma_start3A_712 = tpu.memref_slice %arg10[%dma_start3A_704, %dma_start3A_705, %dma_start3A_711] : memref<5x4x100xi32, #tpu.memory_space<vmem>> -> memref<1x1x100xi32, #tpu.memory_space<vmem>>
      %dma_start3A_713 = tpu.memref_squeeze %dma_start3A_712 : memref<1x1x100xi32, #tpu.memory_space<vmem>> -> memref<100xi32, #tpu.memory_space<vmem>>
      %dma_start3A_714 = arith.constant 0 : i32
      %dma_start3A_715 = arith.constant 0 : i32
      %dma_start3A_716 = tpu.memref_slice %arg6[%dma_start3A_714, %dma_start3A_715] : memref<10000x16xf32, #tpu.memory_space<hbm>> -> memref<10000x16xf32, #tpu.memory_space<hbm>>
      tpu.enqueue_indirect_dma source(%dma_start3A_716 : memref<10000x16xf32, #tpu.memory_space<hbm>>) target(%dma_start3A_710 : memref<100x16xf32, #tpu.memory_space<vmem>>) offsets(%dma_start3A_713 : memref<100xi32, #tpu.memory_space<vmem>>) semaphore(%arg18 : memref<!tpu.dma_semaphore, #tpu.memory_space<semaphore_mem>>)
      %dma_start3A_717 = arith.constant 3 : i32
      %dma_start3A_718 = arith.constant 1 : i32
      %dma_start3A_719 = arith.constant 3 : i32
      %dma_start3A_720 = arith.constant 100 : i32
      %dma_start3A_721 = arith.constant 0 : i32
      %dma_start3A_722 = tpu.memref_slice %arg12[%dma_start3A_719, %dma_start3A_720, %dma_start3A_721] : memref<5x400x16xf32, #tpu.memory_space<vmem>> -> memref<1x100x16xf32, #tpu.memory_space<vmem>>
      %dma_start3A_723 = tpu.memref_squeeze %dma_start3A_722 : memref<1x100x16xf32, #tpu.memory_space<vmem>> -> memref<100x16xf32, #tpu.memory_space<vmem>>
      %dma_start3A_724 = arith.constant 0 : i32
      %dma_start3A_725 = tpu.memref_slice %arg9[%dma_start3A_717, %dma_start3A_718, %dma_start3A_724] : memref<5x4x100xi32, #tpu.memory_space<vmem>> -> memref<1x1x100xi32, #tpu.memory_space<vmem>>
      %dma_start3A_726 = tpu.memref_squeeze %dma_start3A_725 : memref<1x1x100xi32, #tpu.memory_space<vmem>> -> memref<100xi32, #tpu.memory_space<vmem>>
      %dma_start3A_727 = arith.constant 0 : i32
      %dma_start3A_728 = arith.constant 0 : i32
      %dma_start3A_729 = tpu.memref_slice %arg5[%dma_start3A_727, %dma_start3A_728] : memref<10000x16xf32, #tpu.memory_space<hbm>> -> memref<10000x16xf32, #tpu.memory_space<hbm>>
      tpu.enqueue_indirect_dma source(%dma_start3A_729 : memref<10000x16xf32, #tpu.memory_space<hbm>>) target(%dma_start3A_723 : memref<100x16xf32, #tpu.memory_space<vmem>>) offsets(%dma_start3A_726 : memref<100xi32, #tpu.memory_space<vmem>>) semaphore(%arg18 : memref<!tpu.dma_semaphore, #tpu.memory_space<semaphore_mem>>)
      %dma_start3A_730 = arith.constant 3 : i32
      %dma_start3A_731 = arith.constant 1 : i32
      %dma_start3A_732 = arith.constant 3 : i32
      %dma_start3A_733 = arith.constant 100 : i32
      %dma_start3A_734 = arith.constant 0 : i32
      %dma_start3A_735 = tpu.memref_slice %arg13[%dma_start3A_732, %dma_start3A_733, %dma_start3A_734] : memref<5x400x16xf32, #tpu.memory_space<vmem>> -> memref<1x100x16xf32, #tpu.memory_space<vmem>>
      %dma_start3A_736 = tpu.memref_squeeze %dma_start3A_735 : memref<1x100x16xf32, #tpu.memory_space<vmem>> -> memref<100x16xf32, #tpu.memory_space<vmem>>
      %dma_start3A_737 = arith.constant 0 : i32
      %dma_start3A_738 = tpu.memref_slice %arg10[%dma_start3A_730, %dma_start3A_731, %dma_start3A_737] : memref<5x4x100xi32, #tpu.memory_space<vmem>> -> memref<1x1x100xi32, #tpu.memory_space<vmem>>
      %dma_start3A_739 = tpu.memref_squeeze %dma_start3A_738 : memref<1x1x100xi32, #tpu.memory_space<vmem>> -> memref<100xi32, #tpu.memory_space<vmem>>
      %dma_start3A_740 = arith.constant 0 : i32
      %dma_start3A_741 = arith.constant 0 : i32
      %dma_start3A_742 = tpu.memref_slice %arg6[%dma_start3A_740, %dma_start3A_741] : memref<10000x16xf32, #tpu.memory_space<hbm>> -> memref<10000x16xf32, #tpu.memory_space<hbm>>
      tpu.enqueue_indirect_dma source(%dma_start3A_742 : memref<10000x16xf32, #tpu.memory_space<hbm>>) target(%dma_start3A_736 : memref<100x16xf32, #tpu.memory_space<vmem>>) offsets(%dma_start3A_739 : memref<100xi32, #tpu.memory_space<vmem>>) semaphore(%arg18 : memref<!tpu.dma_semaphore, #tpu.memory_space<semaphore_mem>>)
      %dma_start3A_743 = arith.constant 3 : i32
      %dma_start3A_744 = arith.constant 2 : i32
      %dma_start3A_745 = arith.constant 3 : i32
      %dma_start3A_746 = arith.constant 200 : i32
      %dma_start3A_747 = arith.constant 0 : i32
      %dma_start3A_748 = tpu.memref_slice %arg12[%dma_start3A_745, %dma_start3A_746, %dma_start3A_747] : memref<5x400x16xf32, #tpu.memory_space<vmem>> -> memref<1x100x16xf32, #tpu.memory_space<vmem>>
      %dma_start3A_749 = tpu.memref_squeeze %dma_start3A_748 : memref<1x100x16xf32, #tpu.memory_space<vmem>> -> memref<100x16xf32, #tpu.memory_space<vmem>>
      %dma_start3A_750 = arith.constant 0 : i32
      %dma_start3A_751 = tpu.memref_slice %arg9[%dma_start3A_743, %dma_start3A_744, %dma_start3A_750] : memref<5x4x100xi32, #tpu.memory_space<vmem>> -> memref<1x1x100xi32, #tpu.memory_space<vmem>>
      %dma_start3A_752 = tpu.memref_squeeze %dma_start3A_751 : memref<1x1x100xi32, #tpu.memory_space<vmem>> -> memref<100xi32, #tpu.memory_space<vmem>>
      %dma_start3A_753 = arith.constant 0 : i32
      %dma_start3A_754 = arith.constant 0 : i32
      %dma_start3A_755 = tpu.memref_slice %arg5[%dma_start3A_753, %dma_start3A_754] : memref<10000x16xf32, #tpu.memory_space<hbm>> -> memref<10000x16xf32, #tpu.memory_space<hbm>>
      tpu.enqueue_indirect_dma source(%dma_start3A_755 : memref<10000x16xf32, #tpu.memory_space<hbm>>) target(%dma_start3A_749 : memref<100x16xf32, #tpu.memory_space<vmem>>) offsets(%dma_start3A_752 : memref<100xi32, #tpu.memory_space<vmem>>) semaphore(%arg18 : memref<!tpu.dma_semaphore, #tpu.memory_space<semaphore_mem>>)
      %dma_start3A_756 = arith.constant 3 : i32
      %dma_start3A_757 = arith.constant 2 : i32
      %dma_start3A_758 = arith.constant 3 : i32
      %dma_start3A_759 = arith.constant 200 : i32
      %dma_start3A_760 = arith.constant 0 : i32
      %dma_start3A_761 = tpu.memref_slice %arg13[%dma_start3A_758, %dma_start3A_759, %dma_start3A_760] : memref<5x400x16xf32, #tpu.memory_space<vmem>> -> memref<1x100x16xf32, #tpu.memory_space<vmem>>
      %dma_start3A_762 = tpu.memref_squeeze %dma_start3A_761 : memref<1x100x16xf32, #tpu.memory_space<vmem>> -> memref<100x16xf32, #tpu.memory_space<vmem>>
      %dma_start3A_763 = arith.constant 0 : i32
      %dma_start3A_764 = tpu.memref_slice %arg10[%dma_start3A_756, %dma_start3A_757, %dma_start3A_763] : memref<5x4x100xi32, #tpu.memory_space<vmem>> -> memref<1x1x100xi32, #tpu.memory_space<vmem>>
      %dma_start3A_765 = tpu.memref_squeeze %dma_start3A_764 : memref<1x1x100xi32, #tpu.memory_space<vmem>> -> memref<100xi32, #tpu.memory_space<vmem>>
      %dma_start3A_766 = arith.constant 0 : i32
      %dma_start3A_767 = arith.constant 0 : i32
      %dma_start3A_768 = tpu.memref_slice %arg6[%dma_start3A_766, %dma_start3A_767] : memref<10000x16xf32, #tpu.memory_space<hbm>> -> memref<10000x16xf32, #tpu.memory_space<hbm>>
      tpu.enqueue_indirect_dma source(%dma_start3A_768 : memref<10000x16xf32, #tpu.memory_space<hbm>>) target(%dma_start3A_762 : memref<100x16xf32, #tpu.memory_space<vmem>>) offsets(%dma_start3A_765 : memref<100xi32, #tpu.memory_space<vmem>>) semaphore(%arg18 : memref<!tpu.dma_semaphore, #tpu.memory_space<semaphore_mem>>)
      %dma_start3A_769 = arith.constant 3 : i32
      %dma_start3A_770 = arith.constant 3 : i32
      %dma_start3A_771 = arith.constant 3 : i32
      %dma_start3A_772 = arith.constant 300 : i32
      %dma_start3A_773 = arith.constant 0 : i32
      %dma_start3A_774 = tpu.memref_slice %arg12[%dma_start3A_771, %dma_start3A_772, %dma_start3A_773] : memref<5x400x16xf32, #tpu.memory_space<vmem>> -> memref<1x100x16xf32, #tpu.memory_space<vmem>>
      %dma_start3A_775 = tpu.memref_squeeze %dma_start3A_774 : memref<1x100x16xf32, #tpu.memory_space<vmem>> -> memref<100x16xf32, #tpu.memory_space<vmem>>
      %dma_start3A_776 = arith.constant 0 : i32
      %dma_start3A_777 = tpu.memref_slice %arg9[%dma_start3A_769, %dma_start3A_770, %dma_start3A_776] : memref<5x4x100xi32, #tpu.memory_space<vmem>> -> memref<1x1x100xi32, #tpu.memory_space<vmem>>
      %dma_start3A_778 = tpu.memref_squeeze %dma_start3A_777 : memref<1x1x100xi32, #tpu.memory_space<vmem>> -> memref<100xi32, #tpu.memory_space<vmem>>
      %dma_start3A_779 = arith.constant 0 : i32
      %dma_start3A_780 = arith.constant 0 : i32
      %dma_start3A_781 = tpu.memref_slice %arg5[%dma_start3A_779, %dma_start3A_780] : memref<10000x16xf32, #tpu.memory_space<hbm>> -> memref<10000x16xf32, #tpu.memory_space<hbm>>
      tpu.enqueue_indirect_dma source(%dma_start3A_781 : memref<10000x16xf32, #tpu.memory_space<hbm>>) target(%dma_start3A_775 : memref<100x16xf32, #tpu.memory_space<vmem>>) offsets(%dma_start3A_778 : memref<100xi32, #tpu.memory_space<vmem>>) semaphore(%arg18 : memref<!tpu.dma_semaphore, #tpu.memory_space<semaphore_mem>>)
      %dma_start3A_782 = arith.constant 3 : i32
      %dma_start3A_783 = arith.constant 3 : i32
      %dma_start3A_784 = arith.constant 3 : i32
      %dma_start3A_785 = arith.constant 300 : i32
      %dma_start3A_786 = arith.constant 0 : i32
      %dma_start3A_787 = tpu.memref_slice %arg13[%dma_start3A_784, %dma_start3A_785, %dma_start3A_786] : memref<5x400x16xf32, #tpu.memory_space<vmem>> -> memref<1x100x16xf32, #tpu.memory_space<vmem>>
      %dma_start3A_788 = tpu.memref_squeeze %dma_start3A_787 : memref<1x100x16xf32, #tpu.memory_space<vmem>> -> memref<100x16xf32, #tpu.memory_space<vmem>>
      %dma_start3A_789 = arith.constant 0 : i32
      %dma_start3A_790 = tpu.memref_slice %arg10[%dma_start3A_782, %dma_start3A_783, %dma_start3A_789] : memref<5x4x100xi32, #tpu.memory_space<vmem>> -> memref<1x1x100xi32, #tpu.memory_space<vmem>>
      %dma_start3A_791 = tpu.memref_squeeze %dma_start3A_790 : memref<1x1x100xi32, #tpu.memory_space<vmem>> -> memref<100xi32, #tpu.memory_space<vmem>>
      %dma_start3A_792 = arith.constant 0 : i32
      %dma_start3A_793 = arith.constant 0 : i32
      %dma_start3A_794 = tpu.memref_slice %arg6[%dma_start3A_792, %dma_start3A_793] : memref<10000x16xf32, #tpu.memory_space<hbm>> -> memref<10000x16xf32, #tpu.memory_space<hbm>>
      tpu.enqueue_indirect_dma source(%dma_start3A_794 : memref<10000x16xf32, #tpu.memory_space<hbm>>) target(%dma_start3A_788 : memref<100x16xf32, #tpu.memory_space<vmem>>) offsets(%dma_start3A_791 : memref<100xi32, #tpu.memory_space<vmem>>) semaphore(%arg18 : memref<!tpu.dma_semaphore, #tpu.memory_space<semaphore_mem>>)
      %dma_wait3A_795 = arith.constant 4 : i32
      %dma_wait3A_796 = arith.constant 0 : i32
      %dma_wait3A_797 = arith.constant 0 : i32
      %dma_wait3A_798 = tpu.memref_slice %arg9[%dma_wait3A_795, %dma_wait3A_796, %dma_wait3A_797] : memref<5x4x100xi32, #tpu.memory_space<vmem>> -> memref<1x4x100xi32, #tpu.memory_space<vmem>>
      %dma_wait3A_799 = tpu.memref_squeeze %dma_wait3A_798 : memref<1x4x100xi32, #tpu.memory_space<vmem>> -> memref<4x100xi32, #tpu.memory_space<vmem>>
      %dma_wait3A_800 = arith.constant 0 : i32
      %dma_wait3A_801 = tpu.memref_slice %arg2[%mul3A_232, %dma_wait3A_800] : memref<3200x100xi32, #tpu.memory_space<hbm>> -> memref<4x100xi32, #tpu.memory_space<hbm>>
      %dma_wait3A_802 = arith.constant 0 : i32
      %dma_wait3A_803 = arith.constant 0 : i32
      %dma_wait3A_804 = tpu.memref_slice %arg9[%dma_wait3A_795, %dma_wait3A_802, %dma_wait3A_803] : memref<5x4x100xi32, #tpu.memory_space<vmem>> -> memref<1x4x100xi32, #tpu.memory_space<vmem>>
      %dma_wait3A_805 = tpu.memref_squeeze %dma_wait3A_804 : memref<1x4x100xi32, #tpu.memory_space<vmem>> -> memref<4x100xi32, #tpu.memory_space<vmem>>
      %dma_wait3A_806 = arith.constant 0 : i32
      %dma_wait3A_807 = tpu.memref_slice %arg2[%mul3A_232, %dma_wait3A_806] : memref<3200x100xi32, #tpu.memory_space<hbm>> -> memref<4x100xi32, #tpu.memory_space<hbm>>
      tpu.wait_dma2 semaphore(%arg19 : memref<!tpu.dma_semaphore, #tpu.memory_space<semaphore_mem>>) src(%dma_wait3A_807 : memref<4x100xi32, #tpu.memory_space<hbm>>) dst(%dma_wait3A_805 : memref<4x100xi32, #tpu.memory_space<vmem>>)
      %dma_wait3A_808 = arith.constant 4 : i32
      %dma_wait3A_809 = arith.constant 0 : i32
      %dma_wait3A_810 = arith.constant 0 : i32
      %dma_wait3A_811 = tpu.memref_slice %arg10[%dma_wait3A_808, %dma_wait3A_809, %dma_wait3A_810] : memref<5x4x100xi32, #tpu.memory_space<vmem>> -> memref<1x4x100xi32, #tpu.memory_space<vmem>>
      %dma_wait3A_812 = tpu.memref_squeeze %dma_wait3A_811 : memref<1x4x100xi32, #tpu.memory_space<vmem>> -> memref<4x100xi32, #tpu.memory_space<vmem>>
      %dma_wait3A_813 = arith.constant 0 : i32
      %dma_wait3A_814 = tpu.memref_slice %arg3[%mul3A_247, %dma_wait3A_813] : memref<3200x100xi32, #tpu.memory_space<hbm>> -> memref<4x100xi32, #tpu.memory_space<hbm>>
      %dma_wait3A_815 = arith.constant 0 : i32
      %dma_wait3A_816 = arith.constant 0 : i32
      %dma_wait3A_817 = tpu.memref_slice %arg10[%dma_wait3A_808, %dma_wait3A_815, %dma_wait3A_816] : memref<5x4x100xi32, #tpu.memory_space<vmem>> -> memref<1x4x100xi32, #tpu.memory_space<vmem>>
      %dma_wait3A_818 = tpu.memref_squeeze %dma_wait3A_817 : memref<1x4x100xi32, #tpu.memory_space<vmem>> -> memref<4x100xi32, #tpu.memory_space<vmem>>
      %dma_wait3A_819 = arith.constant 0 : i32
      %dma_wait3A_820 = tpu.memref_slice %arg3[%mul3A_247, %dma_wait3A_819] : memref<3200x100xi32, #tpu.memory_space<hbm>> -> memref<4x100xi32, #tpu.memory_space<hbm>>
      tpu.wait_dma2 semaphore(%arg19 : memref<!tpu.dma_semaphore, #tpu.memory_space<semaphore_mem>>) src(%dma_wait3A_820 : memref<4x100xi32, #tpu.memory_space<hbm>>) dst(%dma_wait3A_818 : memref<4x100xi32, #tpu.memory_space<vmem>>)
      %dma_start3A_821 = arith.constant 4 : i32
      %dma_start3A_822 = arith.constant 0 : i32
      %dma_start3A_823 = arith.constant 4 : i32
      %dma_start3A_824 = arith.constant 0 : i32
      %dma_start3A_825 = arith.constant 0 : i32
      %dma_start3A_826 = tpu.memref_slice %arg12[%dma_start3A_823, %dma_start3A_824, %dma_start3A_825] : memref<5x400x16xf32, #tpu.memory_space<vmem>> -> memref<1x100x16xf32, #tpu.memory_space<vmem>>
      %dma_start3A_827 = tpu.memref_squeeze %dma_start3A_826 : memref<1x100x16xf32, #tpu.memory_space<vmem>> -> memref<100x16xf32, #tpu.memory_space<vmem>>
      %dma_start3A_828 = arith.constant 0 : i32
      %dma_start3A_829 = tpu.memref_slice %arg9[%dma_start3A_821, %dma_start3A_822, %dma_start3A_828] : memref<5x4x100xi32, #tpu.memory_space<vmem>> -> memref<1x1x100xi32, #tpu.memory_space<vmem>>
      %dma_start3A_830 = tpu.memref_squeeze %dma_start3A_829 : memref<1x1x100xi32, #tpu.memory_space<vmem>> -> memref<100xi32, #tpu.memory_space<vmem>>
      %dma_start3A_831 = arith.constant 0 : i32
      %dma_start3A_832 = arith.constant 0 : i32
      %dma_start3A_833 = tpu.memref_slice %arg5[%dma_start3A_831, %dma_start3A_832] : memref<10000x16xf32, #tpu.memory_space<hbm>> -> memref<10000x16xf32, #tpu.memory_space<hbm>>
      tpu.enqueue_indirect_dma source(%dma_start3A_833 : memref<10000x16xf32, #tpu.memory_space<hbm>>) target(%dma_start3A_827 : memref<100x16xf32, #tpu.memory_space<vmem>>) offsets(%dma_start3A_830 : memref<100xi32, #tpu.memory_space<vmem>>) semaphore(%arg18 : memref<!tpu.dma_semaphore, #tpu.memory_space<semaphore_mem>>)
      %dma_start3A_834 = arith.constant 4 : i32
      %dma_start3A_835 = arith.constant 0 : i32
      %dma_start3A_836 = arith.constant 4 : i32
      %dma_start3A_837 = arith.constant 0 : i32
      %dma_start3A_838 = arith.constant 0 : i32
      %dma_start3A_839 = tpu.memref_slice %arg13[%dma_start3A_836, %dma_start3A_837, %dma_start3A_838] : memref<5x400x16xf32, #tpu.memory_space<vmem>> -> memref<1x100x16xf32, #tpu.memory_space<vmem>>
      %dma_start3A_840 = tpu.memref_squeeze %dma_start3A_839 : memref<1x100x16xf32, #tpu.memory_space<vmem>> -> memref<100x16xf32, #tpu.memory_space<vmem>>
      %dma_start3A_841 = arith.constant 0 : i32
      %dma_start3A_842 = tpu.memref_slice %arg10[%dma_start3A_834, %dma_start3A_835, %dma_start3A_841] : memref<5x4x100xi32, #tpu.memory_space<vmem>> -> memref<1x1x100xi32, #tpu.memory_space<vmem>>
      %dma_start3A_843 = tpu.memref_squeeze %dma_start3A_842 : memref<1x1x100xi32, #tpu.memory_space<vmem>> -> memref<100xi32, #tpu.memory_space<vmem>>
      %dma_start3A_844 = arith.constant 0 : i32
      %dma_start3A_845 = arith.constant 0 : i32
      %dma_start3A_846 = tpu.memref_slice %arg6[%dma_start3A_844, %dma_start3A_845] : memref<10000x16xf32, #tpu.memory_space<hbm>> -> memref<10000x16xf32, #tpu.memory_space<hbm>>
      tpu.enqueue_indirect_dma source(%dma_start3A_846 : memref<10000x16xf32, #tpu.memory_space<hbm>>) target(%dma_start3A_840 : memref<100x16xf32, #tpu.memory_space<vmem>>) offsets(%dma_start3A_843 : memref<100xi32, #tpu.memory_space<vmem>>) semaphore(%arg18 : memref<!tpu.dma_semaphore, #tpu.memory_space<semaphore_mem>>)
      %dma_start3A_847 = arith.constant 4 : i32
      %dma_start3A_848 = arith.constant 1 : i32
      %dma_start3A_849 = arith.constant 4 : i32
      %dma_start3A_850 = arith.constant 100 : i32
      %dma_start3A_851 = arith.constant 0 : i32
      %dma_start3A_852 = tpu.memref_slice %arg12[%dma_start3A_849, %dma_start3A_850, %dma_start3A_851] : memref<5x400x16xf32, #tpu.memory_space<vmem>> -> memref<1x100x16xf32, #tpu.memory_space<vmem>>
      %dma_start3A_853 = tpu.memref_squeeze %dma_start3A_852 : memref<1x100x16xf32, #tpu.memory_space<vmem>> -> memref<100x16xf32, #tpu.memory_space<vmem>>
      %dma_start3A_854 = arith.constant 0 : i32
      %dma_start3A_855 = tpu.memref_slice %arg9[%dma_start3A_847, %dma_start3A_848, %dma_start3A_854] : memref<5x4x100xi32, #tpu.memory_space<vmem>> -> memref<1x1x100xi32, #tpu.memory_space<vmem>>
      %dma_start3A_856 = tpu.memref_squeeze %dma_start3A_855 : memref<1x1x100xi32, #tpu.memory_space<vmem>> -> memref<100xi32, #tpu.memory_space<vmem>>
      %dma_start3A_857 = arith.constant 0 : i32
      %dma_start3A_858 = arith.constant 0 : i32
      %dma_start3A_859 = tpu.memref_slice %arg5[%dma_start3A_857, %dma_start3A_858] : memref<10000x16xf32, #tpu.memory_space<hbm>> -> memref<10000x16xf32, #tpu.memory_space<hbm>>
      tpu.enqueue_indirect_dma source(%dma_start3A_859 : memref<10000x16xf32, #tpu.memory_space<hbm>>) target(%dma_start3A_853 : memref<100x16xf32, #tpu.memory_space<vmem>>) offsets(%dma_start3A_856 : memref<100xi32, #tpu.memory_space<vmem>>) semaphore(%arg18 : memref<!tpu.dma_semaphore, #tpu.memory_space<semaphore_mem>>)
      %dma_start3A_860 = arith.constant 4 : i32
      %dma_start3A_861 = arith.constant 1 : i32
      %dma_start3A_862 = arith.constant 4 : i32
      %dma_start3A_863 = arith.constant 100 : i32
      %dma_start3A_864 = arith.constant 0 : i32
      %dma_start3A_865 = tpu.memref_slice %arg13[%dma_start3A_862, %dma_start3A_863, %dma_start3A_864] : memref<5x400x16xf32, #tpu.memory_space<vmem>> -> memref<1x100x16xf32, #tpu.memory_space<vmem>>
      %dma_start3A_866 = tpu.memref_squeeze %dma_start3A_865 : memref<1x100x16xf32, #tpu.memory_space<vmem>> -> memref<100x16xf32, #tpu.memory_space<vmem>>
      %dma_start3A_867 = arith.constant 0 : i32
      %dma_start3A_868 = tpu.memref_slice %arg10[%dma_start3A_860, %dma_start3A_861, %dma_start3A_867] : memref<5x4x100xi32, #tpu.memory_space<vmem>> -> memref<1x1x100xi32, #tpu.memory_space<vmem>>
      %dma_start3A_869 = tpu.memref_squeeze %dma_start3A_868 : memref<1x1x100xi32, #tpu.memory_space<vmem>> -> memref<100xi32, #tpu.memory_space<vmem>>
      %dma_start3A_870 = arith.constant 0 : i32
      %dma_start3A_871 = arith.constant 0 : i32
      %dma_start3A_872 = tpu.memref_slice %arg6[%dma_start3A_870, %dma_start3A_871] : memref<10000x16xf32, #tpu.memory_space<hbm>> -> memref<10000x16xf32, #tpu.memory_space<hbm>>
      tpu.enqueue_indirect_dma source(%dma_start3A_872 : memref<10000x16xf32, #tpu.memory_space<hbm>>) target(%dma_start3A_866 : memref<100x16xf32, #tpu.memory_space<vmem>>) offsets(%dma_start3A_869 : memref<100xi32, #tpu.memory_space<vmem>>) semaphore(%arg18 : memref<!tpu.dma_semaphore, #tpu.memory_space<semaphore_mem>>)
      %dma_start3A_873 = arith.constant 4 : i32
      %dma_start3A_874 = arith.constant 2 : i32
      %dma_start3A_875 = arith.constant 4 : i32
      %dma_start3A_876 = arith.constant 200 : i32
      %dma_start3A_877 = arith.constant 0 : i32
      %dma_start3A_878 = tpu.memref_slice %arg12[%dma_start3A_875, %dma_start3A_876, %dma_start3A_877] : memref<5x400x16xf32, #tpu.memory_space<vmem>> -> memref<1x100x16xf32, #tpu.memory_space<vmem>>
      %dma_start3A_879 = tpu.memref_squeeze %dma_start3A_878 : memref<1x100x16xf32, #tpu.memory_space<vmem>> -> memref<100x16xf32, #tpu.memory_space<vmem>>
      %dma_start3A_880 = arith.constant 0 : i32
      %dma_start3A_881 = tpu.memref_slice %arg9[%dma_start3A_873, %dma_start3A_874, %dma_start3A_880] : memref<5x4x100xi32, #tpu.memory_space<vmem>> -> memref<1x1x100xi32, #tpu.memory_space<vmem>>
      %dma_start3A_882 = tpu.memref_squeeze %dma_start3A_881 : memref<1x1x100xi32, #tpu.memory_space<vmem>> -> memref<100xi32, #tpu.memory_space<vmem>>
      %dma_start3A_883 = arith.constant 0 : i32
      %dma_start3A_884 = arith.constant 0 : i32
      %dma_start3A_885 = tpu.memref_slice %arg5[%dma_start3A_883, %dma_start3A_884] : memref<10000x16xf32, #tpu.memory_space<hbm>> -> memref<10000x16xf32, #tpu.memory_space<hbm>>
      tpu.enqueue_indirect_dma source(%dma_start3A_885 : memref<10000x16xf32, #tpu.memory_space<hbm>>) target(%dma_start3A_879 : memref<100x16xf32, #tpu.memory_space<vmem>>) offsets(%dma_start3A_882 : memref<100xi32, #tpu.memory_space<vmem>>) semaphore(%arg18 : memref<!tpu.dma_semaphore, #tpu.memory_space<semaphore_mem>>)
      %dma_start3A_886 = arith.constant 4 : i32
      %dma_start3A_887 = arith.constant 2 : i32
      %dma_start3A_888 = arith.constant 4 : i32
      %dma_start3A_889 = arith.constant 200 : i32
      %dma_start3A_890 = arith.constant 0 : i32
      %dma_start3A_891 = tpu.memref_slice %arg13[%dma_start3A_888, %dma_start3A_889, %dma_start3A_890] : memref<5x400x16xf32, #tpu.memory_space<vmem>> -> memref<1x100x16xf32, #tpu.memory_space<vmem>>
      %dma_start3A_892 = tpu.memref_squeeze %dma_start3A_891 : memref<1x100x16xf32, #tpu.memory_space<vmem>> -> memref<100x16xf32, #tpu.memory_space<vmem>>
      %dma_start3A_893 = arith.constant 0 : i32
      %dma_start3A_894 = tpu.memref_slice %arg10[%dma_start3A_886, %dma_start3A_887, %dma_start3A_893] : memref<5x4x100xi32, #tpu.memory_space<vmem>> -> memref<1x1x100xi32, #tpu.memory_space<vmem>>
      %dma_start3A_895 = tpu.memref_squeeze %dma_start3A_894 : memref<1x1x100xi32, #tpu.memory_space<vmem>> -> memref<100xi32, #tpu.memory_space<vmem>>
      %dma_start3A_896 = arith.constant 0 : i32
      %dma_start3A_897 = arith.constant 0 : i32
      %dma_start3A_898 = tpu.memref_slice %arg6[%dma_start3A_896, %dma_start3A_897] : memref<10000x16xf32, #tpu.memory_space<hbm>> -> memref<10000x16xf32, #tpu.memory_space<hbm>>
      tpu.enqueue_indirect_dma source(%dma_start3A_898 : memref<10000x16xf32, #tpu.memory_space<hbm>>) target(%dma_start3A_892 : memref<100x16xf32, #tpu.memory_space<vmem>>) offsets(%dma_start3A_895 : memref<100xi32, #tpu.memory_space<vmem>>) semaphore(%arg18 : memref<!tpu.dma_semaphore, #tpu.memory_space<semaphore_mem>>)
      %dma_start3A_899 = arith.constant 4 : i32
      %dma_start3A_900 = arith.constant 3 : i32
      %dma_start3A_901 = arith.constant 4 : i32
      %dma_start3A_902 = arith.constant 300 : i32
      %dma_start3A_903 = arith.constant 0 : i32
      %dma_start3A_904 = tpu.memref_slice %arg12[%dma_start3A_901, %dma_start3A_902, %dma_start3A_903] : memref<5x400x16xf32, #tpu.memory_space<vmem>> -> memref<1x100x16xf32, #tpu.memory_space<vmem>>
      %dma_start3A_905 = tpu.memref_squeeze %dma_start3A_904 : memref<1x100x16xf32, #tpu.memory_space<vmem>> -> memref<100x16xf32, #tpu.memory_space<vmem>>
      %dma_start3A_906 = arith.constant 0 : i32
      %dma_start3A_907 = tpu.memref_slice %arg9[%dma_start3A_899, %dma_start3A_900, %dma_start3A_906] : memref<5x4x100xi32, #tpu.memory_space<vmem>> -> memref<1x1x100xi32, #tpu.memory_space<vmem>>
      %dma_start3A_908 = tpu.memref_squeeze %dma_start3A_907 : memref<1x1x100xi32, #tpu.memory_space<vmem>> -> memref<100xi32, #tpu.memory_space<vmem>>
      %dma_start3A_909 = arith.constant 0 : i32
      %dma_start3A_910 = arith.constant 0 : i32
      %dma_start3A_911 = tpu.memref_slice %arg5[%dma_start3A_909, %dma_start3A_910] : memref<10000x16xf32, #tpu.memory_space<hbm>> -> memref<10000x16xf32, #tpu.memory_space<hbm>>
      tpu.enqueue_indirect_dma source(%dma_start3A_911 : memref<10000x16xf32, #tpu.memory_space<hbm>>) target(%dma_start3A_905 : memref<100x16xf32, #tpu.memory_space<vmem>>) offsets(%dma_start3A_908 : memref<100xi32, #tpu.memory_space<vmem>>) semaphore(%arg18 : memref<!tpu.dma_semaphore, #tpu.memory_space<semaphore_mem>>)
      %dma_start3A_912 = arith.constant 4 : i32
      %dma_start3A_913 = arith.constant 3 : i32
      %dma_start3A_914 = arith.constant 4 : i32
      %dma_start3A_915 = arith.constant 300 : i32
      %dma_start3A_916 = arith.constant 0 : i32
      %dma_start3A_917 = tpu.memref_slice %arg13[%dma_start3A_914, %dma_start3A_915, %dma_start3A_916] : memref<5x400x16xf32, #tpu.memory_space<vmem>> -> memref<1x100x16xf32, #tpu.memory_space<vmem>>
      %dma_start3A_918 = tpu.memref_squeeze %dma_start3A_917 : memref<1x100x16xf32, #tpu.memory_space<vmem>> -> memref<100x16xf32, #tpu.memory_space<vmem>>
      %dma_start3A_919 = arith.constant 0 : i32
      %dma_start3A_920 = tpu.memref_slice %arg10[%dma_start3A_912, %dma_start3A_913, %dma_start3A_919] : memref<5x4x100xi32, #tpu.memory_space<vmem>> -> memref<1x1x100xi32, #tpu.memory_space<vmem>>
      %dma_start3A_921 = tpu.memref_squeeze %dma_start3A_920 : memref<1x1x100xi32, #tpu.memory_space<vmem>> -> memref<100xi32, #tpu.memory_space<vmem>>
      %dma_start3A_922 = arith.constant 0 : i32
      %dma_start3A_923 = arith.constant 0 : i32
      %dma_start3A_924 = tpu.memref_slice %arg6[%dma_start3A_922, %dma_start3A_923] : memref<10000x16xf32, #tpu.memory_space<hbm>> -> memref<10000x16xf32, #tpu.memory_space<hbm>>
      tpu.enqueue_indirect_dma source(%dma_start3A_924 : memref<10000x16xf32, #tpu.memory_space<hbm>>) target(%dma_start3A_918 : memref<100x16xf32, #tpu.memory_space<vmem>>) offsets(%dma_start3A_921 : memref<100xi32, #tpu.memory_space<vmem>>) semaphore(%arg18 : memref<!tpu.dma_semaphore, #tpu.memory_space<semaphore_mem>>)
      %add3A_925 = arith.constant 0 : i32
      %add3A_926 = arith.addi %add3A_41, %add3A_925 : i32
      %dma_wait3A_927 = arith.constant 0 : i32
      %dma_wait3A_928 = arith.constant 0 : i32
      %dma_wait3A_929 = arith.constant 0 : i32
      %dma_wait3A_930 = arith.constant 0 : i32
      %dma_wait3A_931 = arith.constant 0 : i32
      %dma_wait3A_932 = tpu.memref_slice %arg12[%dma_wait3A_929, %dma_wait3A_930, %dma_wait3A_931] : memref<5x400x16xf32, #tpu.memory_space<vmem>> -> memref<1x100x16xf32, #tpu.memory_space<vmem>>
      %dma_wait3A_933 = tpu.memref_squeeze %dma_wait3A_932 : memref<1x100x16xf32, #tpu.memory_space<vmem>> -> memref<100x16xf32, #tpu.memory_space<vmem>>
      %dma_wait3A_934 = arith.constant 0 : i32
      %dma_wait3A_935 = tpu.memref_slice %arg9[%dma_wait3A_927, %dma_wait3A_928, %dma_wait3A_934] : memref<5x4x100xi32, #tpu.memory_space<vmem>> -> memref<1x1x100xi32, #tpu.memory_space<vmem>>
      %dma_wait3A_936 = tpu.memref_squeeze %dma_wait3A_935 : memref<1x1x100xi32, #tpu.memory_space<vmem>> -> memref<100xi32, #tpu.memory_space<vmem>>
      %dma_wait3A_937 = arith.constant 0 : i32
      %dma_wait3A_938 = arith.constant 0 : i32
      %dma_wait3A_939 = tpu.memref_slice %arg5[%dma_wait3A_937, %dma_wait3A_938] : memref<10000x16xf32, #tpu.memory_space<hbm>> -> memref<10000x16xf32, #tpu.memory_space<hbm>>
      tpu.wait_indirect_dma semaphore(%arg18 : memref<!tpu.dma_semaphore, #tpu.memory_space<semaphore_mem>>) src(%dma_wait3A_939 : memref<10000x16xf32, #tpu.memory_space<hbm>>) dst(%dma_wait3A_933 : memref<100x16xf32, #tpu.memory_space<vmem>>)
      %dma_wait3A_940 = arith.constant 0 : i32
      %dma_wait3A_941 = arith.constant 0 : i32
      %dma_wait3A_942 = arith.constant 0 : i32
      %dma_wait3A_943 = arith.constant 0 : i32
      %dma_wait3A_944 = arith.constant 0 : i32
      %dma_wait3A_945 = tpu.memref_slice %arg13[%dma_wait3A_942, %dma_wait3A_943, %dma_wait3A_944] : memref<5x400x16xf32, #tpu.memory_space<vmem>> -> memref<1x100x16xf32, #tpu.memory_space<vmem>>
      %dma_wait3A_946 = tpu.memref_squeeze %dma_wait3A_945 : memref<1x100x16xf32, #tpu.memory_space<vmem>> -> memref<100x16xf32, #tpu.memory_space<vmem>>
      %dma_wait3A_947 = arith.constant 0 : i32
      %dma_wait3A_948 = tpu.memref_slice %arg10[%dma_wait3A_940, %dma_wait3A_941, %dma_wait3A_947] : memref<5x4x100xi32, #tpu.memory_space<vmem>> -> memref<1x1x100xi32, #tpu.memory_space<vmem>>
      %dma_wait3A_949 = tpu.memref_squeeze %dma_wait3A_948 : memref<1x1x100xi32, #tpu.memory_space<vmem>> -> memref<100xi32, #tpu.memory_space<vmem>>
      %dma_wait3A_950 = arith.constant 0 : i32
      %dma_wait3A_951 = arith.constant 0 : i32
      %dma_wait3A_952 = tpu.memref_slice %arg6[%dma_wait3A_950, %dma_wait3A_951] : memref<10000x16xf32, #tpu.memory_space<hbm>> -> memref<10000x16xf32, #tpu.memory_space<hbm>>
      tpu.wait_indirect_dma semaphore(%arg18 : memref<!tpu.dma_semaphore, #tpu.memory_space<semaphore_mem>>) src(%dma_wait3A_952 : memref<10000x16xf32, #tpu.memory_space<hbm>>) dst(%dma_wait3A_946 : memref<100x16xf32, #tpu.memory_space<vmem>>)
      %dma_wait3A_953 = arith.constant 0 : i32
      %dma_wait3A_954 = arith.constant 1 : i32
      %dma_wait3A_955 = arith.constant 0 : i32
      %dma_wait3A_956 = arith.constant 100 : i32
      %dma_wait3A_957 = arith.constant 0 : i32
      %dma_wait3A_958 = tpu.memref_slice %arg12[%dma_wait3A_955, %dma_wait3A_956, %dma_wait3A_957] : memref<5x400x16xf32, #tpu.memory_space<vmem>> -> memref<1x100x16xf32, #tpu.memory_space<vmem>>
      %dma_wait3A_959 = tpu.memref_squeeze %dma_wait3A_958 : memref<1x100x16xf32, #tpu.memory_space<vmem>> -> memref<100x16xf32, #tpu.memory_space<vmem>>
      %dma_wait3A_960 = arith.constant 0 : i32
      %dma_wait3A_961 = tpu.memref_slice %arg9[%dma_wait3A_953, %dma_wait3A_954, %dma_wait3A_960] : memref<5x4x100xi32, #tpu.memory_space<vmem>> -> memref<1x1x100xi32, #tpu.memory_space<vmem>>
      %dma_wait3A_962 = tpu.memref_squeeze %dma_wait3A_961 : memref<1x1x100xi32, #tpu.memory_space<vmem>> -> memref<100xi32, #tpu.memory_space<vmem>>
      %dma_wait3A_963 = arith.constant 0 : i32
      %dma_wait3A_964 = arith.constant 0 : i32
      %dma_wait3A_965 = tpu.memref_slice %arg5[%dma_wait3A_963, %dma_wait3A_964] : memref<10000x16xf32, #tpu.memory_space<hbm>> -> memref<10000x16xf32, #tpu.memory_space<hbm>>
      tpu.wait_indirect_dma semaphore(%arg18 : memref<!tpu.dma_semaphore, #tpu.memory_space<semaphore_mem>>) src(%dma_wait3A_965 : memref<10000x16xf32, #tpu.memory_space<hbm>>) dst(%dma_wait3A_959 : memref<100x16xf32, #tpu.memory_space<vmem>>)
      %dma_wait3A_966 = arith.constant 0 : i32
      %dma_wait3A_967 = arith.constant 1 : i32
      %dma_wait3A_968 = arith.constant 0 : i32
      %dma_wait3A_969 = arith.constant 100 : i32
      %dma_wait3A_970 = arith.constant 0 : i32
      %dma_wait3A_971 = tpu.memref_slice %arg13[%dma_wait3A_968, %dma_wait3A_969, %dma_wait3A_970] : memref<5x400x16xf32, #tpu.memory_space<vmem>> -> memref<1x100x16xf32, #tpu.memory_space<vmem>>
      %dma_wait3A_972 = tpu.memref_squeeze %dma_wait3A_971 : memref<1x100x16xf32, #tpu.memory_space<vmem>> -> memref<100x16xf32, #tpu.memory_space<vmem>>
      %dma_wait3A_973 = arith.constant 0 : i32
      %dma_wait3A_974 = tpu.memref_slice %arg10[%dma_wait3A_966, %dma_wait3A_967, %dma_wait3A_973] : memref<5x4x100xi32, #tpu.memory_space<vmem>> -> memref<1x1x100xi32, #tpu.memory_space<vmem>>
      %dma_wait3A_975 = tpu.memref_squeeze %dma_wait3A_974 : memref<1x1x100xi32, #tpu.memory_space<vmem>> -> memref<100xi32, #tpu.memory_space<vmem>>
      %dma_wait3A_976 = arith.constant 0 : i32
      %dma_wait3A_977 = arith.constant 0 : i32
      %dma_wait3A_978 = tpu.memref_slice %arg6[%dma_wait3A_976, %dma_wait3A_977] : memref<10000x16xf32, #tpu.memory_space<hbm>> -> memref<10000x16xf32, #tpu.memory_space<hbm>>
      tpu.wait_indirect_dma semaphore(%arg18 : memref<!tpu.dma_semaphore, #tpu.memory_space<semaphore_mem>>) src(%dma_wait3A_978 : memref<10000x16xf32, #tpu.memory_space<hbm>>) dst(%dma_wait3A_972 : memref<100x16xf32, #tpu.memory_space<vmem>>)
      %dma_wait3A_979 = arith.constant 0 : i32
      %dma_wait3A_980 = arith.constant 2 : i32
      %dma_wait3A_981 = arith.constant 0 : i32
      %dma_wait3A_982 = arith.constant 200 : i32
      %dma_wait3A_983 = arith.constant 0 : i32
      %dma_wait3A_984 = tpu.memref_slice %arg12[%dma_wait3A_981, %dma_wait3A_982, %dma_wait3A_983] : memref<5x400x16xf32, #tpu.memory_space<vmem>> -> memref<1x100x16xf32, #tpu.memory_space<vmem>>
      %dma_wait3A_985 = tpu.memref_squeeze %dma_wait3A_984 : memref<1x100x16xf32, #tpu.memory_space<vmem>> -> memref<100x16xf32, #tpu.memory_space<vmem>>
      %dma_wait3A_986 = arith.constant 0 : i32
      %dma_wait3A_987 = tpu.memref_slice %arg9[%dma_wait3A_979, %dma_wait3A_980, %dma_wait3A_986] : memref<5x4x100xi32, #tpu.memory_space<vmem>> -> memref<1x1x100xi32, #tpu.memory_space<vmem>>
      %dma_wait3A_988 = tpu.memref_squeeze %dma_wait3A_987 : memref<1x1x100xi32, #tpu.memory_space<vmem>> -> memref<100xi32, #tpu.memory_space<vmem>>
      %dma_wait3A_989 = arith.constant 0 : i32
      %dma_wait3A_990 = arith.constant 0 : i32
      %dma_wait3A_991 = tpu.memref_slice %arg5[%dma_wait3A_989, %dma_wait3A_990] : memref<10000x16xf32, #tpu.memory_space<hbm>> -> memref<10000x16xf32, #tpu.memory_space<hbm>>
      tpu.wait_indirect_dma semaphore(%arg18 : memref<!tpu.dma_semaphore, #tpu.memory_space<semaphore_mem>>) src(%dma_wait3A_991 : memref<10000x16xf32, #tpu.memory_space<hbm>>) dst(%dma_wait3A_985 : memref<100x16xf32, #tpu.memory_space<vmem>>)
      %dma_wait3A_992 = arith.constant 0 : i32
      %dma_wait3A_993 = arith.constant 2 : i32
      %dma_wait3A_994 = arith.constant 0 : i32
      %dma_wait3A_995 = arith.constant 200 : i32
      %dma_wait3A_996 = arith.constant 0 : i32
      %dma_wait3A_997 = tpu.memref_slice %arg13[%dma_wait3A_994, %dma_wait3A_995, %dma_wait3A_996] : memref<5x400x16xf32, #tpu.memory_space<vmem>> -> memref<1x100x16xf32, #tpu.memory_space<vmem>>
      %dma_wait3A_998 = tpu.memref_squeeze %dma_wait3A_997 : memref<1x100x16xf32, #tpu.memory_space<vmem>> -> memref<100x16xf32, #tpu.memory_space<vmem>>
      %dma_wait3A_999 = arith.constant 0 : i32
      %dma_wait3A_1000 = tpu.memref_slice %arg10[%dma_wait3A_992, %dma_wait3A_993, %dma_wait3A_999] : memref<5x4x100xi32, #tpu.memory_space<vmem>> -> memref<1x1x100xi32, #tpu.memory_space<vmem>>
      %dma_wait3A_1001 = tpu.memref_squeeze %dma_wait3A_1000 : memref<1x1x100xi32, #tpu.memory_space<vmem>> -> memref<100xi32, #tpu.memory_space<vmem>>
      %dma_wait3A_1002 = arith.constant 0 : i32
      %dma_wait3A_1003 = arith.constant 0 : i32
      %dma_wait3A_1004 = tpu.memref_slice %arg6[%dma_wait3A_1002, %dma_wait3A_1003] : memref<10000x16xf32, #tpu.memory_space<hbm>> -> memref<10000x16xf32, #tpu.memory_space<hbm>>
      tpu.wait_indirect_dma semaphore(%arg18 : memref<!tpu.dma_semaphore, #tpu.memory_space<semaphore_mem>>) src(%dma_wait3A_1004 : memref<10000x16xf32, #tpu.memory_space<hbm>>) dst(%dma_wait3A_998 : memref<100x16xf32, #tpu.memory_space<vmem>>)
      %dma_wait3A_1005 = arith.constant 0 : i32
      %dma_wait3A_1006 = arith.constant 3 : i32
      %dma_wait3A_1007 = arith.constant 0 : i32
      %dma_wait3A_1008 = arith.constant 300 : i32
      %dma_wait3A_1009 = arith.constant 0 : i32
      %dma_wait3A_1010 = tpu.memref_slice %arg12[%dma_wait3A_1007, %dma_wait3A_1008, %dma_wait3A_1009] : memref<5x400x16xf32, #tpu.memory_space<vmem>> -> memref<1x100x16xf32, #tpu.memory_space<vmem>>
      %dma_wait3A_1011 = tpu.memref_squeeze %dma_wait3A_1010 : memref<1x100x16xf32, #tpu.memory_space<vmem>> -> memref<100x16xf32, #tpu.memory_space<vmem>>
      %dma_wait3A_1012 = arith.constant 0 : i32
      %dma_wait3A_1013 = tpu.memref_slice %arg9[%dma_wait3A_1005, %dma_wait3A_1006, %dma_wait3A_1012] : memref<5x4x100xi32, #tpu.memory_space<vmem>> -> memref<1x1x100xi32, #tpu.memory_space<vmem>>
      %dma_wait3A_1014 = tpu.memref_squeeze %dma_wait3A_1013 : memref<1x1x100xi32, #tpu.memory_space<vmem>> -> memref<100xi32, #tpu.memory_space<vmem>>
      %dma_wait3A_1015 = arith.constant 0 : i32
      %dma_wait3A_1016 = arith.constant 0 : i32
      %dma_wait3A_1017 = tpu.memref_slice %arg5[%dma_wait3A_1015, %dma_wait3A_1016] : memref<10000x16xf32, #tpu.memory_space<hbm>> -> memref<10000x16xf32, #tpu.memory_space<hbm>>
      tpu.wait_indirect_dma semaphore(%arg18 : memref<!tpu.dma_semaphore, #tpu.memory_space<semaphore_mem>>) src(%dma_wait3A_1017 : memref<10000x16xf32, #tpu.memory_space<hbm>>) dst(%dma_wait3A_1011 : memref<100x16xf32, #tpu.memory_space<vmem>>)
      %dma_wait3A_1018 = arith.constant 0 : i32
      %dma_wait3A_1019 = arith.constant 3 : i32
      %dma_wait3A_1020 = arith.constant 0 : i32
      %dma_wait3A_1021 = arith.constant 300 : i32
      %dma_wait3A_1022 = arith.constant 0 : i32
      %dma_wait3A_1023 = tpu.memref_slice %arg13[%dma_wait3A_1020, %dma_wait3A_1021, %dma_wait3A_1022] : memref<5x400x16xf32, #tpu.memory_space<vmem>> -> memref<1x100x16xf32, #tpu.memory_space<vmem>>
      %dma_wait3A_1024 = tpu.memref_squeeze %dma_wait3A_1023 : memref<1x100x16xf32, #tpu.memory_space<vmem>> -> memref<100x16xf32, #tpu.memory_space<vmem>>
      %dma_wait3A_1025 = arith.constant 0 : i32
      %dma_wait3A_1026 = tpu.memref_slice %arg10[%dma_wait3A_1018, %dma_wait3A_1019, %dma_wait3A_1025] : memref<5x4x100xi32, #tpu.memory_space<vmem>> -> memref<1x1x100xi32, #tpu.memory_space<vmem>>
      %dma_wait3A_1027 = tpu.memref_squeeze %dma_wait3A_1026 : memref<1x1x100xi32, #tpu.memory_space<vmem>> -> memref<100xi32, #tpu.memory_space<vmem>>
      %dma_wait3A_1028 = arith.constant 0 : i32
      %dma_wait3A_1029 = arith.constant 0 : i32
      %dma_wait3A_1030 = tpu.memref_slice %arg6[%dma_wait3A_1028, %dma_wait3A_1029] : memref<10000x16xf32, #tpu.memory_space<hbm>> -> memref<10000x16xf32, #tpu.memory_space<hbm>>
      tpu.wait_indirect_dma semaphore(%arg18 : memref<!tpu.dma_semaphore, #tpu.memory_space<semaphore_mem>>) src(%dma_wait3A_1030 : memref<10000x16xf32, #tpu.memory_space<hbm>>) dst(%dma_wait3A_1024 : memref<100x16xf32, #tpu.memory_space<vmem>>)
      %dma_wait3A_1031 = arith.constant 0 : i32
      %dma_wait3A_1032 = arith.constant 0 : i32
      %dma_wait3A_1033 = arith.constant 0 : i32
      %dma_wait3A_1034 = tpu.memref_slice %arg11[%dma_wait3A_1031, %dma_wait3A_1032, %dma_wait3A_1033] : memref<5x16x401xf32, #tpu.memory_space<vmem>> -> memref<1x16x400xf32, #tpu.memory_space<vmem>>
      %dma_wait3A_1035 = tpu.memref_squeeze %dma_wait3A_1034 : memref<1x16x400xf32, #tpu.memory_space<vmem>> -> memref<16x400xf32, #tpu.memory_space<vmem>>
      %dma_wait3A_1036 = arith.constant 0 : i32
      %dma_wait3A_1037 = tpu.memref_slice %arg4[%dma_wait3A_1036, %mul3A_74] : memref<16x320000xf32, #tpu.memory_space<hbm>> -> memref<16x400xf32, #tpu.memory_space<hbm>>
      %dma_wait3A_1038 = arith.constant 0 : i32
      %dma_wait3A_1039 = arith.constant 0 : i32
      %dma_wait3A_1040 = tpu.memref_slice %arg11[%dma_wait3A_1031, %dma_wait3A_1038, %dma_wait3A_1039] : memref<5x16x401xf32, #tpu.memory_space<vmem>> -> memref<1x16x400xf32, #tpu.memory_space<vmem>>
      %dma_wait3A_1041 = tpu.memref_squeeze %dma_wait3A_1040 : memref<1x16x400xf32, #tpu.memory_space<vmem>> -> memref<16x400xf32, #tpu.memory_space<vmem>>
      %dma_wait3A_1042 = arith.constant 0 : i32
      %dma_wait3A_1043 = tpu.memref_slice %arg4[%dma_wait3A_1042, %mul3A_74] : memref<16x320000xf32, #tpu.memory_space<hbm>> -> memref<16x400xf32, #tpu.memory_space<hbm>>
      tpu.wait_dma2 semaphore(%arg19 : memref<!tpu.dma_semaphore, #tpu.memory_space<semaphore_mem>>) src(%dma_wait3A_1043 : memref<16x400xf32, #tpu.memory_space<hbm>>) dst(%dma_wait3A_1041 : memref<16x400xf32, #tpu.memory_space<vmem>>)
      %parallel_loop3A = arith.constant 0 : i32
      %parallel_loop3A_1044 = arith.constant 400 : i32
      %parallel_loop3A_1045 = arith.constant 1 : i32
      scf.for %parallel_loop3A_1584 = %parallel_loop3A to %parallel_loop3A_1044 step %parallel_loop3A_1045  : i32 {
        %parallel_loop3A_1585 = vector.broadcast %parallel_loop3A_1584 : i32 to vector<16xi32>
        %parallel_loop3A_1586 = arith.constant 0 : i32
        %parallel_loop3A_1587 = arith.constant 0 : i32
        %parallel_loop3A_1588 = arith.constant 0 : i32
        %parallel_loop3A_1589 = tpu.memref_slice %arg11[%parallel_loop3A_1586, %parallel_loop3A_1587, %parallel_loop3A_1588] : memref<5x16x401xf32, #tpu.memory_space<vmem>> -> memref<1x16x401xf32, #tpu.memory_space<vmem>>
        %parallel_loop3A_1590 = tpu.memref_squeeze %parallel_loop3A_1589 : memref<1x16x401xf32, #tpu.memory_space<vmem>> -> memref<16x401xf32, #tpu.memory_space<vmem>>
        %parallel_loop3A_1591 = tpu.vector_load_idx %parallel_loop3A_1590[%iota3A, %parallel_loop3A_1585] : memref<16x401xf32, #tpu.memory_space<vmem>>[vector<16xi32>, vector<16xi32>], vector<16xf32>,
        %parallel_loop3A_1592 = arith.constant 0 : i32
        %parallel_loop3A_1593 = arith.index_cast %parallel_loop3A_1592 : i32 to index
        %parallel_loop3A_1594 = arith.index_cast %parallel_loop3A_1584 : i32 to index
        %parallel_loop3A_1595 = arith.constant 0 : index
        %parallel_loop3A_1596 = tpu.vector_load %arg12[%parallel_loop3A_1593, %parallel_loop3A_1594, %parallel_loop3A_1595] {strides = array<i32>} : memref<5x400x16xf32, #tpu.memory_space<vmem>>, vector<16xf32>,
        %parallel_loop3A_1597 = arith.constant 0 : i32
        %parallel_loop3A_1598 = arith.index_cast %parallel_loop3A_1597 : i32 to index
        %parallel_loop3A_1599 = arith.index_cast %parallel_loop3A_1584 : i32 to index
        %parallel_loop3A_1600 = arith.constant 0 : index
        %parallel_loop3A_1601 = tpu.vector_load %arg13[%parallel_loop3A_1598, %parallel_loop3A_1599, %parallel_loop3A_1600] {strides = array<i32>} : memref<5x400x16xf32, #tpu.memory_space<vmem>>, vector<16xf32>,
        %parallel_loop3A_1602 = arith.addf %parallel_loop3A_1596, %parallel_loop3A_1601 : vector<16xf32>
        %parallel_loop3A_1603 = arith.addf %parallel_loop3A_1602, %parallel_loop3A_1591 : vector<16xf32>
        %parallel_loop3A_1604 = arith.constant 0.000000e+00 : f32
        %parallel_loop3A_1605 = vector.broadcast %parallel_loop3A_1604 : f32 to vector<16xf32>
        %parallel_loop3A_1606 = arith.maximumf %parallel_loop3A_1603, %parallel_loop3A_1605 : vector<16xf32>
        %parallel_loop3A_1607 = arith.index_cast %parallel_loop3A_1584 : i32 to index
        %parallel_loop3A_1608 = arith.constant 0 : index
        %parallel_loop3A_1609 = tpu.vector_load %arg14[%parallel_loop3A_1607, %parallel_loop3A_1608] {strides = array<i32>} : memref<400x16xf32, #tpu.memory_space<vmem>>, vector<16xf32>,
        tpu.vector_store %arg14[%parallel_loop3A_1607, %parallel_loop3A_1608], %parallel_loop3A_1606 {strides = array<i32>} : memref<400x16xf32, #tpu.memory_space<vmem>>, vector<16xf32>,
        tpu.vector_store_idx %arg15[%iota3A, %parallel_loop3A_1585], %parallel_loop3A_1606 : memref<16x401xf32, #tpu.memory_space<vmem>>[vector<16xi32>, vector<16xi32>], vector<16xf32>,
      } {sc.loop_unroll_factor = 16 : i64, sc.parallel_access}
      %mul3A_1046 = arith.constant 400 : i32
      %mul3A_1047 = arith.muli %add3A_926, %mul3A_1046 : i32
      "tpu.region"() ({
        %run_scoped3A_1584 = tpu.sem_alloc : memref<!tpu.dma_semaphore, #tpu.memory_space<semaphore_mem>>
        %dma_start3A_1585 = arith.constant 0 : i32
        %dma_start3A_1586 = arith.constant 0 : i32
        %dma_start3A_1587 = tpu.memref_slice %arg15[%dma_start3A_1585, %dma_start3A_1586] : memref<16x401xf32, #tpu.memory_space<vmem>> -> memref<16x400xf32, #tpu.memory_space<vmem>>
        %dma_start3A_1588 = arith.constant 0 : i32
        %dma_start3A_1589 = tpu.memref_slice %arg7[%dma_start3A_1588, %mul3A_1047] : memref<16x320000xf32, #tpu.memory_space<hbm>> -> memref<16x400xf32, #tpu.memory_space<hbm>>
        %dma_start3A_1590 = arith.constant 0 : i32
        %dma_start3A_1591 = tpu.memref_slice %arg7[%dma_start3A_1590, %mul3A_1047] : memref<16x320000xf32, #tpu.memory_space<hbm>> -> memref<16x400xf32, #tpu.memory_space<hbm>>
        %dma_start3A_1592 = arith.constant 0 : i32
        %dma_start3A_1593 = arith.constant 0 : i32
        %dma_start3A_1594 = tpu.memref_slice %arg15[%dma_start3A_1592, %dma_start3A_1593] : memref<16x401xf32, #tpu.memory_space<vmem>> -> memref<16x400xf32, #tpu.memory_space<vmem>>
        tpu.enqueue_dma source(%dma_start3A_1594 : memref<16x400xf32, #tpu.memory_space<vmem>>) target(%dma_start3A_1591 : memref<16x400xf32, #tpu.memory_space<hbm>>) target_semaphore(%run_scoped3A_1584 : memref<!tpu.dma_semaphore, #tpu.memory_space<semaphore_mem>>)
        %dma_wait3A_1595 = arith.constant 0 : i32
        %dma_wait3A_1596 = arith.constant 0 : i32
        %dma_wait3A_1597 = tpu.memref_slice %arg15[%dma_wait3A_1595, %dma_wait3A_1596] : memref<16x401xf32, #tpu.memory_space<vmem>> -> memref<16x400xf32, #tpu.memory_space<vmem>>
        %dma_wait3A_1598 = arith.constant 0 : i32
        %dma_wait3A_1599 = tpu.memref_slice %arg7[%dma_wait3A_1598, %mul3A_1047] : memref<16x320000xf32, #tpu.memory_space<hbm>> -> memref<16x400xf32, #tpu.memory_space<hbm>>
        %dma_wait3A_1600 = arith.constant 0 : i32
        %dma_wait3A_1601 = tpu.memref_slice %arg7[%dma_wait3A_1600, %mul3A_1047] : memref<16x320000xf32, #tpu.memory_space<hbm>> -> memref<16x400xf32, #tpu.memory_space<hbm>>
        %dma_wait3A_1602 = arith.constant 0 : i32
        %dma_wait3A_1603 = arith.constant 0 : i32
        %dma_wait3A_1604 = tpu.memref_slice %arg15[%dma_wait3A_1602, %dma_wait3A_1603] : memref<16x401xf32, #tpu.memory_space<vmem>> -> memref<16x400xf32, #tpu.memory_space<vmem>>
        tpu.wait_dma2 semaphore(%run_scoped3A_1584 : memref<!tpu.dma_semaphore, #tpu.memory_space<semaphore_mem>>) src(%dma_wait3A_1604 : memref<16x400xf32, #tpu.memory_space<vmem>>) dst(%dma_wait3A_1601 : memref<16x400xf32, #tpu.memory_space<hbm>>)
        tpu.yield
      }) : () -> ()
      %run_scoped3A = arith.constant 0 : i32
      %run_scoped3A_1048 = arith.constant 0 : i32
      "tpu.region"() ({
        %run_scoped3A_1584 = tpu.sem_alloc : memref<!tpu.dma_semaphore, #tpu.memory_space<semaphore_mem>>
        %dma_start3A_1585 = arith.constant 0 : i32
        %dma_start3A_1586 = arith.constant 0 : i32
        %dma_start3A_1587 = tpu.memref_slice %arg14[%dma_start3A_1585, %dma_start3A_1586] : memref<400x16xf32, #tpu.memory_space<vmem>> -> memref<100x16xf32, #tpu.memory_space<vmem>>
        %dma_start3A_1588 = arith.constant 0 : i32
        %dma_start3A_1589 = tpu.memref_slice %arg10[%run_scoped3A, %run_scoped3A_1048, %dma_start3A_1588] : memref<5x4x100xi32, #tpu.memory_space<vmem>> -> memref<1x1x100xi32, #tpu.memory_space<vmem>>
        %dma_start3A_1590 = tpu.memref_squeeze %dma_start3A_1589 : memref<1x1x100xi32, #tpu.memory_space<vmem>> -> memref<100xi32, #tpu.memory_space<vmem>>
        %dma_start3A_1591 = arith.constant 0 : i32
        %dma_start3A_1592 = arith.constant 0 : i32
        %dma_start3A_1593 = tpu.memref_slice %arg17[%dma_start3A_1591, %dma_start3A_1592] : memref<10240x16xf32, #tpu.memory_space<vmem_shared>> -> memref<10240x16xf32, #tpu.memory_space<vmem_shared>>
        tpu.enqueue_indirect_dma source(%dma_start3A_1587 : memref<100x16xf32, #tpu.memory_space<vmem>>) target(%dma_start3A_1593 : memref<10240x16xf32, #tpu.memory_space<vmem_shared>>) offsets(%dma_start3A_1590 : memref<100xi32, #tpu.memory_space<vmem>>) semaphore(%run_scoped3A_1584 : memref<!tpu.dma_semaphore, #tpu.memory_space<semaphore_mem>>) {add = true}
        %dma_wait3A_1594 = arith.constant 0 : i32
        %dma_wait3A_1595 = arith.constant 0 : i32
        %dma_wait3A_1596 = tpu.memref_slice %arg14[%dma_wait3A_1594, %dma_wait3A_1595] : memref<400x16xf32, #tpu.memory_space<vmem>> -> memref<100x16xf32, #tpu.memory_space<vmem>>
        %dma_wait3A_1597 = arith.constant 0 : i32
        %dma_wait3A_1598 = tpu.memref_slice %arg10[%run_scoped3A, %run_scoped3A_1048, %dma_wait3A_1597] : memref<5x4x100xi32, #tpu.memory_space<vmem>> -> memref<1x1x100xi32, #tpu.memory_space<vmem>>
        %dma_wait3A_1599 = tpu.memref_squeeze %dma_wait3A_1598 : memref<1x1x100xi32, #tpu.memory_space<vmem>> -> memref<100xi32, #tpu.memory_space<vmem>>
        %dma_wait3A_1600 = arith.constant 0 : i32
        %dma_wait3A_1601 = arith.constant 0 : i32
        %dma_wait3A_1602 = tpu.memref_slice %arg17[%dma_wait3A_1600, %dma_wait3A_1601] : memref<10240x16xf32, #tpu.memory_space<vmem_shared>> -> memref<10240x16xf32, #tpu.memory_space<vmem_shared>>
        tpu.wait_indirect_dma semaphore(%run_scoped3A_1584 : memref<!tpu.dma_semaphore, #tpu.memory_space<semaphore_mem>>) src(%dma_wait3A_1596 : memref<100x16xf32, #tpu.memory_space<vmem>>) dst(%dma_wait3A_1602 : memref<10240x16xf32, #tpu.memory_space<vmem_shared>>)
        tpu.yield
      }) : () -> ()
      %run_scoped3A_1049 = arith.constant 0 : i32
      %run_scoped3A_1050 = arith.constant 1 : i32
      "tpu.region"() ({
        %run_scoped3A_1584 = tpu.sem_alloc : memref<!tpu.dma_semaphore, #tpu.memory_space<semaphore_mem>>
        %dma_start3A_1585 = arith.constant 100 : i32
        %dma_start3A_1586 = arith.constant 0 : i32
        %dma_start3A_1587 = tpu.memref_slice %arg14[%dma_start3A_1585, %dma_start3A_1586] : memref<400x16xf32, #tpu.memory_space<vmem>> -> memref<100x16xf32, #tpu.memory_space<vmem>>
        %dma_start3A_1588 = arith.constant 0 : i32
        %dma_start3A_1589 = tpu.memref_slice %arg10[%run_scoped3A_1049, %run_scoped3A_1050, %dma_start3A_1588] : memref<5x4x100xi32, #tpu.memory_space<vmem>> -> memref<1x1x100xi32, #tpu.memory_space<vmem>>
        %dma_start3A_1590 = tpu.memref_squeeze %dma_start3A_1589 : memref<1x1x100xi32, #tpu.memory_space<vmem>> -> memref<100xi32, #tpu.memory_space<vmem>>
        %dma_start3A_1591 = arith.constant 0 : i32
        %dma_start3A_1592 = arith.constant 0 : i32
        %dma_start3A_1593 = tpu.memref_slice %arg17[%dma_start3A_1591, %dma_start3A_1592] : memref<10240x16xf32, #tpu.memory_space<vmem_shared>> -> memref<10240x16xf32, #tpu.memory_space<vmem_shared>>
        tpu.enqueue_indirect_dma source(%dma_start3A_1587 : memref<100x16xf32, #tpu.memory_space<vmem>>) target(%dma_start3A_1593 : memref<10240x16xf32, #tpu.memory_space<vmem_shared>>) offsets(%dma_start3A_1590 : memref<100xi32, #tpu.memory_space<vmem>>) semaphore(%run_scoped3A_1584 : memref<!tpu.dma_semaphore, #tpu.memory_space<semaphore_mem>>) {add = true}
        %dma_wait3A_1594 = arith.constant 100 : i32
        %dma_wait3A_1595 = arith.constant 0 : i32
        %dma_wait3A_1596 = tpu.memref_slice %arg14[%dma_wait3A_1594, %dma_wait3A_1595] : memref<400x16xf32, #tpu.memory_space<vmem>> -> memref<100x16xf32, #tpu.memory_space<vmem>>
        %dma_wait3A_1597 = arith.constant 0 : i32
        %dma_wait3A_1598 = tpu.memref_slice %arg10[%run_scoped3A_1049, %run_scoped3A_1050, %dma_wait3A_1597] : memref<5x4x100xi32, #tpu.memory_space<vmem>> -> memref<1x1x100xi32, #tpu.memory_space<vmem>>
        %dma_wait3A_1599 = tpu.memref_squeeze %dma_wait3A_1598 : memref<1x1x100xi32, #tpu.memory_space<vmem>> -> memref<100xi32, #tpu.memory_space<vmem>>
        %dma_wait3A_1600 = arith.constant 0 : i32
        %dma_wait3A_1601 = arith.constant 0 : i32
        %dma_wait3A_1602 = tpu.memref_slice %arg17[%dma_wait3A_1600, %dma_wait3A_1601] : memref<10240x16xf32, #tpu.memory_space<vmem_shared>> -> memref<10240x16xf32, #tpu.memory_space<vmem_shared>>
        tpu.wait_indirect_dma semaphore(%run_scoped3A_1584 : memref<!tpu.dma_semaphore, #tpu.memory_space<semaphore_mem>>) src(%dma_wait3A_1596 : memref<100x16xf32, #tpu.memory_space<vmem>>) dst(%dma_wait3A_1602 : memref<10240x16xf32, #tpu.memory_space<vmem_shared>>)
        tpu.yield
      }) : () -> ()
      %run_scoped3A_1051 = arith.constant 0 : i32
      %run_scoped3A_1052 = arith.constant 2 : i32
      "tpu.region"() ({
        %run_scoped3A_1584 = tpu.sem_alloc : memref<!tpu.dma_semaphore, #tpu.memory_space<semaphore_mem>>
        %dma_start3A_1585 = arith.constant 200 : i32
        %dma_start3A_1586 = arith.constant 0 : i32
        %dma_start3A_1587 = tpu.memref_slice %arg14[%dma_start3A_1585, %dma_start3A_1586] : memref<400x16xf32, #tpu.memory_space<vmem>> -> memref<100x16xf32, #tpu.memory_space<vmem>>
        %dma_start3A_1588 = arith.constant 0 : i32
        %dma_start3A_1589 = tpu.memref_slice %arg10[%run_scoped3A_1051, %run_scoped3A_1052, %dma_start3A_1588] : memref<5x4x100xi32, #tpu.memory_space<vmem>> -> memref<1x1x100xi32, #tpu.memory_space<vmem>>
        %dma_start3A_1590 = tpu.memref_squeeze %dma_start3A_1589 : memref<1x1x100xi32, #tpu.memory_space<vmem>> -> memref<100xi32, #tpu.memory_space<vmem>>
        %dma_start3A_1591 = arith.constant 0 : i32
        %dma_start3A_1592 = arith.constant 0 : i32
        %dma_start3A_1593 = tpu.memref_slice %arg17[%dma_start3A_1591, %dma_start3A_1592] : memref<10240x16xf32, #tpu.memory_space<vmem_shared>> -> memref<10240x16xf32, #tpu.memory_space<vmem_shared>>
        tpu.enqueue_indirect_dma source(%dma_start3A_1587 : memref<100x16xf32, #tpu.memory_space<vmem>>) target(%dma_start3A_1593 : memref<10240x16xf32, #tpu.memory_space<vmem_shared>>) offsets(%dma_start3A_1590 : memref<100xi32, #tpu.memory_space<vmem>>) semaphore(%run_scoped3A_1584 : memref<!tpu.dma_semaphore, #tpu.memory_space<semaphore_mem>>) {add = true}
        %dma_wait3A_1594 = arith.constant 200 : i32
        %dma_wait3A_1595 = arith.constant 0 : i32
        %dma_wait3A_1596 = tpu.memref_slice %arg14[%dma_wait3A_1594, %dma_wait3A_1595] : memref<400x16xf32, #tpu.memory_space<vmem>> -> memref<100x16xf32, #tpu.memory_space<vmem>>
        %dma_wait3A_1597 = arith.constant 0 : i32
        %dma_wait3A_1598 = tpu.memref_slice %arg10[%run_scoped3A_1051, %run_scoped3A_1052, %dma_wait3A_1597] : memref<5x4x100xi32, #tpu.memory_space<vmem>> -> memref<1x1x100xi32, #tpu.memory_space<vmem>>
        %dma_wait3A_1599 = tpu.memref_squeeze %dma_wait3A_1598 : memref<1x1x100xi32, #tpu.memory_space<vmem>> -> memref<100xi32, #tpu.memory_space<vmem>>
        %dma_wait3A_1600 = arith.constant 0 : i32
        %dma_wait3A_1601 = arith.constant 0 : i32
        %dma_wait3A_1602 = tpu.memref_slice %arg17[%dma_wait3A_1600, %dma_wait3A_1601] : memref<10240x16xf32, #tpu.memory_space<vmem_shared>> -> memref<10240x16xf32, #tpu.memory_space<vmem_shared>>
        tpu.wait_indirect_dma semaphore(%run_scoped3A_1584 : memref<!tpu.dma_semaphore, #tpu.memory_space<semaphore_mem>>) src(%dma_wait3A_1596 : memref<100x16xf32, #tpu.memory_space<vmem>>) dst(%dma_wait3A_1602 : memref<10240x16xf32, #tpu.memory_space<vmem_shared>>)
        tpu.yield
      }) : () -> ()
      %run_scoped3A_1053 = arith.constant 0 : i32
      %run_scoped3A_1054 = arith.constant 3 : i32
      "tpu.region"() ({
        %run_scoped3A_1584 = tpu.sem_alloc : memref<!tpu.dma_semaphore, #tpu.memory_space<semaphore_mem>>
        %dma_start3A_1585 = arith.constant 300 : i32
        %dma_start3A_1586 = arith.constant 0 : i32
        %dma_start3A_1587 = tpu.memref_slice %arg14[%dma_start3A_1585, %dma_start3A_1586] : memref<400x16xf32, #tpu.memory_space<vmem>> -> memref<100x16xf32, #tpu.memory_space<vmem>>
        %dma_start3A_1588 = arith.constant 0 : i32
        %dma_start3A_1589 = tpu.memref_slice %arg10[%run_scoped3A_1053, %run_scoped3A_1054, %dma_start3A_1588] : memref<5x4x100xi32, #tpu.memory_space<vmem>> -> memref<1x1x100xi32, #tpu.memory_space<vmem>>
        %dma_start3A_1590 = tpu.memref_squeeze %dma_start3A_1589 : memref<1x1x100xi32, #tpu.memory_space<vmem>> -> memref<100xi32, #tpu.memory_space<vmem>>
        %dma_start3A_1591 = arith.constant 0 : i32
        %dma_start3A_1592 = arith.constant 0 : i32
        %dma_start3A_1593 = tpu.memref_slice %arg17[%dma_start3A_1591, %dma_start3A_1592] : memref<10240x16xf32, #tpu.memory_space<vmem_shared>> -> memref<10240x16xf32, #tpu.memory_space<vmem_shared>>
        tpu.enqueue_indirect_dma source(%dma_start3A_1587 : memref<100x16xf32, #tpu.memory_space<vmem>>) target(%dma_start3A_1593 : memref<10240x16xf32, #tpu.memory_space<vmem_shared>>) offsets(%dma_start3A_1590 : memref<100xi32, #tpu.memory_space<vmem>>) semaphore(%run_scoped3A_1584 : memref<!tpu.dma_semaphore, #tpu.memory_space<semaphore_mem>>) {add = true}
        %dma_wait3A_1594 = arith.constant 300 : i32
        %dma_wait3A_1595 = arith.constant 0 : i32
        %dma_wait3A_1596 = tpu.memref_slice %arg14[%dma_wait3A_1594, %dma_wait3A_1595] : memref<400x16xf32, #tpu.memory_space<vmem>> -> memref<100x16xf32, #tpu.memory_space<vmem>>
        %dma_wait3A_1597 = arith.constant 0 : i32
        %dma_wait3A_1598 = tpu.memref_slice %arg10[%run_scoped3A_1053, %run_scoped3A_1054, %dma_wait3A_1597] : memref<5x4x100xi32, #tpu.memory_space<vmem>> -> memref<1x1x100xi32, #tpu.memory_space<vmem>>
        %dma_wait3A_1599 = tpu.memref_squeeze %dma_wait3A_1598 : memref<1x1x100xi32, #tpu.memory_space<vmem>> -> memref<100xi32, #tpu.memory_space<vmem>>
        %dma_wait3A_1600 = arith.constant 0 : i32
        %dma_wait3A_1601 = arith.constant 0 : i32
        %dma_wait3A_1602 = tpu.memref_slice %arg17[%dma_wait3A_1600, %dma_wait3A_1601] : memref<10240x16xf32, #tpu.memory_space<vmem_shared>> -> memref<10240x16xf32, #tpu.memory_space<vmem_shared>>
        tpu.wait_indirect_dma semaphore(%run_scoped3A_1584 : memref<!tpu.dma_semaphore, #tpu.memory_space<semaphore_mem>>) src(%dma_wait3A_1596 : memref<100x16xf32, #tpu.memory_space<vmem>>) dst(%dma_wait3A_1602 : memref<10240x16xf32, #tpu.memory_space<vmem_shared>>)
        tpu.yield
      }) : () -> ()
      %add3A_1055 = arith.constant 32 : i32
      %add3A_1056 = arith.addi %add3A_41, %add3A_1055 : i32
      %dma_wait3A_1057 = arith.constant 1 : i32
      %dma_wait3A_1058 = arith.constant 0 : i32
      %dma_wait3A_1059 = arith.constant 1 : i32
      %dma_wait3A_1060 = arith.constant 0 : i32
      %dma_wait3A_1061 = arith.constant 0 : i32
      %dma_wait3A_1062 = tpu.memref_slice %arg12[%dma_wait3A_1059, %dma_wait3A_1060, %dma_wait3A_1061] : memref<5x400x16xf32, #tpu.memory_space<vmem>> -> memref<1x100x16xf32, #tpu.memory_space<vmem>>
      %dma_wait3A_1063 = tpu.memref_squeeze %dma_wait3A_1062 : memref<1x100x16xf32, #tpu.memory_space<vmem>> -> memref<100x16xf32, #tpu.memory_space<vmem>>
      %dma_wait3A_1064 = arith.constant 0 : i32
      %dma_wait3A_1065 = tpu.memref_slice %arg9[%dma_wait3A_1057, %dma_wait3A_1058, %dma_wait3A_1064] : memref<5x4x100xi32, #tpu.memory_space<vmem>> -> memref<1x1x100xi32, #tpu.memory_space<vmem>>
      %dma_wait3A_1066 = tpu.memref_squeeze %dma_wait3A_1065 : memref<1x1x100xi32, #tpu.memory_space<vmem>> -> memref<100xi32, #tpu.memory_space<vmem>>
      %dma_wait3A_1067 = arith.constant 0 : i32
      %dma_wait3A_1068 = arith.constant 0 : i32
      %dma_wait3A_1069 = tpu.memref_slice %arg5[%dma_wait3A_1067, %dma_wait3A_1068] : memref<10000x16xf32, #tpu.memory_space<hbm>> -> memref<10000x16xf32, #tpu.memory_space<hbm>>
      tpu.wait_indirect_dma semaphore(%arg18 : memref<!tpu.dma_semaphore, #tpu.memory_space<semaphore_mem>>) src(%dma_wait3A_1069 : memref<10000x16xf32, #tpu.memory_space<hbm>>) dst(%dma_wait3A_1063 : memref<100x16xf32, #tpu.memory_space<vmem>>)
      %dma_wait3A_1070 = arith.constant 1 : i32
      %dma_wait3A_1071 = arith.constant 0 : i32
      %dma_wait3A_1072 = arith.constant 1 : i32
      %dma_wait3A_1073 = arith.constant 0 : i32
      %dma_wait3A_1074 = arith.constant 0 : i32
      %dma_wait3A_1075 = tpu.memref_slice %arg13[%dma_wait3A_1072, %dma_wait3A_1073, %dma_wait3A_1074] : memref<5x400x16xf32, #tpu.memory_space<vmem>> -> memref<1x100x16xf32, #tpu.memory_space<vmem>>
      %dma_wait3A_1076 = tpu.memref_squeeze %dma_wait3A_1075 : memref<1x100x16xf32, #tpu.memory_space<vmem>> -> memref<100x16xf32, #tpu.memory_space<vmem>>
      %dma_wait3A_1077 = arith.constant 0 : i32
      %dma_wait3A_1078 = tpu.memref_slice %arg10[%dma_wait3A_1070, %dma_wait3A_1071, %dma_wait3A_1077] : memref<5x4x100xi32, #tpu.memory_space<vmem>> -> memref<1x1x100xi32, #tpu.memory_space<vmem>>
      %dma_wait3A_1079 = tpu.memref_squeeze %dma_wait3A_1078 : memref<1x1x100xi32, #tpu.memory_space<vmem>> -> memref<100xi32, #tpu.memory_space<vmem>>
      %dma_wait3A_1080 = arith.constant 0 : i32
      %dma_wait3A_1081 = arith.constant 0 : i32
      %dma_wait3A_1082 = tpu.memref_slice %arg6[%dma_wait3A_1080, %dma_wait3A_1081] : memref<10000x16xf32, #tpu.memory_space<hbm>> -> memref<10000x16xf32, #tpu.memory_space<hbm>>
      tpu.wait_indirect_dma semaphore(%arg18 : memref<!tpu.dma_semaphore, #tpu.memory_space<semaphore_mem>>) src(%dma_wait3A_1082 : memref<10000x16xf32, #tpu.memory_space<hbm>>) dst(%dma_wait3A_1076 : memref<100x16xf32, #tpu.memory_space<vmem>>)
      %dma_wait3A_1083 = arith.constant 1 : i32
      %dma_wait3A_1084 = arith.constant 1 : i32
      %dma_wait3A_1085 = arith.constant 1 : i32
      %dma_wait3A_1086 = arith.constant 100 : i32
      %dma_wait3A_1087 = arith.constant 0 : i32
      %dma_wait3A_1088 = tpu.memref_slice %arg12[%dma_wait3A_1085, %dma_wait3A_1086, %dma_wait3A_1087] : memref<5x400x16xf32, #tpu.memory_space<vmem>> -> memref<1x100x16xf32, #tpu.memory_space<vmem>>
      %dma_wait3A_1089 = tpu.memref_squeeze %dma_wait3A_1088 : memref<1x100x16xf32, #tpu.memory_space<vmem>> -> memref<100x16xf32, #tpu.memory_space<vmem>>
      %dma_wait3A_1090 = arith.constant 0 : i32
      %dma_wait3A_1091 = tpu.memref_slice %arg9[%dma_wait3A_1083, %dma_wait3A_1084, %dma_wait3A_1090] : memref<5x4x100xi32, #tpu.memory_space<vmem>> -> memref<1x1x100xi32, #tpu.memory_space<vmem>>
      %dma_wait3A_1092 = tpu.memref_squeeze %dma_wait3A_1091 : memref<1x1x100xi32, #tpu.memory_space<vmem>> -> memref<100xi32, #tpu.memory_space<vmem>>
      %dma_wait3A_1093 = arith.constant 0 : i32
      %dma_wait3A_1094 = arith.constant 0 : i32
      %dma_wait3A_1095 = tpu.memref_slice %arg5[%dma_wait3A_1093, %dma_wait3A_1094] : memref<10000x16xf32, #tpu.memory_space<hbm>> -> memref<10000x16xf32, #tpu.memory_space<hbm>>
      tpu.wait_indirect_dma semaphore(%arg18 : memref<!tpu.dma_semaphore, #tpu.memory_space<semaphore_mem>>) src(%dma_wait3A_1095 : memref<10000x16xf32, #tpu.memory_space<hbm>>) dst(%dma_wait3A_1089 : memref<100x16xf32, #tpu.memory_space<vmem>>)
      %dma_wait3A_1096 = arith.constant 1 : i32
      %dma_wait3A_1097 = arith.constant 1 : i32
      %dma_wait3A_1098 = arith.constant 1 : i32
      %dma_wait3A_1099 = arith.constant 100 : i32
      %dma_wait3A_1100 = arith.constant 0 : i32
      %dma_wait3A_1101 = tpu.memref_slice %arg13[%dma_wait3A_1098, %dma_wait3A_1099, %dma_wait3A_1100] : memref<5x400x16xf32, #tpu.memory_space<vmem>> -> memref<1x100x16xf32, #tpu.memory_space<vmem>>
      %dma_wait3A_1102 = tpu.memref_squeeze %dma_wait3A_1101 : memref<1x100x16xf32, #tpu.memory_space<vmem>> -> memref<100x16xf32, #tpu.memory_space<vmem>>
      %dma_wait3A_1103 = arith.constant 0 : i32
      %dma_wait3A_1104 = tpu.memref_slice %arg10[%dma_wait3A_1096, %dma_wait3A_1097, %dma_wait3A_1103] : memref<5x4x100xi32, #tpu.memory_space<vmem>> -> memref<1x1x100xi32, #tpu.memory_space<vmem>>
      %dma_wait3A_1105 = tpu.memref_squeeze %dma_wait3A_1104 : memref<1x1x100xi32, #tpu.memory_space<vmem>> -> memref<100xi32, #tpu.memory_space<vmem>>
      %dma_wait3A_1106 = arith.constant 0 : i32
      %dma_wait3A_1107 = arith.constant 0 : i32
      %dma_wait3A_1108 = tpu.memref_slice %arg6[%dma_wait3A_1106, %dma_wait3A_1107] : memref<10000x16xf32, #tpu.memory_space<hbm>> -> memref<10000x16xf32, #tpu.memory_space<hbm>>
      tpu.wait_indirect_dma semaphore(%arg18 : memref<!tpu.dma_semaphore, #tpu.memory_space<semaphore_mem>>) src(%dma_wait3A_1108 : memref<10000x16xf32, #tpu.memory_space<hbm>>) dst(%dma_wait3A_1102 : memref<100x16xf32, #tpu.memory_space<vmem>>)
      %dma_wait3A_1109 = arith.constant 1 : i32
      %dma_wait3A_1110 = arith.constant 2 : i32
      %dma_wait3A_1111 = arith.constant 1 : i32
      %dma_wait3A_1112 = arith.constant 200 : i32
      %dma_wait3A_1113 = arith.constant 0 : i32
      %dma_wait3A_1114 = tpu.memref_slice %arg12[%dma_wait3A_1111, %dma_wait3A_1112, %dma_wait3A_1113] : memref<5x400x16xf32, #tpu.memory_space<vmem>> -> memref<1x100x16xf32, #tpu.memory_space<vmem>>
      %dma_wait3A_1115 = tpu.memref_squeeze %dma_wait3A_1114 : memref<1x100x16xf32, #tpu.memory_space<vmem>> -> memref<100x16xf32, #tpu.memory_space<vmem>>
      %dma_wait3A_1116 = arith.constant 0 : i32
      %dma_wait3A_1117 = tpu.memref_slice %arg9[%dma_wait3A_1109, %dma_wait3A_1110, %dma_wait3A_1116] : memref<5x4x100xi32, #tpu.memory_space<vmem>> -> memref<1x1x100xi32, #tpu.memory_space<vmem>>
      %dma_wait3A_1118 = tpu.memref_squeeze %dma_wait3A_1117 : memref<1x1x100xi32, #tpu.memory_space<vmem>> -> memref<100xi32, #tpu.memory_space<vmem>>
      %dma_wait3A_1119 = arith.constant 0 : i32
      %dma_wait3A_1120 = arith.constant 0 : i32
      %dma_wait3A_1121 = tpu.memref_slice %arg5[%dma_wait3A_1119, %dma_wait3A_1120] : memref<10000x16xf32, #tpu.memory_space<hbm>> -> memref<10000x16xf32, #tpu.memory_space<hbm>>
      tpu.wait_indirect_dma semaphore(%arg18 : memref<!tpu.dma_semaphore, #tpu.memory_space<semaphore_mem>>) src(%dma_wait3A_1121 : memref<10000x16xf32, #tpu.memory_space<hbm>>) dst(%dma_wait3A_1115 : memref<100x16xf32, #tpu.memory_space<vmem>>)
      %dma_wait3A_1122 = arith.constant 1 : i32
      %dma_wait3A_1123 = arith.constant 2 : i32
      %dma_wait3A_1124 = arith.constant 1 : i32
      %dma_wait3A_1125 = arith.constant 200 : i32
      %dma_wait3A_1126 = arith.constant 0 : i32
      %dma_wait3A_1127 = tpu.memref_slice %arg13[%dma_wait3A_1124, %dma_wait3A_1125, %dma_wait3A_1126] : memref<5x400x16xf32, #tpu.memory_space<vmem>> -> memref<1x100x16xf32, #tpu.memory_space<vmem>>
      %dma_wait3A_1128 = tpu.memref_squeeze %dma_wait3A_1127 : memref<1x100x16xf32, #tpu.memory_space<vmem>> -> memref<100x16xf32, #tpu.memory_space<vmem>>
      %dma_wait3A_1129 = arith.constant 0 : i32
      %dma_wait3A_1130 = tpu.memref_slice %arg10[%dma_wait3A_1122, %dma_wait3A_1123, %dma_wait3A_1129] : memref<5x4x100xi32, #tpu.memory_space<vmem>> -> memref<1x1x100xi32, #tpu.memory_space<vmem>>
      %dma_wait3A_1131 = tpu.memref_squeeze %dma_wait3A_1130 : memref<1x1x100xi32, #tpu.memory_space<vmem>> -> memref<100xi32, #tpu.memory_space<vmem>>
      %dma_wait3A_1132 = arith.constant 0 : i32
      %dma_wait3A_1133 = arith.constant 0 : i32
      %dma_wait3A_1134 = tpu.memref_slice %arg6[%dma_wait3A_1132, %dma_wait3A_1133] : memref<10000x16xf32, #tpu.memory_space<hbm>> -> memref<10000x16xf32, #tpu.memory_space<hbm>>
      tpu.wait_indirect_dma semaphore(%arg18 : memref<!tpu.dma_semaphore, #tpu.memory_space<semaphore_mem>>) src(%dma_wait3A_1134 : memref<10000x16xf32, #tpu.memory_space<hbm>>) dst(%dma_wait3A_1128 : memref<100x16xf32, #tpu.memory_space<vmem>>)
      %dma_wait3A_1135 = arith.constant 1 : i32
      %dma_wait3A_1136 = arith.constant 3 : i32
      %dma_wait3A_1137 = arith.constant 1 : i32
      %dma_wait3A_1138 = arith.constant 300 : i32
      %dma_wait3A_1139 = arith.constant 0 : i32
      %dma_wait3A_1140 = tpu.memref_slice %arg12[%dma_wait3A_1137, %dma_wait3A_1138, %dma_wait3A_1139] : memref<5x400x16xf32, #tpu.memory_space<vmem>> -> memref<1x100x16xf32, #tpu.memory_space<vmem>>
      %dma_wait3A_1141 = tpu.memref_squeeze %dma_wait3A_1140 : memref<1x100x16xf32, #tpu.memory_space<vmem>> -> memref<100x16xf32, #tpu.memory_space<vmem>>
      %dma_wait3A_1142 = arith.constant 0 : i32
      %dma_wait3A_1143 = tpu.memref_slice %arg9[%dma_wait3A_1135, %dma_wait3A_1136, %dma_wait3A_1142] : memref<5x4x100xi32, #tpu.memory_space<vmem>> -> memref<1x1x100xi32, #tpu.memory_space<vmem>>
      %dma_wait3A_1144 = tpu.memref_squeeze %dma_wait3A_1143 : memref<1x1x100xi32, #tpu.memory_space<vmem>> -> memref<100xi32, #tpu.memory_space<vmem>>
      %dma_wait3A_1145 = arith.constant 0 : i32
      %dma_wait3A_1146 = arith.constant 0 : i32
      %dma_wait3A_1147 = tpu.memref_slice %arg5[%dma_wait3A_1145, %dma_wait3A_1146] : memref<10000x16xf32, #tpu.memory_space<hbm>> -> memref<10000x16xf32, #tpu.memory_space<hbm>>
      tpu.wait_indirect_dma semaphore(%arg18 : memref<!tpu.dma_semaphore, #tpu.memory_space<semaphore_mem>>) src(%dma_wait3A_1147 : memref<10000x16xf32, #tpu.memory_space<hbm>>) dst(%dma_wait3A_1141 : memref<100x16xf32, #tpu.memory_space<vmem>>)
      %dma_wait3A_1148 = arith.constant 1 : i32
      %dma_wait3A_1149 = arith.constant 3 : i32
      %dma_wait3A_1150 = arith.constant 1 : i32
      %dma_wait3A_1151 = arith.constant 300 : i32
      %dma_wait3A_1152 = arith.constant 0 : i32
      %dma_wait3A_1153 = tpu.memref_slice %arg13[%dma_wait3A_1150, %dma_wait3A_1151, %dma_wait3A_1152] : memref<5x400x16xf32, #tpu.memory_space<vmem>> -> memref<1x100x16xf32, #tpu.memory_space<vmem>>
      %dma_wait3A_1154 = tpu.memref_squeeze %dma_wait3A_1153 : memref<1x100x16xf32, #tpu.memory_space<vmem>> -> memref<100x16xf32, #tpu.memory_space<vmem>>
      %dma_wait3A_1155 = arith.constant 0 : i32
      %dma_wait3A_1156 = tpu.memref_slice %arg10[%dma_wait3A_1148, %dma_wait3A_1149, %dma_wait3A_1155] : memref<5x4x100xi32, #tpu.memory_space<vmem>> -> memref<1x1x100xi32, #tpu.memory_space<vmem>>
      %dma_wait3A_1157 = tpu.memref_squeeze %dma_wait3A_1156 : memref<1x1x100xi32, #tpu.memory_space<vmem>> -> memref<100xi32, #tpu.memory_space<vmem>>
      %dma_wait3A_1158 = arith.constant 0 : i32
      %dma_wait3A_1159 = arith.constant 0 : i32
      %dma_wait3A_1160 = tpu.memref_slice %arg6[%dma_wait3A_1158, %dma_wait3A_1159] : memref<10000x16xf32, #tpu.memory_space<hbm>> -> memref<10000x16xf32, #tpu.memory_space<hbm>>
      tpu.wait_indirect_dma semaphore(%arg18 : memref<!tpu.dma_semaphore, #tpu.memory_space<semaphore_mem>>) src(%dma_wait3A_1160 : memref<10000x16xf32, #tpu.memory_space<hbm>>) dst(%dma_wait3A_1154 : memref<100x16xf32, #tpu.memory_space<vmem>>)
      %dma_wait3A_1161 = arith.constant 1 : i32
      %dma_wait3A_1162 = arith.constant 0 : i32
      %dma_wait3A_1163 = arith.constant 0 : i32
      %dma_wait3A_1164 = tpu.memref_slice %arg11[%dma_wait3A_1161, %dma_wait3A_1162, %dma_wait3A_1163] : memref<5x16x401xf32, #tpu.memory_space<vmem>> -> memref<1x16x400xf32, #tpu.memory_space<vmem>>
      %dma_wait3A_1165 = tpu.memref_squeeze %dma_wait3A_1164 : memref<1x16x400xf32, #tpu.memory_space<vmem>> -> memref<16x400xf32, #tpu.memory_space<vmem>>
      %dma_wait3A_1166 = arith.constant 0 : i32
      %dma_wait3A_1167 = tpu.memref_slice %arg4[%dma_wait3A_1166, %mul3A_121] : memref<16x320000xf32, #tpu.memory_space<hbm>> -> memref<16x400xf32, #tpu.memory_space<hbm>>
      %dma_wait3A_1168 = arith.constant 0 : i32
      %dma_wait3A_1169 = arith.constant 0 : i32
      %dma_wait3A_1170 = tpu.memref_slice %arg11[%dma_wait3A_1161, %dma_wait3A_1168, %dma_wait3A_1169] : memref<5x16x401xf32, #tpu.memory_space<vmem>> -> memref<1x16x400xf32, #tpu.memory_space<vmem>>
      %dma_wait3A_1171 = tpu.memref_squeeze %dma_wait3A_1170 : memref<1x16x400xf32, #tpu.memory_space<vmem>> -> memref<16x400xf32, #tpu.memory_space<vmem>>
      %dma_wait3A_1172 = arith.constant 0 : i32
      %dma_wait3A_1173 = tpu.memref_slice %arg4[%dma_wait3A_1172, %mul3A_121] : memref<16x320000xf32, #tpu.memory_space<hbm>> -> memref<16x400xf32, #tpu.memory_space<hbm>>
      tpu.wait_dma2 semaphore(%arg19 : memref<!tpu.dma_semaphore, #tpu.memory_space<semaphore_mem>>) src(%dma_wait3A_1173 : memref<16x400xf32, #tpu.memory_space<hbm>>) dst(%dma_wait3A_1171 : memref<16x400xf32, #tpu.memory_space<vmem>>)
      %parallel_loop3A_1174 = arith.constant 0 : i32
      %parallel_loop3A_1175 = arith.constant 400 : i32
      %parallel_loop3A_1176 = arith.constant 1 : i32
      scf.for %parallel_loop3A_1584 = %parallel_loop3A_1174 to %parallel_loop3A_1175 step %parallel_loop3A_1176  : i32 {
        %parallel_loop3A_1585 = vector.broadcast %parallel_loop3A_1584 : i32 to vector<16xi32>
        %parallel_loop3A_1586 = arith.constant 1 : i32
        %parallel_loop3A_1587 = arith.constant 0 : i32
        %parallel_loop3A_1588 = arith.constant 0 : i32
        %parallel_loop3A_1589 = tpu.memref_slice %arg11[%parallel_loop3A_1586, %parallel_loop3A_1587, %parallel_loop3A_1588] : memref<5x16x401xf32, #tpu.memory_space<vmem>> -> memref<1x16x401xf32, #tpu.memory_space<vmem>>
        %parallel_loop3A_1590 = tpu.memref_squeeze %parallel_loop3A_1589 : memref<1x16x401xf32, #tpu.memory_space<vmem>> -> memref<16x401xf32, #tpu.memory_space<vmem>>
        %parallel_loop3A_1591 = tpu.vector_load_idx %parallel_loop3A_1590[%iota3A, %parallel_loop3A_1585] : memref<16x401xf32, #tpu.memory_space<vmem>>[vector<16xi32>, vector<16xi32>], vector<16xf32>,
        %parallel_loop3A_1592 = arith.constant 1 : i32
        %parallel_loop3A_1593 = arith.index_cast %parallel_loop3A_1592 : i32 to index
        %parallel_loop3A_1594 = arith.index_cast %parallel_loop3A_1584 : i32 to index
        %parallel_loop3A_1595 = arith.constant 0 : index
        %parallel_loop3A_1596 = tpu.vector_load %arg12[%parallel_loop3A_1593, %parallel_loop3A_1594, %parallel_loop3A_1595] {strides = array<i32>} : memref<5x400x16xf32, #tpu.memory_space<vmem>>, vector<16xf32>,
        %parallel_loop3A_1597 = arith.constant 1 : i32
        %parallel_loop3A_1598 = arith.index_cast %parallel_loop3A_1597 : i32 to index
        %parallel_loop3A_1599 = arith.index_cast %parallel_loop3A_1584 : i32 to index
        %parallel_loop3A_1600 = arith.constant 0 : index
        %parallel_loop3A_1601 = tpu.vector_load %arg13[%parallel_loop3A_1598, %parallel_loop3A_1599, %parallel_loop3A_1600] {strides = array<i32>} : memref<5x400x16xf32, #tpu.memory_space<vmem>>, vector<16xf32>,
        %parallel_loop3A_1602 = arith.addf %parallel_loop3A_1596, %parallel_loop3A_1601 : vector<16xf32>
        %parallel_loop3A_1603 = arith.addf %parallel_loop3A_1602, %parallel_loop3A_1591 : vector<16xf32>
        %parallel_loop3A_1604 = arith.constant 0.000000e+00 : f32
        %parallel_loop3A_1605 = vector.broadcast %parallel_loop3A_1604 : f32 to vector<16xf32>
        %parallel_loop3A_1606 = arith.maximumf %parallel_loop3A_1603, %parallel_loop3A_1605 : vector<16xf32>
        %parallel_loop3A_1607 = arith.index_cast %parallel_loop3A_1584 : i32 to index
        %parallel_loop3A_1608 = arith.constant 0 : index
        %parallel_loop3A_1609 = tpu.vector_load %arg14[%parallel_loop3A_1607, %parallel_loop3A_1608] {strides = array<i32>} : memref<400x16xf32, #tpu.memory_space<vmem>>, vector<16xf32>,
        tpu.vector_store %arg14[%parallel_loop3A_1607, %parallel_loop3A_1608], %parallel_loop3A_1606 {strides = array<i32>} : memref<400x16xf32, #tpu.memory_space<vmem>>, vector<16xf32>,
        tpu.vector_store_idx %arg15[%iota3A, %parallel_loop3A_1585], %parallel_loop3A_1606 : memref<16x401xf32, #tpu.memory_space<vmem>>[vector<16xi32>, vector<16xi32>], vector<16xf32>,
      } {sc.loop_unroll_factor = 16 : i64, sc.parallel_access}
      %mul3A_1177 = arith.constant 400 : i32
      %mul3A_1178 = arith.muli %add3A_1056, %mul3A_1177 : i32
      "tpu.region"() ({
        %run_scoped3A_1584 = tpu.sem_alloc : memref<!tpu.dma_semaphore, #tpu.memory_space<semaphore_mem>>
        %dma_start3A_1585 = arith.constant 0 : i32
        %dma_start3A_1586 = arith.constant 0 : i32
        %dma_start3A_1587 = tpu.memref_slice %arg15[%dma_start3A_1585, %dma_start3A_1586] : memref<16x401xf32, #tpu.memory_space<vmem>> -> memref<16x400xf32, #tpu.memory_space<vmem>>
        %dma_start3A_1588 = arith.constant 0 : i32
        %dma_start3A_1589 = tpu.memref_slice %arg7[%dma_start3A_1588, %mul3A_1178] : memref<16x320000xf32, #tpu.memory_space<hbm>> -> memref<16x400xf32, #tpu.memory_space<hbm>>
        %dma_start3A_1590 = arith.constant 0 : i32
        %dma_start3A_1591 = tpu.memref_slice %arg7[%dma_start3A_1590, %mul3A_1178] : memref<16x320000xf32, #tpu.memory_space<hbm>> -> memref<16x400xf32, #tpu.memory_space<hbm>>
        %dma_start3A_1592 = arith.constant 0 : i32
        %dma_start3A_1593 = arith.constant 0 : i32
        %dma_start3A_1594 = tpu.memref_slice %arg15[%dma_start3A_1592, %dma_start3A_1593] : memref<16x401xf32, #tpu.memory_space<vmem>> -> memref<16x400xf32, #tpu.memory_space<vmem>>
        tpu.enqueue_dma source(%dma_start3A_1594 : memref<16x400xf32, #tpu.memory_space<vmem>>) target(%dma_start3A_1591 : memref<16x400xf32, #tpu.memory_space<hbm>>) target_semaphore(%run_scoped3A_1584 : memref<!tpu.dma_semaphore, #tpu.memory_space<semaphore_mem>>)
        %dma_wait3A_1595 = arith.constant 0 : i32
        %dma_wait3A_1596 = arith.constant 0 : i32
        %dma_wait3A_1597 = tpu.memref_slice %arg15[%dma_wait3A_1595, %dma_wait3A_1596] : memref<16x401xf32, #tpu.memory_space<vmem>> -> memref<16x400xf32, #tpu.memory_space<vmem>>
        %dma_wait3A_1598 = arith.constant 0 : i32
        %dma_wait3A_1599 = tpu.memref_slice %arg7[%dma_wait3A_1598, %mul3A_1178] : memref<16x320000xf32, #tpu.memory_space<hbm>> -> memref<16x400xf32, #tpu.memory_space<hbm>>
        %dma_wait3A_1600 = arith.constant 0 : i32
        %dma_wait3A_1601 = tpu.memref_slice %arg7[%dma_wait3A_1600, %mul3A_1178] : memref<16x320000xf32, #tpu.memory_space<hbm>> -> memref<16x400xf32, #tpu.memory_space<hbm>>
        %dma_wait3A_1602 = arith.constant 0 : i32
        %dma_wait3A_1603 = arith.constant 0 : i32
        %dma_wait3A_1604 = tpu.memref_slice %arg15[%dma_wait3A_1602, %dma_wait3A_1603] : memref<16x401xf32, #tpu.memory_space<vmem>> -> memref<16x400xf32, #tpu.memory_space<vmem>>
        tpu.wait_dma2 semaphore(%run_scoped3A_1584 : memref<!tpu.dma_semaphore, #tpu.memory_space<semaphore_mem>>) src(%dma_wait3A_1604 : memref<16x400xf32, #tpu.memory_space<vmem>>) dst(%dma_wait3A_1601 : memref<16x400xf32, #tpu.memory_space<hbm>>)
        tpu.yield
      }) : () -> ()
      %run_scoped3A_1179 = arith.constant 1 : i32
      %run_scoped3A_1180 = arith.constant 0 : i32
      "tpu.region"() ({
        %run_scoped3A_1584 = tpu.sem_alloc : memref<!tpu.dma_semaphore, #tpu.memory_space<semaphore_mem>>
        %dma_start3A_1585 = arith.constant 0 : i32
        %dma_start3A_1586 = arith.constant 0 : i32
        %dma_start3A_1587 = tpu.memref_slice %arg14[%dma_start3A_1585, %dma_start3A_1586] : memref<400x16xf32, #tpu.memory_space<vmem>> -> memref<100x16xf32, #tpu.memory_space<vmem>>
        %dma_start3A_1588 = arith.constant 0 : i32
        %dma_start3A_1589 = tpu.memref_slice %arg10[%run_scoped3A_1179, %run_scoped3A_1180, %dma_start3A_1588] : memref<5x4x100xi32, #tpu.memory_space<vmem>> -> memref<1x1x100xi32, #tpu.memory_space<vmem>>
        %dma_start3A_1590 = tpu.memref_squeeze %dma_start3A_1589 : memref<1x1x100xi32, #tpu.memory_space<vmem>> -> memref<100xi32, #tpu.memory_space<vmem>>
        %dma_start3A_1591 = arith.constant 0 : i32
        %dma_start3A_1592 = arith.constant 0 : i32
        %dma_start3A_1593 = tpu.memref_slice %arg17[%dma_start3A_1591, %dma_start3A_1592] : memref<10240x16xf32, #tpu.memory_space<vmem_shared>> -> memref<10240x16xf32, #tpu.memory_space<vmem_shared>>
        tpu.enqueue_indirect_dma source(%dma_start3A_1587 : memref<100x16xf32, #tpu.memory_space<vmem>>) target(%dma_start3A_1593 : memref<10240x16xf32, #tpu.memory_space<vmem_shared>>) offsets(%dma_start3A_1590 : memref<100xi32, #tpu.memory_space<vmem>>) semaphore(%run_scoped3A_1584 : memref<!tpu.dma_semaphore, #tpu.memory_space<semaphore_mem>>) {add = true}
        %dma_wait3A_1594 = arith.constant 0 : i32
        %dma_wait3A_1595 = arith.constant 0 : i32
        %dma_wait3A_1596 = tpu.memref_slice %arg14[%dma_wait3A_1594, %dma_wait3A_1595] : memref<400x16xf32, #tpu.memory_space<vmem>> -> memref<100x16xf32, #tpu.memory_space<vmem>>
        %dma_wait3A_1597 = arith.constant 0 : i32
        %dma_wait3A_1598 = tpu.memref_slice %arg10[%run_scoped3A_1179, %run_scoped3A_1180, %dma_wait3A_1597] : memref<5x4x100xi32, #tpu.memory_space<vmem>> -> memref<1x1x100xi32, #tpu.memory_space<vmem>>
        %dma_wait3A_1599 = tpu.memref_squeeze %dma_wait3A_1598 : memref<1x1x100xi32, #tpu.memory_space<vmem>> -> memref<100xi32, #tpu.memory_space<vmem>>
        %dma_wait3A_1600 = arith.constant 0 : i32
        %dma_wait3A_1601 = arith.constant 0 : i32
        %dma_wait3A_1602 = tpu.memref_slice %arg17[%dma_wait3A_1600, %dma_wait3A_1601] : memref<10240x16xf32, #tpu.memory_space<vmem_shared>> -> memref<10240x16xf32, #tpu.memory_space<vmem_shared>>
        tpu.wait_indirect_dma semaphore(%run_scoped3A_1584 : memref<!tpu.dma_semaphore, #tpu.memory_space<semaphore_mem>>) src(%dma_wait3A_1596 : memref<100x16xf32, #tpu.memory_space<vmem>>) dst(%dma_wait3A_1602 : memref<10240x16xf32, #tpu.memory_space<vmem_shared>>)
        tpu.yield
      }) : () -> ()
      %run_scoped3A_1181 = arith.constant 1 : i32
      %run_scoped3A_1182 = arith.constant 1 : i32
      "tpu.region"() ({
        %run_scoped3A_1584 = tpu.sem_alloc : memref<!tpu.dma_semaphore, #tpu.memory_space<semaphore_mem>>
        %dma_start3A_1585 = arith.constant 100 : i32
        %dma_start3A_1586 = arith.constant 0 : i32
        %dma_start3A_1587 = tpu.memref_slice %arg14[%dma_start3A_1585, %dma_start3A_1586] : memref<400x16xf32, #tpu.memory_space<vmem>> -> memref<100x16xf32, #tpu.memory_space<vmem>>
        %dma_start3A_1588 = arith.constant 0 : i32
        %dma_start3A_1589 = tpu.memref_slice %arg10[%run_scoped3A_1181, %run_scoped3A_1182, %dma_start3A_1588] : memref<5x4x100xi32, #tpu.memory_space<vmem>> -> memref<1x1x100xi32, #tpu.memory_space<vmem>>
        %dma_start3A_1590 = tpu.memref_squeeze %dma_start3A_1589 : memref<1x1x100xi32, #tpu.memory_space<vmem>> -> memref<100xi32, #tpu.memory_space<vmem>>
        %dma_start3A_1591 = arith.constant 0 : i32
        %dma_start3A_1592 = arith.constant 0 : i32
        %dma_start3A_1593 = tpu.memref_slice %arg17[%dma_start3A_1591, %dma_start3A_1592] : memref<10240x16xf32, #tpu.memory_space<vmem_shared>> -> memref<10240x16xf32, #tpu.memory_space<vmem_shared>>
        tpu.enqueue_indirect_dma source(%dma_start3A_1587 : memref<100x16xf32, #tpu.memory_space<vmem>>) target(%dma_start3A_1593 : memref<10240x16xf32, #tpu.memory_space<vmem_shared>>) offsets(%dma_start3A_1590 : memref<100xi32, #tpu.memory_space<vmem>>) semaphore(%run_scoped3A_1584 : memref<!tpu.dma_semaphore, #tpu.memory_space<semaphore_mem>>) {add = true}
        %dma_wait3A_1594 = arith.constant 100 : i32
        %dma_wait3A_1595 = arith.constant 0 : i32
        %dma_wait3A_1596 = tpu.memref_slice %arg14[%dma_wait3A_1594, %dma_wait3A_1595] : memref<400x16xf32, #tpu.memory_space<vmem>> -> memref<100x16xf32, #tpu.memory_space<vmem>>
        %dma_wait3A_1597 = arith.constant 0 : i32
        %dma_wait3A_1598 = tpu.memref_slice %arg10[%run_scoped3A_1181, %run_scoped3A_1182, %dma_wait3A_1597] : memref<5x4x100xi32, #tpu.memory_space<vmem>> -> memref<1x1x100xi32, #tpu.memory_space<vmem>>
        %dma_wait3A_1599 = tpu.memref_squeeze %dma_wait3A_1598 : memref<1x1x100xi32, #tpu.memory_space<vmem>> -> memref<100xi32, #tpu.memory_space<vmem>>
        %dma_wait3A_1600 = arith.constant 0 : i32
        %dma_wait3A_1601 = arith.constant 0 : i32
        %dma_wait3A_1602 = tpu.memref_slice %arg17[%dma_wait3A_1600, %dma_wait3A_1601] : memref<10240x16xf32, #tpu.memory_space<vmem_shared>> -> memref<10240x16xf32, #tpu.memory_space<vmem_shared>>
        tpu.wait_indirect_dma semaphore(%run_scoped3A_1584 : memref<!tpu.dma_semaphore, #tpu.memory_space<semaphore_mem>>) src(%dma_wait3A_1596 : memref<100x16xf32, #tpu.memory_space<vmem>>) dst(%dma_wait3A_1602 : memref<10240x16xf32, #tpu.memory_space<vmem_shared>>)
        tpu.yield
      }) : () -> ()
      %run_scoped3A_1183 = arith.constant 1 : i32
      %run_scoped3A_1184 = arith.constant 2 : i32
      "tpu.region"() ({
        %run_scoped3A_1584 = tpu.sem_alloc : memref<!tpu.dma_semaphore, #tpu.memory_space<semaphore_mem>>
        %dma_start3A_1585 = arith.constant 200 : i32
        %dma_start3A_1586 = arith.constant 0 : i32
        %dma_start3A_1587 = tpu.memref_slice %arg14[%dma_start3A_1585, %dma_start3A_1586] : memref<400x16xf32, #tpu.memory_space<vmem>> -> memref<100x16xf32, #tpu.memory_space<vmem>>
        %dma_start3A_1588 = arith.constant 0 : i32
        %dma_start3A_1589 = tpu.memref_slice %arg10[%run_scoped3A_1183, %run_scoped3A_1184, %dma_start3A_1588] : memref<5x4x100xi32, #tpu.memory_space<vmem>> -> memref<1x1x100xi32, #tpu.memory_space<vmem>>
        %dma_start3A_1590 = tpu.memref_squeeze %dma_start3A_1589 : memref<1x1x100xi32, #tpu.memory_space<vmem>> -> memref<100xi32, #tpu.memory_space<vmem>>
        %dma_start3A_1591 = arith.constant 0 : i32
        %dma_start3A_1592 = arith.constant 0 : i32
        %dma_start3A_1593 = tpu.memref_slice %arg17[%dma_start3A_1591, %dma_start3A_1592] : memref<10240x16xf32, #tpu.memory_space<vmem_shared>> -> memref<10240x16xf32, #tpu.memory_space<vmem_shared>>
        tpu.enqueue_indirect_dma source(%dma_start3A_1587 : memref<100x16xf32, #tpu.memory_space<vmem>>) target(%dma_start3A_1593 : memref<10240x16xf32, #tpu.memory_space<vmem_shared>>) offsets(%dma_start3A_1590 : memref<100xi32, #tpu.memory_space<vmem>>) semaphore(%run_scoped3A_1584 : memref<!tpu.dma_semaphore, #tpu.memory_space<semaphore_mem>>) {add = true}
        %dma_wait3A_1594 = arith.constant 200 : i32
        %dma_wait3A_1595 = arith.constant 0 : i32
        %dma_wait3A_1596 = tpu.memref_slice %arg14[%dma_wait3A_1594, %dma_wait3A_1595] : memref<400x16xf32, #tpu.memory_space<vmem>> -> memref<100x16xf32, #tpu.memory_space<vmem>>
        %dma_wait3A_1597 = arith.constant 0 : i32
        %dma_wait3A_1598 = tpu.memref_slice %arg10[%run_scoped3A_1183, %run_scoped3A_1184, %dma_wait3A_1597] : memref<5x4x100xi32, #tpu.memory_space<vmem>> -> memref<1x1x100xi32, #tpu.memory_space<vmem>>
        %dma_wait3A_1599 = tpu.memref_squeeze %dma_wait3A_1598 : memref<1x1x100xi32, #tpu.memory_space<vmem>> -> memref<100xi32, #tpu.memory_space<vmem>>
        %dma_wait3A_1600 = arith.constant 0 : i32
        %dma_wait3A_1601 = arith.constant 0 : i32
        %dma_wait3A_1602 = tpu.memref_slice %arg17[%dma_wait3A_1600, %dma_wait3A_1601] : memref<10240x16xf32, #tpu.memory_space<vmem_shared>> -> memref<10240x16xf32, #tpu.memory_space<vmem_shared>>
        tpu.wait_indirect_dma semaphore(%run_scoped3A_1584 : memref<!tpu.dma_semaphore, #tpu.memory_space<semaphore_mem>>) src(%dma_wait3A_1596 : memref<100x16xf32, #tpu.memory_space<vmem>>) dst(%dma_wait3A_1602 : memref<10240x16xf32, #tpu.memory_space<vmem_shared>>)
        tpu.yield
      }) : () -> ()
      %run_scoped3A_1185 = arith.constant 1 : i32
      %run_scoped3A_1186 = arith.constant 3 : i32
      "tpu.region"() ({
        %run_scoped3A_1584 = tpu.sem_alloc : memref<!tpu.dma_semaphore, #tpu.memory_space<semaphore_mem>>
        %dma_start3A_1585 = arith.constant 300 : i32
        %dma_start3A_1586 = arith.constant 0 : i32
        %dma_start3A_1587 = tpu.memref_slice %arg14[%dma_start3A_1585, %dma_start3A_1586] : memref<400x16xf32, #tpu.memory_space<vmem>> -> memref<100x16xf32, #tpu.memory_space<vmem>>
        %dma_start3A_1588 = arith.constant 0 : i32
        %dma_start3A_1589 = tpu.memref_slice %arg10[%run_scoped3A_1185, %run_scoped3A_1186, %dma_start3A_1588] : memref<5x4x100xi32, #tpu.memory_space<vmem>> -> memref<1x1x100xi32, #tpu.memory_space<vmem>>
        %dma_start3A_1590 = tpu.memref_squeeze %dma_start3A_1589 : memref<1x1x100xi32, #tpu.memory_space<vmem>> -> memref<100xi32, #tpu.memory_space<vmem>>
        %dma_start3A_1591 = arith.constant 0 : i32
        %dma_start3A_1592 = arith.constant 0 : i32
        %dma_start3A_1593 = tpu.memref_slice %arg17[%dma_start3A_1591, %dma_start3A_1592] : memref<10240x16xf32, #tpu.memory_space<vmem_shared>> -> memref<10240x16xf32, #tpu.memory_space<vmem_shared>>
        tpu.enqueue_indirect_dma source(%dma_start3A_1587 : memref<100x16xf32, #tpu.memory_space<vmem>>) target(%dma_start3A_1593 : memref<10240x16xf32, #tpu.memory_space<vmem_shared>>) offsets(%dma_start3A_1590 : memref<100xi32, #tpu.memory_space<vmem>>) semaphore(%run_scoped3A_1584 : memref<!tpu.dma_semaphore, #tpu.memory_space<semaphore_mem>>) {add = true}
        %dma_wait3A_1594 = arith.constant 300 : i32
        %dma_wait3A_1595 = arith.constant 0 : i32
        %dma_wait3A_1596 = tpu.memref_slice %arg14[%dma_wait3A_1594, %dma_wait3A_1595] : memref<400x16xf32, #tpu.memory_space<vmem>> -> memref<100x16xf32, #tpu.memory_space<vmem>>
        %dma_wait3A_1597 = arith.constant 0 : i32
        %dma_wait3A_1598 = tpu.memref_slice %arg10[%run_scoped3A_1185, %run_scoped3A_1186, %dma_wait3A_1597] : memref<5x4x100xi32, #tpu.memory_space<vmem>> -> memref<1x1x100xi32, #tpu.memory_space<vmem>>
        %dma_wait3A_1599 = tpu.memref_squeeze %dma_wait3A_1598 : memref<1x1x100xi32, #tpu.memory_space<vmem>> -> memref<100xi32, #tpu.memory_space<vmem>>
        %dma_wait3A_1600 = arith.constant 0 : i32
        %dma_wait3A_1601 = arith.constant 0 : i32
        %dma_wait3A_1602 = tpu.memref_slice %arg17[%dma_wait3A_1600, %dma_wait3A_1601] : memref<10240x16xf32, #tpu.memory_space<vmem_shared>> -> memref<10240x16xf32, #tpu.memory_space<vmem_shared>>
        tpu.wait_indirect_dma semaphore(%run_scoped3A_1584 : memref<!tpu.dma_semaphore, #tpu.memory_space<semaphore_mem>>) src(%dma_wait3A_1596 : memref<100x16xf32, #tpu.memory_space<vmem>>) dst(%dma_wait3A_1602 : memref<10240x16xf32, #tpu.memory_space<vmem_shared>>)
        tpu.yield
      }) : () -> ()
      %add3A_1187 = arith.constant 64 : i32
      %add3A_1188 = arith.addi %add3A_41, %add3A_1187 : i32
      %dma_wait3A_1189 = arith.constant 2 : i32
      %dma_wait3A_1190 = arith.constant 0 : i32
      %dma_wait3A_1191 = arith.constant 2 : i32
      %dma_wait3A_1192 = arith.constant 0 : i32
      %dma_wait3A_1193 = arith.constant 0 : i32
      %dma_wait3A_1194 = tpu.memref_slice %arg12[%dma_wait3A_1191, %dma_wait3A_1192, %dma_wait3A_1193] : memref<5x400x16xf32, #tpu.memory_space<vmem>> -> memref<1x100x16xf32, #tpu.memory_space<vmem>>
      %dma_wait3A_1195 = tpu.memref_squeeze %dma_wait3A_1194 : memref<1x100x16xf32, #tpu.memory_space<vmem>> -> memref<100x16xf32, #tpu.memory_space<vmem>>
      %dma_wait3A_1196 = arith.constant 0 : i32
      %dma_wait3A_1197 = tpu.memref_slice %arg9[%dma_wait3A_1189, %dma_wait3A_1190, %dma_wait3A_1196] : memref<5x4x100xi32, #tpu.memory_space<vmem>> -> memref<1x1x100xi32, #tpu.memory_space<vmem>>
      %dma_wait3A_1198 = tpu.memref_squeeze %dma_wait3A_1197 : memref<1x1x100xi32, #tpu.memory_space<vmem>> -> memref<100xi32, #tpu.memory_space<vmem>>
      %dma_wait3A_1199 = arith.constant 0 : i32
      %dma_wait3A_1200 = arith.constant 0 : i32
      %dma_wait3A_1201 = tpu.memref_slice %arg5[%dma_wait3A_1199, %dma_wait3A_1200] : memref<10000x16xf32, #tpu.memory_space<hbm>> -> memref<10000x16xf32, #tpu.memory_space<hbm>>
      tpu.wait_indirect_dma semaphore(%arg18 : memref<!tpu.dma_semaphore, #tpu.memory_space<semaphore_mem>>) src(%dma_wait3A_1201 : memref<10000x16xf32, #tpu.memory_space<hbm>>) dst(%dma_wait3A_1195 : memref<100x16xf32, #tpu.memory_space<vmem>>)
      %dma_wait3A_1202 = arith.constant 2 : i32
      %dma_wait3A_1203 = arith.constant 0 : i32
      %dma_wait3A_1204 = arith.constant 2 : i32
      %dma_wait3A_1205 = arith.constant 0 : i32
      %dma_wait3A_1206 = arith.constant 0 : i32
      %dma_wait3A_1207 = tpu.memref_slice %arg13[%dma_wait3A_1204, %dma_wait3A_1205, %dma_wait3A_1206] : memref<5x400x16xf32, #tpu.memory_space<vmem>> -> memref<1x100x16xf32, #tpu.memory_space<vmem>>
      %dma_wait3A_1208 = tpu.memref_squeeze %dma_wait3A_1207 : memref<1x100x16xf32, #tpu.memory_space<vmem>> -> memref<100x16xf32, #tpu.memory_space<vmem>>
      %dma_wait3A_1209 = arith.constant 0 : i32
      %dma_wait3A_1210 = tpu.memref_slice %arg10[%dma_wait3A_1202, %dma_wait3A_1203, %dma_wait3A_1209] : memref<5x4x100xi32, #tpu.memory_space<vmem>> -> memref<1x1x100xi32, #tpu.memory_space<vmem>>
      %dma_wait3A_1211 = tpu.memref_squeeze %dma_wait3A_1210 : memref<1x1x100xi32, #tpu.memory_space<vmem>> -> memref<100xi32, #tpu.memory_space<vmem>>
      %dma_wait3A_1212 = arith.constant 0 : i32
      %dma_wait3A_1213 = arith.constant 0 : i32
      %dma_wait3A_1214 = tpu.memref_slice %arg6[%dma_wait3A_1212, %dma_wait3A_1213] : memref<10000x16xf32, #tpu.memory_space<hbm>> -> memref<10000x16xf32, #tpu.memory_space<hbm>>
      tpu.wait_indirect_dma semaphore(%arg18 : memref<!tpu.dma_semaphore, #tpu.memory_space<semaphore_mem>>) src(%dma_wait3A_1214 : memref<10000x16xf32, #tpu.memory_space<hbm>>) dst(%dma_wait3A_1208 : memref<100x16xf32, #tpu.memory_space<vmem>>)
      %dma_wait3A_1215 = arith.constant 2 : i32
      %dma_wait3A_1216 = arith.constant 1 : i32
      %dma_wait3A_1217 = arith.constant 2 : i32
      %dma_wait3A_1218 = arith.constant 100 : i32
      %dma_wait3A_1219 = arith.constant 0 : i32
      %dma_wait3A_1220 = tpu.memref_slice %arg12[%dma_wait3A_1217, %dma_wait3A_1218, %dma_wait3A_1219] : memref<5x400x16xf32, #tpu.memory_space<vmem>> -> memref<1x100x16xf32, #tpu.memory_space<vmem>>
      %dma_wait3A_1221 = tpu.memref_squeeze %dma_wait3A_1220 : memref<1x100x16xf32, #tpu.memory_space<vmem>> -> memref<100x16xf32, #tpu.memory_space<vmem>>
      %dma_wait3A_1222 = arith.constant 0 : i32
      %dma_wait3A_1223 = tpu.memref_slice %arg9[%dma_wait3A_1215, %dma_wait3A_1216, %dma_wait3A_1222] : memref<5x4x100xi32, #tpu.memory_space<vmem>> -> memref<1x1x100xi32, #tpu.memory_space<vmem>>
      %dma_wait3A_1224 = tpu.memref_squeeze %dma_wait3A_1223 : memref<1x1x100xi32, #tpu.memory_space<vmem>> -> memref<100xi32, #tpu.memory_space<vmem>>
      %dma_wait3A_1225 = arith.constant 0 : i32
      %dma_wait3A_1226 = arith.constant 0 : i32
      %dma_wait3A_1227 = tpu.memref_slice %arg5[%dma_wait3A_1225, %dma_wait3A_1226] : memref<10000x16xf32, #tpu.memory_space<hbm>> -> memref<10000x16xf32, #tpu.memory_space<hbm>>
      tpu.wait_indirect_dma semaphore(%arg18 : memref<!tpu.dma_semaphore, #tpu.memory_space<semaphore_mem>>) src(%dma_wait3A_1227 : memref<10000x16xf32, #tpu.memory_space<hbm>>) dst(%dma_wait3A_1221 : memref<100x16xf32, #tpu.memory_space<vmem>>)
      %dma_wait3A_1228 = arith.constant 2 : i32
      %dma_wait3A_1229 = arith.constant 1 : i32
      %dma_wait3A_1230 = arith.constant 2 : i32
      %dma_wait3A_1231 = arith.constant 100 : i32
      %dma_wait3A_1232 = arith.constant 0 : i32
      %dma_wait3A_1233 = tpu.memref_slice %arg13[%dma_wait3A_1230, %dma_wait3A_1231, %dma_wait3A_1232] : memref<5x400x16xf32, #tpu.memory_space<vmem>> -> memref<1x100x16xf32, #tpu.memory_space<vmem>>
      %dma_wait3A_1234 = tpu.memref_squeeze %dma_wait3A_1233 : memref<1x100x16xf32, #tpu.memory_space<vmem>> -> memref<100x16xf32, #tpu.memory_space<vmem>>
      %dma_wait3A_1235 = arith.constant 0 : i32
      %dma_wait3A_1236 = tpu.memref_slice %arg10[%dma_wait3A_1228, %dma_wait3A_1229, %dma_wait3A_1235] : memref<5x4x100xi32, #tpu.memory_space<vmem>> -> memref<1x1x100xi32, #tpu.memory_space<vmem>>
      %dma_wait3A_1237 = tpu.memref_squeeze %dma_wait3A_1236 : memref<1x1x100xi32, #tpu.memory_space<vmem>> -> memref<100xi32, #tpu.memory_space<vmem>>
      %dma_wait3A_1238 = arith.constant 0 : i32
      %dma_wait3A_1239 = arith.constant 0 : i32
      %dma_wait3A_1240 = tpu.memref_slice %arg6[%dma_wait3A_1238, %dma_wait3A_1239] : memref<10000x16xf32, #tpu.memory_space<hbm>> -> memref<10000x16xf32, #tpu.memory_space<hbm>>
      tpu.wait_indirect_dma semaphore(%arg18 : memref<!tpu.dma_semaphore, #tpu.memory_space<semaphore_mem>>) src(%dma_wait3A_1240 : memref<10000x16xf32, #tpu.memory_space<hbm>>) dst(%dma_wait3A_1234 : memref<100x16xf32, #tpu.memory_space<vmem>>)
      %dma_wait3A_1241 = arith.constant 2 : i32
      %dma_wait3A_1242 = arith.constant 2 : i32
      %dma_wait3A_1243 = arith.constant 2 : i32
      %dma_wait3A_1244 = arith.constant 200 : i32
      %dma_wait3A_1245 = arith.constant 0 : i32
      %dma_wait3A_1246 = tpu.memref_slice %arg12[%dma_wait3A_1243, %dma_wait3A_1244, %dma_wait3A_1245] : memref<5x400x16xf32, #tpu.memory_space<vmem>> -> memref<1x100x16xf32, #tpu.memory_space<vmem>>
      %dma_wait3A_1247 = tpu.memref_squeeze %dma_wait3A_1246 : memref<1x100x16xf32, #tpu.memory_space<vmem>> -> memref<100x16xf32, #tpu.memory_space<vmem>>
      %dma_wait3A_1248 = arith.constant 0 : i32
      %dma_wait3A_1249 = tpu.memref_slice %arg9[%dma_wait3A_1241, %dma_wait3A_1242, %dma_wait3A_1248] : memref<5x4x100xi32, #tpu.memory_space<vmem>> -> memref<1x1x100xi32, #tpu.memory_space<vmem>>
      %dma_wait3A_1250 = tpu.memref_squeeze %dma_wait3A_1249 : memref<1x1x100xi32, #tpu.memory_space<vmem>> -> memref<100xi32, #tpu.memory_space<vmem>>
      %dma_wait3A_1251 = arith.constant 0 : i32
      %dma_wait3A_1252 = arith.constant 0 : i32
      %dma_wait3A_1253 = tpu.memref_slice %arg5[%dma_wait3A_1251, %dma_wait3A_1252] : memref<10000x16xf32, #tpu.memory_space<hbm>> -> memref<10000x16xf32, #tpu.memory_space<hbm>>
      tpu.wait_indirect_dma semaphore(%arg18 : memref<!tpu.dma_semaphore, #tpu.memory_space<semaphore_mem>>) src(%dma_wait3A_1253 : memref<10000x16xf32, #tpu.memory_space<hbm>>) dst(%dma_wait3A_1247 : memref<100x16xf32, #tpu.memory_space<vmem>>)
      %dma_wait3A_1254 = arith.constant 2 : i32
      %dma_wait3A_1255 = arith.constant 2 : i32
      %dma_wait3A_1256 = arith.constant 2 : i32
      %dma_wait3A_1257 = arith.constant 200 : i32
      %dma_wait3A_1258 = arith.constant 0 : i32
      %dma_wait3A_1259 = tpu.memref_slice %arg13[%dma_wait3A_1256, %dma_wait3A_1257, %dma_wait3A_1258] : memref<5x400x16xf32, #tpu.memory_space<vmem>> -> memref<1x100x16xf32, #tpu.memory_space<vmem>>
      %dma_wait3A_1260 = tpu.memref_squeeze %dma_wait3A_1259 : memref<1x100x16xf32, #tpu.memory_space<vmem>> -> memref<100x16xf32, #tpu.memory_space<vmem>>
      %dma_wait3A_1261 = arith.constant 0 : i32
      %dma_wait3A_1262 = tpu.memref_slice %arg10[%dma_wait3A_1254, %dma_wait3A_1255, %dma_wait3A_1261] : memref<5x4x100xi32, #tpu.memory_space<vmem>> -> memref<1x1x100xi32, #tpu.memory_space<vmem>>
      %dma_wait3A_1263 = tpu.memref_squeeze %dma_wait3A_1262 : memref<1x1x100xi32, #tpu.memory_space<vmem>> -> memref<100xi32, #tpu.memory_space<vmem>>
      %dma_wait3A_1264 = arith.constant 0 : i32
      %dma_wait3A_1265 = arith.constant 0 : i32
      %dma_wait3A_1266 = tpu.memref_slice %arg6[%dma_wait3A_1264, %dma_wait3A_1265] : memref<10000x16xf32, #tpu.memory_space<hbm>> -> memref<10000x16xf32, #tpu.memory_space<hbm>>
      tpu.wait_indirect_dma semaphore(%arg18 : memref<!tpu.dma_semaphore, #tpu.memory_space<semaphore_mem>>) src(%dma_wait3A_1266 : memref<10000x16xf32, #tpu.memory_space<hbm>>) dst(%dma_wait3A_1260 : memref<100x16xf32, #tpu.memory_space<vmem>>)
      %dma_wait3A_1267 = arith.constant 2 : i32
      %dma_wait3A_1268 = arith.constant 3 : i32
      %dma_wait3A_1269 = arith.constant 2 : i32
      %dma_wait3A_1270 = arith.constant 300 : i32
      %dma_wait3A_1271 = arith.constant 0 : i32
      %dma_wait3A_1272 = tpu.memref_slice %arg12[%dma_wait3A_1269, %dma_wait3A_1270, %dma_wait3A_1271] : memref<5x400x16xf32, #tpu.memory_space<vmem>> -> memref<1x100x16xf32, #tpu.memory_space<vmem>>
      %dma_wait3A_1273 = tpu.memref_squeeze %dma_wait3A_1272 : memref<1x100x16xf32, #tpu.memory_space<vmem>> -> memref<100x16xf32, #tpu.memory_space<vmem>>
      %dma_wait3A_1274 = arith.constant 0 : i32
      %dma_wait3A_1275 = tpu.memref_slice %arg9[%dma_wait3A_1267, %dma_wait3A_1268, %dma_wait3A_1274] : memref<5x4x100xi32, #tpu.memory_space<vmem>> -> memref<1x1x100xi32, #tpu.memory_space<vmem>>
      %dma_wait3A_1276 = tpu.memref_squeeze %dma_wait3A_1275 : memref<1x1x100xi32, #tpu.memory_space<vmem>> -> memref<100xi32, #tpu.memory_space<vmem>>
      %dma_wait3A_1277 = arith.constant 0 : i32
      %dma_wait3A_1278 = arith.constant 0 : i32
      %dma_wait3A_1279 = tpu.memref_slice %arg5[%dma_wait3A_1277, %dma_wait3A_1278] : memref<10000x16xf32, #tpu.memory_space<hbm>> -> memref<10000x16xf32, #tpu.memory_space<hbm>>
      tpu.wait_indirect_dma semaphore(%arg18 : memref<!tpu.dma_semaphore, #tpu.memory_space<semaphore_mem>>) src(%dma_wait3A_1279 : memref<10000x16xf32, #tpu.memory_space<hbm>>) dst(%dma_wait3A_1273 : memref<100x16xf32, #tpu.memory_space<vmem>>)
      %dma_wait3A_1280 = arith.constant 2 : i32
      %dma_wait3A_1281 = arith.constant 3 : i32
      %dma_wait3A_1282 = arith.constant 2 : i32
      %dma_wait3A_1283 = arith.constant 300 : i32
      %dma_wait3A_1284 = arith.constant 0 : i32
      %dma_wait3A_1285 = tpu.memref_slice %arg13[%dma_wait3A_1282, %dma_wait3A_1283, %dma_wait3A_1284] : memref<5x400x16xf32, #tpu.memory_space<vmem>> -> memref<1x100x16xf32, #tpu.memory_space<vmem>>
      %dma_wait3A_1286 = tpu.memref_squeeze %dma_wait3A_1285 : memref<1x100x16xf32, #tpu.memory_space<vmem>> -> memref<100x16xf32, #tpu.memory_space<vmem>>
      %dma_wait3A_1287 = arith.constant 0 : i32
      %dma_wait3A_1288 = tpu.memref_slice %arg10[%dma_wait3A_1280, %dma_wait3A_1281, %dma_wait3A_1287] : memref<5x4x100xi32, #tpu.memory_space<vmem>> -> memref<1x1x100xi32, #tpu.memory_space<vmem>>
      %dma_wait3A_1289 = tpu.memref_squeeze %dma_wait3A_1288 : memref<1x1x100xi32, #tpu.memory_space<vmem>> -> memref<100xi32, #tpu.memory_space<vmem>>
      %dma_wait3A_1290 = arith.constant 0 : i32
      %dma_wait3A_1291 = arith.constant 0 : i32
      %dma_wait3A_1292 = tpu.memref_slice %arg6[%dma_wait3A_1290, %dma_wait3A_1291] : memref<10000x16xf32, #tpu.memory_space<hbm>> -> memref<10000x16xf32, #tpu.memory_space<hbm>>
      tpu.wait_indirect_dma semaphore(%arg18 : memref<!tpu.dma_semaphore, #tpu.memory_space<semaphore_mem>>) src(%dma_wait3A_1292 : memref<10000x16xf32, #tpu.memory_space<hbm>>) dst(%dma_wait3A_1286 : memref<100x16xf32, #tpu.memory_space<vmem>>)
      %dma_wait3A_1293 = arith.constant 2 : i32
      %dma_wait3A_1294 = arith.constant 0 : i32
      %dma_wait3A_1295 = arith.constant 0 : i32
      %dma_wait3A_1296 = tpu.memref_slice %arg11[%dma_wait3A_1293, %dma_wait3A_1294, %dma_wait3A_1295] : memref<5x16x401xf32, #tpu.memory_space<vmem>> -> memref<1x16x400xf32, #tpu.memory_space<vmem>>
      %dma_wait3A_1297 = tpu.memref_squeeze %dma_wait3A_1296 : memref<1x16x400xf32, #tpu.memory_space<vmem>> -> memref<16x400xf32, #tpu.memory_space<vmem>>
      %dma_wait3A_1298 = arith.constant 0 : i32
      %dma_wait3A_1299 = tpu.memref_slice %arg4[%dma_wait3A_1298, %mul3A_168] : memref<16x320000xf32, #tpu.memory_space<hbm>> -> memref<16x400xf32, #tpu.memory_space<hbm>>
      %dma_wait3A_1300 = arith.constant 0 : i32
      %dma_wait3A_1301 = arith.constant 0 : i32
      %dma_wait3A_1302 = tpu.memref_slice %arg11[%dma_wait3A_1293, %dma_wait3A_1300, %dma_wait3A_1301] : memref<5x16x401xf32, #tpu.memory_space<vmem>> -> memref<1x16x400xf32, #tpu.memory_space<vmem>>
      %dma_wait3A_1303 = tpu.memref_squeeze %dma_wait3A_1302 : memref<1x16x400xf32, #tpu.memory_space<vmem>> -> memref<16x400xf32, #tpu.memory_space<vmem>>
      %dma_wait3A_1304 = arith.constant 0 : i32
      %dma_wait3A_1305 = tpu.memref_slice %arg4[%dma_wait3A_1304, %mul3A_168] : memref<16x320000xf32, #tpu.memory_space<hbm>> -> memref<16x400xf32, #tpu.memory_space<hbm>>
      tpu.wait_dma2 semaphore(%arg19 : memref<!tpu.dma_semaphore, #tpu.memory_space<semaphore_mem>>) src(%dma_wait3A_1305 : memref<16x400xf32, #tpu.memory_space<hbm>>) dst(%dma_wait3A_1303 : memref<16x400xf32, #tpu.memory_space<vmem>>)
      %parallel_loop3A_1306 = arith.constant 0 : i32
      %parallel_loop3A_1307 = arith.constant 400 : i32
      %parallel_loop3A_1308 = arith.constant 1 : i32
      scf.for %parallel_loop3A_1584 = %parallel_loop3A_1306 to %parallel_loop3A_1307 step %parallel_loop3A_1308  : i32 {
        %parallel_loop3A_1585 = vector.broadcast %parallel_loop3A_1584 : i32 to vector<16xi32>
        %parallel_loop3A_1586 = arith.constant 2 : i32
        %parallel_loop3A_1587 = arith.constant 0 : i32
        %parallel_loop3A_1588 = arith.constant 0 : i32
        %parallel_loop3A_1589 = tpu.memref_slice %arg11[%parallel_loop3A_1586, %parallel_loop3A_1587, %parallel_loop3A_1588] : memref<5x16x401xf32, #tpu.memory_space<vmem>> -> memref<1x16x401xf32, #tpu.memory_space<vmem>>
        %parallel_loop3A_1590 = tpu.memref_squeeze %parallel_loop3A_1589 : memref<1x16x401xf32, #tpu.memory_space<vmem>> -> memref<16x401xf32, #tpu.memory_space<vmem>>
        %parallel_loop3A_1591 = tpu.vector_load_idx %parallel_loop3A_1590[%iota3A, %parallel_loop3A_1585] : memref<16x401xf32, #tpu.memory_space<vmem>>[vector<16xi32>, vector<16xi32>], vector<16xf32>,
        %parallel_loop3A_1592 = arith.constant 2 : i32
        %parallel_loop3A_1593 = arith.index_cast %parallel_loop3A_1592 : i32 to index
        %parallel_loop3A_1594 = arith.index_cast %parallel_loop3A_1584 : i32 to index
        %parallel_loop3A_1595 = arith.constant 0 : index
        %parallel_loop3A_1596 = tpu.vector_load %arg12[%parallel_loop3A_1593, %parallel_loop3A_1594, %parallel_loop3A_1595] {strides = array<i32>} : memref<5x400x16xf32, #tpu.memory_space<vmem>>, vector<16xf32>,
        %parallel_loop3A_1597 = arith.constant 2 : i32
        %parallel_loop3A_1598 = arith.index_cast %parallel_loop3A_1597 : i32 to index
        %parallel_loop3A_1599 = arith.index_cast %parallel_loop3A_1584 : i32 to index
        %parallel_loop3A_1600 = arith.constant 0 : index
        %parallel_loop3A_1601 = tpu.vector_load %arg13[%parallel_loop3A_1598, %parallel_loop3A_1599, %parallel_loop3A_1600] {strides = array<i32>} : memref<5x400x16xf32, #tpu.memory_space<vmem>>, vector<16xf32>,
        %parallel_loop3A_1602 = arith.addf %parallel_loop3A_1596, %parallel_loop3A_1601 : vector<16xf32>
        %parallel_loop3A_1603 = arith.addf %parallel_loop3A_1602, %parallel_loop3A_1591 : vector<16xf32>
        %parallel_loop3A_1604 = arith.constant 0.000000e+00 : f32
        %parallel_loop3A_1605 = vector.broadcast %parallel_loop3A_1604 : f32 to vector<16xf32>
        %parallel_loop3A_1606 = arith.maximumf %parallel_loop3A_1603, %parallel_loop3A_1605 : vector<16xf32>
        %parallel_loop3A_1607 = arith.index_cast %parallel_loop3A_1584 : i32 to index
        %parallel_loop3A_1608 = arith.constant 0 : index
        %parallel_loop3A_1609 = tpu.vector_load %arg14[%parallel_loop3A_1607, %parallel_loop3A_1608] {strides = array<i32>} : memref<400x16xf32, #tpu.memory_space<vmem>>, vector<16xf32>,
        tpu.vector_store %arg14[%parallel_loop3A_1607, %parallel_loop3A_1608], %parallel_loop3A_1606 {strides = array<i32>} : memref<400x16xf32, #tpu.memory_space<vmem>>, vector<16xf32>,
        tpu.vector_store_idx %arg15[%iota3A, %parallel_loop3A_1585], %parallel_loop3A_1606 : memref<16x401xf32, #tpu.memory_space<vmem>>[vector<16xi32>, vector<16xi32>], vector<16xf32>,
      } {sc.loop_unroll_factor = 16 : i64, sc.parallel_access}
      %mul3A_1309 = arith.constant 400 : i32
      %mul3A_1310 = arith.muli %add3A_1188, %mul3A_1309 : i32
      "tpu.region"() ({
        %run_scoped3A_1584 = tpu.sem_alloc : memref<!tpu.dma_semaphore, #tpu.memory_space<semaphore_mem>>
        %dma_start3A_1585 = arith.constant 0 : i32
        %dma_start3A_1586 = arith.constant 0 : i32
        %dma_start3A_1587 = tpu.memref_slice %arg15[%dma_start3A_1585, %dma_start3A_1586] : memref<16x401xf32, #tpu.memory_space<vmem>> -> memref<16x400xf32, #tpu.memory_space<vmem>>
        %dma_start3A_1588 = arith.constant 0 : i32
        %dma_start3A_1589 = tpu.memref_slice %arg7[%dma_start3A_1588, %mul3A_1310] : memref<16x320000xf32, #tpu.memory_space<hbm>> -> memref<16x400xf32, #tpu.memory_space<hbm>>
        %dma_start3A_1590 = arith.constant 0 : i32
        %dma_start3A_1591 = tpu.memref_slice %arg7[%dma_start3A_1590, %mul3A_1310] : memref<16x320000xf32, #tpu.memory_space<hbm>> -> memref<16x400xf32, #tpu.memory_space<hbm>>
        %dma_start3A_1592 = arith.constant 0 : i32
        %dma_start3A_1593 = arith.constant 0 : i32
        %dma_start3A_1594 = tpu.memref_slice %arg15[%dma_start3A_1592, %dma_start3A_1593] : memref<16x401xf32, #tpu.memory_space<vmem>> -> memref<16x400xf32, #tpu.memory_space<vmem>>
        tpu.enqueue_dma source(%dma_start3A_1594 : memref<16x400xf32, #tpu.memory_space<vmem>>) target(%dma_start3A_1591 : memref<16x400xf32, #tpu.memory_space<hbm>>) target_semaphore(%run_scoped3A_1584 : memref<!tpu.dma_semaphore, #tpu.memory_space<semaphore_mem>>)
        %dma_wait3A_1595 = arith.constant 0 : i32
        %dma_wait3A_1596 = arith.constant 0 : i32
        %dma_wait3A_1597 = tpu.memref_slice %arg15[%dma_wait3A_1595, %dma_wait3A_1596] : memref<16x401xf32, #tpu.memory_space<vmem>> -> memref<16x400xf32, #tpu.memory_space<vmem>>
        %dma_wait3A_1598 = arith.constant 0 : i32
        %dma_wait3A_1599 = tpu.memref_slice %arg7[%dma_wait3A_1598, %mul3A_1310] : memref<16x320000xf32, #tpu.memory_space<hbm>> -> memref<16x400xf32, #tpu.memory_space<hbm>>
        %dma_wait3A_1600 = arith.constant 0 : i32
        %dma_wait3A_1601 = tpu.memref_slice %arg7[%dma_wait3A_1600, %mul3A_1310] : memref<16x320000xf32, #tpu.memory_space<hbm>> -> memref<16x400xf32, #tpu.memory_space<hbm>>
        %dma_wait3A_1602 = arith.constant 0 : i32
        %dma_wait3A_1603 = arith.constant 0 : i32
        %dma_wait3A_1604 = tpu.memref_slice %arg15[%dma_wait3A_1602, %dma_wait3A_1603] : memref<16x401xf32, #tpu.memory_space<vmem>> -> memref<16x400xf32, #tpu.memory_space<vmem>>
        tpu.wait_dma2 semaphore(%run_scoped3A_1584 : memref<!tpu.dma_semaphore, #tpu.memory_space<semaphore_mem>>) src(%dma_wait3A_1604 : memref<16x400xf32, #tpu.memory_space<vmem>>) dst(%dma_wait3A_1601 : memref<16x400xf32, #tpu.memory_space<hbm>>)
        tpu.yield
      }) : () -> ()
      %run_scoped3A_1311 = arith.constant 2 : i32
      %run_scoped3A_1312 = arith.constant 0 : i32
      "tpu.region"() ({
        %run_scoped3A_1584 = tpu.sem_alloc : memref<!tpu.dma_semaphore, #tpu.memory_space<semaphore_mem>>
        %dma_start3A_1585 = arith.constant 0 : i32
        %dma_start3A_1586 = arith.constant 0 : i32
        %dma_start3A_1587 = tpu.memref_slice %arg14[%dma_start3A_1585, %dma_start3A_1586] : memref<400x16xf32, #tpu.memory_space<vmem>> -> memref<100x16xf32, #tpu.memory_space<vmem>>
        %dma_start3A_1588 = arith.constant 0 : i32
        %dma_start3A_1589 = tpu.memref_slice %arg10[%run_scoped3A_1311, %run_scoped3A_1312, %dma_start3A_1588] : memref<5x4x100xi32, #tpu.memory_space<vmem>> -> memref<1x1x100xi32, #tpu.memory_space<vmem>>
        %dma_start3A_1590 = tpu.memref_squeeze %dma_start3A_1589 : memref<1x1x100xi32, #tpu.memory_space<vmem>> -> memref<100xi32, #tpu.memory_space<vmem>>
        %dma_start3A_1591 = arith.constant 0 : i32
        %dma_start3A_1592 = arith.constant 0 : i32
        %dma_start3A_1593 = tpu.memref_slice %arg17[%dma_start3A_1591, %dma_start3A_1592] : memref<10240x16xf32, #tpu.memory_space<vmem_shared>> -> memref<10240x16xf32, #tpu.memory_space<vmem_shared>>
        tpu.enqueue_indirect_dma source(%dma_start3A_1587 : memref<100x16xf32, #tpu.memory_space<vmem>>) target(%dma_start3A_1593 : memref<10240x16xf32, #tpu.memory_space<vmem_shared>>) offsets(%dma_start3A_1590 : memref<100xi32, #tpu.memory_space<vmem>>) semaphore(%run_scoped3A_1584 : memref<!tpu.dma_semaphore, #tpu.memory_space<semaphore_mem>>) {add = true}
        %dma_wait3A_1594 = arith.constant 0 : i32
        %dma_wait3A_1595 = arith.constant 0 : i32
        %dma_wait3A_1596 = tpu.memref_slice %arg14[%dma_wait3A_1594, %dma_wait3A_1595] : memref<400x16xf32, #tpu.memory_space<vmem>> -> memref<100x16xf32, #tpu.memory_space<vmem>>
        %dma_wait3A_1597 = arith.constant 0 : i32
        %dma_wait3A_1598 = tpu.memref_slice %arg10[%run_scoped3A_1311, %run_scoped3A_1312, %dma_wait3A_1597] : memref<5x4x100xi32, #tpu.memory_space<vmem>> -> memref<1x1x100xi32, #tpu.memory_space<vmem>>
        %dma_wait3A_1599 = tpu.memref_squeeze %dma_wait3A_1598 : memref<1x1x100xi32, #tpu.memory_space<vmem>> -> memref<100xi32, #tpu.memory_space<vmem>>
        %dma_wait3A_1600 = arith.constant 0 : i32
        %dma_wait3A_1601 = arith.constant 0 : i32
        %dma_wait3A_1602 = tpu.memref_slice %arg17[%dma_wait3A_1600, %dma_wait3A_1601] : memref<10240x16xf32, #tpu.memory_space<vmem_shared>> -> memref<10240x16xf32, #tpu.memory_space<vmem_shared>>
        tpu.wait_indirect_dma semaphore(%run_scoped3A_1584 : memref<!tpu.dma_semaphore, #tpu.memory_space<semaphore_mem>>) src(%dma_wait3A_1596 : memref<100x16xf32, #tpu.memory_space<vmem>>) dst(%dma_wait3A_1602 : memref<10240x16xf32, #tpu.memory_space<vmem_shared>>)
        tpu.yield
      }) : () -> ()
      %run_scoped3A_1313 = arith.constant 2 : i32
      %run_scoped3A_1314 = arith.constant 1 : i32
      "tpu.region"() ({
        %run_scoped3A_1584 = tpu.sem_alloc : memref<!tpu.dma_semaphore, #tpu.memory_space<semaphore_mem>>
        %dma_start3A_1585 = arith.constant 100 : i32
        %dma_start3A_1586 = arith.constant 0 : i32
        %dma_start3A_1587 = tpu.memref_slice %arg14[%dma_start3A_1585, %dma_start3A_1586] : memref<400x16xf32, #tpu.memory_space<vmem>> -> memref<100x16xf32, #tpu.memory_space<vmem>>
        %dma_start3A_1588 = arith.constant 0 : i32
        %dma_start3A_1589 = tpu.memref_slice %arg10[%run_scoped3A_1313, %run_scoped3A_1314, %dma_start3A_1588] : memref<5x4x100xi32, #tpu.memory_space<vmem>> -> memref<1x1x100xi32, #tpu.memory_space<vmem>>
        %dma_start3A_1590 = tpu.memref_squeeze %dma_start3A_1589 : memref<1x1x100xi32, #tpu.memory_space<vmem>> -> memref<100xi32, #tpu.memory_space<vmem>>
        %dma_start3A_1591 = arith.constant 0 : i32
        %dma_start3A_1592 = arith.constant 0 : i32
        %dma_start3A_1593 = tpu.memref_slice %arg17[%dma_start3A_1591, %dma_start3A_1592] : memref<10240x16xf32, #tpu.memory_space<vmem_shared>> -> memref<10240x16xf32, #tpu.memory_space<vmem_shared>>
        tpu.enqueue_indirect_dma source(%dma_start3A_1587 : memref<100x16xf32, #tpu.memory_space<vmem>>) target(%dma_start3A_1593 : memref<10240x16xf32, #tpu.memory_space<vmem_shared>>) offsets(%dma_start3A_1590 : memref<100xi32, #tpu.memory_space<vmem>>) semaphore(%run_scoped3A_1584 : memref<!tpu.dma_semaphore, #tpu.memory_space<semaphore_mem>>) {add = true}
        %dma_wait3A_1594 = arith.constant 100 : i32
        %dma_wait3A_1595 = arith.constant 0 : i32
        %dma_wait3A_1596 = tpu.memref_slice %arg14[%dma_wait3A_1594, %dma_wait3A_1595] : memref<400x16xf32, #tpu.memory_space<vmem>> -> memref<100x16xf32, #tpu.memory_space<vmem>>
        %dma_wait3A_1597 = arith.constant 0 : i32
        %dma_wait3A_1598 = tpu.memref_slice %arg10[%run_scoped3A_1313, %run_scoped3A_1314, %dma_wait3A_1597] : memref<5x4x100xi32, #tpu.memory_space<vmem>> -> memref<1x1x100xi32, #tpu.memory_space<vmem>>
        %dma_wait3A_1599 = tpu.memref_squeeze %dma_wait3A_1598 : memref<1x1x100xi32, #tpu.memory_space<vmem>> -> memref<100xi32, #tpu.memory_space<vmem>>
        %dma_wait3A_1600 = arith.constant 0 : i32
        %dma_wait3A_1601 = arith.constant 0 : i32
        %dma_wait3A_1602 = tpu.memref_slice %arg17[%dma_wait3A_1600, %dma_wait3A_1601] : memref<10240x16xf32, #tpu.memory_space<vmem_shared>> -> memref<10240x16xf32, #tpu.memory_space<vmem_shared>>
        tpu.wait_indirect_dma semaphore(%run_scoped3A_1584 : memref<!tpu.dma_semaphore, #tpu.memory_space<semaphore_mem>>) src(%dma_wait3A_1596 : memref<100x16xf32, #tpu.memory_space<vmem>>) dst(%dma_wait3A_1602 : memref<10240x16xf32, #tpu.memory_space<vmem_shared>>)
        tpu.yield
      }) : () -> ()
      %run_scoped3A_1315 = arith.constant 2 : i32
      %run_scoped3A_1316 = arith.constant 2 : i32
      "tpu.region"() ({
        %run_scoped3A_1584 = tpu.sem_alloc : memref<!tpu.dma_semaphore, #tpu.memory_space<semaphore_mem>>
        %dma_start3A_1585 = arith.constant 200 : i32
        %dma_start3A_1586 = arith.constant 0 : i32
        %dma_start3A_1587 = tpu.memref_slice %arg14[%dma_start3A_1585, %dma_start3A_1586] : memref<400x16xf32, #tpu.memory_space<vmem>> -> memref<100x16xf32, #tpu.memory_space<vmem>>
        %dma_start3A_1588 = arith.constant 0 : i32
        %dma_start3A_1589 = tpu.memref_slice %arg10[%run_scoped3A_1315, %run_scoped3A_1316, %dma_start3A_1588] : memref<5x4x100xi32, #tpu.memory_space<vmem>> -> memref<1x1x100xi32, #tpu.memory_space<vmem>>
        %dma_start3A_1590 = tpu.memref_squeeze %dma_start3A_1589 : memref<1x1x100xi32, #tpu.memory_space<vmem>> -> memref<100xi32, #tpu.memory_space<vmem>>
        %dma_start3A_1591 = arith.constant 0 : i32
        %dma_start3A_1592 = arith.constant 0 : i32
        %dma_start3A_1593 = tpu.memref_slice %arg17[%dma_start3A_1591, %dma_start3A_1592] : memref<10240x16xf32, #tpu.memory_space<vmem_shared>> -> memref<10240x16xf32, #tpu.memory_space<vmem_shared>>
        tpu.enqueue_indirect_dma source(%dma_start3A_1587 : memref<100x16xf32, #tpu.memory_space<vmem>>) target(%dma_start3A_1593 : memref<10240x16xf32, #tpu.memory_space<vmem_shared>>) offsets(%dma_start3A_1590 : memref<100xi32, #tpu.memory_space<vmem>>) semaphore(%run_scoped3A_1584 : memref<!tpu.dma_semaphore, #tpu.memory_space<semaphore_mem>>) {add = true}
        %dma_wait3A_1594 = arith.constant 200 : i32
        %dma_wait3A_1595 = arith.constant 0 : i32
        %dma_wait3A_1596 = tpu.memref_slice %arg14[%dma_wait3A_1594, %dma_wait3A_1595] : memref<400x16xf32, #tpu.memory_space<vmem>> -> memref<100x16xf32, #tpu.memory_space<vmem>>
        %dma_wait3A_1597 = arith.constant 0 : i32
        %dma_wait3A_1598 = tpu.memref_slice %arg10[%run_scoped3A_1315, %run_scoped3A_1316, %dma_wait3A_1597] : memref<5x4x100xi32, #tpu.memory_space<vmem>> -> memref<1x1x100xi32, #tpu.memory_space<vmem>>
        %dma_wait3A_1599 = tpu.memref_squeeze %dma_wait3A_1598 : memref<1x1x100xi32, #tpu.memory_space<vmem>> -> memref<100xi32, #tpu.memory_space<vmem>>
        %dma_wait3A_1600 = arith.constant 0 : i32
        %dma_wait3A_1601 = arith.constant 0 : i32
        %dma_wait3A_1602 = tpu.memref_slice %arg17[%dma_wait3A_1600, %dma_wait3A_1601] : memref<10240x16xf32, #tpu.memory_space<vmem_shared>> -> memref<10240x16xf32, #tpu.memory_space<vmem_shared>>
        tpu.wait_indirect_dma semaphore(%run_scoped3A_1584 : memref<!tpu.dma_semaphore, #tpu.memory_space<semaphore_mem>>) src(%dma_wait3A_1596 : memref<100x16xf32, #tpu.memory_space<vmem>>) dst(%dma_wait3A_1602 : memref<10240x16xf32, #tpu.memory_space<vmem_shared>>)
        tpu.yield
      }) : () -> ()
      %run_scoped3A_1317 = arith.constant 2 : i32
      %run_scoped3A_1318 = arith.constant 3 : i32
      "tpu.region"() ({
        %run_scoped3A_1584 = tpu.sem_alloc : memref<!tpu.dma_semaphore, #tpu.memory_space<semaphore_mem>>
        %dma_start3A_1585 = arith.constant 300 : i32
        %dma_start3A_1586 = arith.constant 0 : i32
        %dma_start3A_1587 = tpu.memref_slice %arg14[%dma_start3A_1585, %dma_start3A_1586] : memref<400x16xf32, #tpu.memory_space<vmem>> -> memref<100x16xf32, #tpu.memory_space<vmem>>
        %dma_start3A_1588 = arith.constant 0 : i32
        %dma_start3A_1589 = tpu.memref_slice %arg10[%run_scoped3A_1317, %run_scoped3A_1318, %dma_start3A_1588] : memref<5x4x100xi32, #tpu.memory_space<vmem>> -> memref<1x1x100xi32, #tpu.memory_space<vmem>>
        %dma_start3A_1590 = tpu.memref_squeeze %dma_start3A_1589 : memref<1x1x100xi32, #tpu.memory_space<vmem>> -> memref<100xi32, #tpu.memory_space<vmem>>
        %dma_start3A_1591 = arith.constant 0 : i32
        %dma_start3A_1592 = arith.constant 0 : i32
        %dma_start3A_1593 = tpu.memref_slice %arg17[%dma_start3A_1591, %dma_start3A_1592] : memref<10240x16xf32, #tpu.memory_space<vmem_shared>> -> memref<10240x16xf32, #tpu.memory_space<vmem_shared>>
        tpu.enqueue_indirect_dma source(%dma_start3A_1587 : memref<100x16xf32, #tpu.memory_space<vmem>>) target(%dma_start3A_1593 : memref<10240x16xf32, #tpu.memory_space<vmem_shared>>) offsets(%dma_start3A_1590 : memref<100xi32, #tpu.memory_space<vmem>>) semaphore(%run_scoped3A_1584 : memref<!tpu.dma_semaphore, #tpu.memory_space<semaphore_mem>>) {add = true}
        %dma_wait3A_1594 = arith.constant 300 : i32
        %dma_wait3A_1595 = arith.constant 0 : i32
        %dma_wait3A_1596 = tpu.memref_slice %arg14[%dma_wait3A_1594, %dma_wait3A_1595] : memref<400x16xf32, #tpu.memory_space<vmem>> -> memref<100x16xf32, #tpu.memory_space<vmem>>
        %dma_wait3A_1597 = arith.constant 0 : i32
        %dma_wait3A_1598 = tpu.memref_slice %arg10[%run_scoped3A_1317, %run_scoped3A_1318, %dma_wait3A_1597] : memref<5x4x100xi32, #tpu.memory_space<vmem>> -> memref<1x1x100xi32, #tpu.memory_space<vmem>>
        %dma_wait3A_1599 = tpu.memref_squeeze %dma_wait3A_1598 : memref<1x1x100xi32, #tpu.memory_space<vmem>> -> memref<100xi32, #tpu.memory_space<vmem>>
        %dma_wait3A_1600 = arith.constant 0 : i32
        %dma_wait3A_1601 = arith.constant 0 : i32
        %dma_wait3A_1602 = tpu.memref_slice %arg17[%dma_wait3A_1600, %dma_wait3A_1601] : memref<10240x16xf32, #tpu.memory_space<vmem_shared>> -> memref<10240x16xf32, #tpu.memory_space<vmem_shared>>
        tpu.wait_indirect_dma semaphore(%run_scoped3A_1584 : memref<!tpu.dma_semaphore, #tpu.memory_space<semaphore_mem>>) src(%dma_wait3A_1596 : memref<100x16xf32, #tpu.memory_space<vmem>>) dst(%dma_wait3A_1602 : memref<10240x16xf32, #tpu.memory_space<vmem_shared>>)
        tpu.yield
      }) : () -> ()
      %add3A_1319 = arith.constant 96 : i32
      %add3A_1320 = arith.addi %add3A_41, %add3A_1319 : i32
      %dma_wait3A_1321 = arith.constant 3 : i32
      %dma_wait3A_1322 = arith.constant 0 : i32
      %dma_wait3A_1323 = arith.constant 3 : i32
      %dma_wait3A_1324 = arith.constant 0 : i32
      %dma_wait3A_1325 = arith.constant 0 : i32
      %dma_wait3A_1326 = tpu.memref_slice %arg12[%dma_wait3A_1323, %dma_wait3A_1324, %dma_wait3A_1325] : memref<5x400x16xf32, #tpu.memory_space<vmem>> -> memref<1x100x16xf32, #tpu.memory_space<vmem>>
      %dma_wait3A_1327 = tpu.memref_squeeze %dma_wait3A_1326 : memref<1x100x16xf32, #tpu.memory_space<vmem>> -> memref<100x16xf32, #tpu.memory_space<vmem>>
      %dma_wait3A_1328 = arith.constant 0 : i32
      %dma_wait3A_1329 = tpu.memref_slice %arg9[%dma_wait3A_1321, %dma_wait3A_1322, %dma_wait3A_1328] : memref<5x4x100xi32, #tpu.memory_space<vmem>> -> memref<1x1x100xi32, #tpu.memory_space<vmem>>
      %dma_wait3A_1330 = tpu.memref_squeeze %dma_wait3A_1329 : memref<1x1x100xi32, #tpu.memory_space<vmem>> -> memref<100xi32, #tpu.memory_space<vmem>>
      %dma_wait3A_1331 = arith.constant 0 : i32
      %dma_wait3A_1332 = arith.constant 0 : i32
      %dma_wait3A_1333 = tpu.memref_slice %arg5[%dma_wait3A_1331, %dma_wait3A_1332] : memref<10000x16xf32, #tpu.memory_space<hbm>> -> memref<10000x16xf32, #tpu.memory_space<hbm>>
      tpu.wait_indirect_dma semaphore(%arg18 : memref<!tpu.dma_semaphore, #tpu.memory_space<semaphore_mem>>) src(%dma_wait3A_1333 : memref<10000x16xf32, #tpu.memory_space<hbm>>) dst(%dma_wait3A_1327 : memref<100x16xf32, #tpu.memory_space<vmem>>)
      %dma_wait3A_1334 = arith.constant 3 : i32
      %dma_wait3A_1335 = arith.constant 0 : i32
      %dma_wait3A_1336 = arith.constant 3 : i32
      %dma_wait3A_1337 = arith.constant 0 : i32
      %dma_wait3A_1338 = arith.constant 0 : i32
      %dma_wait3A_1339 = tpu.memref_slice %arg13[%dma_wait3A_1336, %dma_wait3A_1337, %dma_wait3A_1338] : memref<5x400x16xf32, #tpu.memory_space<vmem>> -> memref<1x100x16xf32, #tpu.memory_space<vmem>>
      %dma_wait3A_1340 = tpu.memref_squeeze %dma_wait3A_1339 : memref<1x100x16xf32, #tpu.memory_space<vmem>> -> memref<100x16xf32, #tpu.memory_space<vmem>>
      %dma_wait3A_1341 = arith.constant 0 : i32
      %dma_wait3A_1342 = tpu.memref_slice %arg10[%dma_wait3A_1334, %dma_wait3A_1335, %dma_wait3A_1341] : memref<5x4x100xi32, #tpu.memory_space<vmem>> -> memref<1x1x100xi32, #tpu.memory_space<vmem>>
      %dma_wait3A_1343 = tpu.memref_squeeze %dma_wait3A_1342 : memref<1x1x100xi32, #tpu.memory_space<vmem>> -> memref<100xi32, #tpu.memory_space<vmem>>
      %dma_wait3A_1344 = arith.constant 0 : i32
      %dma_wait3A_1345 = arith.constant 0 : i32
      %dma_wait3A_1346 = tpu.memref_slice %arg6[%dma_wait3A_1344, %dma_wait3A_1345] : memref<10000x16xf32, #tpu.memory_space<hbm>> -> memref<10000x16xf32, #tpu.memory_space<hbm>>
      tpu.wait_indirect_dma semaphore(%arg18 : memref<!tpu.dma_semaphore, #tpu.memory_space<semaphore_mem>>) src(%dma_wait3A_1346 : memref<10000x16xf32, #tpu.memory_space<hbm>>) dst(%dma_wait3A_1340 : memref<100x16xf32, #tpu.memory_space<vmem>>)
      %dma_wait3A_1347 = arith.constant 3 : i32
      %dma_wait3A_1348 = arith.constant 1 : i32
      %dma_wait3A_1349 = arith.constant 3 : i32
      %dma_wait3A_1350 = arith.constant 100 : i32
      %dma_wait3A_1351 = arith.constant 0 : i32
      %dma_wait3A_1352 = tpu.memref_slice %arg12[%dma_wait3A_1349, %dma_wait3A_1350, %dma_wait3A_1351] : memref<5x400x16xf32, #tpu.memory_space<vmem>> -> memref<1x100x16xf32, #tpu.memory_space<vmem>>
      %dma_wait3A_1353 = tpu.memref_squeeze %dma_wait3A_1352 : memref<1x100x16xf32, #tpu.memory_space<vmem>> -> memref<100x16xf32, #tpu.memory_space<vmem>>
      %dma_wait3A_1354 = arith.constant 0 : i32
      %dma_wait3A_1355 = tpu.memref_slice %arg9[%dma_wait3A_1347, %dma_wait3A_1348, %dma_wait3A_1354] : memref<5x4x100xi32, #tpu.memory_space<vmem>> -> memref<1x1x100xi32, #tpu.memory_space<vmem>>
      %dma_wait3A_1356 = tpu.memref_squeeze %dma_wait3A_1355 : memref<1x1x100xi32, #tpu.memory_space<vmem>> -> memref<100xi32, #tpu.memory_space<vmem>>
      %dma_wait3A_1357 = arith.constant 0 : i32
      %dma_wait3A_1358 = arith.constant 0 : i32
      %dma_wait3A_1359 = tpu.memref_slice %arg5[%dma_wait3A_1357, %dma_wait3A_1358] : memref<10000x16xf32, #tpu.memory_space<hbm>> -> memref<10000x16xf32, #tpu.memory_space<hbm>>
      tpu.wait_indirect_dma semaphore(%arg18 : memref<!tpu.dma_semaphore, #tpu.memory_space<semaphore_mem>>) src(%dma_wait3A_1359 : memref<10000x16xf32, #tpu.memory_space<hbm>>) dst(%dma_wait3A_1353 : memref<100x16xf32, #tpu.memory_space<vmem>>)
      %dma_wait3A_1360 = arith.constant 3 : i32
      %dma_wait3A_1361 = arith.constant 1 : i32
      %dma_wait3A_1362 = arith.constant 3 : i32
      %dma_wait3A_1363 = arith.constant 100 : i32
      %dma_wait3A_1364 = arith.constant 0 : i32
      %dma_wait3A_1365 = tpu.memref_slice %arg13[%dma_wait3A_1362, %dma_wait3A_1363, %dma_wait3A_1364] : memref<5x400x16xf32, #tpu.memory_space<vmem>> -> memref<1x100x16xf32, #tpu.memory_space<vmem>>
      %dma_wait3A_1366 = tpu.memref_squeeze %dma_wait3A_1365 : memref<1x100x16xf32, #tpu.memory_space<vmem>> -> memref<100x16xf32, #tpu.memory_space<vmem>>
      %dma_wait3A_1367 = arith.constant 0 : i32
      %dma_wait3A_1368 = tpu.memref_slice %arg10[%dma_wait3A_1360, %dma_wait3A_1361, %dma_wait3A_1367] : memref<5x4x100xi32, #tpu.memory_space<vmem>> -> memref<1x1x100xi32, #tpu.memory_space<vmem>>
      %dma_wait3A_1369 = tpu.memref_squeeze %dma_wait3A_1368 : memref<1x1x100xi32, #tpu.memory_space<vmem>> -> memref<100xi32, #tpu.memory_space<vmem>>
      %dma_wait3A_1370 = arith.constant 0 : i32
      %dma_wait3A_1371 = arith.constant 0 : i32
      %dma_wait3A_1372 = tpu.memref_slice %arg6[%dma_wait3A_1370, %dma_wait3A_1371] : memref<10000x16xf32, #tpu.memory_space<hbm>> -> memref<10000x16xf32, #tpu.memory_space<hbm>>
      tpu.wait_indirect_dma semaphore(%arg18 : memref<!tpu.dma_semaphore, #tpu.memory_space<semaphore_mem>>) src(%dma_wait3A_1372 : memref<10000x16xf32, #tpu.memory_space<hbm>>) dst(%dma_wait3A_1366 : memref<100x16xf32, #tpu.memory_space<vmem>>)
      %dma_wait3A_1373 = arith.constant 3 : i32
      %dma_wait3A_1374 = arith.constant 2 : i32
      %dma_wait3A_1375 = arith.constant 3 : i32
      %dma_wait3A_1376 = arith.constant 200 : i32
      %dma_wait3A_1377 = arith.constant 0 : i32
      %dma_wait3A_1378 = tpu.memref_slice %arg12[%dma_wait3A_1375, %dma_wait3A_1376, %dma_wait3A_1377] : memref<5x400x16xf32, #tpu.memory_space<vmem>> -> memref<1x100x16xf32, #tpu.memory_space<vmem>>
      %dma_wait3A_1379 = tpu.memref_squeeze %dma_wait3A_1378 : memref<1x100x16xf32, #tpu.memory_space<vmem>> -> memref<100x16xf32, #tpu.memory_space<vmem>>
      %dma_wait3A_1380 = arith.constant 0 : i32
      %dma_wait3A_1381 = tpu.memref_slice %arg9[%dma_wait3A_1373, %dma_wait3A_1374, %dma_wait3A_1380] : memref<5x4x100xi32, #tpu.memory_space<vmem>> -> memref<1x1x100xi32, #tpu.memory_space<vmem>>
      %dma_wait3A_1382 = tpu.memref_squeeze %dma_wait3A_1381 : memref<1x1x100xi32, #tpu.memory_space<vmem>> -> memref<100xi32, #tpu.memory_space<vmem>>
      %dma_wait3A_1383 = arith.constant 0 : i32
      %dma_wait3A_1384 = arith.constant 0 : i32
      %dma_wait3A_1385 = tpu.memref_slice %arg5[%dma_wait3A_1383, %dma_wait3A_1384] : memref<10000x16xf32, #tpu.memory_space<hbm>> -> memref<10000x16xf32, #tpu.memory_space<hbm>>
      tpu.wait_indirect_dma semaphore(%arg18 : memref<!tpu.dma_semaphore, #tpu.memory_space<semaphore_mem>>) src(%dma_wait3A_1385 : memref<10000x16xf32, #tpu.memory_space<hbm>>) dst(%dma_wait3A_1379 : memref<100x16xf32, #tpu.memory_space<vmem>>)
      %dma_wait3A_1386 = arith.constant 3 : i32
      %dma_wait3A_1387 = arith.constant 2 : i32
      %dma_wait3A_1388 = arith.constant 3 : i32
      %dma_wait3A_1389 = arith.constant 200 : i32
      %dma_wait3A_1390 = arith.constant 0 : i32
      %dma_wait3A_1391 = tpu.memref_slice %arg13[%dma_wait3A_1388, %dma_wait3A_1389, %dma_wait3A_1390] : memref<5x400x16xf32, #tpu.memory_space<vmem>> -> memref<1x100x16xf32, #tpu.memory_space<vmem>>
      %dma_wait3A_1392 = tpu.memref_squeeze %dma_wait3A_1391 : memref<1x100x16xf32, #tpu.memory_space<vmem>> -> memref<100x16xf32, #tpu.memory_space<vmem>>
      %dma_wait3A_1393 = arith.constant 0 : i32
      %dma_wait3A_1394 = tpu.memref_slice %arg10[%dma_wait3A_1386, %dma_wait3A_1387, %dma_wait3A_1393] : memref<5x4x100xi32, #tpu.memory_space<vmem>> -> memref<1x1x100xi32, #tpu.memory_space<vmem>>
      %dma_wait3A_1395 = tpu.memref_squeeze %dma_wait3A_1394 : memref<1x1x100xi32, #tpu.memory_space<vmem>> -> memref<100xi32, #tpu.memory_space<vmem>>
      %dma_wait3A_1396 = arith.constant 0 : i32
      %dma_wait3A_1397 = arith.constant 0 : i32
      %dma_wait3A_1398 = tpu.memref_slice %arg6[%dma_wait3A_1396, %dma_wait3A_1397] : memref<10000x16xf32, #tpu.memory_space<hbm>> -> memref<10000x16xf32, #tpu.memory_space<hbm>>
      tpu.wait_indirect_dma semaphore(%arg18 : memref<!tpu.dma_semaphore, #tpu.memory_space<semaphore_mem>>) src(%dma_wait3A_1398 : memref<10000x16xf32, #tpu.memory_space<hbm>>) dst(%dma_wait3A_1392 : memref<100x16xf32, #tpu.memory_space<vmem>>)
      %dma_wait3A_1399 = arith.constant 3 : i32
      %dma_wait3A_1400 = arith.constant 3 : i32
      %dma_wait3A_1401 = arith.constant 3 : i32
      %dma_wait3A_1402 = arith.constant 300 : i32
      %dma_wait3A_1403 = arith.constant 0 : i32
      %dma_wait3A_1404 = tpu.memref_slice %arg12[%dma_wait3A_1401, %dma_wait3A_1402, %dma_wait3A_1403] : memref<5x400x16xf32, #tpu.memory_space<vmem>> -> memref<1x100x16xf32, #tpu.memory_space<vmem>>
      %dma_wait3A_1405 = tpu.memref_squeeze %dma_wait3A_1404 : memref<1x100x16xf32, #tpu.memory_space<vmem>> -> memref<100x16xf32, #tpu.memory_space<vmem>>
      %dma_wait3A_1406 = arith.constant 0 : i32
      %dma_wait3A_1407 = tpu.memref_slice %arg9[%dma_wait3A_1399, %dma_wait3A_1400, %dma_wait3A_1406] : memref<5x4x100xi32, #tpu.memory_space<vmem>> -> memref<1x1x100xi32, #tpu.memory_space<vmem>>
      %dma_wait3A_1408 = tpu.memref_squeeze %dma_wait3A_1407 : memref<1x1x100xi32, #tpu.memory_space<vmem>> -> memref<100xi32, #tpu.memory_space<vmem>>
      %dma_wait3A_1409 = arith.constant 0 : i32
      %dma_wait3A_1410 = arith.constant 0 : i32
      %dma_wait3A_1411 = tpu.memref_slice %arg5[%dma_wait3A_1409, %dma_wait3A_1410] : memref<10000x16xf32, #tpu.memory_space<hbm>> -> memref<10000x16xf32, #tpu.memory_space<hbm>>
      tpu.wait_indirect_dma semaphore(%arg18 : memref<!tpu.dma_semaphore, #tpu.memory_space<semaphore_mem>>) src(%dma_wait3A_1411 : memref<10000x16xf32, #tpu.memory_space<hbm>>) dst(%dma_wait3A_1405 : memref<100x16xf32, #tpu.memory_space<vmem>>)
      %dma_wait3A_1412 = arith.constant 3 : i32
      %dma_wait3A_1413 = arith.constant 3 : i32
      %dma_wait3A_1414 = arith.constant 3 : i32
      %dma_wait3A_1415 = arith.constant 300 : i32
      %dma_wait3A_1416 = arith.constant 0 : i32
      %dma_wait3A_1417 = tpu.memref_slice %arg13[%dma_wait3A_1414, %dma_wait3A_1415, %dma_wait3A_1416] : memref<5x400x16xf32, #tpu.memory_space<vmem>> -> memref<1x100x16xf32, #tpu.memory_space<vmem>>
      %dma_wait3A_1418 = tpu.memref_squeeze %dma_wait3A_1417 : memref<1x100x16xf32, #tpu.memory_space<vmem>> -> memref<100x16xf32, #tpu.memory_space<vmem>>
      %dma_wait3A_1419 = arith.constant 0 : i32
      %dma_wait3A_1420 = tpu.memref_slice %arg10[%dma_wait3A_1412, %dma_wait3A_1413, %dma_wait3A_1419] : memref<5x4x100xi32, #tpu.memory_space<vmem>> -> memref<1x1x100xi32, #tpu.memory_space<vmem>>
      %dma_wait3A_1421 = tpu.memref_squeeze %dma_wait3A_1420 : memref<1x1x100xi32, #tpu.memory_space<vmem>> -> memref<100xi32, #tpu.memory_space<vmem>>
      %dma_wait3A_1422 = arith.constant 0 : i32
      %dma_wait3A_1423 = arith.constant 0 : i32
      %dma_wait3A_1424 = tpu.memref_slice %arg6[%dma_wait3A_1422, %dma_wait3A_1423] : memref<10000x16xf32, #tpu.memory_space<hbm>> -> memref<10000x16xf32, #tpu.memory_space<hbm>>
      tpu.wait_indirect_dma semaphore(%arg18 : memref<!tpu.dma_semaphore, #tpu.memory_space<semaphore_mem>>) src(%dma_wait3A_1424 : memref<10000x16xf32, #tpu.memory_space<hbm>>) dst(%dma_wait3A_1418 : memref<100x16xf32, #tpu.memory_space<vmem>>)
      %dma_wait3A_1425 = arith.constant 3 : i32
      %dma_wait3A_1426 = arith.constant 0 : i32
      %dma_wait3A_1427 = arith.constant 0 : i32
      %dma_wait3A_1428 = tpu.memref_slice %arg11[%dma_wait3A_1425, %dma_wait3A_1426, %dma_wait3A_1427] : memref<5x16x401xf32, #tpu.memory_space<vmem>> -> memref<1x16x400xf32, #tpu.memory_space<vmem>>
      %dma_wait3A_1429 = tpu.memref_squeeze %dma_wait3A_1428 : memref<1x16x400xf32, #tpu.memory_space<vmem>> -> memref<16x400xf32, #tpu.memory_space<vmem>>
      %dma_wait3A_1430 = arith.constant 0 : i32
      %dma_wait3A_1431 = tpu.memref_slice %arg4[%dma_wait3A_1430, %mul3A_215] : memref<16x320000xf32, #tpu.memory_space<hbm>> -> memref<16x400xf32, #tpu.memory_space<hbm>>
      %dma_wait3A_1432 = arith.constant 0 : i32
      %dma_wait3A_1433 = arith.constant 0 : i32
      %dma_wait3A_1434 = tpu.memref_slice %arg11[%dma_wait3A_1425, %dma_wait3A_1432, %dma_wait3A_1433] : memref<5x16x401xf32, #tpu.memory_space<vmem>> -> memref<1x16x400xf32, #tpu.memory_space<vmem>>
      %dma_wait3A_1435 = tpu.memref_squeeze %dma_wait3A_1434 : memref<1x16x400xf32, #tpu.memory_space<vmem>> -> memref<16x400xf32, #tpu.memory_space<vmem>>
      %dma_wait3A_1436 = arith.constant 0 : i32
      %dma_wait3A_1437 = tpu.memref_slice %arg4[%dma_wait3A_1436, %mul3A_215] : memref<16x320000xf32, #tpu.memory_space<hbm>> -> memref<16x400xf32, #tpu.memory_space<hbm>>
      tpu.wait_dma2 semaphore(%arg19 : memref<!tpu.dma_semaphore, #tpu.memory_space<semaphore_mem>>) src(%dma_wait3A_1437 : memref<16x400xf32, #tpu.memory_space<hbm>>) dst(%dma_wait3A_1435 : memref<16x400xf32, #tpu.memory_space<vmem>>)
      %parallel_loop3A_1438 = arith.constant 0 : i32
      %parallel_loop3A_1439 = arith.constant 400 : i32
      %parallel_loop3A_1440 = arith.constant 1 : i32
      scf.for %parallel_loop3A_1584 = %parallel_loop3A_1438 to %parallel_loop3A_1439 step %parallel_loop3A_1440  : i32 {
        %parallel_loop3A_1585 = vector.broadcast %parallel_loop3A_1584 : i32 to vector<16xi32>
        %parallel_loop3A_1586 = arith.constant 3 : i32
        %parallel_loop3A_1587 = arith.constant 0 : i32
        %parallel_loop3A_1588 = arith.constant 0 : i32
        %parallel_loop3A_1589 = tpu.memref_slice %arg11[%parallel_loop3A_1586, %parallel_loop3A_1587, %parallel_loop3A_1588] : memref<5x16x401xf32, #tpu.memory_space<vmem>> -> memref<1x16x401xf32, #tpu.memory_space<vmem>>
        %parallel_loop3A_1590 = tpu.memref_squeeze %parallel_loop3A_1589 : memref<1x16x401xf32, #tpu.memory_space<vmem>> -> memref<16x401xf32, #tpu.memory_space<vmem>>
        %parallel_loop3A_1591 = tpu.vector_load_idx %parallel_loop3A_1590[%iota3A, %parallel_loop3A_1585] : memref<16x401xf32, #tpu.memory_space<vmem>>[vector<16xi32>, vector<16xi32>], vector<16xf32>,
        %parallel_loop3A_1592 = arith.constant 3 : i32
        %parallel_loop3A_1593 = arith.index_cast %parallel_loop3A_1592 : i32 to index
        %parallel_loop3A_1594 = arith.index_cast %parallel_loop3A_1584 : i32 to index
        %parallel_loop3A_1595 = arith.constant 0 : index
        %parallel_loop3A_1596 = tpu.vector_load %arg12[%parallel_loop3A_1593, %parallel_loop3A_1594, %parallel_loop3A_1595] {strides = array<i32>} : memref<5x400x16xf32, #tpu.memory_space<vmem>>, vector<16xf32>,
        %parallel_loop3A_1597 = arith.constant 3 : i32
        %parallel_loop3A_1598 = arith.index_cast %parallel_loop3A_1597 : i32 to index
        %parallel_loop3A_1599 = arith.index_cast %parallel_loop3A_1584 : i32 to index
        %parallel_loop3A_1600 = arith.constant 0 : index
        %parallel_loop3A_1601 = tpu.vector_load %arg13[%parallel_loop3A_1598, %parallel_loop3A_1599, %parallel_loop3A_1600] {strides = array<i32>} : memref<5x400x16xf32, #tpu.memory_space<vmem>>, vector<16xf32>,
        %parallel_loop3A_1602 = arith.addf %parallel_loop3A_1596, %parallel_loop3A_1601 : vector<16xf32>
        %parallel_loop3A_1603 = arith.addf %parallel_loop3A_1602, %parallel_loop3A_1591 : vector<16xf32>
        %parallel_loop3A_1604 = arith.constant 0.000000e+00 : f32
        %parallel_loop3A_1605 = vector.broadcast %parallel_loop3A_1604 : f32 to vector<16xf32>
        %parallel_loop3A_1606 = arith.maximumf %parallel_loop3A_1603, %parallel_loop3A_1605 : vector<16xf32>
        %parallel_loop3A_1607 = arith.index_cast %parallel_loop3A_1584 : i32 to index
        %parallel_loop3A_1608 = arith.constant 0 : index
        %parallel_loop3A_1609 = tpu.vector_load %arg14[%parallel_loop3A_1607, %parallel_loop3A_1608] {strides = array<i32>} : memref<400x16xf32, #tpu.memory_space<vmem>>, vector<16xf32>,
        tpu.vector_store %arg14[%parallel_loop3A_1607, %parallel_loop3A_1608], %parallel_loop3A_1606 {strides = array<i32>} : memref<400x16xf32, #tpu.memory_space<vmem>>, vector<16xf32>,
        tpu.vector_store_idx %arg15[%iota3A, %parallel_loop3A_1585], %parallel_loop3A_1606 : memref<16x401xf32, #tpu.memory_space<vmem>>[vector<16xi32>, vector<16xi32>], vector<16xf32>,
      } {sc.loop_unroll_factor = 16 : i64, sc.parallel_access}
      %mul3A_1441 = arith.constant 400 : i32
      %mul3A_1442 = arith.muli %add3A_1320, %mul3A_1441 : i32
      "tpu.region"() ({
        %run_scoped3A_1584 = tpu.sem_alloc : memref<!tpu.dma_semaphore, #tpu.memory_space<semaphore_mem>>
        %dma_start3A_1585 = arith.constant 0 : i32
        %dma_start3A_1586 = arith.constant 0 : i32
        %dma_start3A_1587 = tpu.memref_slice %arg15[%dma_start3A_1585, %dma_start3A_1586] : memref<16x401xf32, #tpu.memory_space<vmem>> -> memref<16x400xf32, #tpu.memory_space<vmem>>
        %dma_start3A_1588 = arith.constant 0 : i32
        %dma_start3A_1589 = tpu.memref_slice %arg7[%dma_start3A_1588, %mul3A_1442] : memref<16x320000xf32, #tpu.memory_space<hbm>> -> memref<16x400xf32, #tpu.memory_space<hbm>>
        %dma_start3A_1590 = arith.constant 0 : i32
        %dma_start3A_1591 = tpu.memref_slice %arg7[%dma_start3A_1590, %mul3A_1442] : memref<16x320000xf32, #tpu.memory_space<hbm>> -> memref<16x400xf32, #tpu.memory_space<hbm>>
        %dma_start3A_1592 = arith.constant 0 : i32
        %dma_start3A_1593 = arith.constant 0 : i32
        %dma_start3A_1594 = tpu.memref_slice %arg15[%dma_start3A_1592, %dma_start3A_1593] : memref<16x401xf32, #tpu.memory_space<vmem>> -> memref<16x400xf32, #tpu.memory_space<vmem>>
        tpu.enqueue_dma source(%dma_start3A_1594 : memref<16x400xf32, #tpu.memory_space<vmem>>) target(%dma_start3A_1591 : memref<16x400xf32, #tpu.memory_space<hbm>>) target_semaphore(%run_scoped3A_1584 : memref<!tpu.dma_semaphore, #tpu.memory_space<semaphore_mem>>)
        %dma_wait3A_1595 = arith.constant 0 : i32
        %dma_wait3A_1596 = arith.constant 0 : i32
        %dma_wait3A_1597 = tpu.memref_slice %arg15[%dma_wait3A_1595, %dma_wait3A_1596] : memref<16x401xf32, #tpu.memory_space<vmem>> -> memref<16x400xf32, #tpu.memory_space<vmem>>
        %dma_wait3A_1598 = arith.constant 0 : i32
        %dma_wait3A_1599 = tpu.memref_slice %arg7[%dma_wait3A_1598, %mul3A_1442] : memref<16x320000xf32, #tpu.memory_space<hbm>> -> memref<16x400xf32, #tpu.memory_space<hbm>>
        %dma_wait3A_1600 = arith.constant 0 : i32
        %dma_wait3A_1601 = tpu.memref_slice %arg7[%dma_wait3A_1600, %mul3A_1442] : memref<16x320000xf32, #tpu.memory_space<hbm>> -> memref<16x400xf32, #tpu.memory_space<hbm>>
        %dma_wait3A_1602 = arith.constant 0 : i32
        %dma_wait3A_1603 = arith.constant 0 : i32
        %dma_wait3A_1604 = tpu.memref_slice %arg15[%dma_wait3A_1602, %dma_wait3A_1603] : memref<16x401xf32, #tpu.memory_space<vmem>> -> memref<16x400xf32, #tpu.memory_space<vmem>>
        tpu.wait_dma2 semaphore(%run_scoped3A_1584 : memref<!tpu.dma_semaphore, #tpu.memory_space<semaphore_mem>>) src(%dma_wait3A_1604 : memref<16x400xf32, #tpu.memory_space<vmem>>) dst(%dma_wait3A_1601 : memref<16x400xf32, #tpu.memory_space<hbm>>)
        tpu.yield
      }) : () -> ()
      %run_scoped3A_1443 = arith.constant 3 : i32
      %run_scoped3A_1444 = arith.constant 0 : i32
      "tpu.region"() ({
        %run_scoped3A_1584 = tpu.sem_alloc : memref<!tpu.dma_semaphore, #tpu.memory_space<semaphore_mem>>
        %dma_start3A_1585 = arith.constant 0 : i32
        %dma_start3A_1586 = arith.constant 0 : i32
        %dma_start3A_1587 = tpu.memref_slice %arg14[%dma_start3A_1585, %dma_start3A_1586] : memref<400x16xf32, #tpu.memory_space<vmem>> -> memref<100x16xf32, #tpu.memory_space<vmem>>
        %dma_start3A_1588 = arith.constant 0 : i32
        %dma_start3A_1589 = tpu.memref_slice %arg10[%run_scoped3A_1443, %run_scoped3A_1444, %dma_start3A_1588] : memref<5x4x100xi32, #tpu.memory_space<vmem>> -> memref<1x1x100xi32, #tpu.memory_space<vmem>>
        %dma_start3A_1590 = tpu.memref_squeeze %dma_start3A_1589 : memref<1x1x100xi32, #tpu.memory_space<vmem>> -> memref<100xi32, #tpu.memory_space<vmem>>
        %dma_start3A_1591 = arith.constant 0 : i32
        %dma_start3A_1592 = arith.constant 0 : i32
        %dma_start3A_1593 = tpu.memref_slice %arg17[%dma_start3A_1591, %dma_start3A_1592] : memref<10240x16xf32, #tpu.memory_space<vmem_shared>> -> memref<10240x16xf32, #tpu.memory_space<vmem_shared>>
        tpu.enqueue_indirect_dma source(%dma_start3A_1587 : memref<100x16xf32, #tpu.memory_space<vmem>>) target(%dma_start3A_1593 : memref<10240x16xf32, #tpu.memory_space<vmem_shared>>) offsets(%dma_start3A_1590 : memref<100xi32, #tpu.memory_space<vmem>>) semaphore(%run_scoped3A_1584 : memref<!tpu.dma_semaphore, #tpu.memory_space<semaphore_mem>>) {add = true}
        %dma_wait3A_1594 = arith.constant 0 : i32
        %dma_wait3A_1595 = arith.constant 0 : i32
        %dma_wait3A_1596 = tpu.memref_slice %arg14[%dma_wait3A_1594, %dma_wait3A_1595] : memref<400x16xf32, #tpu.memory_space<vmem>> -> memref<100x16xf32, #tpu.memory_space<vmem>>
        %dma_wait3A_1597 = arith.constant 0 : i32
        %dma_wait3A_1598 = tpu.memref_slice %arg10[%run_scoped3A_1443, %run_scoped3A_1444, %dma_wait3A_1597] : memref<5x4x100xi32, #tpu.memory_space<vmem>> -> memref<1x1x100xi32, #tpu.memory_space<vmem>>
        %dma_wait3A_1599 = tpu.memref_squeeze %dma_wait3A_1598 : memref<1x1x100xi32, #tpu.memory_space<vmem>> -> memref<100xi32, #tpu.memory_space<vmem>>
        %dma_wait3A_1600 = arith.constant 0 : i32
        %dma_wait3A_1601 = arith.constant 0 : i32
        %dma_wait3A_1602 = tpu.memref_slice %arg17[%dma_wait3A_1600, %dma_wait3A_1601] : memref<10240x16xf32, #tpu.memory_space<vmem_shared>> -> memref<10240x16xf32, #tpu.memory_space<vmem_shared>>
        tpu.wait_indirect_dma semaphore(%run_scoped3A_1584 : memref<!tpu.dma_semaphore, #tpu.memory_space<semaphore_mem>>) src(%dma_wait3A_1596 : memref<100x16xf32, #tpu.memory_space<vmem>>) dst(%dma_wait3A_1602 : memref<10240x16xf32, #tpu.memory_space<vmem_shared>>)
        tpu.yield
      }) : () -> ()
      %run_scoped3A_1445 = arith.constant 3 : i32
      %run_scoped3A_1446 = arith.constant 1 : i32
      "tpu.region"() ({
        %run_scoped3A_1584 = tpu.sem_alloc : memref<!tpu.dma_semaphore, #tpu.memory_space<semaphore_mem>>
        %dma_start3A_1585 = arith.constant 100 : i32
        %dma_start3A_1586 = arith.constant 0 : i32
        %dma_start3A_1587 = tpu.memref_slice %arg14[%dma_start3A_1585, %dma_start3A_1586] : memref<400x16xf32, #tpu.memory_space<vmem>> -> memref<100x16xf32, #tpu.memory_space<vmem>>
        %dma_start3A_1588 = arith.constant 0 : i32
        %dma_start3A_1589 = tpu.memref_slice %arg10[%run_scoped3A_1445, %run_scoped3A_1446, %dma_start3A_1588] : memref<5x4x100xi32, #tpu.memory_space<vmem>> -> memref<1x1x100xi32, #tpu.memory_space<vmem>>
        %dma_start3A_1590 = tpu.memref_squeeze %dma_start3A_1589 : memref<1x1x100xi32, #tpu.memory_space<vmem>> -> memref<100xi32, #tpu.memory_space<vmem>>
        %dma_start3A_1591 = arith.constant 0 : i32
        %dma_start3A_1592 = arith.constant 0 : i32
        %dma_start3A_1593 = tpu.memref_slice %arg17[%dma_start3A_1591, %dma_start3A_1592] : memref<10240x16xf32, #tpu.memory_space<vmem_shared>> -> memref<10240x16xf32, #tpu.memory_space<vmem_shared>>
        tpu.enqueue_indirect_dma source(%dma_start3A_1587 : memref<100x16xf32, #tpu.memory_space<vmem>>) target(%dma_start3A_1593 : memref<10240x16xf32, #tpu.memory_space<vmem_shared>>) offsets(%dma_start3A_1590 : memref<100xi32, #tpu.memory_space<vmem>>) semaphore(%run_scoped3A_1584 : memref<!tpu.dma_semaphore, #tpu.memory_space<semaphore_mem>>) {add = true}
        %dma_wait3A_1594 = arith.constant 100 : i32
        %dma_wait3A_1595 = arith.constant 0 : i32
        %dma_wait3A_1596 = tpu.memref_slice %arg14[%dma_wait3A_1594, %dma_wait3A_1595] : memref<400x16xf32, #tpu.memory_space<vmem>> -> memref<100x16xf32, #tpu.memory_space<vmem>>
        %dma_wait3A_1597 = arith.constant 0 : i32
        %dma_wait3A_1598 = tpu.memref_slice %arg10[%run_scoped3A_1445, %run_scoped3A_1446, %dma_wait3A_1597] : memref<5x4x100xi32, #tpu.memory_space<vmem>> -> memref<1x1x100xi32, #tpu.memory_space<vmem>>
        %dma_wait3A_1599 = tpu.memref_squeeze %dma_wait3A_1598 : memref<1x1x100xi32, #tpu.memory_space<vmem>> -> memref<100xi32, #tpu.memory_space<vmem>>
        %dma_wait3A_1600 = arith.constant 0 : i32
        %dma_wait3A_1601 = arith.constant 0 : i32
        %dma_wait3A_1602 = tpu.memref_slice %arg17[%dma_wait3A_1600, %dma_wait3A_1601] : memref<10240x16xf32, #tpu.memory_space<vmem_shared>> -> memref<10240x16xf32, #tpu.memory_space<vmem_shared>>
        tpu.wait_indirect_dma semaphore(%run_scoped3A_1584 : memref<!tpu.dma_semaphore, #tpu.memory_space<semaphore_mem>>) src(%dma_wait3A_1596 : memref<100x16xf32, #tpu.memory_space<vmem>>) dst(%dma_wait3A_1602 : memref<10240x16xf32, #tpu.memory_space<vmem_shared>>)
        tpu.yield
      }) : () -> ()
      %run_scoped3A_1447 = arith.constant 3 : i32
      %run_scoped3A_1448 = arith.constant 2 : i32
      "tpu.region"() ({
        %run_scoped3A_1584 = tpu.sem_alloc : memref<!tpu.dma_semaphore, #tpu.memory_space<semaphore_mem>>
        %dma_start3A_1585 = arith.constant 200 : i32
        %dma_start3A_1586 = arith.constant 0 : i32
        %dma_start3A_1587 = tpu.memref_slice %arg14[%dma_start3A_1585, %dma_start3A_1586] : memref<400x16xf32, #tpu.memory_space<vmem>> -> memref<100x16xf32, #tpu.memory_space<vmem>>
        %dma_start3A_1588 = arith.constant 0 : i32
        %dma_start3A_1589 = tpu.memref_slice %arg10[%run_scoped3A_1447, %run_scoped3A_1448, %dma_start3A_1588] : memref<5x4x100xi32, #tpu.memory_space<vmem>> -> memref<1x1x100xi32, #tpu.memory_space<vmem>>
        %dma_start3A_1590 = tpu.memref_squeeze %dma_start3A_1589 : memref<1x1x100xi32, #tpu.memory_space<vmem>> -> memref<100xi32, #tpu.memory_space<vmem>>
        %dma_start3A_1591 = arith.constant 0 : i32
        %dma_start3A_1592 = arith.constant 0 : i32
        %dma_start3A_1593 = tpu.memref_slice %arg17[%dma_start3A_1591, %dma_start3A_1592] : memref<10240x16xf32, #tpu.memory_space<vmem_shared>> -> memref<10240x16xf32, #tpu.memory_space<vmem_shared>>
        tpu.enqueue_indirect_dma source(%dma_start3A_1587 : memref<100x16xf32, #tpu.memory_space<vmem>>) target(%dma_start3A_1593 : memref<10240x16xf32, #tpu.memory_space<vmem_shared>>) offsets(%dma_start3A_1590 : memref<100xi32, #tpu.memory_space<vmem>>) semaphore(%run_scoped3A_1584 : memref<!tpu.dma_semaphore, #tpu.memory_space<semaphore_mem>>) {add = true}
        %dma_wait3A_1594 = arith.constant 200 : i32
        %dma_wait3A_1595 = arith.constant 0 : i32
        %dma_wait3A_1596 = tpu.memref_slice %arg14[%dma_wait3A_1594, %dma_wait3A_1595] : memref<400x16xf32, #tpu.memory_space<vmem>> -> memref<100x16xf32, #tpu.memory_space<vmem>>
        %dma_wait3A_1597 = arith.constant 0 : i32
        %dma_wait3A_1598 = tpu.memref_slice %arg10[%run_scoped3A_1447, %run_scoped3A_1448, %dma_wait3A_1597] : memref<5x4x100xi32, #tpu.memory_space<vmem>> -> memref<1x1x100xi32, #tpu.memory_space<vmem>>
        %dma_wait3A_1599 = tpu.memref_squeeze %dma_wait3A_1598 : memref<1x1x100xi32, #tpu.memory_space<vmem>> -> memref<100xi32, #tpu.memory_space<vmem>>
        %dma_wait3A_1600 = arith.constant 0 : i32
        %dma_wait3A_1601 = arith.constant 0 : i32
        %dma_wait3A_1602 = tpu.memref_slice %arg17[%dma_wait3A_1600, %dma_wait3A_1601] : memref<10240x16xf32, #tpu.memory_space<vmem_shared>> -> memref<10240x16xf32, #tpu.memory_space<vmem_shared>>
        tpu.wait_indirect_dma semaphore(%run_scoped3A_1584 : memref<!tpu.dma_semaphore, #tpu.memory_space<semaphore_mem>>) src(%dma_wait3A_1596 : memref<100x16xf32, #tpu.memory_space<vmem>>) dst(%dma_wait3A_1602 : memref<10240x16xf32, #tpu.memory_space<vmem_shared>>)
        tpu.yield
      }) : () -> ()
      %run_scoped3A_1449 = arith.constant 3 : i32
      %run_scoped3A_1450 = arith.constant 3 : i32
      "tpu.region"() ({
        %run_scoped3A_1584 = tpu.sem_alloc : memref<!tpu.dma_semaphore, #tpu.memory_space<semaphore_mem>>
        %dma_start3A_1585 = arith.constant 300 : i32
        %dma_start3A_1586 = arith.constant 0 : i32
        %dma_start3A_1587 = tpu.memref_slice %arg14[%dma_start3A_1585, %dma_start3A_1586] : memref<400x16xf32, #tpu.memory_space<vmem>> -> memref<100x16xf32, #tpu.memory_space<vmem>>
        %dma_start3A_1588 = arith.constant 0 : i32
        %dma_start3A_1589 = tpu.memref_slice %arg10[%run_scoped3A_1449, %run_scoped3A_1450, %dma_start3A_1588] : memref<5x4x100xi32, #tpu.memory_space<vmem>> -> memref<1x1x100xi32, #tpu.memory_space<vmem>>
        %dma_start3A_1590 = tpu.memref_squeeze %dma_start3A_1589 : memref<1x1x100xi32, #tpu.memory_space<vmem>> -> memref<100xi32, #tpu.memory_space<vmem>>
        %dma_start3A_1591 = arith.constant 0 : i32
        %dma_start3A_1592 = arith.constant 0 : i32
        %dma_start3A_1593 = tpu.memref_slice %arg17[%dma_start3A_1591, %dma_start3A_1592] : memref<10240x16xf32, #tpu.memory_space<vmem_shared>> -> memref<10240x16xf32, #tpu.memory_space<vmem_shared>>
        tpu.enqueue_indirect_dma source(%dma_start3A_1587 : memref<100x16xf32, #tpu.memory_space<vmem>>) target(%dma_start3A_1593 : memref<10240x16xf32, #tpu.memory_space<vmem_shared>>) offsets(%dma_start3A_1590 : memref<100xi32, #tpu.memory_space<vmem>>) semaphore(%run_scoped3A_1584 : memref<!tpu.dma_semaphore, #tpu.memory_space<semaphore_mem>>) {add = true}
        %dma_wait3A_1594 = arith.constant 300 : i32
        %dma_wait3A_1595 = arith.constant 0 : i32
        %dma_wait3A_1596 = tpu.memref_slice %arg14[%dma_wait3A_1594, %dma_wait3A_1595] : memref<400x16xf32, #tpu.memory_space<vmem>> -> memref<100x16xf32, #tpu.memory_space<vmem>>
        %dma_wait3A_1597 = arith.constant 0 : i32
        %dma_wait3A_1598 = tpu.memref_slice %arg10[%run_scoped3A_1449, %run_scoped3A_1450, %dma_wait3A_1597] : memref<5x4x100xi32, #tpu.memory_space<vmem>> -> memref<1x1x100xi32, #tpu.memory_space<vmem>>
        %dma_wait3A_1599 = tpu.memref_squeeze %dma_wait3A_1598 : memref<1x1x100xi32, #tpu.memory_space<vmem>> -> memref<100xi32, #tpu.memory_space<vmem>>
        %dma_wait3A_1600 = arith.constant 0 : i32
        %dma_wait3A_1601 = arith.constant 0 : i32
        %dma_wait3A_1602 = tpu.memref_slice %arg17[%dma_wait3A_1600, %dma_wait3A_1601] : memref<10240x16xf32, #tpu.memory_space<vmem_shared>> -> memref<10240x16xf32, #tpu.memory_space<vmem_shared>>
        tpu.wait_indirect_dma semaphore(%run_scoped3A_1584 : memref<!tpu.dma_semaphore, #tpu.memory_space<semaphore_mem>>) src(%dma_wait3A_1596 : memref<100x16xf32, #tpu.memory_space<vmem>>) dst(%dma_wait3A_1602 : memref<10240x16xf32, #tpu.memory_space<vmem_shared>>)
        tpu.yield
      }) : () -> ()
      %add3A_1451 = arith.constant 128 : i32
      %add3A_1452 = arith.addi %add3A_41, %add3A_1451 : i32
      %dma_wait3A_1453 = arith.constant 4 : i32
      %dma_wait3A_1454 = arith.constant 0 : i32
      %dma_wait3A_1455 = arith.constant 4 : i32
      %dma_wait3A_1456 = arith.constant 0 : i32
      %dma_wait3A_1457 = arith.constant 0 : i32
      %dma_wait3A_1458 = tpu.memref_slice %arg12[%dma_wait3A_1455, %dma_wait3A_1456, %dma_wait3A_1457] : memref<5x400x16xf32, #tpu.memory_space<vmem>> -> memref<1x100x16xf32, #tpu.memory_space<vmem>>
      %dma_wait3A_1459 = tpu.memref_squeeze %dma_wait3A_1458 : memref<1x100x16xf32, #tpu.memory_space<vmem>> -> memref<100x16xf32, #tpu.memory_space<vmem>>
      %dma_wait3A_1460 = arith.constant 0 : i32
      %dma_wait3A_1461 = tpu.memref_slice %arg9[%dma_wait3A_1453, %dma_wait3A_1454, %dma_wait3A_1460] : memref<5x4x100xi32, #tpu.memory_space<vmem>> -> memref<1x1x100xi32, #tpu.memory_space<vmem>>
      %dma_wait3A_1462 = tpu.memref_squeeze %dma_wait3A_1461 : memref<1x1x100xi32, #tpu.memory_space<vmem>> -> memref<100xi32, #tpu.memory_space<vmem>>
      %dma_wait3A_1463 = arith.constant 0 : i32
      %dma_wait3A_1464 = arith.constant 0 : i32
      %dma_wait3A_1465 = tpu.memref_slice %arg5[%dma_wait3A_1463, %dma_wait3A_1464] : memref<10000x16xf32, #tpu.memory_space<hbm>> -> memref<10000x16xf32, #tpu.memory_space<hbm>>
      tpu.wait_indirect_dma semaphore(%arg18 : memref<!tpu.dma_semaphore, #tpu.memory_space<semaphore_mem>>) src(%dma_wait3A_1465 : memref<10000x16xf32, #tpu.memory_space<hbm>>) dst(%dma_wait3A_1459 : memref<100x16xf32, #tpu.memory_space<vmem>>)
      %dma_wait3A_1466 = arith.constant 4 : i32
      %dma_wait3A_1467 = arith.constant 0 : i32
      %dma_wait3A_1468 = arith.constant 4 : i32
      %dma_wait3A_1469 = arith.constant 0 : i32
      %dma_wait3A_1470 = arith.constant 0 : i32
      %dma_wait3A_1471 = tpu.memref_slice %arg13[%dma_wait3A_1468, %dma_wait3A_1469, %dma_wait3A_1470] : memref<5x400x16xf32, #tpu.memory_space<vmem>> -> memref<1x100x16xf32, #tpu.memory_space<vmem>>
      %dma_wait3A_1472 = tpu.memref_squeeze %dma_wait3A_1471 : memref<1x100x16xf32, #tpu.memory_space<vmem>> -> memref<100x16xf32, #tpu.memory_space<vmem>>
      %dma_wait3A_1473 = arith.constant 0 : i32
      %dma_wait3A_1474 = tpu.memref_slice %arg10[%dma_wait3A_1466, %dma_wait3A_1467, %dma_wait3A_1473] : memref<5x4x100xi32, #tpu.memory_space<vmem>> -> memref<1x1x100xi32, #tpu.memory_space<vmem>>
      %dma_wait3A_1475 = tpu.memref_squeeze %dma_wait3A_1474 : memref<1x1x100xi32, #tpu.memory_space<vmem>> -> memref<100xi32, #tpu.memory_space<vmem>>
      %dma_wait3A_1476 = arith.constant 0 : i32
      %dma_wait3A_1477 = arith.constant 0 : i32
      %dma_wait3A_1478 = tpu.memref_slice %arg6[%dma_wait3A_1476, %dma_wait3A_1477] : memref<10000x16xf32, #tpu.memory_space<hbm>> -> memref<10000x16xf32, #tpu.memory_space<hbm>>
      tpu.wait_indirect_dma semaphore(%arg18 : memref<!tpu.dma_semaphore, #tpu.memory_space<semaphore_mem>>) src(%dma_wait3A_1478 : memref<10000x16xf32, #tpu.memory_space<hbm>>) dst(%dma_wait3A_1472 : memref<100x16xf32, #tpu.memory_space<vmem>>)
      %dma_wait3A_1479 = arith.constant 4 : i32
      %dma_wait3A_1480 = arith.constant 1 : i32
      %dma_wait3A_1481 = arith.constant 4 : i32
      %dma_wait3A_1482 = arith.constant 100 : i32
      %dma_wait3A_1483 = arith.constant 0 : i32
      %dma_wait3A_1484 = tpu.memref_slice %arg12[%dma_wait3A_1481, %dma_wait3A_1482, %dma_wait3A_1483] : memref<5x400x16xf32, #tpu.memory_space<vmem>> -> memref<1x100x16xf32, #tpu.memory_space<vmem>>
      %dma_wait3A_1485 = tpu.memref_squeeze %dma_wait3A_1484 : memref<1x100x16xf32, #tpu.memory_space<vmem>> -> memref<100x16xf32, #tpu.memory_space<vmem>>
      %dma_wait3A_1486 = arith.constant 0 : i32
      %dma_wait3A_1487 = tpu.memref_slice %arg9[%dma_wait3A_1479, %dma_wait3A_1480, %dma_wait3A_1486] : memref<5x4x100xi32, #tpu.memory_space<vmem>> -> memref<1x1x100xi32, #tpu.memory_space<vmem>>
      %dma_wait3A_1488 = tpu.memref_squeeze %dma_wait3A_1487 : memref<1x1x100xi32, #tpu.memory_space<vmem>> -> memref<100xi32, #tpu.memory_space<vmem>>
      %dma_wait3A_1489 = arith.constant 0 : i32
      %dma_wait3A_1490 = arith.constant 0 : i32
      %dma_wait3A_1491 = tpu.memref_slice %arg5[%dma_wait3A_1489, %dma_wait3A_1490] : memref<10000x16xf32, #tpu.memory_space<hbm>> -> memref<10000x16xf32, #tpu.memory_space<hbm>>
      tpu.wait_indirect_dma semaphore(%arg18 : memref<!tpu.dma_semaphore, #tpu.memory_space<semaphore_mem>>) src(%dma_wait3A_1491 : memref<10000x16xf32, #tpu.memory_space<hbm>>) dst(%dma_wait3A_1485 : memref<100x16xf32, #tpu.memory_space<vmem>>)
      %dma_wait3A_1492 = arith.constant 4 : i32
      %dma_wait3A_1493 = arith.constant 1 : i32
      %dma_wait3A_1494 = arith.constant 4 : i32
      %dma_wait3A_1495 = arith.constant 100 : i32
      %dma_wait3A_1496 = arith.constant 0 : i32
      %dma_wait3A_1497 = tpu.memref_slice %arg13[%dma_wait3A_1494, %dma_wait3A_1495, %dma_wait3A_1496] : memref<5x400x16xf32, #tpu.memory_space<vmem>> -> memref<1x100x16xf32, #tpu.memory_space<vmem>>
      %dma_wait3A_1498 = tpu.memref_squeeze %dma_wait3A_1497 : memref<1x100x16xf32, #tpu.memory_space<vmem>> -> memref<100x16xf32, #tpu.memory_space<vmem>>
      %dma_wait3A_1499 = arith.constant 0 : i32
      %dma_wait3A_1500 = tpu.memref_slice %arg10[%dma_wait3A_1492, %dma_wait3A_1493, %dma_wait3A_1499] : memref<5x4x100xi32, #tpu.memory_space<vmem>> -> memref<1x1x100xi32, #tpu.memory_space<vmem>>
      %dma_wait3A_1501 = tpu.memref_squeeze %dma_wait3A_1500 : memref<1x1x100xi32, #tpu.memory_space<vmem>> -> memref<100xi32, #tpu.memory_space<vmem>>
      %dma_wait3A_1502 = arith.constant 0 : i32
      %dma_wait3A_1503 = arith.constant 0 : i32
      %dma_wait3A_1504 = tpu.memref_slice %arg6[%dma_wait3A_1502, %dma_wait3A_1503] : memref<10000x16xf32, #tpu.memory_space<hbm>> -> memref<10000x16xf32, #tpu.memory_space<hbm>>
      tpu.wait_indirect_dma semaphore(%arg18 : memref<!tpu.dma_semaphore, #tpu.memory_space<semaphore_mem>>) src(%dma_wait3A_1504 : memref<10000x16xf32, #tpu.memory_space<hbm>>) dst(%dma_wait3A_1498 : memref<100x16xf32, #tpu.memory_space<vmem>>)
      %dma_wait3A_1505 = arith.constant 4 : i32
      %dma_wait3A_1506 = arith.constant 2 : i32
      %dma_wait3A_1507 = arith.constant 4 : i32
      %dma_wait3A_1508 = arith.constant 200 : i32
      %dma_wait3A_1509 = arith.constant 0 : i32
      %dma_wait3A_1510 = tpu.memref_slice %arg12[%dma_wait3A_1507, %dma_wait3A_1508, %dma_wait3A_1509] : memref<5x400x16xf32, #tpu.memory_space<vmem>> -> memref<1x100x16xf32, #tpu.memory_space<vmem>>
      %dma_wait3A_1511 = tpu.memref_squeeze %dma_wait3A_1510 : memref<1x100x16xf32, #tpu.memory_space<vmem>> -> memref<100x16xf32, #tpu.memory_space<vmem>>
      %dma_wait3A_1512 = arith.constant 0 : i32
      %dma_wait3A_1513 = tpu.memref_slice %arg9[%dma_wait3A_1505, %dma_wait3A_1506, %dma_wait3A_1512] : memref<5x4x100xi32, #tpu.memory_space<vmem>> -> memref<1x1x100xi32, #tpu.memory_space<vmem>>
      %dma_wait3A_1514 = tpu.memref_squeeze %dma_wait3A_1513 : memref<1x1x100xi32, #tpu.memory_space<vmem>> -> memref<100xi32, #tpu.memory_space<vmem>>
      %dma_wait3A_1515 = arith.constant 0 : i32
      %dma_wait3A_1516 = arith.constant 0 : i32
      %dma_wait3A_1517 = tpu.memref_slice %arg5[%dma_wait3A_1515, %dma_wait3A_1516] : memref<10000x16xf32, #tpu.memory_space<hbm>> -> memref<10000x16xf32, #tpu.memory_space<hbm>>
      tpu.wait_indirect_dma semaphore(%arg18 : memref<!tpu.dma_semaphore, #tpu.memory_space<semaphore_mem>>) src(%dma_wait3A_1517 : memref<10000x16xf32, #tpu.memory_space<hbm>>) dst(%dma_wait3A_1511 : memref<100x16xf32, #tpu.memory_space<vmem>>)
      %dma_wait3A_1518 = arith.constant 4 : i32
      %dma_wait3A_1519 = arith.constant 2 : i32
      %dma_wait3A_1520 = arith.constant 4 : i32
      %dma_wait3A_1521 = arith.constant 200 : i32
      %dma_wait3A_1522 = arith.constant 0 : i32
      %dma_wait3A_1523 = tpu.memref_slice %arg13[%dma_wait3A_1520, %dma_wait3A_1521, %dma_wait3A_1522] : memref<5x400x16xf32, #tpu.memory_space<vmem>> -> memref<1x100x16xf32, #tpu.memory_space<vmem>>
      %dma_wait3A_1524 = tpu.memref_squeeze %dma_wait3A_1523 : memref<1x100x16xf32, #tpu.memory_space<vmem>> -> memref<100x16xf32, #tpu.memory_space<vmem>>
      %dma_wait3A_1525 = arith.constant 0 : i32
      %dma_wait3A_1526 = tpu.memref_slice %arg10[%dma_wait3A_1518, %dma_wait3A_1519, %dma_wait3A_1525] : memref<5x4x100xi32, #tpu.memory_space<vmem>> -> memref<1x1x100xi32, #tpu.memory_space<vmem>>
      %dma_wait3A_1527 = tpu.memref_squeeze %dma_wait3A_1526 : memref<1x1x100xi32, #tpu.memory_space<vmem>> -> memref<100xi32, #tpu.memory_space<vmem>>
      %dma_wait3A_1528 = arith.constant 0 : i32
      %dma_wait3A_1529 = arith.constant 0 : i32
      %dma_wait3A_1530 = tpu.memref_slice %arg6[%dma_wait3A_1528, %dma_wait3A_1529] : memref<10000x16xf32, #tpu.memory_space<hbm>> -> memref<10000x16xf32, #tpu.memory_space<hbm>>
      tpu.wait_indirect_dma semaphore(%arg18 : memref<!tpu.dma_semaphore, #tpu.memory_space<semaphore_mem>>) src(%dma_wait3A_1530 : memref<10000x16xf32, #tpu.memory_space<hbm>>) dst(%dma_wait3A_1524 : memref<100x16xf32, #tpu.memory_space<vmem>>)
      %dma_wait3A_1531 = arith.constant 4 : i32
      %dma_wait3A_1532 = arith.constant 3 : i32
      %dma_wait3A_1533 = arith.constant 4 : i32
      %dma_wait3A_1534 = arith.constant 300 : i32
      %dma_wait3A_1535 = arith.constant 0 : i32
      %dma_wait3A_1536 = tpu.memref_slice %arg12[%dma_wait3A_1533, %dma_wait3A_1534, %dma_wait3A_1535] : memref<5x400x16xf32, #tpu.memory_space<vmem>> -> memref<1x100x16xf32, #tpu.memory_space<vmem>>
      %dma_wait3A_1537 = tpu.memref_squeeze %dma_wait3A_1536 : memref<1x100x16xf32, #tpu.memory_space<vmem>> -> memref<100x16xf32, #tpu.memory_space<vmem>>
      %dma_wait3A_1538 = arith.constant 0 : i32
      %dma_wait3A_1539 = tpu.memref_slice %arg9[%dma_wait3A_1531, %dma_wait3A_1532, %dma_wait3A_1538] : memref<5x4x100xi32, #tpu.memory_space<vmem>> -> memref<1x1x100xi32, #tpu.memory_space<vmem>>
      %dma_wait3A_1540 = tpu.memref_squeeze %dma_wait3A_1539 : memref<1x1x100xi32, #tpu.memory_space<vmem>> -> memref<100xi32, #tpu.memory_space<vmem>>
      %dma_wait3A_1541 = arith.constant 0 : i32
      %dma_wait3A_1542 = arith.constant 0 : i32
      %dma_wait3A_1543 = tpu.memref_slice %arg5[%dma_wait3A_1541, %dma_wait3A_1542] : memref<10000x16xf32, #tpu.memory_space<hbm>> -> memref<10000x16xf32, #tpu.memory_space<hbm>>
      tpu.wait_indirect_dma semaphore(%arg18 : memref<!tpu.dma_semaphore, #tpu.memory_space<semaphore_mem>>) src(%dma_wait3A_1543 : memref<10000x16xf32, #tpu.memory_space<hbm>>) dst(%dma_wait3A_1537 : memref<100x16xf32, #tpu.memory_space<vmem>>)
      %dma_wait3A_1544 = arith.constant 4 : i32
      %dma_wait3A_1545 = arith.constant 3 : i32
      %dma_wait3A_1546 = arith.constant 4 : i32
      %dma_wait3A_1547 = arith.constant 300 : i32
      %dma_wait3A_1548 = arith.constant 0 : i32
      %dma_wait3A_1549 = tpu.memref_slice %arg13[%dma_wait3A_1546, %dma_wait3A_1547, %dma_wait3A_1548] : memref<5x400x16xf32, #tpu.memory_space<vmem>> -> memref<1x100x16xf32, #tpu.memory_space<vmem>>
      %dma_wait3A_1550 = tpu.memref_squeeze %dma_wait3A_1549 : memref<1x100x16xf32, #tpu.memory_space<vmem>> -> memref<100x16xf32, #tpu.memory_space<vmem>>
      %dma_wait3A_1551 = arith.constant 0 : i32
      %dma_wait3A_1552 = tpu.memref_slice %arg10[%dma_wait3A_1544, %dma_wait3A_1545, %dma_wait3A_1551] : memref<5x4x100xi32, #tpu.memory_space<vmem>> -> memref<1x1x100xi32, #tpu.memory_space<vmem>>
      %dma_wait3A_1553 = tpu.memref_squeeze %dma_wait3A_1552 : memref<1x1x100xi32, #tpu.memory_space<vmem>> -> memref<100xi32, #tpu.memory_space<vmem>>
      %dma_wait3A_1554 = arith.constant 0 : i32
      %dma_wait3A_1555 = arith.constant 0 : i32
      %dma_wait3A_1556 = tpu.memref_slice %arg6[%dma_wait3A_1554, %dma_wait3A_1555] : memref<10000x16xf32, #tpu.memory_space<hbm>> -> memref<10000x16xf32, #tpu.memory_space<hbm>>
      tpu.wait_indirect_dma semaphore(%arg18 : memref<!tpu.dma_semaphore, #tpu.memory_space<semaphore_mem>>) src(%dma_wait3A_1556 : memref<10000x16xf32, #tpu.memory_space<hbm>>) dst(%dma_wait3A_1550 : memref<100x16xf32, #tpu.memory_space<vmem>>)
      %dma_wait3A_1557 = arith.constant 4 : i32
      %dma_wait3A_1558 = arith.constant 0 : i32
      %dma_wait3A_1559 = arith.constant 0 : i32
      %dma_wait3A_1560 = tpu.memref_slice %arg11[%dma_wait3A_1557, %dma_wait3A_1558, %dma_wait3A_1559] : memref<5x16x401xf32, #tpu.memory_space<vmem>> -> memref<1x16x400xf32, #tpu.memory_space<vmem>>
      %dma_wait3A_1561 = tpu.memref_squeeze %dma_wait3A_1560 : memref<1x16x400xf32, #tpu.memory_space<vmem>> -> memref<16x400xf32, #tpu.memory_space<vmem>>
      %dma_wait3A_1562 = arith.constant 0 : i32
      %dma_wait3A_1563 = tpu.memref_slice %arg4[%dma_wait3A_1562, %mul3A_262] : memref<16x320000xf32, #tpu.memory_space<hbm>> -> memref<16x400xf32, #tpu.memory_space<hbm>>
      %dma_wait3A_1564 = arith.constant 0 : i32
      %dma_wait3A_1565 = arith.constant 0 : i32
      %dma_wait3A_1566 = tpu.memref_slice %arg11[%dma_wait3A_1557, %dma_wait3A_1564, %dma_wait3A_1565] : memref<5x16x401xf32, #tpu.memory_space<vmem>> -> memref<1x16x400xf32, #tpu.memory_space<vmem>>
      %dma_wait3A_1567 = tpu.memref_squeeze %dma_wait3A_1566 : memref<1x16x400xf32, #tpu.memory_space<vmem>> -> memref<16x400xf32, #tpu.memory_space<vmem>>
      %dma_wait3A_1568 = arith.constant 0 : i32
      %dma_wait3A_1569 = tpu.memref_slice %arg4[%dma_wait3A_1568, %mul3A_262] : memref<16x320000xf32, #tpu.memory_space<hbm>> -> memref<16x400xf32, #tpu.memory_space<hbm>>
      tpu.wait_dma2 semaphore(%arg19 : memref<!tpu.dma_semaphore, #tpu.memory_space<semaphore_mem>>) src(%dma_wait3A_1569 : memref<16x400xf32, #tpu.memory_space<hbm>>) dst(%dma_wait3A_1567 : memref<16x400xf32, #tpu.memory_space<vmem>>)
      %parallel_loop3A_1570 = arith.constant 0 : i32
      %parallel_loop3A_1571 = arith.constant 400 : i32
      %parallel_loop3A_1572 = arith.constant 1 : i32
      scf.for %parallel_loop3A_1584 = %parallel_loop3A_1570 to %parallel_loop3A_1571 step %parallel_loop3A_1572  : i32 {
        %parallel_loop3A_1585 = vector.broadcast %parallel_loop3A_1584 : i32 to vector<16xi32>
        %parallel_loop3A_1586 = arith.constant 4 : i32
        %parallel_loop3A_1587 = arith.constant 0 : i32
        %parallel_loop3A_1588 = arith.constant 0 : i32
        %parallel_loop3A_1589 = tpu.memref_slice %arg11[%parallel_loop3A_1586, %parallel_loop3A_1587, %parallel_loop3A_1588] : memref<5x16x401xf32, #tpu.memory_space<vmem>> -> memref<1x16x401xf32, #tpu.memory_space<vmem>>
        %parallel_loop3A_1590 = tpu.memref_squeeze %parallel_loop3A_1589 : memref<1x16x401xf32, #tpu.memory_space<vmem>> -> memref<16x401xf32, #tpu.memory_space<vmem>>
        %parallel_loop3A_1591 = tpu.vector_load_idx %parallel_loop3A_1590[%iota3A, %parallel_loop3A_1585] : memref<16x401xf32, #tpu.memory_space<vmem>>[vector<16xi32>, vector<16xi32>], vector<16xf32>,
        %parallel_loop3A_1592 = arith.constant 4 : i32
        %parallel_loop3A_1593 = arith.index_cast %parallel_loop3A_1592 : i32 to index
        %parallel_loop3A_1594 = arith.index_cast %parallel_loop3A_1584 : i32 to index
        %parallel_loop3A_1595 = arith.constant 0 : index
        %parallel_loop3A_1596 = tpu.vector_load %arg12[%parallel_loop3A_1593, %parallel_loop3A_1594, %parallel_loop3A_1595] {strides = array<i32>} : memref<5x400x16xf32, #tpu.memory_space<vmem>>, vector<16xf32>,
        %parallel_loop3A_1597 = arith.constant 4 : i32
        %parallel_loop3A_1598 = arith.index_cast %parallel_loop3A_1597 : i32 to index
        %parallel_loop3A_1599 = arith.index_cast %parallel_loop3A_1584 : i32 to index
        %parallel_loop3A_1600 = arith.constant 0 : index
        %parallel_loop3A_1601 = tpu.vector_load %arg13[%parallel_loop3A_1598, %parallel_loop3A_1599, %parallel_loop3A_1600] {strides = array<i32>} : memref<5x400x16xf32, #tpu.memory_space<vmem>>, vector<16xf32>,
        %parallel_loop3A_1602 = arith.addf %parallel_loop3A_1596, %parallel_loop3A_1601 : vector<16xf32>
        %parallel_loop3A_1603 = arith.addf %parallel_loop3A_1602, %parallel_loop3A_1591 : vector<16xf32>
        %parallel_loop3A_1604 = arith.constant 0.000000e+00 : f32
        %parallel_loop3A_1605 = vector.broadcast %parallel_loop3A_1604 : f32 to vector<16xf32>
        %parallel_loop3A_1606 = arith.maximumf %parallel_loop3A_1603, %parallel_loop3A_1605 : vector<16xf32>
        %parallel_loop3A_1607 = arith.index_cast %parallel_loop3A_1584 : i32 to index
        %parallel_loop3A_1608 = arith.constant 0 : index
        %parallel_loop3A_1609 = tpu.vector_load %arg14[%parallel_loop3A_1607, %parallel_loop3A_1608] {strides = array<i32>} : memref<400x16xf32, #tpu.memory_space<vmem>>, vector<16xf32>,
        tpu.vector_store %arg14[%parallel_loop3A_1607, %parallel_loop3A_1608], %parallel_loop3A_1606 {strides = array<i32>} : memref<400x16xf32, #tpu.memory_space<vmem>>, vector<16xf32>,
        tpu.vector_store_idx %arg15[%iota3A, %parallel_loop3A_1585], %parallel_loop3A_1606 : memref<16x401xf32, #tpu.memory_space<vmem>>[vector<16xi32>, vector<16xi32>], vector<16xf32>,
      } {sc.loop_unroll_factor = 16 : i64, sc.parallel_access}
      %mul3A_1573 = arith.constant 400 : i32
      %mul3A_1574 = arith.muli %add3A_1452, %mul3A_1573 : i32
      "tpu.region"() ({
        %run_scoped3A_1584 = tpu.sem_alloc : memref<!tpu.dma_semaphore, #tpu.memory_space<semaphore_mem>>
        %dma_start3A_1585 = arith.constant 0 : i32
        %dma_start3A_1586 = arith.constant 0 : i32
        %dma_start3A_1587 = tpu.memref_slice %arg15[%dma_start3A_1585, %dma_start3A_1586] : memref<16x401xf32, #tpu.memory_space<vmem>> -> memref<16x400xf32, #tpu.memory_space<vmem>>
        %dma_start3A_1588 = arith.constant 0 : i32
        %dma_start3A_1589 = tpu.memref_slice %arg7[%dma_start3A_1588, %mul3A_1574] : memref<16x320000xf32, #tpu.memory_space<hbm>> -> memref<16x400xf32, #tpu.memory_space<hbm>>
        %dma_start3A_1590 = arith.constant 0 : i32
        %dma_start3A_1591 = tpu.memref_slice %arg7[%dma_start3A_1590, %mul3A_1574] : memref<16x320000xf32, #tpu.memory_space<hbm>> -> memref<16x400xf32, #tpu.memory_space<hbm>>
        %dma_start3A_1592 = arith.constant 0 : i32
        %dma_start3A_1593 = arith.constant 0 : i32
        %dma_start3A_1594 = tpu.memref_slice %arg15[%dma_start3A_1592, %dma_start3A_1593] : memref<16x401xf32, #tpu.memory_space<vmem>> -> memref<16x400xf32, #tpu.memory_space<vmem>>
        tpu.enqueue_dma source(%dma_start3A_1594 : memref<16x400xf32, #tpu.memory_space<vmem>>) target(%dma_start3A_1591 : memref<16x400xf32, #tpu.memory_space<hbm>>) target_semaphore(%run_scoped3A_1584 : memref<!tpu.dma_semaphore, #tpu.memory_space<semaphore_mem>>)
        %dma_wait3A_1595 = arith.constant 0 : i32
        %dma_wait3A_1596 = arith.constant 0 : i32
        %dma_wait3A_1597 = tpu.memref_slice %arg15[%dma_wait3A_1595, %dma_wait3A_1596] : memref<16x401xf32, #tpu.memory_space<vmem>> -> memref<16x400xf32, #tpu.memory_space<vmem>>
        %dma_wait3A_1598 = arith.constant 0 : i32
        %dma_wait3A_1599 = tpu.memref_slice %arg7[%dma_wait3A_1598, %mul3A_1574] : memref<16x320000xf32, #tpu.memory_space<hbm>> -> memref<16x400xf32, #tpu.memory_space<hbm>>
        %dma_wait3A_1600 = arith.constant 0 : i32
        %dma_wait3A_1601 = tpu.memref_slice %arg7[%dma_wait3A_1600, %mul3A_1574] : memref<16x320000xf32, #tpu.memory_space<hbm>> -> memref<16x400xf32, #tpu.memory_space<hbm>>
        %dma_wait3A_1602 = arith.constant 0 : i32
        %dma_wait3A_1603 = arith.constant 0 : i32
        %dma_wait3A_1604 = tpu.memref_slice %arg15[%dma_wait3A_1602, %dma_wait3A_1603] : memref<16x401xf32, #tpu.memory_space<vmem>> -> memref<16x400xf32, #tpu.memory_space<vmem>>
        tpu.wait_dma2 semaphore(%run_scoped3A_1584 : memref<!tpu.dma_semaphore, #tpu.memory_space<semaphore_mem>>) src(%dma_wait3A_1604 : memref<16x400xf32, #tpu.memory_space<vmem>>) dst(%dma_wait3A_1601 : memref<16x400xf32, #tpu.memory_space<hbm>>)
        tpu.yield
      }) : () -> ()
      %run_scoped3A_1575 = arith.constant 4 : i32
      %run_scoped3A_1576 = arith.constant 0 : i32
      "tpu.region"() ({
        %run_scoped3A_1584 = tpu.sem_alloc : memref<!tpu.dma_semaphore, #tpu.memory_space<semaphore_mem>>
        %dma_start3A_1585 = arith.constant 0 : i32
        %dma_start3A_1586 = arith.constant 0 : i32
        %dma_start3A_1587 = tpu.memref_slice %arg14[%dma_start3A_1585, %dma_start3A_1586] : memref<400x16xf32, #tpu.memory_space<vmem>> -> memref<100x16xf32, #tpu.memory_space<vmem>>
        %dma_start3A_1588 = arith.constant 0 : i32
        %dma_start3A_1589 = tpu.memref_slice %arg10[%run_scoped3A_1575, %run_scoped3A_1576, %dma_start3A_1588] : memref<5x4x100xi32, #tpu.memory_space<vmem>> -> memref<1x1x100xi32, #tpu.memory_space<vmem>>
        %dma_start3A_1590 = tpu.memref_squeeze %dma_start3A_1589 : memref<1x1x100xi32, #tpu.memory_space<vmem>> -> memref<100xi32, #tpu.memory_space<vmem>>
        %dma_start3A_1591 = arith.constant 0 : i32
        %dma_start3A_1592 = arith.constant 0 : i32
        %dma_start3A_1593 = tpu.memref_slice %arg17[%dma_start3A_1591, %dma_start3A_1592] : memref<10240x16xf32, #tpu.memory_space<vmem_shared>> -> memref<10240x16xf32, #tpu.memory_space<vmem_shared>>
        tpu.enqueue_indirect_dma source(%dma_start3A_1587 : memref<100x16xf32, #tpu.memory_space<vmem>>) target(%dma_start3A_1593 : memref<10240x16xf32, #tpu.memory_space<vmem_shared>>) offsets(%dma_start3A_1590 : memref<100xi32, #tpu.memory_space<vmem>>) semaphore(%run_scoped3A_1584 : memref<!tpu.dma_semaphore, #tpu.memory_space<semaphore_mem>>) {add = true}
        %dma_wait3A_1594 = arith.constant 0 : i32
        %dma_wait3A_1595 = arith.constant 0 : i32
        %dma_wait3A_1596 = tpu.memref_slice %arg14[%dma_wait3A_1594, %dma_wait3A_1595] : memref<400x16xf32, #tpu.memory_space<vmem>> -> memref<100x16xf32, #tpu.memory_space<vmem>>
        %dma_wait3A_1597 = arith.constant 0 : i32
        %dma_wait3A_1598 = tpu.memref_slice %arg10[%run_scoped3A_1575, %run_scoped3A_1576, %dma_wait3A_1597] : memref<5x4x100xi32, #tpu.memory_space<vmem>> -> memref<1x1x100xi32, #tpu.memory_space<vmem>>
        %dma_wait3A_1599 = tpu.memref_squeeze %dma_wait3A_1598 : memref<1x1x100xi32, #tpu.memory_space<vmem>> -> memref<100xi32, #tpu.memory_space<vmem>>
        %dma_wait3A_1600 = arith.constant 0 : i32
        %dma_wait3A_1601 = arith.constant 0 : i32
        %dma_wait3A_1602 = tpu.memref_slice %arg17[%dma_wait3A_1600, %dma_wait3A_1601] : memref<10240x16xf32, #tpu.memory_space<vmem_shared>> -> memref<10240x16xf32, #tpu.memory_space<vmem_shared>>
        tpu.wait_indirect_dma semaphore(%run_scoped3A_1584 : memref<!tpu.dma_semaphore, #tpu.memory_space<semaphore_mem>>) src(%dma_wait3A_1596 : memref<100x16xf32, #tpu.memory_space<vmem>>) dst(%dma_wait3A_1602 : memref<10240x16xf32, #tpu.memory_space<vmem_shared>>)
        tpu.yield
      }) : () -> ()
      %run_scoped3A_1577 = arith.constant 4 : i32
      %run_scoped3A_1578 = arith.constant 1 : i32
      "tpu.region"() ({
        %run_scoped3A_1584 = tpu.sem_alloc : memref<!tpu.dma_semaphore, #tpu.memory_space<semaphore_mem>>
        %dma_start3A_1585 = arith.constant 100 : i32
        %dma_start3A_1586 = arith.constant 0 : i32
        %dma_start3A_1587 = tpu.memref_slice %arg14[%dma_start3A_1585, %dma_start3A_1586] : memref<400x16xf32, #tpu.memory_space<vmem>> -> memref<100x16xf32, #tpu.memory_space<vmem>>
        %dma_start3A_1588 = arith.constant 0 : i32
        %dma_start3A_1589 = tpu.memref_slice %arg10[%run_scoped3A_1577, %run_scoped3A_1578, %dma_start3A_1588] : memref<5x4x100xi32, #tpu.memory_space<vmem>> -> memref<1x1x100xi32, #tpu.memory_space<vmem>>
        %dma_start3A_1590 = tpu.memref_squeeze %dma_start3A_1589 : memref<1x1x100xi32, #tpu.memory_space<vmem>> -> memref<100xi32, #tpu.memory_space<vmem>>
        %dma_start3A_1591 = arith.constant 0 : i32
        %dma_start3A_1592 = arith.constant 0 : i32
        %dma_start3A_1593 = tpu.memref_slice %arg17[%dma_start3A_1591, %dma_start3A_1592] : memref<10240x16xf32, #tpu.memory_space<vmem_shared>> -> memref<10240x16xf32, #tpu.memory_space<vmem_shared>>
        tpu.enqueue_indirect_dma source(%dma_start3A_1587 : memref<100x16xf32, #tpu.memory_space<vmem>>) target(%dma_start3A_1593 : memref<10240x16xf32, #tpu.memory_space<vmem_shared>>) offsets(%dma_start3A_1590 : memref<100xi32, #tpu.memory_space<vmem>>) semaphore(%run_scoped3A_1584 : memref<!tpu.dma_semaphore, #tpu.memory_space<semaphore_mem>>) {add = true}
        %dma_wait3A_1594 = arith.constant 100 : i32
        %dma_wait3A_1595 = arith.constant 0 : i32
        %dma_wait3A_1596 = tpu.memref_slice %arg14[%dma_wait3A_1594, %dma_wait3A_1595] : memref<400x16xf32, #tpu.memory_space<vmem>> -> memref<100x16xf32, #tpu.memory_space<vmem>>
        %dma_wait3A_1597 = arith.constant 0 : i32
        %dma_wait3A_1598 = tpu.memref_slice %arg10[%run_scoped3A_1577, %run_scoped3A_1578, %dma_wait3A_1597] : memref<5x4x100xi32, #tpu.memory_space<vmem>> -> memref<1x1x100xi32, #tpu.memory_space<vmem>>
        %dma_wait3A_1599 = tpu.memref_squeeze %dma_wait3A_1598 : memref<1x1x100xi32, #tpu.memory_space<vmem>> -> memref<100xi32, #tpu.memory_space<vmem>>
        %dma_wait3A_1600 = arith.constant 0 : i32
        %dma_wait3A_1601 = arith.constant 0 : i32
        %dma_wait3A_1602 = tpu.memref_slice %arg17[%dma_wait3A_1600, %dma_wait3A_1601] : memref<10240x16xf32, #tpu.memory_space<vmem_shared>> -> memref<10240x16xf32, #tpu.memory_space<vmem_shared>>
        tpu.wait_indirect_dma semaphore(%run_scoped3A_1584 : memref<!tpu.dma_semaphore, #tpu.memory_space<semaphore_mem>>) src(%dma_wait3A_1596 : memref<100x16xf32, #tpu.memory_space<vmem>>) dst(%dma_wait3A_1602 : memref<10240x16xf32, #tpu.memory_space<vmem_shared>>)
        tpu.yield
      }) : () -> ()
      %run_scoped3A_1579 = arith.constant 4 : i32
      %run_scoped3A_1580 = arith.constant 2 : i32
      "tpu.region"() ({
        %run_scoped3A_1584 = tpu.sem_alloc : memref<!tpu.dma_semaphore, #tpu.memory_space<semaphore_mem>>
        %dma_start3A_1585 = arith.constant 200 : i32
        %dma_start3A_1586 = arith.constant 0 : i32
        %dma_start3A_1587 = tpu.memref_slice %arg14[%dma_start3A_1585, %dma_start3A_1586] : memref<400x16xf32, #tpu.memory_space<vmem>> -> memref<100x16xf32, #tpu.memory_space<vmem>>
        %dma_start3A_1588 = arith.constant 0 : i32
        %dma_start3A_1589 = tpu.memref_slice %arg10[%run_scoped3A_1579, %run_scoped3A_1580, %dma_start3A_1588] : memref<5x4x100xi32, #tpu.memory_space<vmem>> -> memref<1x1x100xi32, #tpu.memory_space<vmem>>
        %dma_start3A_1590 = tpu.memref_squeeze %dma_start3A_1589 : memref<1x1x100xi32, #tpu.memory_space<vmem>> -> memref<100xi32, #tpu.memory_space<vmem>>
        %dma_start3A_1591 = arith.constant 0 : i32
        %dma_start3A_1592 = arith.constant 0 : i32
        %dma_start3A_1593 = tpu.memref_slice %arg17[%dma_start3A_1591, %dma_start3A_1592] : memref<10240x16xf32, #tpu.memory_space<vmem_shared>> -> memref<10240x16xf32, #tpu.memory_space<vmem_shared>>
        tpu.enqueue_indirect_dma source(%dma_start3A_1587 : memref<100x16xf32, #tpu.memory_space<vmem>>) target(%dma_start3A_1593 : memref<10240x16xf32, #tpu.memory_space<vmem_shared>>) offsets(%dma_start3A_1590 : memref<100xi32, #tpu.memory_space<vmem>>) semaphore(%run_scoped3A_1584 : memref<!tpu.dma_semaphore, #tpu.memory_space<semaphore_mem>>) {add = true}
        %dma_wait3A_1594 = arith.constant 200 : i32
        %dma_wait3A_1595 = arith.constant 0 : i32
        %dma_wait3A_1596 = tpu.memref_slice %arg14[%dma_wait3A_1594, %dma_wait3A_1595] : memref<400x16xf32, #tpu.memory_space<vmem>> -> memref<100x16xf32, #tpu.memory_space<vmem>>
        %dma_wait3A_1597 = arith.constant 0 : i32
        %dma_wait3A_1598 = tpu.memref_slice %arg10[%run_scoped3A_1579, %run_scoped3A_1580, %dma_wait3A_1597] : memref<5x4x100xi32, #tpu.memory_space<vmem>> -> memref<1x1x100xi32, #tpu.memory_space<vmem>>
        %dma_wait3A_1599 = tpu.memref_squeeze %dma_wait3A_1598 : memref<1x1x100xi32, #tpu.memory_space<vmem>> -> memref<100xi32, #tpu.memory_space<vmem>>
        %dma_wait3A_1600 = arith.constant 0 : i32
        %dma_wait3A_1601 = arith.constant 0 : i32
        %dma_wait3A_1602 = tpu.memref_slice %arg17[%dma_wait3A_1600, %dma_wait3A_1601] : memref<10240x16xf32, #tpu.memory_space<vmem_shared>> -> memref<10240x16xf32, #tpu.memory_space<vmem_shared>>
        tpu.wait_indirect_dma semaphore(%run_scoped3A_1584 : memref<!tpu.dma_semaphore, #tpu.memory_space<semaphore_mem>>) src(%dma_wait3A_1596 : memref<100x16xf32, #tpu.memory_space<vmem>>) dst(%dma_wait3A_1602 : memref<10240x16xf32, #tpu.memory_space<vmem_shared>>)
        tpu.yield
      }) : () -> ()
      %run_scoped3A_1581 = arith.constant 4 : i32
      %run_scoped3A_1582 = arith.constant 3 : i32
      "tpu.region"() ({
        %run_scoped3A_1584 = tpu.sem_alloc : memref<!tpu.dma_semaphore, #tpu.memory_space<semaphore_mem>>
        %dma_start3A_1585 = arith.constant 300 : i32
        %dma_start3A_1586 = arith.constant 0 : i32
        %dma_start3A_1587 = tpu.memref_slice %arg14[%dma_start3A_1585, %dma_start3A_1586] : memref<400x16xf32, #tpu.memory_space<vmem>> -> memref<100x16xf32, #tpu.memory_space<vmem>>
        %dma_start3A_1588 = arith.constant 0 : i32
        %dma_start3A_1589 = tpu.memref_slice %arg10[%run_scoped3A_1581, %run_scoped3A_1582, %dma_start3A_1588] : memref<5x4x100xi32, #tpu.memory_space<vmem>> -> memref<1x1x100xi32, #tpu.memory_space<vmem>>
        %dma_start3A_1590 = tpu.memref_squeeze %dma_start3A_1589 : memref<1x1x100xi32, #tpu.memory_space<vmem>> -> memref<100xi32, #tpu.memory_space<vmem>>
        %dma_start3A_1591 = arith.constant 0 : i32
        %dma_start3A_1592 = arith.constant 0 : i32
        %dma_start3A_1593 = tpu.memref_slice %arg17[%dma_start3A_1591, %dma_start3A_1592] : memref<10240x16xf32, #tpu.memory_space<vmem_shared>> -> memref<10240x16xf32, #tpu.memory_space<vmem_shared>>
        tpu.enqueue_indirect_dma source(%dma_start3A_1587 : memref<100x16xf32, #tpu.memory_space<vmem>>) target(%dma_start3A_1593 : memref<10240x16xf32, #tpu.memory_space<vmem_shared>>) offsets(%dma_start3A_1590 : memref<100xi32, #tpu.memory_space<vmem>>) semaphore(%run_scoped3A_1584 : memref<!tpu.dma_semaphore, #tpu.memory_space<semaphore_mem>>) {add = true}
        %dma_wait3A_1594 = arith.constant 300 : i32
        %dma_wait3A_1595 = arith.constant 0 : i32
        %dma_wait3A_1596 = tpu.memref_slice %arg14[%dma_wait3A_1594, %dma_wait3A_1595] : memref<400x16xf32, #tpu.memory_space<vmem>> -> memref<100x16xf32, #tpu.memory_space<vmem>>
        %dma_wait3A_1597 = arith.constant 0 : i32
        %dma_wait3A_1598 = tpu.memref_slice %arg10[%run_scoped3A_1581, %run_scoped3A_1582, %dma_wait3A_1597] : memref<5x4x100xi32, #tpu.memory_space<vmem>> -> memref<1x1x100xi32, #tpu.memory_space<vmem>>
        %dma_wait3A_1599 = tpu.memref_squeeze %dma_wait3A_1598 : memref<1x1x100xi32, #tpu.memory_space<vmem>> -> memref<100xi32, #tpu.memory_space<vmem>>
        %dma_wait3A_1600 = arith.constant 0 : i32
        %dma_wait3A_1601 = arith.constant 0 : i32
        %dma_wait3A_1602 = tpu.memref_slice %arg17[%dma_wait3A_1600, %dma_wait3A_1601] : memref<10240x16xf32, #tpu.memory_space<vmem_shared>> -> memref<10240x16xf32, #tpu.memory_space<vmem_shared>>
        tpu.wait_indirect_dma semaphore(%run_scoped3A_1584 : memref<!tpu.dma_semaphore, #tpu.memory_space<semaphore_mem>>) src(%dma_wait3A_1596 : memref<100x16xf32, #tpu.memory_space<vmem>>) dst(%dma_wait3A_1602 : memref<10240x16xf32, #tpu.memory_space<vmem_shared>>)
        tpu.yield
      }) : () -> ()
      %scan3A_1583 = arith.constant 0 : i32
      scf.yield %scan3A_1583 : i32
    }
    %scan3A_29 = arith.constant 5 : i32
    %barrier3A_30 = arith.constant 0 : index
    tpu.barrier barrier_id(%barrier3A_30)
    %mul3A_31 = arith.constant 640 : i32
    %mul3A_32 = arith.muli %arg1, %mul3A_31 : i32
    %mul3A_33 = arith.constant 640 : i32
    %mul3A_34 = arith.muli %arg1, %mul3A_33 : i32
    "tpu.region"() ({
      %run_scoped3A = tpu.sem_alloc : memref<!tpu.dma_semaphore, #tpu.memory_space<semaphore_mem>>
      %dma_start3A = arith.constant 0 : i32
      %dma_start3A_35 = tpu.memref_slice %arg8[%arg0, %mul3A_34, %dma_start3A] : memref<2x10240x16xf32, #tpu.memory_space<hbm>> -> memref<1x640x16xf32, #tpu.memory_space<hbm>>
      %dma_start3A_36 = tpu.memref_squeeze %dma_start3A_35 : memref<1x640x16xf32, #tpu.memory_space<hbm>> -> memref<640x16xf32, #tpu.memory_space<hbm>>
      %dma_start3A_37 = arith.constant 0 : i32
      %dma_start3A_38 = tpu.memref_slice %arg17[%mul3A_32, %dma_start3A_37] : memref<10240x16xf32, #tpu.memory_space<vmem_shared>> -> memref<640x16xf32, #tpu.memory_space<vmem_shared>>
      tpu.enqueue_dma source(%dma_start3A_38 : memref<640x16xf32, #tpu.memory_space<vmem_shared>>) target(%dma_start3A_36 : memref<640x16xf32, #tpu.memory_space<hbm>>) target_semaphore(%run_scoped3A : memref<!tpu.dma_semaphore, #tpu.memory_space<semaphore_mem>>)
      %dma_wait3A = arith.constant 0 : i32
      %dma_wait3A_39 = tpu.memref_slice %arg8[%arg0, %mul3A_34, %dma_wait3A] : memref<2x10240x16xf32, #tpu.memory_space<hbm>> -> memref<1x640x16xf32, #tpu.memory_space<hbm>>
      %dma_wait3A_40 = tpu.memref_squeeze %dma_wait3A_39 : memref<1x640x16xf32, #tpu.memory_space<hbm>> -> memref<640x16xf32, #tpu.memory_space<hbm>>
      %dma_wait3A_41 = arith.constant 0 : i32
      %dma_wait3A_42 = tpu.memref_slice %arg17[%mul3A_32, %dma_wait3A_41] : memref<10240x16xf32, #tpu.memory_space<vmem_shared>> -> memref<640x16xf32, #tpu.memory_space<vmem_shared>>
      tpu.wait_dma2 semaphore(%run_scoped3A : memref<!tpu.dma_semaphore, #tpu.memory_space<semaphore_mem>>) src(%dma_wait3A_42 : memref<640x16xf32, #tpu.memory_space<vmem_shared>>) dst(%dma_wait3A_40 : memref<640x16xf32, #tpu.memory_space<hbm>>)
      tpu.yield
    }) : () -> ()
    return
  }
}

module attributes {stable_mosaic.version = 14 : i64} {
  func.func @_edge_term_body(%arg0: i32, %arg1: memref<16x16000xf32, #tpu.memory_space<vmem>>, %arg2: memref<16x16xf32, #tpu.memory_space<vmem>>, %arg3: memref<16x1xf32, #tpu.memory_space<vmem>>, %arg4: memref<16x16000xf32, #tpu.memory_space<vmem>>) attributes {dimension_semantics = [#tpu.dimension_semantics<arbitrary>], iteration_bounds = array<i64: 20>, scalar_prefetch = 0 : i64, scratch_operands = 0 : i64, tpu.core_type = #tpu.core_type<tc>, window_params = [{transform_indices = @transform_0, window_bounds = array<i64: 16, 16000>}, {pipeline_mode = #tpu.pipeline_mode<synchronous>, transform_indices = @transform_1, window_bounds = array<i64: 16, 16>}, {pipeline_mode = #tpu.pipeline_mode<synchronous>, transform_indices = @transform_2, window_bounds = array<i64: 16, 1>}, {transform_indices = @transform_3, window_bounds = array<i64: 16, 16000>}]} {
    %get3A = arith.constant 0 : index
    %get3A_0 = arith.constant 0 : index
    %get3A_1 = vector.load %arg2[%get3A, %get3A_0] : memref<16x16xf32, #tpu.memory_space<vmem>>, vector<16x16xf32>
    %get3A_2 = arith.constant 0 : index
    %get3A_3 = arith.constant 0 : index
    %get3A_4 = vector.load %arg1[%get3A_2, %get3A_3] : memref<16x16000xf32, #tpu.memory_space<vmem>>, vector<16x16000xf32>
    %dot_general3A = arith.constant dense<0.000000e+00> : vector<16x16000xf32>
    %dot_general3A_5 = tpu.matmul %get3A_1, %get3A_4, %dot_general3A {dimension_numbers = #tpu.dot_dimension_numbers<[1], [0], [0], [1], [0, 0, 1, 1], [], []>, transpose_lhs_hint = false} : vector<16x16xf32>, vector<16x16000xf32>, vector<16x16000xf32> -> vector<16x16000xf32>
    %get3A_6 = arith.constant 0 : index
    %get3A_7 = arith.constant 0 : index
    %get3A_8 = vector.load %arg3[%get3A_6, %get3A_7] : memref<16x1xf32, #tpu.memory_space<vmem>>, vector<16x1xf32>
    %add3A = vector.broadcast %get3A_8 : vector<16x1xf32> to vector<16x16000xf32>
    %add3A_9 = arith.addf %dot_general3A_5, %add3A : vector<16x16000xf32>
    %swap3A = arith.constant 0 : index
    %swap3A_10 = arith.constant 0 : index
    %swap3A_11 = vector.load %arg4[%swap3A, %swap3A_10] : memref<16x16000xf32, #tpu.memory_space<vmem>>, vector<16x16000xf32>
    tpu.vector_store %arg4[%swap3A, %swap3A_10], %add3A_9 {strides = array<i32>} : memref<16x16000xf32, #tpu.memory_space<vmem>>, vector<16x16000xf32>,
    return
  }
  func.func @transform_0(%arg0: i32) -> (i32, i32) {
    %c0_i32 = arith.constant 0 : i32
    %c0_i32_0 = arith.constant 0 : i32
    return %c0_i32, %arg0 : i32, i32
  }
  func.func @transform_1(%arg0: i32) -> (i32, i32) {
    %c0_i32 = arith.constant 0 : i32
    %c0_i32_0 = arith.constant 0 : i32
    %c0_i32_1 = arith.constant 0 : i32
    return %c0_i32, %c0_i32_0 : i32, i32
  }
  func.func @transform_2(%arg0: i32) -> (i32, i32) {
    %c0_i32 = arith.constant 0 : i32
    %c0_i32_0 = arith.constant 0 : i32
    %c0_i32_1 = arith.constant 0 : i32
    return %c0_i32, %c0_i32_0 : i32, i32
  }
  func.func @transform_3(%arg0: i32) -> (i32, i32) {
    %c0_i32 = arith.constant 0 : i32
    %c0_i32_0 = arith.constant 0 : i32
    return %c0_i32, %arg0 : i32, i32
  }
}

module attributes {stable_mosaic.version = 14 : i64} {
  func.func @_proj_body(%arg0: memref<1250x1024xf32, #tpu.memory_space<vmem>>, %arg1: memref<1024x128xf32, #tpu.memory_space<vmem>>, %arg2: memref<1024x128xf32, #tpu.memory_space<vmem>>, %arg3: memref<1250x128xf32, #tpu.memory_space<vmem>>, %arg4: memref<1250x128xf32, #tpu.memory_space<vmem>>) attributes {dimension_semantics = [], scalar_prefetch = 0 : i64, scratch_operands = 0 : i64, tpu.core_type = #tpu.core_type<tc>} {
    %get3A = arith.constant 0 : index
    %get3A_0 = arith.constant 0 : index
    %get3A_1 = vector.load %arg0[%get3A, %get3A_0] : memref<1250x1024xf32, #tpu.memory_space<vmem>>, vector<1250x1024xf32>
    %get3A_2 = arith.constant 0 : index
    %get3A_3 = arith.constant 0 : index
    %get3A_4 = vector.load %arg1[%get3A_2, %get3A_3] : memref<1024x128xf32, #tpu.memory_space<vmem>>, vector<1024x128xf32>
    %dot_general3A = arith.constant dense<0.000000e+00> : vector<1250x128xf32>
    %dot_general3A_5 = tpu.matmul %get3A_1, %get3A_4, %dot_general3A {dimension_numbers = #tpu.dot_dimension_numbers<[1], [0], [0], [1], [0, 0, 1, 1], [], []>, transpose_lhs_hint = false} : vector<1250x1024xf32>, vector<1024x128xf32>, vector<1250x128xf32> -> vector<1250x128xf32>
    %swap3A = arith.constant 0 : index
    %swap3A_6 = arith.constant 0 : index
    %swap3A_7 = vector.load %arg3[%swap3A, %swap3A_6] : memref<1250x128xf32, #tpu.memory_space<vmem>>, vector<1250x128xf32>
    tpu.vector_store %arg3[%swap3A, %swap3A_6], %dot_general3A_5 {strides = array<i32>} : memref<1250x128xf32, #tpu.memory_space<vmem>>, vector<1250x128xf32>,
    %get3A_8 = arith.constant 0 : index
    %get3A_9 = arith.constant 0 : index
    %get3A_10 = vector.load %arg2[%get3A_8, %get3A_9] : memref<1024x128xf32, #tpu.memory_space<vmem>>, vector<1024x128xf32>
    %dot_general3A_11 = arith.constant dense<0.000000e+00> : vector<1250x128xf32>
    %dot_general3A_12 = tpu.matmul %get3A_1, %get3A_10, %dot_general3A_11 {dimension_numbers = #tpu.dot_dimension_numbers<[1], [0], [0], [1], [0, 0, 1, 1], [], []>, transpose_lhs_hint = false} : vector<1250x1024xf32>, vector<1024x128xf32>, vector<1250x128xf32> -> vector<1250x128xf32>
    %swap3A_13 = arith.constant 0 : index
    %swap3A_14 = arith.constant 0 : index
    %swap3A_15 = vector.load %arg4[%swap3A_13, %swap3A_14] : memref<1250x128xf32, #tpu.memory_space<vmem>>, vector<1250x128xf32>
    tpu.vector_store %arg4[%swap3A_13, %swap3A_14], %dot_general3A_12 {strides = array<i32>} : memref<1250x128xf32, #tpu.memory_space<vmem>>, vector<1250x128xf32>,
    return
  }
}

module attributes {stable_mosaic.version = 14 : i64} {
  func.func @_node_body(%arg0: i32, %arg1: memref<2000x128xf32, #tpu.memory_space<vmem>>, %arg2: memref<2x2000x16xf32, #tpu.memory_space<vmem>>, %arg3: memref<128x128xf32, #tpu.memory_space<vmem>>, %arg4: memref<16x128xf32, #tpu.memory_space<vmem>>, %arg5: memref<1x128xf32, #tpu.memory_space<vmem>>, %arg6: memref<2000x128xf32, #tpu.memory_space<vmem>>, %arg7: memref<1x128xf32, #tpu.memory_space<vmem>>, %arg8: memref<1x16xf32, #tpu.memory_space<vmem>>) attributes {dimension_semantics = [#tpu.dimension_semantics<arbitrary>], iteration_bounds = array<i64: 5>, scalar_prefetch = 0 : i64, scratch_operands = 0 : i64, tpu.core_type = #tpu.core_type<tc>, window_params = [{transform_indices = @transform_0, window_bounds = array<i64: 2000, 128>}, {transform_indices = @transform_1, window_bounds = array<i64: 2, 2000, 16>}, {pipeline_mode = #tpu.pipeline_mode<synchronous>, transform_indices = @transform_2, window_bounds = array<i64: 128, 128>}, {pipeline_mode = #tpu.pipeline_mode<synchronous>, transform_indices = @transform_3, window_bounds = array<i64: 16, 128>}, {pipeline_mode = #tpu.pipeline_mode<synchronous>, transform_indices = @transform_4, window_bounds = array<i64: 1, 128>}, {transform_indices = @transform_5, window_bounds = array<i64: 2000, 128>}, {pipeline_mode = #tpu.pipeline_mode<synchronous>, transform_indices = @transform_6, window_bounds = array<i64: 1, 128>}, {pipeline_mode = #tpu.pipeline_mode<synchronous>, transform_indices = @transform_7, window_bounds = array<i64: 1, 16>}]} {
    %get3A = arith.constant 0 : index
    %get3A_0 = arith.constant 0 : index
    %get3A_1 = arith.constant 0 : index
    %get3A_2 = vector.load %arg2[%get3A, %get3A_0, %get3A_1] : memref<2x2000x16xf32, #tpu.memory_space<vmem>>, vector<1x2000x16xf32>
    %get3A_3 = vector.shape_cast %get3A_2 : vector<1x2000x16xf32> to vector<2000x16xf32>
    %get3A_4 = arith.constant 1 : index
    %get3A_5 = arith.constant 0 : index
    %get3A_6 = arith.constant 0 : index
    %get3A_7 = vector.load %arg2[%get3A_4, %get3A_5, %get3A_6] : memref<2x2000x16xf32, #tpu.memory_space<vmem>>, vector<1x2000x16xf32>
    %get3A_8 = vector.shape_cast %get3A_7 : vector<1x2000x16xf32> to vector<2000x16xf32>
    %add3A = arith.addf %get3A_3, %get3A_8 : vector<2000x16xf32>
    %get3A_9 = arith.constant 0 : index
    %get3A_10 = arith.constant 0 : index
    %get3A_11 = vector.load %arg1[%get3A_9, %get3A_10] : memref<2000x128xf32, #tpu.memory_space<vmem>>, vector<2000x128xf32>
    %get3A_12 = arith.constant 0 : index
    %get3A_13 = arith.constant 0 : index
    %get3A_14 = vector.load %arg3[%get3A_12, %get3A_13] : memref<128x128xf32, #tpu.memory_space<vmem>>, vector<128x128xf32>
    %dot_general3A = arith.constant dense<0.000000e+00> : vector<2000x128xf32>
    %dot_general3A_15 = tpu.matmul %get3A_11, %get3A_14, %dot_general3A {dimension_numbers = #tpu.dot_dimension_numbers<[1], [0], [0], [1], [0, 0, 1, 1], [], []>, transpose_lhs_hint = false} : vector<2000x128xf32>, vector<128x128xf32>, vector<2000x128xf32> -> vector<2000x128xf32>
    %get3A_16 = arith.constant 0 : index
    %get3A_17 = arith.constant 0 : index
    %get3A_18 = vector.load %arg4[%get3A_16, %get3A_17] : memref<16x128xf32, #tpu.memory_space<vmem>>, vector<16x128xf32>
    %dot_general3A_19 = arith.constant dense<0.000000e+00> : vector<2000x128xf32>
    %dot_general3A_20 = tpu.matmul %add3A, %get3A_18, %dot_general3A_19 {dimension_numbers = #tpu.dot_dimension_numbers<[1], [0], [0], [1], [0, 0, 1, 1], [], []>, transpose_lhs_hint = false} : vector<2000x16xf32>, vector<16x128xf32>, vector<2000x128xf32> -> vector<2000x128xf32>
    %add3A_21 = arith.addf %dot_general3A_15, %dot_general3A_20 : vector<2000x128xf32>
    %get3A_22 = arith.constant 0 : index
    %get3A_23 = arith.constant 0 : index
    %get3A_24 = vector.load %arg5[%get3A_22, %get3A_23] : memref<1x128xf32, #tpu.memory_space<vmem>>, vector<1x128xf32>
    %add3A_25 = vector.broadcast %get3A_24 : vector<1x128xf32> to vector<2000x128xf32>
    %add3A_26 = arith.addf %add3A_21, %add3A_25 : vector<2000x128xf32>
    %max3A = arith.constant 0.000000e+00 : f32
    %max3A_27 = vector.broadcast %max3A : f32 to vector<2000x128xf32>
    %max3A_28 = arith.maximumf %add3A_26, %max3A_27 : vector<2000x128xf32>
    %swap3A = arith.constant 0 : index
    %swap3A_29 = arith.constant 0 : index
    %swap3A_30 = vector.load %arg6[%swap3A, %swap3A_29] : memref<2000x128xf32, #tpu.memory_space<vmem>>, vector<2000x128xf32>
    tpu.vector_store %arg6[%swap3A, %swap3A_29], %max3A_28 {strides = array<i32>} : memref<2000x128xf32, #tpu.memory_space<vmem>>, vector<2000x128xf32>,
    %eq3A = arith.constant 0 : i32
    %eq3A_31 = arith.cmpi eq, %arg0, %eq3A : i32
    %convert_element_type3A = arith.extui %eq3A_31 : i1 to i32
    %cond3A = arith.constant 0 : i32
    %cond3A_32 = arith.cmpi ne, %convert_element_type3A, %cond3A : i32
    scf.if %cond3A_32 {
      %broadcast_in_dim3A_51 = arith.constant 0.000000e+00 : f32
      %broadcast_in_dim3A_52 = vector.broadcast %broadcast_in_dim3A_51 : f32 to vector<1x128xf32>
      %swap3A_53 = arith.constant 0 : index
      %swap3A_54 = arith.constant 0 : index
      %swap3A_55 = vector.load %arg7[%swap3A_53, %swap3A_54] : memref<1x128xf32, #tpu.memory_space<vmem>>, vector<1x128xf32>
      tpu.vector_store %arg7[%swap3A_53, %swap3A_54], %broadcast_in_dim3A_52 {strides = array<i32>} : memref<1x128xf32, #tpu.memory_space<vmem>>, vector<1x128xf32>,
      %broadcast_in_dim3A_56 = arith.constant 0.000000e+00 : f32
      %broadcast_in_dim3A_57 = vector.broadcast %broadcast_in_dim3A_56 : f32 to vector<1x16xf32>
      %swap3A_58 = arith.constant 0 : index
      %swap3A_59 = arith.constant 0 : index
      %swap3A_60 = vector.load %arg8[%swap3A_58, %swap3A_59] : memref<1x16xf32, #tpu.memory_space<vmem>>, vector<1x16xf32>
      tpu.vector_store %arg8[%swap3A_58, %swap3A_59], %broadcast_in_dim3A_57 {strides = array<i32>} : memref<1x16xf32, #tpu.memory_space<vmem>>, vector<1x16xf32>,
    } else {
    }
    %get3A_33 = arith.constant 0 : index
    %get3A_34 = arith.constant 0 : index
    %get3A_35 = vector.load %arg7[%get3A_33, %get3A_34] : memref<1x128xf32, #tpu.memory_space<vmem>>, vector<1x128xf32>
    %reduce_sum3A = arith.constant dense<0.000000e+00> : vector<128xf32>
    %reduce_sum3A_36 = vector.multi_reduction <add>, %max3A_28, %reduce_sum3A [0] : vector<2000x128xf32> to vector<128xf32>
    %broadcast_in_dim3A = vector.shape_cast %reduce_sum3A_36 : vector<128xf32> to vector<1x128xf32>
    %add3A_37 = arith.addf %get3A_35, %broadcast_in_dim3A : vector<1x128xf32>
    %swap3A_38 = arith.constant 0 : index
    %swap3A_39 = arith.constant 0 : index
    %swap3A_40 = vector.load %arg7[%swap3A_38, %swap3A_39] : memref<1x128xf32, #tpu.memory_space<vmem>>, vector<1x128xf32>
    tpu.vector_store %arg7[%swap3A_38, %swap3A_39], %add3A_37 {strides = array<i32>} : memref<1x128xf32, #tpu.memory_space<vmem>>, vector<1x128xf32>,
    %get3A_41 = arith.constant 0 : index
    %get3A_42 = arith.constant 0 : index
    %get3A_43 = vector.load %arg8[%get3A_41, %get3A_42] : memref<1x16xf32, #tpu.memory_space<vmem>>, vector<1x16xf32>
    %reduce_sum3A_44 = arith.constant dense<0.000000e+00> : vector<16xf32>
    %reduce_sum3A_45 = vector.multi_reduction <add>, %add3A, %reduce_sum3A_44 [0] : vector<2000x16xf32> to vector<16xf32>
    %broadcast_in_dim3A_46 = vector.shape_cast %reduce_sum3A_45 : vector<16xf32> to vector<1x16xf32>
    %add3A_47 = arith.addf %get3A_43, %broadcast_in_dim3A_46 : vector<1x16xf32>
    %swap3A_48 = arith.constant 0 : index
    %swap3A_49 = arith.constant 0 : index
    %swap3A_50 = vector.load %arg8[%swap3A_48, %swap3A_49] : memref<1x16xf32, #tpu.memory_space<vmem>>, vector<1x16xf32>
    tpu.vector_store %arg8[%swap3A_48, %swap3A_49], %add3A_47 {strides = array<i32>} : memref<1x16xf32, #tpu.memory_space<vmem>>, vector<1x16xf32>,
    return
  }
  func.func @transform_0(%arg0: i32) -> (i32, i32) {
    %c0_i32 = arith.constant 0 : i32
    %c0_i32_0 = arith.constant 0 : i32
    return %arg0, %c0_i32 : i32, i32
  }
  func.func @transform_1(%arg0: i32) -> (i32, i32, i32) {
    %c0_i32 = arith.constant 0 : i32
    %c0_i32_0 = arith.constant 0 : i32
    %c0_i32_1 = arith.constant 0 : i32
    return %c0_i32, %arg0, %c0_i32_0 : i32, i32, i32
  }
  func.func @transform_2(%arg0: i32) -> (i32, i32) {
    %c0_i32 = arith.constant 0 : i32
    %c0_i32_0 = arith.constant 0 : i32
    %c0_i32_1 = arith.constant 0 : i32
    return %c0_i32, %c0_i32_0 : i32, i32
  }
  func.func @transform_3(%arg0: i32) -> (i32, i32) {
    %c0_i32 = arith.constant 0 : i32
    %c0_i32_0 = arith.constant 0 : i32
    %c0_i32_1 = arith.constant 0 : i32
    return %c0_i32, %c0_i32_0 : i32, i32
  }
  func.func @transform_4(%arg0: i32) -> (i32, i32) {
    %c0_i32 = arith.constant 0 : i32
    %c0_i32_0 = arith.constant 0 : i32
    %c0_i32_1 = arith.constant 0 : i32
    return %c0_i32, %c0_i32_0 : i32, i32
  }
  func.func @transform_5(%arg0: i32) -> (i32, i32) {
    %c0_i32 = arith.constant 0 : i32
    %c0_i32_0 = arith.constant 0 : i32
    return %arg0, %c0_i32 : i32, i32
  }
  func.func @transform_6(%arg0: i32) -> (i32, i32) {
    %c0_i32 = arith.constant 0 : i32
    %c0_i32_0 = arith.constant 0 : i32
    %c0_i32_1 = arith.constant 0 : i32
    return %c0_i32, %c0_i32_0 : i32, i32
  }
  func.func @transform_7(%arg0: i32) -> (i32, i32) {
    %c0_i32 = arith.constant 0 : i32
    %c0_i32_0 = arith.constant 0 : i32
    %c0_i32_1 = arith.constant 0 : i32
    return %c0_i32, %c0_i32_0 : i32, i32
  }
}

module attributes {stable_mosaic.version = 14 : i64} {
  func.func @_global_body(%arg0: memref<1x128xf32, #tpu.memory_space<vmem>>, %arg1: memref<1x16xf32, #tpu.memory_space<vmem>>, %arg2: memref<1x32xf32, #tpu.memory_space<vmem>>, %arg3: memref<128x32xf32, #tpu.memory_space<vmem>>, %arg4: memref<16x32xf32, #tpu.memory_space<vmem>>, %arg5: memref<32x32xf32, #tpu.memory_space<vmem>>, %arg6: memref<1x32xf32, #tpu.memory_space<vmem>>, %arg7: memref<1x32xf32, #tpu.memory_space<vmem>>) attributes {dimension_semantics = [], scalar_prefetch = 0 : i64, scratch_operands = 0 : i64, tpu.core_type = #tpu.core_type<tc>} {
    %get3A = arith.constant 0 : index
    %get3A_0 = arith.constant 0 : index
    %get3A_1 = vector.load %arg0[%get3A, %get3A_0] : memref<1x128xf32, #tpu.memory_space<vmem>>, vector<1x128xf32>
    %div3A = arith.constant 1.000000e+04 : f32
    %div3A_2 = vector.broadcast %div3A : f32 to vector<1x128xf32>
    %div3A_3 = arith.divf %get3A_1, %div3A_2 : vector<1x128xf32>
    %get3A_4 = arith.constant 0 : index
    %get3A_5 = arith.constant 0 : index
    %get3A_6 = vector.load %arg1[%get3A_4, %get3A_5] : memref<1x16xf32, #tpu.memory_space<vmem>>, vector<1x16xf32>
    %div3A_7 = arith.constant 3.200000e+05 : f32
    %div3A_8 = vector.broadcast %div3A_7 : f32 to vector<1x16xf32>
    %div3A_9 = arith.divf %get3A_6, %div3A_8 : vector<1x16xf32>
    %get3A_10 = arith.constant 0 : index
    %get3A_11 = arith.constant 0 : index
    %get3A_12 = vector.load %arg3[%get3A_10, %get3A_11] : memref<128x32xf32, #tpu.memory_space<vmem>>, vector<128x32xf32>
    %dot_general3A = arith.constant dense<0.000000e+00> : vector<1x32xf32>
    %dot_general3A_13 = tpu.matmul %div3A_3, %get3A_12, %dot_general3A {dimension_numbers = #tpu.dot_dimension_numbers<[1], [0], [0], [1], [0, 0, 1, 1], [], []>, transpose_lhs_hint = false} : vector<1x128xf32>, vector<128x32xf32>, vector<1x32xf32> -> vector<1x32xf32>
    %get3A_14 = arith.constant 0 : index
    %get3A_15 = arith.constant 0 : index
    %get3A_16 = vector.load %arg4[%get3A_14, %get3A_15] : memref<16x32xf32, #tpu.memory_space<vmem>>, vector<16x32xf32>
    %dot_general3A_17 = arith.constant dense<0.000000e+00> : vector<1x32xf32>
    %dot_general3A_18 = tpu.matmul %div3A_9, %get3A_16, %dot_general3A_17 {dimension_numbers = #tpu.dot_dimension_numbers<[1], [0], [0], [1], [0, 0, 1, 1], [], []>, transpose_lhs_hint = false} : vector<1x16xf32>, vector<16x32xf32>, vector<1x32xf32> -> vector<1x32xf32>
    %add3A = arith.addf %dot_general3A_13, %dot_general3A_18 : vector<1x32xf32>
    %get3A_19 = arith.constant 0 : index
    %get3A_20 = arith.constant 0 : index
    %get3A_21 = vector.load %arg2[%get3A_19, %get3A_20] : memref<1x32xf32, #tpu.memory_space<vmem>>, vector<1x32xf32>
    %get3A_22 = arith.constant 0 : index
    %get3A_23 = arith.constant 0 : index
    %get3A_24 = vector.load %arg5[%get3A_22, %get3A_23] : memref<32x32xf32, #tpu.memory_space<vmem>>, vector<32x32xf32>
    %dot_general3A_25 = arith.constant dense<0.000000e+00> : vector<1x32xf32>
    %dot_general3A_26 = tpu.matmul %get3A_21, %get3A_24, %dot_general3A_25 {dimension_numbers = #tpu.dot_dimension_numbers<[1], [0], [0], [1], [0, 0, 1, 1], [], []>, transpose_lhs_hint = false} : vector<1x32xf32>, vector<32x32xf32>, vector<1x32xf32> -> vector<1x32xf32>
    %add3A_27 = arith.addf %add3A, %dot_general3A_26 : vector<1x32xf32>
    %get3A_28 = arith.constant 0 : index
    %get3A_29 = arith.constant 0 : index
    %get3A_30 = vector.load %arg6[%get3A_28, %get3A_29] : memref<1x32xf32, #tpu.memory_space<vmem>>, vector<1x32xf32>
    %add3A_31 = arith.addf %add3A_27, %get3A_30 : vector<1x32xf32>
    %max3A = arith.constant 0.000000e+00 : f32
    %max3A_32 = vector.broadcast %max3A : f32 to vector<1x32xf32>
    %max3A_33 = arith.maximumf %add3A_31, %max3A_32 : vector<1x32xf32>
    %swap3A = arith.constant 0 : index
    %swap3A_34 = arith.constant 0 : index
    %swap3A_35 = vector.load %arg7[%swap3A, %swap3A_34] : memref<1x32xf32, #tpu.memory_space<vmem>>, vector<1x32xf32>
    tpu.vector_store %arg7[%swap3A, %swap3A_34], %max3A_33 {strides = array<i32>} : memref<1x32xf32, #tpu.memory_space<vmem>>, vector<1x32xf32>,
    return
  }
}

</mosaic_0001>

<sc_bundles>
// kernel: kernel.7.cloned.1.call-start
scs
__scs_entry_jumppad:
0x0: {  	(pc) =	sbr.rel $0x88, $3  }
0x1: {  	(tag) =	ssettag $0x0;
	lr =	simm.s32 $0x1  }
0x2: {  	[smem:$0x3F97] =	sst lr;
	_ =	strace $0xD0000000  }
0x3: {  	_ = 	snop  }
0x4: {  	_ = 	snop  }
0x5: {  	_ = 	snop  }
0x6: {  	_ = 	snop  }
0x7: {  	_ = 	snop  }
__scs_overlays_trampoline_lowered:
0x8: {  	[smem:$0x3FA6] =	sst s0  }
0x9: {  	[smem:$0x3FA7] =	sst s1  }
0xa: {  	[smem:$0x3FA8] =	sst s2  }
0xb: {  	[smem:$0x3FA9] =	sst s3  }
0xc: {  	[smem:$0x3FAA] =	sst s4  }
0xd: {  	[smem:$0x3FAB] =	sst s5  }
0xe: {  	[smem:$0x3FAC] =	sst s6  }
0xf: {  	[smem:$0x3FAD] =	sst s7  }
0x10: {  	[smem:$0x3FAE] =	sst s8  }
0x11: {  	[smem:$0x3FAF] =	sst s9;
	s0 =	simm.s32 @!p0 $0x0  }
0x12: {  	s1 =	sld [smem:$0x3F95];
	s0 =	simm.s32 @p0 $0x1  }
0x13: {  	[smem:$0x3FB0] =	sst s0;
	s0 =	simm.s32 @!p1 $0x0  }
0x14: {  	s2 =	sld [smem:$0x3F94];
	s0 =	simm.s32 @p1 $0x1  }
0x15: {  	[smem:$0x3FB1] =	sst s0;
	s0 =	simm.s32 @!p2 $0x0  }
0x16: {  	s3 =	sld [smem:$0x3FDB];
	s0 =	simm.s32 @p2 $0x1  }
0x17: {  	s4 =	simm.s32 $0x1BF5;
	[smem:$0x3FB3] =	sst s0  }
0x18: {  	s0 =	sld [smem:$0x3F96];
	_ =	swait.ge [sflag:s4], $0x0  }
0x19: {  	s7 =	sld [smem:$0x3F97]  }
0x1a: {  	s8 =	sadd.s32 $0xFFFFE003, lr  }
0x1b: {  	s9 =	sadd.s32 $0xFFFFFEF7, lr;
	s5 =	simm.s32 $0xFFFFFFFF;
	p2 =	slt.u32 s8, $0xFFFFF086  }
0x1c: {  	p1 =	slt.u32 s9, $0xF7A;
	s5 =	simm.s32 @!p2 $0x0  }
0x1d: {  	s5 =	simm.s32 @p1 $0x1;
	p0 =	seq.s32 s7, s2  }
0x1e: {  	s7 =	smul.u32 @!p0 $0xF7A, s2;
	p2 =	seq.s32 @!p0 s5, $0x0  }
0x1f: {  	s9 =	smul.u32 $0xF7A, s1;
	s8 =	simm.s32 @!p0 $0x1BF5;
	p2 =	por !p2, p0  }
0x20: {  	[sflag:s8] =	ssyncset.s32 @!p0 $0xFFFFF086;
	s6 =	sadd.s32 @!p0 s3, s7;
	s7 =	simm.s32 @!p0 $0x108  }
0x21: {  	s3 =	sadd.s32 s3, s9;
	s6 =	sadd.s32 @!p0 $0x88, s6;
	s7 =	simm.s32 @p2 $0x1082  }
0x22: {  	[simem:s7], [sflag:s8] =	dma.local @!p0 [hbm:s6], $0xF7A  }
0x23: {  	s9 =	sor.u32 $0xD0000000, s2;
	s6 =	simm.s32 $0x108;
	_ =	swait.ge @!p0 [sflag:s8], $0x0  }
0x24: {  	s3 =	sadd.s32 $0x88, s3;
	s6 =	simm.s32 @!p1 $0x1082;
	[sflag:s4] =	ssyncset.s32 $0xFFFFF086  }
0x25: {  	[simem:s6], [sflag:s4] =	dma.local [hbm:s3], $0xF7A  }
0x26: {  	[smem:$0x3F97] =	sst s1;
	(tag) =	ssettag s2;
	_ =	strace s9  }
0x27: {  	s1 =	sld [smem:$0x3FA7]  }
0x28: {  	s2 =	sld [smem:$0x3FA8]  }
0x29: {  	s4 =	sld [smem:$0x3FAA]  }
0x2a: {  	p0 =	seq.s32 s5, $0x0;
	s5 =	sld [smem:$0x3FAB]  }
0x2b: {  	s6 =	sld [smem:$0x3FAC]  }
0x2c: {  	s7 =	sld [smem:$0x3FAD]  }
0x2d: {  	s3 =	simm.s32 $0x108;
	s8 =	sld [smem:$0x3FAE]  }
0x2e: {  	s3 =	simm.s32 @!p0 $0x1082;
	s9 =	sld [smem:$0x3FAF]  }
0x2f: {  	lr =	sadd.s32 s0, s3;
	s0 =	sld [smem:$0x3FA6]  }
0x30: {  	s3 =	sld [smem:$0x3FA9]  }
0x31: {  	[smem:$0x3FB2] =	sst s10  }
0x32: {  	s10 =	sld [smem:$0x3FB0];
	_ =	sdelay $0x3  }
0x33: {  	p0 =	seq.s32 s10, $0x1;
	s10 =	sld [smem:$0x3FB2];
	_ =	sdelay $0x3  }
0x34: {  	[smem:$0x3FB2] =	sst s10  }
0x35: {  	s10 =	sld [smem:$0x3FB1];
	_ =	sdelay $0x3  }
0x36: {  	p1 =	seq.s32 s10, $0x1;
	s10 =	sld [smem:$0x3FB2];
	_ =	sdelay $0x3  }
0x37: {  	[smem:$0x3FB2] =	sst s10  }
0x38: {  	s10 =	sld [smem:$0x3FB3]  }
0x39: {  	_ = 	snop;
	(pc) =	sbr.ind lr, $3  }
0x3a: {  	_ = 	snop  }
0x3b: {  	_ = 	snop  }
0x3c: {  	p2 =	seq.s32 s10, $0x1;
	s10 =	sld [smem:$0x3FB2]  }
0x3d: {  	_ =	shalt  }
0x3e: {  	_ =	shalt  }
0x3f: {  	_ =	shalt  }
0x40: {  	_ =	shalt  }
0x41: {  	_ =	shalt  }
0x42: {  	_ =	shalt  }
0x43: {  	_ =	shalt  }
0x44: {  	_ =	shalt  }
0x45: {  	_ =	shalt  }
0x46: {  	_ =	shalt  }
0x47: {  	_ =	shalt  }
0x48: {  	_ =	shalt  }
0x49: {  	_ =	shalt  }
0x4a: {  	_ =	shalt  }
0x4b: {  	_ =	shalt  }
0x4c: {  	_ =	shalt  }
0x4d: {  	_ =	shalt  }
0x4e: {  	_ =	shalt  }
0x4f: {  	_ =	shalt  }
0x50: {  	_ =	shalt  }
0x51: {  	_ =	shalt  }
0x52: {  	_ =	shalt  }
0x53: {  	_ =	shalt  }
0x54: {  	_ =	shalt  }
0x55: {  	_ =	shalt  }
0x56: {  	_ =	shalt  }
0x57: {  	_ =	shalt  }
0x58: {  	_ =	shalt  }
0x59: {  	_ =	shalt  }
0x5a: {  	_ =	shalt  }
0x5b: {  	_ =	shalt  }
0x5c: {  	_ =	shalt  }
0x5d: {  	_ =	shalt  }
0x5e: {  	_ =	shalt  }
0x5f: {  	_ =	shalt  }
0x60: {  	_ =	shalt  }
0x61: {  	_ =	shalt  }
0x62: {  	_ =	shalt  }
0x63: {  	_ =	shalt  }
0x64: {  	_ =	shalt  }
0x65: {  	_ =	shalt  }
0x66: {  	_ =	shalt  }
0x67: {  	_ =	shalt  }
0x68: {  	_ =	shalt  }
0x69: {  	_ =	shalt  }
0x6a: {  	_ =	shalt  }
0x6b: {  	_ =	shalt  }
0x6c: {  	_ =	shalt  }
0x6d: {  	_ =	shalt  }
0x6e: {  	_ =	shalt  }
0x6f: {  	_ =	shalt  }
0x70: {  	_ =	shalt  }
0x71: {  	_ =	shalt  }
0x72: {  	_ =	shalt  }
0x73: {  	_ =	shalt  }
0x74: {  	_ =	shalt  }
0x75: {  	_ =	shalt  }
0x76: {  	_ =	shalt  }
0x77: {  	_ =	shalt  }
0x78: {  	_ =	shalt  }
0x79: {  	_ =	shalt  }
0x7a: {  	_ =	shalt  }
0x7b: {  	_ =	shalt  }
0x7c: {  	_ =	shalt  }
0x7d: {  	_ =	shalt  }
0x7e: {  	_ =	shalt  }
0x7f: {  	_ =	shalt  }
0x80: {  	_ =	shalt  }
0x81: {  	_ =	shalt  }
0x82: {  	_ =	shalt  }
0x83: {  	_ =	shalt  }
0x84: {  	_ =	shalt  }
0x85: {  	_ =	shalt  }
0x86: {  	_ =	shalt  }
0x87: {  	_ =	shalt  }
.Lfunc_end0:
.L_simem_size_0:
called_computation_lowered:
.L_overlay_start_0:
0x88: {  	s2 =	sld [smem:$0x3FD9]  }
0x89: {  	s3 =	sld [smem:$0x3FFE];
	_ =	sdelay $0x1  }
0x8a: {  	s1 =	srdreg.scid  }
0x8b: {  	s0 =	sand.u32 $0x1, s1  }
0x8c: {  	s14 =	sshll.u32 s0, $0xA;
	s2 =	sadd.s32 s3, s2  }
0x8d: {  	s2 =	sadd.s32 s2, s14  }
0x8e: {  	[smem:$0x3FBE] =	sst s2  }
0x8f: {  	_ = 	snop  }
0x90: {  	s2 =	sld [smem:$0x3FD0];
	_ =	sdelay $0x2  }
0x91: {  	s15 =	simm.s32 $0xA;
	s4 =	simm.s32 $0x10  }
0x92: {  	[smem:s4], [sflag:s15] =	dma.local [hbm:s2], $0x1  }
0x93: {  	_ =	swait.eq [sflag:s15], $0x1  }
0x94: {  	[sflag:s15] =	ssyncset.done $0x0  }
0x95: {  	s16 =	sld [smem:$0x10];
	[sflag:s15] =	ssyncadd.s32 $0xFFFFFFFF  }
0x96: {  	s17 =	sld [smem:$0x11];
	(tm) =	ssettm $0x1  }
0x97: {  	s18 =	sld [smem:$0x3FFB];
	_ =	sdelay $0x3  }
0x98: {  	_ =	strace s18  }
0x99: {  	s4 =	sld [smem:$0x3FFC];
	_ =	sdelay $0x3  }
0x9a: {  	_ =	strace s4  }
0x9b: {  	s4 =	sld [smem:$0x3FFD];
	_ =	sdelay $0x3  }
0x9c: {  	_ =	strace s4  }
0x9d: {  	_ =	strace $0x8FFFFFFF  }
0x9e: {  	s19 =	sld [smem:$0x3FDB];
	_ =	sdelay $0x1  }
0x9f: {  	s5 =	simm.s32 $_scs_section_size  }
0xa0: {  	s6 =	simm.s32 $_size__tile_overlayer_lowered;
	s7 =	simm.s32 $_tile_overlayer_lowered  }
0xa1: {  	s22 =	simm.s32 $0x1BFF;
	s21 =	sshll.u32 s7, $0x1;
	s4 =	sadd.s32 s5, s19  }
0xa2: {  	s8 =	simm.s32 $0x0;
	s20 =	sshll.u32 s6, $0x1;
	s6 =	sadd.s32 s21, s4  }
0xa3: {  	[timem:s8], [sflag:s22] =	dma.local [hbm:s6], s20  }
0xa4: {  	_ =	swait.ge [sflag:s22], s20  }
0xa5: {  	s5 =	ssub.s32 $0x0, s20;
	[sflag:s22] =	ssyncset.done $0x0  }
0xa6: {  	[sflag:s22] =	ssyncadd.s32 s5;
	_ =	sdelay $0x1  }
0xa7: {  	s23 =	simm.s32 $0x1B8B  }
0xa8: {  	_ =	swait.ge [sflag:s23], $0x1  }
0xa9: {  	[sflag:s23] =	ssyncset.done $0x0  }
0xaa: {  	s25 =	simm.s32 $0x1B8E;
	s24 =	sld [smem:$0x3FFE];
	[sflag:s23] =	ssyncadd.s32 $0xFFFFFFFF  }
0xab: {  	s26 =	simm.s32 $execute0_lowered;
	[smem:$0x3FD2] =	sst s25  }
0xac: {  	s6 =	sshll.u32 s26, $0x1;
	_ =	strace $0x80000046;
	[dreg:$0x1] =	wrdreg $0xFFFFFFFF  }
0xad: {  	s28 =	simm.s32 $_size_execute0_lowered;
	s4 =	sadd.s32 s4, s6;
	[dreg:$0x0] =	wrdreg $0x0  }
0xae: {  	s6 =	sshll.u32 s28, $0x1;
	[dreg:$0x2] =	wrdreg s4  }
0xaf: {  	[dreg:$0x3] =	wrdreg s6  }
0xb0: {  	[dreg:$0x4] =	wrdreg $0xC0  }
0xb1: {  	_ =	task [dreg:s8], $0x5FFFF  }
0xb2: {  	[dreg:$0x1] =	wrdreg $0xFFFFFFFF  }
0xb3: {  	[dreg:$0x0] =	wrdreg $0x60  }
0xb4: {  	[dreg:$0x2] =	wrdreg s16  }
0xb5: {  	[dreg:$0x3] =	wrdreg s24  }
0xb6: {  	[dreg:$0x4] =	wrdreg s17  }
0xb7: {  	[dreg:$0x5] =	wrdreg $0x1C6400  }
0xb8: {  	[dreg:$0x6] =	wrdreg $0x9  }
0xb9: {  	_ =	task.clear_ibuf [dreg:s8], $0x7FFFF;
	_ =	strace $0x90000046  }
0xba: {  	s29 =	simm.s32 $0x9;
	_ =	strace $0x80000048  }
0xbb: {  	_ =	swait.ge [sflag:s29], $0x1  }
0xbc: {  	[sflag:s29] =	ssyncadd.s32 $0xFFFFFFFF  }
0xbd: {  	_ =	strace $0x90000048  }
0xbe: {  	_ =	sfence  }
0xbf: {  	s30 =	sld [smem:$0x0];
	_ =	sdelay $0x2  }
0xc0: {  	s31 =	sshll.u32 s1, $0xD;
	s1 =	sshrl.u32 s1, $0x2  }
0xc1: {  	s3 =	sand.u32 $0x4000, s31;
	s1 =	sadd.s32 s1, s30  }
0xc2: {  	s0 =	sor.u32 s3, s0;
	s1 =	sshll.u32 s1, $0x11  }
0xc3: {  	s0 =	sor.u32 s1, s0  }
0xc4: {  	s0 =	sadd.s32 $0x8F2B, s0  }
0xc5: {  	[sflag:s0] =	ssyncadd.remote.s32 $0x1  }
0xc6: {  	_ =	sfence.sel $0xFFFF  }
0xc7: {  	[dreg:$0x0] =	wrdreg $0xFFFFFFFF;
	(pc) =	sbr.abs _section_cstart, $3  }
0xc8: {  	[dreg:$0x1] =	wrdreg $0xFFFFFFFF  }
0xc9: {  	_ =	task.clear_ibuf [dreg:s8], $0x2FFFF;
	_ =	strace $0x9FFFFFFF  }
0xca: {  	(tm) =	ssettm $0x7FFFFFFF  }
0xcb: {  	_ =	shalt  }
tec
execute0_lowered:
.L_overlay_start_1:
0x0: {  	(tag) =	ssettag $0x1  }
0x1: {  	s0 =	rddreg [dreg:$0x1]  }
0x2: {  	s4 =	rddreg [dreg:$0x3];
	s2 =	simm.s32 $0x0  }
0x3: {  	s1 =	srdreg.scid;
	s7 =	stileid.u32;
	s19 =	simm.s32 $0x3  }
0x4: {  	s12 =	simm.s32 $0x29C0;
	s31 =	simm.s32 $0x5CC0;
	s28 =	simm.s32 $0x7640  }
0x5: {  	s14 =	simm.s32 $0x2;
	s15 =	simm.s32 $0x64;
	s17 =	simm.s32 $0x1A2C0  }
0x6: {  	[smem:$0x7FF] =	sst s2;
	s6 =	sand.u32 $0x1, s1;
	s20 =	smul.u32 $0x2800, s7  }
0x7: {  	s21 =	sadd.s32 $0x2400, s0;
	s13 =	sadd.s32 $0xC800, s0;
	s9 =	sadd.s32 $0x11800, s0  }
0x8: {  	s3 =	smul.u32 $0xA000, s7;
	_ =	strace $0x80000047;
	[dreg:$0x6] =	wrdreg s21  }
0x9: {  	s10 =	sadd.s32 $0x20800, s0;
	s24 =	sshll.u32 s7, $0x1;
	[dreg:$0x5] =	wrdreg s6  }
0xa: {  	s22 =	smul.u32 $0x28000, s6;
	s6 =	ssub.s32 $0x2, s6;
	[dreg:$0x7] =	wrdreg s24  }
0xb: {  	[dreg:$0x13] =	wrdreg s10;
	s11 =	sshrl.u32 s6, $0x1;
	s3 =	sshrl.u32 s3, $0x2  }
0xc: {  	s23 =	ssub.s32 s6, s11;
	s3 =	sadd.s32 s3, s4;
	s6 =	sadd.s32 s20, s4  }
0xd: {  	v0 =	vlaneseq.u32;
	s1 =	simm.s32 $0x0;
	s25 =	sadd.s32 $0xA00, s3;
	[dreg:$0x8] =	wrdreg s6  }
0xe: {  	v0 =	vmul.u32 $0x198, v0;
	s2 =	sadd.s32 s20, s22;
	s26 =	sadd.s32 $0x1400, s3;
	[dreg:$0x9] =	wrdreg s25  }
0xf: {  	v2 =	vimm.s32 $0x0;
	vm0 =	vcmask $0x300;
	s2 =	sshrl.u32 s2, $0x3;
	s29 =	sadd.s32 $0x1E00, s3;
	[dreg:$0xa] =	wrdreg s26  }
0x10: {  	v1 =	vimm.f32 $0.0e+00;
	v2 =	vsel vm0, $0x3, v2;
	v3 =	vor.u32 $0x1, v0;
	s30 =	smax.u32 s23, $0x1;
	s0 =	sadd.s32 s2, s0;
	[dreg:$0xb] =	wrdreg s29  }
0x11: {  	s21 =	simm.s32 $0x1040;
	v4 =	vor.u32 $0x2, v0;
	v5 =	vor.u32 $0x3, v0;
	v6 =	vor.u32 $0x4, v0;
	[dreg:$0xd] =	wrdreg s30;
	s0 =	sadd.s32 $0x16800, s0  }
0x12: {  	s24 =	simm.s32 $0x4340;
	v7 =	vor.u32 $0x5, v0;
	v8 =	vor.u32 $0x6, v0;
	v9 =	vor.u32 $0x7, v0;
	s11 =	simm.s32 $0x1;
	[dreg:$0xc] =	wrdreg s0  }
.LBB2_1:
0x13: {  	[dreg:$0xe] =	wrdreg s1;
	s0 =	simm.s32 $0x40;
	s1 =	simm.s32 $0x0  }
.LBB2_2:
0x14: {  	p0 =	sne.s32 s0, $0x27C0;
	[tilespmem:s1+$0x1BC40] =	vst v1;
	s1 =	smov.u32 s0;
	s0 =	sadd.s32 $0x40, s0  }
.Ltmp0:
0x15: {  	(pc) =	sbr.rel @p0 .LBB2_2-.Ltmp0, $2  }
0x16: {  	_ =	sdelay $0x2  }
0x17: {  	s1 =	sshra.s32 s1, $0x2  }
0x18: {  	[tilespmem:s1+$0x1BC40] =	vst v1;
	s26 =	simm.s32 $0x1BC40  }
0x19: {  	[spmem:s6] =	stream.linear.scatter [tilespmem:s26], [sflag:$0x3], $0xA00, $0x38;
	[tilespmem:$0x1EE40] =	vst v63  }
0x1a: {  	_ =	swait.ge [sflag:s19], $0xA00  }
0x1b: {  	[sflag:s19] =	ssyncset.done $0x0  }
0x1c: {  	s0 =	rddreg [dreg:$0x9];
	[sflag:s19] =	ssyncadd.s32 $0xFFFFF600  }
0x1d: {  	[spmem:s0] =	stream.linear.scatter [tilespmem:s26], [sflag:$0x3], $0xA00, $0x38;
	[tilespmem:$0x1EE40] =	vst v63  }
0x1e: {  	_ =	swait.ge [sflag:s19], $0xA00  }
0x1f: {  	[sflag:s19] =	ssyncset.done $0x0  }
0x20: {  	s29 =	rddreg [dreg:$0xa];
	[sflag:s19] =	ssyncadd.s32 $0xFFFFF600  }
0x21: {  	[spmem:s29] =	stream.linear.scatter [tilespmem:s26], [sflag:$0x3], $0xA00, $0x38;
	[tilespmem:$0x1EE40] =	vst v63  }
0x22: {  	_ =	swait.ge [sflag:s19], $0xA00  }
0x23: {  	[sflag:s19] =	ssyncset.done $0x0  }
0x24: {  	s30 =	rddreg [dreg:$0xb];
	[sflag:s19] =	ssyncadd.s32 $0xFFFFF600  }
0x25: {  	[spmem:s30] =	stream.linear.scatter [tilespmem:s26], [sflag:$0x3], $0xA00, $0x38;
	[tilespmem:$0x1EE40] =	vst v63  }
0x26: {  	_ =	swait.ge [sflag:s19], $0xA00  }
0x27: {  	[sflag:s19] =	ssyncset.done $0x0  }
0x28: {  	[sflag:s19] =	ssyncadd.s32 $0xFFFFF600  }
0x29: {  	s1 =	simm.s32 $0x0;
	s0 =	simm.s32 $0x0;
	[bflag:$0x0] =	sbarrier.arrive $0xFFFF  }
.LBB2_4:
0x2a: {  	[dreg:$0xf] =	wrdreg s1;
	s5 =	smul.u32 $0xA0, s1  }
0x2b: {  	s2 =	rddreg [dreg:$0x7]  }
0x2c: {  	s6 =	rddreg [dreg:$0x5];
	s1 =	sor.u32 s5, s2  }
0x2d: {  	s2 =	sor.u32 s6, s1  }
0x2e: {  	s1 =	smul.u32 $0x34, s2  }
0x2f: {  	s6 =	rddreg [dreg:$0x0]  }
0x30: {  	s16 =	rddreg [dreg:$0x6];
	s3 =	sadd.s32 s6, s1  }
0x31: {  	[tilespmem:s0], [sflag:$0x2] =	stream.linear.gather [hbm4b:s3+s0], $0x1A0, $0x38;
	[tilespmem:$0x1EE40] =	vst v63  }
0x32: {  	s22 =	simm.s32 $0x820;
	s23 =	smul.u32 $0x32, s2;
	s7 =	sadd.s32 s16, s1  }
0x33: {  	[tilespmem:s22], [sflag:$0x2] =	stream.linear.gather [hbm4b:s7+s0], $0x1A0, $0x38;
	[tilespmem:$0x1EE40] =	vst v63  }
0x34: {  	s7 =	rddreg [dreg:$0x2]  }
0x35: {  	s2 =	sadd.s32 s7, s23  }
0x36: {  	[tilespmem:s21], [sflag:$0x2] =	stream.linear.gather [hbm4b:s2+s0], $0x190, $0x38;
	[tilespmem:$0x1EE40] =	vst v63  }
0x37: {  	s18 =	simm.s32 $0x11D8;
	s8 =	sadd.s32 $0x9C40, s2  }
0x38: {  	[tilespmem:s18], [sflag:$0x2] =	stream.linear.gather [hbm4b:s8+s0], $0x190, $0x38;
	[tilespmem:$0x1EE40] =	vst v63  }
0x39: {  	s20 =	simm.s32 $0x1370;
	s18 =	sadd.s32 $0x13880, s2  }
0x3a: {  	[tilespmem:s20], [sflag:$0x2] =	stream.linear.gather [hbm4b:s18+s0], $0x190, $0x38;
	[tilespmem:$0x1EE40] =	vst v63  }
0x3b: {  	s26 =	simm.s32 $0x1508;
	s25 =	sadd.s32 $0x1D4C0, s2  }
0x3c: {  	[tilespmem:s26], [sflag:$0x2] =	stream.linear.gather [hbm4b:s25+s0], $0x190, $0x38;
	[tilespmem:$0x1EE40] =	vst v63  }
0x3d: {  	s4 =	sadd.s32 $0x27100, s2;
	s8 =	simm.s32 $0x16A0  }
0x3e: {  	[tilespmem:s8], [sflag:$0x2] =	stream.linear.gather [hbm4b:s4+s0], $0x190, $0x38;
	[tilespmem:$0x1EE40] =	vst v63  }
0x3f: {  	s18 =	sadd.s32 $0x30D40, s2;
	s20 =	simm.s32 $0x1838  }
0x40: {  	[tilespmem:s20], [sflag:$0x2] =	stream.linear.gather [hbm4b:s18+s0], $0x190, $0x38;
	[tilespmem:$0x1EE40] =	vst v63  }
0x41: {  	s25 =	sadd.s32 $0x3A980, s2;
	s26 =	simm.s32 $0x19D0  }
0x42: {  	[tilespmem:s26], [sflag:$0x2] =	stream.linear.gather [hbm4b:s25+s0], $0x190, $0x38;
	[tilespmem:$0x1EE40] =	vst v63  }
0x43: {  	s4 =	sadd.s32 $0x445C0, s2;
	s8 =	simm.s32 $0x1B68  }
0x44: {  	[tilespmem:s8], [sflag:$0x2] =	stream.linear.gather [hbm4b:s4+s0], $0x190, $0x38;
	[tilespmem:$0x1EE40] =	vst v63  }
0x45: {  	s18 =	sadd.s32 $0x4E200, s2;
	s20 =	simm.s32 $0x1D00  }
0x46: {  	[tilespmem:s20], [sflag:$0x2] =	stream.linear.gather [hbm4b:s18+s0], $0x190, $0x38;
	[tilespmem:$0x1EE40] =	vst v63  }
0x47: {  	s25 =	sadd.s32 $0x57E40, s2;
	s26 =	simm.s32 $0x1E98  }
0x48: {  	[tilespmem:s26], [sflag:$0x2] =	stream.linear.gather [hbm4b:s25+s0], $0x190, $0x38;
	[tilespmem:$0x1EE40] =	vst v63  }
0x49: {  	s4 =	sadd.s32 $0x61A80, s2;
	s8 =	simm.s32 $0x2030  }
0x4a: {  	[tilespmem:s8], [sflag:$0x2] =	stream.linear.gather [hbm4b:s4+s0], $0x190, $0x38;
	[tilespmem:$0x1EE40] =	vst v63  }
0x4b: {  	s18 =	sadd.s32 $0x6B6C0, s2;
	s20 =	simm.s32 $0x21C8  }
0x4c: {  	[tilespmem:s20], [sflag:$0x2] =	stream.linear.gather [hbm4b:s18+s0], $0x190, $0x38;
	[tilespmem:$0x1EE40] =	vst v63  }
0x4d: {  	s25 =	sadd.s32 $0x75300, s2;
	s26 =	simm.s32 $0x2360  }
0x4e: {  	[tilespmem:s26], [sflag:$0x2] =	stream.linear.gather [hbm4b:s25+s0], $0x190, $0x38;
	[tilespmem:$0x1EE40] =	vst v63  }
0x4f: {  	s4 =	sadd.s32 $0x7EF40, s2;
	s8 =	simm.s32 $0x24F8  }
0x50: {  	[tilespmem:s8], [sflag:$0x2] =	stream.linear.gather [hbm4b:s4+s0], $0x190, $0x38;
	[tilespmem:$0x1EE40] =	vst v63  }
0x51: {  	s18 =	sadd.s32 $0x88B80, s2;
	s20 =	simm.s32 $0x2690  }
0x52: {  	[tilespmem:s20], [sflag:$0x2] =	stream.linear.gather [hbm4b:s18+s0], $0x190, $0x38;
	[tilespmem:$0x1EE40] =	vst v63  }
0x53: {  	s2 =	sadd.s32 $0x927C0, s2;
	s25 =	simm.s32 $0x2828;
	s26 =	sadd.s32 $0x680, s1  }
0x54: {  	[tilespmem:s25], [sflag:$0x2] =	stream.linear.gather [hbm4b:s2+s0], $0x190, $0x38;
	[tilespmem:$0x1EE40] =	vst v63  }
0x55: {  	s4 =	sadd.s32 s6, s26;
	s25 =	simm.s32 $0x1A0  }
0x56: {  	[tilespmem:s25], [sflag:$0x2] =	stream.linear.gather [hbm4b:s4+s0], $0x1A0, $0x38;
	[tilespmem:$0x1EE40] =	vst v63  }
0x57: {  	s8 =	sadd.s32 $0x640, s23;
	s2 =	sadd.s32 s16, s26;
	s4 =	simm.s32 $0x9C0  }
0x58: {  	[tilespmem:s4], [sflag:$0x2] =	stream.linear.gather [hbm4b:s2+s0], $0x1A0, $0x38;
	[tilespmem:$0x1EE40] =	vst v63  }
0x59: {  	s2 =	sadd.s32 s7, s8  }
0x5a: {  	[tilespmem:s12], [sflag:$0x2] =	stream.linear.gather [hbm4b:s2+s0], $0x190, $0x38;
	[tilespmem:$0x1EE40] =	vst v63  }
0x5b: {  	s20 =	simm.s32 $0x2B58;
	s18 =	sadd.s32 $0x9C40, s2  }
0x5c: {  	[tilespmem:s20], [sflag:$0x2] =	stream.linear.gather [hbm4b:s18+s0], $0x190, $0x38;
	[tilespmem:$0x1EE40] =	vst v63  }
0x5d: {  	s26 =	simm.s32 $0x2CF0;
	s20 =	sadd.s32 $0x13880, s2  }
0x5e: {  	[tilespmem:s26], [sflag:$0x2] =	stream.linear.gather [hbm4b:s20+s0], $0x190, $0x38;
	[tilespmem:$0x1EE40] =	vst v63  }
0x5f: {  	[dreg:$0x14] =	wrdreg s8;
	s8 =	sadd.s32 $0x1D4C0, s2;
	s18 =	simm.s32 $0x2E88  }
0x60: {  	[tilespmem:s18], [sflag:$0x2] =	stream.linear.gather [hbm4b:s8+s0], $0x190, $0x38;
	[tilespmem:$0x1EE40] =	vst v63  }
0x61: {  	s20 =	sadd.s32 $0x27100, s2;
	s26 =	simm.s32 $0x3020  }
0x62: {  	[tilespmem:s26], [sflag:$0x2] =	stream.linear.gather [hbm4b:s20+s0], $0x190, $0x38;
	[tilespmem:$0x1EE40] =	vst v63  }
0x63: {  	s8 =	sadd.s32 $0x30D40, s2;
	s18 =	simm.s32 $0x31B8  }
0x64: {  	[tilespmem:s18], [sflag:$0x2] =	stream.linear.gather [hbm4b:s8+s0], $0x190, $0x38;
	[tilespmem:$0x1EE40] =	vst v63  }
0x65: {  	s20 =	sadd.s32 $0x3A980, s2;
	s26 =	simm.s32 $0x3350  }
0x66: {  	[tilespmem:s26], [sflag:$0x2] =	stream.linear.gather [hbm4b:s20+s0], $0x190, $0x38;
	[tilespmem:$0x1EE40] =	vst v63  }
0x67: {  	s8 =	sadd.s32 $0x445C0, s2;
	s18 =	simm.s32 $0x34E8  }
0x68: {  	[tilespmem:s18], [sflag:$0x2] =	stream.linear.gather [hbm4b:s8+s0], $0x190, $0x38;
	[tilespmem:$0x1EE40] =	vst v63  }
0x69: {  	s20 =	sadd.s32 $0x4E200, s2;
	s26 =	simm.s32 $0x3680  }
0x6a: {  	[tilespmem:s26], [sflag:$0x2] =	stream.linear.gather [hbm4b:s20+s0], $0x190, $0x38;
	[tilespmem:$0x1EE40] =	vst v63  }
0x6b: {  	s8 =	sadd.s32 $0x57E40, s2;
	s18 =	simm.s32 $0x3818  }
0x6c: {  	[tilespmem:s18], [sflag:$0x2] =	stream.linear.gather [hbm4b:s8+s0], $0x190, $0x38;
	[tilespmem:$0x1EE40] =	vst v63  }
0x6d: {  	s20 =	sadd.s32 $0x61A80, s2;
	s26 =	simm.s32 $0x39B0  }
0x6e: {  	[tilespmem:s26], [sflag:$0x2] =	stream.linear.gather [hbm4b:s20+s0], $0x190, $0x38;
	[tilespmem:$0x1EE40] =	vst v63  }
0x6f: {  	s8 =	sadd.s32 $0x6B6C0, s2;
	s18 =	simm.s32 $0x3B48  }
0x70: {  	[tilespmem:s18], [sflag:$0x2] =	stream.linear.gather [hbm4b:s8+s0], $0x190, $0x38;
	[tilespmem:$0x1EE40] =	vst v63  }
0x71: {  	s20 =	sadd.s32 $0x75300, s2;
	s26 =	simm.s32 $0x3CE0  }
0x72: {  	[tilespmem:s26], [sflag:$0x2] =	stream.linear.gather [hbm4b:s20+s0], $0x190, $0x38;
	[tilespmem:$0x1EE40] =	vst v63  }
0x73: {  	s8 =	sadd.s32 $0x7EF40, s2;
	s18 =	simm.s32 $0x3E78  }
0x74: {  	[tilespmem:s18], [sflag:$0x2] =	stream.linear.gather [hbm4b:s8+s0], $0x190, $0x38;
	[tilespmem:$0x1EE40] =	vst v63  }
0x75: {  	s26 =	sadd.s32 $0x88B80, s2;
	s8 =	simm.s32 $0x4010  }
0x76: {  	[tilespmem:s8], [sflag:$0x2] =	stream.linear.gather [hbm4b:s26+s0], $0x190, $0x38;
	[tilespmem:$0x1EE40] =	vst v63  }
0x77: {  	s2 =	sadd.s32 $0x927C0, s2;
	s20 =	sadd.s32 $0xD00, s1;
	s18 =	simm.s32 $0x41A8  }
0x78: {  	[tilespmem:s18], [sflag:$0x2] =	stream.linear.gather [hbm4b:s2+s0], $0x190, $0x38;
	[tilespmem:$0x1EE40] =	vst v63  }
0x79: {  	s8 =	sadd.s32 s6, s20;
	s26 =	simm.s32 $0x340  }
0x7a: {  	[tilespmem:s26], [sflag:$0x2] =	stream.linear.gather [hbm4b:s8+s0], $0x1A0, $0x38;
	[tilespmem:$0x1EE40] =	vst v63  }
0x7b: {  	s2 =	sadd.s32 s16, s20;
	s18 =	sadd.s32 $0xC80, s23;
	s8 =	simm.s32 $0xB60  }
0x7c: {  	[tilespmem:s8], [sflag:$0x2] =	stream.linear.gather [hbm4b:s2+s0], $0x1A0, $0x38;
	[tilespmem:$0x1EE40] =	vst v63  }
0x7d: {  	s2 =	sadd.s32 s7, s18  }
0x7e: {  	[tilespmem:s24], [sflag:$0x2] =	stream.linear.gather [hbm4b:s2+s0], $0x190, $0x38;
	[tilespmem:$0x1EE40] =	vst v63  }
0x7f: {  	[dreg:$0x12] =	wrdreg s18;
	s18 =	simm.s32 $0x44D8;
	s20 =	sadd.s32 $0x9C40, s2  }
0x80: {  	[tilespmem:s18], [sflag:$0x2] =	stream.linear.gather [hbm4b:s20+s0], $0x190, $0x38;
	[tilespmem:$0x1EE40] =	vst v63  }
0x81: {  	s20 =	sadd.s32 $0x13880, s2;
	s18 =	simm.s32 $0x4670  }
0x82: {  	[tilespmem:s18], [sflag:$0x2] =	stream.linear.gather [hbm4b:s20+s0], $0x190, $0x38;
	[tilespmem:$0x1EE40] =	vst v63  }
0x83: {  	s20 =	sadd.s32 $0x1D4C0, s2;
	s18 =	simm.s32 $0x4808  }
0x84: {  	[tilespmem:s18], [sflag:$0x2] =	stream.linear.gather [hbm4b:s20+s0], $0x190, $0x38;
	[tilespmem:$0x1EE40] =	vst v63  }
0x85: {  	s20 =	sadd.s32 $0x27100, s2;
	s18 =	simm.s32 $0x49A0  }
0x86: {  	[tilespmem:s18], [sflag:$0x2] =	stream.linear.gather [hbm4b:s20+s0], $0x190, $0x38;
	[tilespmem:$0x1EE40] =	vst v63  }
0x87: {  	s20 =	sadd.s32 $0x30D40, s2;
	s18 =	simm.s32 $0x4B38  }
0x88: {  	[tilespmem:s18], [sflag:$0x2] =	stream.linear.gather [hbm4b:s20+s0], $0x190, $0x38;
	[tilespmem:$0x1EE40] =	vst v63  }
0x89: {  	s20 =	sadd.s32 $0x3A980, s2;
	s18 =	simm.s32 $0x4CD0  }
0x8a: {  	[tilespmem:s18], [sflag:$0x2] =	stream.linear.gather [hbm4b:s20+s0], $0x190, $0x38;
	[tilespmem:$0x1EE40] =	vst v63  }
0x8b: {  	s20 =	sadd.s32 $0x445C0, s2;
	s18 =	simm.s32 $0x4E68  }
0x8c: {  	[tilespmem:s18], [sflag:$0x2] =	stream.linear.gather [hbm4b:s20+s0], $0x190, $0x38;
	[tilespmem:$0x1EE40] =	vst v63  }
0x8d: {  	s20 =	sadd.s32 $0x4E200, s2;
	s18 =	simm.s32 $0x5000  }
0x8e: {  	[tilespmem:s18], [sflag:$0x2] =	stream.linear.gather [hbm4b:s20+s0], $0x190, $0x38;
	[tilespmem:$0x1EE40] =	vst v63  }
0x8f: {  	s20 =	sadd.s32 $0x57E40, s2;
	s18 =	simm.s32 $0x5198  }
0x90: {  	[tilespmem:s18], [sflag:$0x2] =	stream.linear.gather [hbm4b:s20+s0], $0x190, $0x38;
	[tilespmem:$0x1EE40] =	vst v63  }
0x91: {  	s20 =	sadd.s32 $0x61A80, s2;
	s18 =	simm.s32 $0x5330  }
0x92: {  	[tilespmem:s18], [sflag:$0x2] =	stream.linear.gather [hbm4b:s20+s0], $0x190, $0x38;
	[tilespmem:$0x1EE40] =	vst v63  }
0x93: {  	s20 =	sadd.s32 $0x6B6C0, s2;
	s18 =	simm.s32 $0x54C8  }
0x94: {  	[tilespmem:s18], [sflag:$0x2] =	stream.linear.gather [hbm4b:s20+s0], $0x190, $0x38;
	[tilespmem:$0x1EE40] =	vst v63  }
0x95: {  	s20 =	sadd.s32 $0x75300, s2;
	s18 =	simm.s32 $0x5660  }
0x96: {  	[tilespmem:s18], [sflag:$0x2] =	stream.linear.gather [hbm4b:s20+s0], $0x190, $0x38;
	[tilespmem:$0x1EE40] =	vst v63  }
0x97: {  	s20 =	sadd.s32 $0x7EF40, s2;
	s18 =	simm.s32 $0x57F8  }
0x98: {  	[tilespmem:s18], [sflag:$0x2] =	stream.linear.gather [hbm4b:s20+s0], $0x190, $0x38;
	[tilespmem:$0x1EE40] =	vst v63  }
0x99: {  	s20 =	sadd.s32 $0x88B80, s2;
	s18 =	simm.s32 $0x5990  }
0x9a: {  	[tilespmem:s18], [sflag:$0x2] =	stream.linear.gather [hbm4b:s20+s0], $0x190, $0x38;
	[tilespmem:$0x1EE40] =	vst v63  }
0x9b: {  	s2 =	sadd.s32 $0x927C0, s2;
	s20 =	simm.s32 $0x5B28  }
0x9c: {  	[tilespmem:s20], [sflag:$0x2] =	stream.linear.gather [hbm4b:s2+s0], $0x190, $0x38;
	[tilespmem:$0x1EE40] =	vst v63  }
0x9d: {  	s2 =	sadd.s32 $0x1380, s1  }
0x9e: {  	s20 =	simm.s32 $0x4E0;
	s18 =	sadd.s32 s6, s2  }
0x9f: {  	[tilespmem:s20], [sflag:$0x2] =	stream.linear.gather [hbm4b:s18+s0], $0x1A0, $0x38;
	[tilespmem:$0x1EE40] =	vst v63  }
0xa0: {  	s30 =	simm.s32 $0xD00;
	s3 =	sadd.s32 $0x12C0, s23;
	s2 =	sadd.s32 s16, s2  }
0xa1: {  	[tilespmem:s30], [sflag:$0x2] =	stream.linear.gather [hbm4b:s2+s0], $0x1A0, $0x38;
	[tilespmem:$0x1EE40] =	vst v63  }
0xa2: {  	s2 =	sadd.s32 s7, s3  }
0xa3: {  	[tilespmem:s31], [sflag:$0x2] =	stream.linear.gather [hbm4b:s2+s0], $0x190, $0x38;
	[tilespmem:$0x1EE40] =	vst v63  }
0xa4: {  	[dreg:$0x11] =	wrdreg s3;
	s18 =	simm.s32 $0x5E58;
	s3 =	sadd.s32 $0x9C40, s2  }
0xa5: {  	[tilespmem:s18], [sflag:$0x2] =	stream.linear.gather [hbm4b:s3+s0], $0x190, $0x38;
	[tilespmem:$0x1EE40] =	vst v63  }
0xa6: {  	s3 =	sadd.s32 $0x13880, s2;
	s18 =	simm.s32 $0x5FF0  }
0xa7: {  	[tilespmem:s18], [sflag:$0x2] =	stream.linear.gather [hbm4b:s3+s0], $0x190, $0x38;
	[tilespmem:$0x1EE40] =	vst v63  }
0xa8: {  	s3 =	sadd.s32 $0x1D4C0, s2;
	s18 =	simm.s32 $0x6188  }
0xa9: {  	[tilespmem:s18], [sflag:$0x2] =	stream.linear.gather [hbm4b:s3+s0], $0x190, $0x38;
	[tilespmem:$0x1EE40] =	vst v63  }
0xaa: {  	s3 =	sadd.s32 $0x27100, s2;
	s18 =	simm.s32 $0x6320  }
0xab: {  	[tilespmem:s18], [sflag:$0x2] =	stream.linear.gather [hbm4b:s3+s0], $0x190, $0x38;
	[tilespmem:$0x1EE40] =	vst v63  }
0xac: {  	s3 =	sadd.s32 $0x30D40, s2;
	s18 =	simm.s32 $0x64B8  }
0xad: {  	[tilespmem:s18], [sflag:$0x2] =	stream.linear.gather [hbm4b:s3+s0], $0x190, $0x38;
	[tilespmem:$0x1EE40] =	vst v63  }
0xae: {  	s3 =	sadd.s32 $0x3A980, s2;
	s18 =	simm.s32 $0x6650  }
0xaf: {  	[tilespmem:s18], [sflag:$0x2] =	stream.linear.gather [hbm4b:s3+s0], $0x190, $0x38;
	[tilespmem:$0x1EE40] =	vst v63  }
0xb0: {  	s3 =	sadd.s32 $0x445C0, s2;
	s18 =	simm.s32 $0x67E8  }
0xb1: {  	[tilespmem:s18], [sflag:$0x2] =	stream.linear.gather [hbm4b:s3+s0], $0x190, $0x38;
	[tilespmem:$0x1EE40] =	vst v63  }
0xb2: {  	s3 =	sadd.s32 $0x4E200, s2;
	s18 =	simm.s32 $0x6980  }
0xb3: {  	[tilespmem:s18], [sflag:$0x2] =	stream.linear.gather [hbm4b:s3+s0], $0x190, $0x38;
	[tilespmem:$0x1EE40] =	vst v63  }
0xb4: {  	s3 =	sadd.s32 $0x57E40, s2;
	s18 =	simm.s32 $0x6B18  }
0xb5: {  	[tilespmem:s18], [sflag:$0x2] =	stream.linear.gather [hbm4b:s3+s0], $0x190, $0x38;
	[tilespmem:$0x1EE40] =	vst v63  }
0xb6: {  	s3 =	sadd.s32 $0x61A80, s2;
	s18 =	simm.s32 $0x6CB0  }
0xb7: {  	[tilespmem:s18], [sflag:$0x2] =	stream.linear.gather [hbm4b:s3+s0], $0x190, $0x38;
	[tilespmem:$0x1EE40] =	vst v63  }
0xb8: {  	s3 =	sadd.s32 $0x6B6C0, s2;
	s18 =	simm.s32 $0x6E48  }
0xb9: {  	[tilespmem:s18], [sflag:$0x2] =	stream.linear.gather [hbm4b:s3+s0], $0x190, $0x38;
	[tilespmem:$0x1EE40] =	vst v63  }
0xba: {  	s3 =	sadd.s32 $0x75300, s2;
	s18 =	simm.s32 $0x6FE0  }
0xbb: {  	[tilespmem:s18], [sflag:$0x2] =	stream.linear.gather [hbm4b:s3+s0], $0x190, $0x38;
	[tilespmem:$0x1EE40] =	vst v63  }
0xbc: {  	s3 =	sadd.s32 $0x7EF40, s2;
	s18 =	simm.s32 $0x7178  }
0xbd: {  	[tilespmem:s18], [sflag:$0x2] =	stream.linear.gather [hbm4b:s3+s0], $0x190, $0x38;
	[tilespmem:$0x1EE40] =	vst v63  }
0xbe: {  	s3 =	sadd.s32 $0x88B80, s2;
	s18 =	simm.s32 $0x7310  }
0xbf: {  	[tilespmem:s18], [sflag:$0x2] =	stream.linear.gather [hbm4b:s3+s0], $0x190, $0x38;
	[tilespmem:$0x1EE40] =	vst v63  }
0xc0: {  	s1 =	sadd.s32 $0x1A00, s1;
	s2 =	sadd.s32 $0x927C0, s2;
	s18 =	simm.s32 $0x74A8  }
0xc1: {  	[tilespmem:s18], [sflag:$0x2] =	stream.linear.gather [hbm4b:s2+s0], $0x190, $0x38;
	[tilespmem:$0x1EE40] =	vst v63  }
0xc2: {  	s3 =	simm.s32 $0x680;
	s18 =	sadd.s32 s6, s1  }
0xc3: {  	[tilespmem:s3], [sflag:$0x2] =	stream.linear.gather [hbm4b:s18+s0], $0x1A0, $0x38;
	[tilespmem:$0x1EE40] =	vst v63  }
0xc4: {  	s5 =	simm.s32 $0xEA0;
	s1 =	sadd.s32 s16, s1;
	s6 =	sadd.s32 $0x1900, s23  }
0xc5: {  	[tilespmem:s5], [sflag:$0x2] =	stream.linear.gather [hbm4b:s1+s0], $0x1A0, $0x38;
	[tilespmem:$0x1EE40] =	vst v63  }
0xc6: {  	s1 =	sadd.s32 s7, s6  }
0xc7: {  	[tilespmem:s28], [sflag:$0x2] =	stream.linear.gather [hbm4b:s1+s0], $0x190, $0x38;
	[tilespmem:$0x1EE40] =	vst v63  }
0xc8: {  	s18 =	simm.s32 $0x77D8;
	s16 =	sadd.s32 $0x9C40, s1  }
0xc9: {  	[tilespmem:s18], [sflag:$0x2] =	stream.linear.gather [hbm4b:s16+s0], $0x190, $0x38;
	[tilespmem:$0x1EE40] =	vst v63  }
0xca: {  	[dreg:$0x10] =	wrdreg s6;
	s7 =	simm.s32 $0x7970;
	s6 =	sadd.s32 $0x13880, s1  }
0xcb: {  	[tilespmem:s7], [sflag:$0x2] =	stream.linear.gather [hbm4b:s6+s0], $0x190, $0x38;
	[tilespmem:$0x1EE40] =	vst v63  }
0xcc: {  	s16 =	sadd.s32 $0x1D4C0, s1;
	s18 =	simm.s32 $0x7B08  }
0xcd: {  	[tilespmem:s18], [sflag:$0x2] =	stream.linear.gather [hbm4b:s16+s0], $0x190, $0x38;
	[tilespmem:$0x1EE40] =	vst v63  }
0xce: {  	s6 =	sadd.s32 $0x27100, s1;
	s7 =	simm.s32 $0x7CA0  }
0xcf: {  	[tilespmem:s7], [sflag:$0x2] =	stream.linear.gather [hbm4b:s6+s0], $0x190, $0x38;
	[tilespmem:$0x1EE40] =	vst v63  }
0xd0: {  	s16 =	sadd.s32 $0x30D40, s1;
	s18 =	simm.s32 $0x7E38  }
0xd1: {  	[tilespmem:s18], [sflag:$0x2] =	stream.linear.gather [hbm4b:s16+s0], $0x190, $0x38;
	[tilespmem:$0x1EE40] =	vst v63  }
0xd2: {  	s6 =	sadd.s32 $0x3A980, s1;
	s7 =	simm.s32 $0x7FD0  }
0xd3: {  	[tilespmem:s7], [sflag:$0x2] =	stream.linear.gather [hbm4b:s6+s0], $0x190, $0x38;
	[tilespmem:$0x1EE40] =	vst v63  }
0xd4: {  	s16 =	sadd.s32 $0x445C0, s1;
	s18 =	simm.s32 $0x8168  }
0xd5: {  	[tilespmem:s18], [sflag:$0x2] =	stream.linear.gather [hbm4b:s16+s0], $0x190, $0x38;
	[tilespmem:$0x1EE40] =	vst v63  }
0xd6: {  	s6 =	sadd.s32 $0x4E200, s1;
	s7 =	simm.s32 $0x8300  }
0xd7: {  	[tilespmem:s7], [sflag:$0x2] =	stream.linear.gather [hbm4b:s6+s0], $0x190, $0x38;
	[tilespmem:$0x1EE40] =	vst v63  }
0xd8: {  	s16 =	sadd.s32 $0x57E40, s1;
	s18 =	simm.s32 $0x8498  }
0xd9: {  	[tilespmem:s18], [sflag:$0x2] =	stream.linear.gather [hbm4b:s16+s0], $0x190, $0x38;
	[tilespmem:$0x1EE40] =	vst v63  }
0xda: {  	s6 =	sadd.s32 $0x61A80, s1;
	s7 =	simm.s32 $0x8630  }
0xdb: {  	[tilespmem:s7], [sflag:$0x2] =	stream.linear.gather [hbm4b:s6+s0], $0x190, $0x38;
	[tilespmem:$0x1EE40] =	vst v63  }
0xdc: {  	s16 =	sadd.s32 $0x6B6C0, s1;
	s18 =	simm.s32 $0x87C8  }
0xdd: {  	[tilespmem:s18], [sflag:$0x2] =	stream.linear.gather [hbm4b:s16+s0], $0x190, $0x38;
	[tilespmem:$0x1EE40] =	vst v63  }
0xde: {  	s6 =	sadd.s32 $0x75300, s1;
	s7 =	simm.s32 $0x8960  }
0xdf: {  	[tilespmem:s7], [sflag:$0x2] =	stream.linear.gather [hbm4b:s6+s0], $0x190, $0x38;
	[tilespmem:$0x1EE40] =	vst v63  }
0xe0: {  	s16 =	sadd.s32 $0x7EF40, s1;
	s18 =	simm.s32 $0x8AF8  }
0xe1: {  	[tilespmem:s18], [sflag:$0x2] =	stream.linear.gather [hbm4b:s16+s0], $0x190, $0x38;
	[tilespmem:$0x1EE40] =	vst v63  }
0xe2: {  	s7 =	sadd.s32 $0x88B80, s1;
	s16 =	simm.s32 $0x8C90  }
0xe3: {  	[tilespmem:s16], [sflag:$0x2] =	stream.linear.gather [hbm4b:s7+s0], $0x190, $0x38;
	[tilespmem:$0x1EE40] =	vst v63  }
0xe4: {  	s1 =	sadd.s32 $0x927C0, s1;
	s18 =	simm.s32 $0x8E28  }
0xe5: {  	[tilespmem:s18], [sflag:$0x2] =	stream.linear.gather [hbm4b:s1+s0], $0x190, $0x38;
	[tilespmem:$0x1EE40] =	vst v63  }
0xe6: {  	_ =	swait.ge [sflag:s14], $0x1A0  }
0xe7: {  	[sflag:s14] =	ssyncset.done $0x0  }
0xe8: {  	[sflag:s14] =	ssyncadd.s32 $0xFFFFFE60  }
0xe9: {  	_ =	swait.ge [sflag:s14], $0x1A0  }
0xea: {  	[sflag:s14] =	ssyncset.done $0x0  }
0xeb: {  	s2 =	simm.s32 $0x8FC0;
	[sflag:s14] =	ssyncadd.s32 $0xFFFFFE60  }
0xec: {  	[tilespmem:s2], [sflag:$0x1] =	stream.indirect.gather [hbm4b:s13+s15], $0x10, s0, s15, $0xb8;
	[tilespmem:$0x1EE40] =	vst v63  }
0xed: {  	s6 =	simm.s32 $0x10CC0  }
0xee: {  	[tilespmem:s6], [sflag:$0x1] =	stream.indirect.gather [hbm4b:s9+s15], $0x10, s22, s15, $0xb8;
	[tilespmem:$0x1EE40] =	vst v63  }
0xef: {  	s7 =	simm.s32 $0x68;
	s16 =	simm.s32 $0x9600  }
0xf0: {  	[tilespmem:s16], [sflag:$0x1] =	stream.indirect.gather [hbm4b:s13+s15], $0x10, s7, s15, $0xb8;
	[tilespmem:$0x1EE40] =	vst v63  }
0xf1: {  	s18 =	simm.s32 $0x888;
	s22 =	simm.s32 $0x11300  }
0xf2: {  	[tilespmem:s22], [sflag:$0x1] =	stream.indirect.gather [hbm4b:s9+s15], $0x10, s18, s15, $0xb8;
	[tilespmem:$0x1EE40] =	vst v63  }
0xf3: {  	s2 =	simm.s32 $0xD0;
	s6 =	simm.s32 $0x9C40  }
0xf4: {  	[tilespmem:s6], [sflag:$0x1] =	stream.indirect.gather [hbm4b:s13+s15], $0x10, s2, s15, $0xb8;
	[tilespmem:$0x1EE40] =	vst v63  }
0xf5: {  	s7 =	simm.s32 $0x8F0;
	s16 =	simm.s32 $0x11940  }
0xf6: {  	[tilespmem:s16], [sflag:$0x1] =	stream.indirect.gather [hbm4b:s9+s15], $0x10, s7, s15, $0xb8;
	[tilespmem:$0x1EE40] =	vst v63  }
0xf7: {  	s18 =	simm.s32 $0x138;
	s22 =	simm.s32 $0xA280  }
0xf8: {  	[tilespmem:s22], [sflag:$0x1] =	stream.indirect.gather [hbm4b:s13+s15], $0x10, s18, s15, $0xb8;
	[tilespmem:$0x1EE40] =	vst v63  }
0xf9: {  	s6 =	simm.s32 $0x958;
	s7 =	simm.s32 $0x11F80  }
0xfa: {  	[tilespmem:s7], [sflag:$0x1] =	stream.indirect.gather [hbm4b:s9+s15], $0x10, s6, s15, $0xb8;
	[tilespmem:$0x1EE40] =	vst v63  }
0xfb: {  	_ =	swait.ge [sflag:s14], $0x1A0  }
0xfc: {  	[sflag:s14] =	ssyncset.done $0x0  }
0xfd: {  	[sflag:s14] =	ssyncadd.s32 $0xFFFFFE60  }
0xfe: {  	_ =	swait.ge [sflag:s14], $0x1A0  }
0xff: {  	[sflag:s14] =	ssyncset.done $0x0  }
0x100: {  	s16 =	simm.s32 $0xA8C0;
	[sflag:s14] =	ssyncadd.s32 $0xFFFFFE60  }
0x101: {  	[tilespmem:s16], [sflag:$0x1] =	stream.indirect.gather [hbm4b:s13+s15], $0x10, s25, s15, $0xb8;
	[tilespmem:$0x1EE40] =	vst v63  }
0x102: {  	s18 =	simm.s32 $0x125C0  }
0x103: {  	[tilespmem:s18], [sflag:$0x1] =	stream.indirect.gather [hbm4b:s9+s15], $0x10, s4, s15, $0xb8;
	[tilespmem:$0x1EE40] =	vst v63  }
0x104: {  	s22 =	simm.s32 $0x208;
	s25 =	simm.s32 $0xAF00  }
0x105: {  	[tilespmem:s25], [sflag:$0x1] =	stream.indirect.gather [hbm4b:s13+s15], $0x10, s22, s15, $0xb8;
	[tilespmem:$0x1EE40] =	vst v63  }
0x106: {  	s2 =	simm.s32 $0xA28;
	s4 =	simm.s32 $0x12C00  }
0x107: {  	[tilespmem:s4], [sflag:$0x1] =	stream.indirect.gather [hbm4b:s9+s15], $0x10, s2, s15, $0xb8;
	[tilespmem:$0x1EE40] =	vst v63  }
0x108: {  	s6 =	simm.s32 $0x270;
	s7 =	simm.s32 $0xB540  }
0x109: {  	[tilespmem:s7], [sflag:$0x1] =	stream.indirect.gather [hbm4b:s13+s15], $0x10, s6, s15, $0xb8;
	[tilespmem:$0x1EE40] =	vst v63  }
0x10a: {  	s16 =	simm.s32 $0xA90;
	s18 =	simm.s32 $0x13240  }
0x10b: {  	[tilespmem:s18], [sflag:$0x1] =	stream.indirect.gather [hbm4b:s9+s15], $0x10, s16, s15, $0xb8;
	[tilespmem:$0x1EE40] =	vst v63  }
0x10c: {  	s22 =	simm.s32 $0x2D8;
	s25 =	simm.s32 $0xBB80  }
0x10d: {  	[tilespmem:s25], [sflag:$0x1] =	stream.indirect.gather [hbm4b:s13+s15], $0x10, s22, s15, $0xb8;
	[tilespmem:$0x1EE40] =	vst v63  }
0x10e: {  	s2 =	simm.s32 $0xAF8;
	s4 =	simm.s32 $0x13880  }
0x10f: {  	[tilespmem:s4], [sflag:$0x1] =	stream.indirect.gather [hbm4b:s9+s15], $0x10, s2, s15, $0xb8;
	[tilespmem:$0x1EE40] =	vst v63  }
0x110: {  	_ =	swait.ge [sflag:s14], $0x1A0  }
0x111: {  	[sflag:s14] =	ssyncset.done $0x0  }
0x112: {  	[sflag:s14] =	ssyncadd.s32 $0xFFFFFE60  }
0x113: {  	_ =	swait.ge [sflag:s14], $0x1A0  }
0x114: {  	[sflag:s14] =	ssyncset.done $0x0  }
0x115: {  	s6 =	simm.s32 $0xC1C0;
	[sflag:s14] =	ssyncadd.s32 $0xFFFFFE60  }
0x116: {  	[tilespmem:s6], [sflag:$0x1] =	stream.indirect.gather [hbm4b:s13+s15], $0x10, s26, s15, $0xb8;
	[tilespmem:$0x1EE40] =	vst v63  }
0x117: {  	s7 =	simm.s32 $0x13EC0  }
0x118: {  	[tilespmem:s7], [sflag:$0x1] =	stream.indirect.gather [hbm4b:s9+s15], $0x10, s8, s15, $0xb8;
	[tilespmem:$0x1EE40] =	vst v63  }
0x119: {  	s16 =	simm.s32 $0xC800;
	s8 =	simm.s32 $0x3A8  }
0x11a: {  	[tilespmem:s16], [sflag:$0x1] =	stream.indirect.gather [hbm4b:s13+s15], $0x10, s8, s15, $0xb8;
	[tilespmem:$0x1EE40] =	vst v63  }
0x11b: {  	s18 =	simm.s32 $0xBC8;
	s22 =	simm.s32 $0x14500  }
0x11c: {  	[tilespmem:s22], [sflag:$0x1] =	stream.indirect.gather [hbm4b:s9+s15], $0x10, s18, s15, $0xb8;
	[tilespmem:$0x1EE40] =	vst v63  }
0x11d: {  	s25 =	simm.s32 $0x410;
	s26 =	simm.s32 $0xCE40  }
0x11e: {  	[tilespmem:s26], [sflag:$0x1] =	stream.indirect.gather [hbm4b:s13+s15], $0x10, s25, s15, $0xb8;
	[tilespmem:$0x1EE40] =	vst v63  }
0x11f: {  	s2 =	simm.s32 $0xC30;
	s4 =	simm.s32 $0x14B40  }
0x120: {  	[tilespmem:s4], [sflag:$0x1] =	stream.indirect.gather [hbm4b:s9+s15], $0x10, s2, s15, $0xb8;
	[tilespmem:$0x1EE40] =	vst v63  }
0x121: {  	s6 =	simm.s32 $0x478;
	s7 =	simm.s32 $0xD480  }
0x122: {  	[tilespmem:s7], [sflag:$0x1] =	stream.indirect.gather [hbm4b:s13+s15], $0x10, s6, s15, $0xb8;
	[tilespmem:$0x1EE40] =	vst v63  }
0x123: {  	s8 =	simm.s32 $0xC98;
	s16 =	simm.s32 $0x15180  }
0x124: {  	[tilespmem:s16], [sflag:$0x1] =	stream.indirect.gather [hbm4b:s9+s15], $0x10, s8, s15, $0xb8;
	[tilespmem:$0x1EE40] =	vst v63  }
0x125: {  	_ =	swait.ge [sflag:s14], $0x1A0  }
0x126: {  	[sflag:s14] =	ssyncset.done $0x0  }
0x127: {  	[sflag:s14] =	ssyncadd.s32 $0xFFFFFE60  }
0x128: {  	_ =	swait.ge [sflag:s14], $0x1A0  }
0x129: {  	[sflag:s14] =	ssyncset.done $0x0  }
0x12a: {  	s18 =	simm.s32 $0xDAC0;
	[sflag:s14] =	ssyncadd.s32 $0xFFFFFE60  }
0x12b: {  	[tilespmem:s18], [sflag:$0x1] =	stream.indirect.gather [hbm4b:s13+s15], $0x10, s20, s15, $0xb8;
	[tilespmem:$0x1EE40] =	vst v63  }
0x12c: {  	s22 =	simm.s32 $0x157C0  }
0x12d: {  	[tilespmem:s22], [sflag:$0x1] =	stream.indirect.gather [hbm4b:s9+s15], $0x10, s30, s15, $0xb8;
	[tilespmem:$0x1EE40] =	vst v63  }
0x12e: {  	s25 =	simm.s32 $0x548;
	s26 =	simm.s32 $0xE100  }
0x12f: {  	[tilespmem:s26], [sflag:$0x1] =	stream.indirect.gather [hbm4b:s13+s15], $0x10, s25, s15, $0xb8;
	[tilespmem:$0x1EE40] =	vst v63  }
0x130: {  	s2 =	simm.s32 $0xD68;
	s4 =	simm.s32 $0x15E00  }
0x131: {  	[tilespmem:s4], [sflag:$0x1] =	stream.indirect.gather [hbm4b:s9+s15], $0x10, s2, s15, $0xb8;
	[tilespmem:$0x1EE40] =	vst v63  }
0x132: {  	s6 =	simm.s32 $0x5B0;
	s7 =	simm.s32 $0xE740  }
0x133: {  	[tilespmem:s7], [sflag:$0x1] =	stream.indirect.gather [hbm4b:s13+s15], $0x10, s6, s15, $0xb8;
	[tilespmem:$0x1EE40] =	vst v63  }
0x134: {  	s8 =	simm.s32 $0xDD0;
	s16 =	simm.s32 $0x16440  }
0x135: {  	[tilespmem:s16], [sflag:$0x1] =	stream.indirect.gather [hbm4b:s9+s15], $0x10, s8, s15, $0xb8;
	[tilespmem:$0x1EE40] =	vst v63  }
0x136: {  	s18 =	simm.s32 $0x618;
	s20 =	simm.s32 $0xED80  }
0x137: {  	[tilespmem:s20], [sflag:$0x1] =	stream.indirect.gather [hbm4b:s13+s15], $0x10, s18, s15, $0xb8;
	[tilespmem:$0x1EE40] =	vst v63  }
0x138: {  	s22 =	simm.s32 $0xE38;
	s25 =	simm.s32 $0x16A80  }
0x139: {  	[tilespmem:s25], [sflag:$0x1] =	stream.indirect.gather [hbm4b:s9+s15], $0x10, s22, s15, $0xb8;
	[tilespmem:$0x1EE40] =	vst v63  }
0x13a: {  	_ =	swait.ge [sflag:s14], $0x1A0  }
0x13b: {  	[sflag:s14] =	ssyncset.done $0x0  }
0x13c: {  	[sflag:s14] =	ssyncadd.s32 $0xFFFFFE60  }
0x13d: {  	_ =	swait.ge [sflag:s14], $0x1A0  }
0x13e: {  	[sflag:s14] =	ssyncset.done $0x0  }
0x13f: {  	s26 =	simm.s32 $0xF3C0;
	[sflag:s14] =	ssyncadd.s32 $0xFFFFFE60  }
0x140: {  	[tilespmem:s26], [sflag:$0x1] =	stream.indirect.gather [hbm4b:s13+s15], $0x10, s3, s15, $0xb8;
	[tilespmem:$0x1EE40] =	vst v63  }
0x141: {  	s2 =	simm.s32 $0x170C0  }
0x142: {  	[tilespmem:s2], [sflag:$0x1] =	stream.indirect.gather [hbm4b:s9+s15], $0x10, s5, s15, $0xb8;
	[tilespmem:$0x1EE40] =	vst v63  }
0x143: {  	s4 =	simm.s32 $0xFA00;
	s3 =	simm.s32 $0x6E8  }
0x144: {  	[tilespmem:s4], [sflag:$0x1] =	stream.indirect.gather [hbm4b:s13+s15], $0x10, s3, s15, $0xb8;
	[tilespmem:$0x1EE40] =	vst v63  }
0x145: {  	s6 =	simm.s32 $0x17700;
	s5 =	simm.s32 $0xF08  }
0x146: {  	[tilespmem:s6], [sflag:$0x1] =	stream.indirect.gather [hbm4b:s9+s15], $0x10, s5, s15, $0xb8;
	[tilespmem:$0x1EE40] =	vst v63  }
0x147: {  	s7 =	simm.s32 $0x750;
	s8 =	simm.s32 $0x10040  }
0x148: {  	[tilespmem:s8], [sflag:$0x1] =	stream.indirect.gather [hbm4b:s13+s15], $0x10, s7, s15, $0xb8;
	[tilespmem:$0x1EE40] =	vst v63  }
0x149: {  	s29 =	simm.s32 $0xF70;
	s16 =	simm.s32 $0x17D40  }
0x14a: {  	[tilespmem:s16], [sflag:$0x1] =	stream.indirect.gather [hbm4b:s9+s15], $0x10, s29, s15, $0xb8;
	[tilespmem:$0x1EE40] =	vst v63  }
0x14b: {  	s18 =	simm.s32 $0x7B8;
	s20 =	simm.s32 $0x10680  }
0x14c: {  	[tilespmem:s20], [sflag:$0x1] =	stream.indirect.gather [hbm4b:s13+s15], $0x10, s18, s15, $0xb8;
	[tilespmem:$0x1EE40] =	vst v63  }
0x14d: {  	s10 =	simm.s32 $0xFD8;
	s22 =	simm.s32 $0x18380  }
0x14e: {  	[tilespmem:s22], [sflag:$0x1] =	stream.indirect.gather [hbm4b:s9+s15], $0x10, s10, s15, $0xb8;
	[tilespmem:$0x1EE40] =	vst v63  }
0x14f: {  	_ =	swait.ge [sflag:s11], $0x640  }
0x150: {  	[sflag:s11] =	ssyncset.done $0x0  }
0x151: {  	[sflag:s11] =	ssyncadd.s32 $0xFFFFF9C0  }
0x152: {  	_ =	swait.ge [sflag:s11], $0x640  }
0x153: {  	[sflag:s11] =	ssyncset.done $0x0  }
0x154: {  	[sflag:s11] =	ssyncadd.s32 $0xFFFFF9C0  }
0x155: {  	_ =	swait.ge [sflag:s11], $0x640  }
0x156: {  	[sflag:s11] =	ssyncset.done $0x0  }
0x157: {  	[sflag:s11] =	ssyncadd.s32 $0xFFFFF9C0  }
0x158: {  	_ =	swait.ge [sflag:s11], $0x640  }
0x159: {  	[sflag:s11] =	ssyncset.done $0x0  }
0x15a: {  	[sflag:s11] =	ssyncadd.s32 $0xFFFFF9C0  }
0x15b: {  	_ =	swait.ge [sflag:s11], $0x640  }
0x15c: {  	[sflag:s11] =	ssyncset.done $0x0  }
0x15d: {  	[sflag:s11] =	ssyncadd.s32 $0xFFFFF9C0  }
0x15e: {  	_ =	swait.ge [sflag:s11], $0x640  }
0x15f: {  	[sflag:s11] =	ssyncset.done $0x0  }
0x160: {  	[sflag:s11] =	ssyncadd.s32 $0xFFFFF9C0  }
0x161: {  	_ =	swait.ge [sflag:s11], $0x640  }
0x162: {  	[sflag:s11] =	ssyncset.done $0x0  }
0x163: {  	[sflag:s11] =	ssyncadd.s32 $0xFFFFF9C0  }
0x164: {  	_ =	swait.ge [sflag:s11], $0x640  }
0x165: {  	[sflag:s11] =	ssyncset.done $0x0  }
0x166: {  	[sflag:s11] =	ssyncadd.s32 $0xFFFFF9C0  }
0x167: {  	_ =	swait.ge [sflag:s14], $0x1900  }
0x168: {  	[sflag:s14] =	ssyncset.done $0x0  }
0x169: {  	s1 =	simm.s32 $0x10D40;
	[sflag:s14] =	ssyncadd.s32 $0xFFFFE700  }
0x16a: {  	s2 =	simm.s32 $0x9040;
	v11 =	vld [tilespmem:s1+$0xFFFFFFC0]  }
0x16b: {  	v10 =	vld [tilespmem:s2+$0xFFFFFFD0]  }
0x16c: {  	v18 =	vld [tilespmem:s1+$0xFFFFFFE0]  }
0x16d: {  	v20 =	vld [tilespmem:s2+$0xFFFFFFE0]  }
0x16e: {  	v12 =	vld [tilespmem:s1+$0x70]  }
0x16f: {  	v22 =	vld [tilespmem:s1+$0x10]  }
0x170: {  	v13 =	vld [tilespmem:s2+$0x70]  }
0x171: {  	v14 =	vmov s0;
	s25 =	simm.s32 $0x7;
	v24 =	vld [tilespmem:s1+$0x60]  }
0x172: {  	v14 =	vshrl.u32 v14, $0x3;
	v15 =	vmov s25;
	s25 =	simm.s32 $0x9;
	v17 =	vld [tilespmem:s2+$0x0]  }
0x173: {  	v62 =	vshll.u32 v14, v2;
	v15 =	vshrl.u32 v15, $0x3;
	v46 =	vmov s25;
	s4 =	simm.s32 $0xA;
	v21 =	vld [tilespmem:s1+$0x0]  }
0x174: {  	v15 =	vshll.u32 v15, v2;
	v46 =	vshrl.u32 v46, $0x3;
	s26 =	simm.s32 $0xE;
	v25 =	vmov s4;
	v26 =	vld [tilespmem:s2+$0x20]  }
0x175: {  	v15 =	vbroadcast v15, $0x0;
	v16 =	vmov s26;
	s26 =	simm.s32 $0xB;
	v25 =	vshrl.u32 v25, $0x3;
	v29 =	vld [tilespmem:s1+$0xFFFFFFF0]  }
0x176: {  	v16 =	vshrl.u32 v16, $0x3;
	v48 =	vmov s26;
	v25 =	vshll.u32 v25, v2;
	s8 =	simm.s32 $0x8;
	v30 =	vld [tilespmem:s1+$0x30]  }
0x177: {  	v16 =	vshll.u32 v16, v2;
	s3 =	simm.s32 $0x4;
	v25 =	vbroadcast v25, $0x0;
	v32 =	vmov s8;
	s29 =	simm.s32 $0x1;
	v31 =	vld [tilespmem:s2+$0x30]  }
0x178: {  	v23 =	vmov s3;
	v32 =	vshrl.u32 v32, $0x3;
	v19 =	vmov s29;
	v33 =	vld [tilespmem:s2+$0xFFFFFFC0]  }
0x179: {  	v25 =	vadd.s32 v4, v25;
	v32 =	vshll.u32 v32, v2;
	v19 =	vshrl.u32 v19, $0x3;
	s10 =	simm.s32 $0x3;
	v35 =	vld [tilespmem:s2+$0xFFFFFFF0]  }
0x17a: {  	s18 =	simm.s32 $0xC;
	v32 =	vbroadcast v32, $0x0;
	v19 =	vshll.u32 v19, v2;
	v34 =	vmov s10;
	v37 =	vld [tilespmem:s1+$0x20]  }
0x17b: {  	s20 =	simm.s32 $0xD;
	v36 =	vmov s18;
	v19 =	vbroadcast v19, $0x0;
	v34 =	vshrl.u32 v34, $0x3;
	v39 =	vld [tilespmem:s1+$0x40]  }
0x17c: {  	v38 =	vmov s20;
	v36 =	vshrl.u32 v36, $0x3;
	v34 =	vshll.u32 v34, v2;
	v41 =	vld [tilespmem:s2+$0x60]  }
0x17d: {  	v38 =	vshrl.u32 v38, $0x3;
	v42 =	vadd.s32 v3, v19;
	v34 =	vbroadcast v34, $0x0;
	v56 =	vld [tilespmem:s1+$0x50]  }
0x17e: {  	v32 =	vadd.s32 v0, v32;
	v36 =	vshll.u32 v36, v2;
	v55 =	vshll.u32 v38, v2;
	v43 =	vld.idx.msk [tilespmem:v25+s21+$0x0], $0xffff  }
0x17f: {  	s22 =	simm.s32 $0xF;
	v19 =	vbroadcast v36, $0x0;
	v36 =	vbroadcast v55, $0x0;
	v34 =	vadd.s32 v5, v34;
	v44 =	vld [tilespmem:s2+$0x50]  }
0x180: {  	v59 =	vbroadcast v16, $0x0;
	s6 =	simm.s32 $0x6;
	v23 =	vshrl.u32 v23, $0x3;
	v40 =	vmov s22;
	v45 =	vld [tilespmem:s2+$0x40]  }
0x181: {  	v27 =	vmov s6;
	v40 =	vshrl.u32 v40, $0x3;
	v36 =	vadd.s32 v7, v36;
	v47 =	vld [tilespmem:s2+$0x10]  }
0x182: {  	v23 =	vshll.u32 v23, v2;
	s7 =	simm.s32 $0x5;
	v40 =	vshll.u32 v40, v2;
	v19 =	vadd.s32 v6, v19;
	v49 =	vld.idx.msk [tilespmem:v42+s21+$0x0], $0xffff  }
0x183: {  	v16 =	vshrl.u32 v27, $0x3;
	v28 =	vmov s7;
	v40 =	vbroadcast v40, $0x0;
	v57 =	vld.idx.msk [tilespmem:v32+s21+$0x0], $0xffff  }
0x184: {  	v23 =	vbroadcast v23, $0x0;
	v14 =	vshll.u32 v16, v2;
	v28 =	vshrl.u32 v28, $0x3;
	v60 =	vld.idx.msk [tilespmem:v34+s21+$0x0], $0xffff  }
0x185: {  	v28 =	vshll.u32 v28, v2;
	v40 =	vadd.s32 v9, v40;
	v61 =	vld [tilespmem:s2+$0xFFFFFFB0];
	v50 =	vadd.f32 v12, v13  }
0x186: {  	v12 =	vshrl.u32 v48, $0x3;
	v48 =	vadd.f32 v11, v33;
	v30 =	vadd.f32 v30, v31;
	v31 =	vld.idx.msk [tilespmem:v36+s21+$0x0], $0xffff  }
0x187: {  	s29 =	simm.s32 $0x2;
	v26 =	vadd.f32 v37, v26;
	v29 =	vadd.f32 v29, v35;
	v11 =	vshll.u32 v12, v2;
	v12 =	vld.idx.msk [tilespmem:v19+s21+$0x0], $0xffff  }
0x188: {  	v13 =	vld [tilespmem:s1+$0xFFFFFFB0];
	v58 =	vadd.f32 v56, v44;
	v27 =	vadd.f32 v21, v17;
	v17 =	vmov s29  }
0x189: {  	v63 =	vld [tilespmem:s1+$0xFFFFFFA0];
	v21 =	vadd.f32 v39, v45;
	v17 =	vshrl.u32 v17, $0x3;
	v26 =	vadd.f32 v26, v43  }
0x18a: {  	v52 =	vld [tilespmem:s2+$0xFFFFFFA0];
	v11 =	vbroadcast v11, $0x0;
	v16 =	vshll.u32 v17, v2;
	v17 =	vadd.s32 v6, v23  }
0x18b: {  	s30 =	simm.s32 $0x18A40;
	v56 =	vld [tilespmem:s1+$0xFFFFFF80];
	v51 =	vbroadcast v16, $0x0;
	v26 =	vmax.f32 v26, $0.0e+00;
	v23 =	vadd.f32 v58, v31  }
0x18c: {  	v43 =	vld.idx.msk [tilespmem:v40+s21+$0x0], $0xffff;
	v16 =	vadd.s32 v5, v11;
	v11 =	vbroadcast v14, $0x0;
	[tilespmem:s30+$0x20] =	vst v26;
	v12 =	vadd.f32 v21, v12  }
0x18d: {  	v31 =	vld [tilespmem:s1+$0xFFFFFF90];
	v14 =	vadd.s32 v4, v51;
	[tilespmem:v25+s17+$0x0] =	vst.idx.msk $0xffff, v26;
	v26 =	vadd.f32 v13, v61;
	v23 =	vmax.f32 v23, $0.0e+00  }
0x18e: {  	v25 =	vld [tilespmem:s2+$0xFFFFFF90];
	v21 =	vadd.s32 v9, v15;
	v15 =	vshll.u32 v46, v2;
	v12 =	vmax.f32 v12, $0.0e+00;
	[tilespmem:s30+$0x50] =	vst v23  }
0x18f: {  	v28 =	vbroadcast v28, $0x0;
	v13 =	vadd.s32 v8, v59;
	v59 =	vld.idx.msk [tilespmem:v17+s21+$0x0], $0xffff;
	v26 =	vadd.f32 v26, v60;
	[tilespmem:s30+$0x40] =	vst v12  }
0x190: {  	v24 =	vadd.f32 v24, v41;
	v15 =	vbroadcast v15, $0x0;
	[tilespmem:v19+s17+$0x0] =	vst.idx.msk $0xffff, v12;
	v19 =	vadd.f32 v27, v57;
	v27 =	vld [tilespmem:s2+$0xFFFFFF80]  }
0x191: {  	[tilespmem:v36+s17+$0x0] =	vst.idx.msk $0xffff, v23;
	v23 =	vbroadcast v62, $0x0;
	v12 =	vadd.s32 v8, v11;
	v57 =	vld.idx.msk [tilespmem:v16+s21+$0x0], $0xffff;
	v26 =	vmax.f32 v26, $0.0e+00  }
0x192: {  	v11 =	vadd.s32 v7, v28;
	v33 =	vld.idx.msk [tilespmem:v14+s21+$0x0], $0xffff;
	[tilespmem:s30+$0xFFFFFFB0] =	vst v26;
	v58 =	vmax.f32 v19, $0.0e+00;
	v19 =	vadd.s32 v3, v15  }
0x193: {  	v28 =	vadd.f32 v50, v43;
	v25 =	vadd.f32 v31, v25;
	v60 =	vld.idx.msk [tilespmem:v21+s21+$0x0], $0xffff;
	[tilespmem:v34+s17+$0x0] =	vst.idx.msk $0xffff, v26  }
0x194: {  	v18 =	vadd.f32 v18, v20;
	v61 =	vld.idx.msk [tilespmem:v13+s21+$0x0], $0xffff;
	v15 =	vadd.s32 v0, v23;
	[tilespmem:s30+$0x0] =	vst v58  }
0x195: {  	v20 =	vadd.f32 v63, v52;
	v62 =	vmax.f32 v28, $0.0e+00;
	v25 =	vadd.f32 v25, v49;
	[tilespmem:v32+s17+$0x0] =	vst.idx.msk $0xffff, v58;
	v32 =	vld [tilespmem:s1+$0xFFFFFFD0]  }
0x196: {  	v23 =	vadd.f32 v22, v47;
	v63 =	vadd.f32 v48, v59;
	[tilespmem:s30+$0x70] =	vst v62;
	v22 =	vld.idx.msk [tilespmem:v12+s21+$0x0], $0xffff  }
0x197: {  	[tilespmem:v40+s17+$0x0] =	vst.idx.msk $0xffff, v62;
	v25 =	vmax.f32 v25, $0.0e+00;
	v30 =	vadd.f32 v30, v57;
	v31 =	vld.idx.msk [tilespmem:v19+s21+$0x0], $0xffff  }
0x198: {  	s26 =	simm.s32 $0x10;
	v26 =	vld.idx.msk [tilespmem:v11+s21+$0x0], $0xffff;
	v27 =	vadd.f32 v56, v27;
	[tilespmem:s30+$0xFFFFFF90] =	vst v25;
	v34 =	vadd.f32 v29, v60  }
0x199: {  	s22 =	simm.s32 $0x9140;
	s2 =	simm.s32 $0x18B40;
	s1 =	simm.s32 $0x10E40;
	v24 =	vadd.f32 v24, v61;
	v28 =	vld.idx.msk [tilespmem:v15+s21+$0x0], $0xffff;
	[tilespmem:v42+s17+$0x0] =	vst.idx.msk $0xffff, v25;
	v29 =	vmax.f32 v30, $0.0e+00;
	v30 =	vmax.f32 v63, $0.0e+00  }
.LBB2_5:
0x19a: {  	v35 =	vmov s26;
	s25 =	sadd.s32 $0x1, s26;
	v25 =	vld [tilespmem:s1+$0xFFFFFFC0];
	s3 =	sadd.s32 $0x7, s26;
	s6 =	sadd.s32 $0xE, s26;
	v33 =	vadd.f32 v20, v33;
	[tilespmem:s30+$0xFFFFFFC0] =	vst v30;
	v34 =	vmax.f32 v34, $0.0e+00  }
0x19b: {  	s29 =	sadd.s32 $0x2, s26;
	s16 =	sadd.s32 $0x3, s26;
	s7 =	sadd.s32 $0x6, s26;
	v39 =	vadd.f32 v18, v22;
	v36 =	vld [tilespmem:s22+$0xFFFFFFD0];
	v37 =	vmov s3;
	v38 =	vmov s6;
	[tilespmem:s30+$0xFFFFFFF0] =	vst v34  }
0x19c: {  	p0 =	slt.u32 s26, $0x180;
	v20 =	vshrl.u32 v35, $0x3;
	v35 =	vmov s25;
	v31 =	vadd.f32 v23, v31;
	s25 =	smov.u32 s26;
	s26 =	sadd.s32 $0x10, s26;
	v18 =	vld [tilespmem:s1+$0xFFFFFFE0];
	[tilespmem:s30+$0x30] =	vst v29  }
0x19d: {  	s3 =	sadd.s32 $0x4, s25;
	v23 =	vshrl.u32 v37, $0x3;
	v37 =	vshrl.u32 v38, $0x3;
	v33 =	vmax.f32 v33, $0.0e+00;
	v22 =	vld [tilespmem:s22+$0xFFFFFFE0];
	[tilespmem:v21+s17+$0x0] =	vst.idx.msk $0xffff, v34  }
0x19e: {  	v34 =	vmov s3;
	s3 =	sadd.s32 $0x5, s25;
	v21 =	vmov s7;
	v38 =	vld [tilespmem:s1+$0x70];
	[tilespmem:s30+$0xFFFFFFA0] =	vst v33;
	v32 =	vadd.f32 v32, v10  }
0x19f: {  	v40 =	vshll.u32 v23, v2;
	v27 =	vadd.f32 v27, v28;
	v41 =	vmov s3;
	v23 =	vld [tilespmem:s1+$0x10];
	[tilespmem:v17+s17+$0x0] =	vst.idx.msk $0xffff, v30  }
0x1a0: {  	v17 =	vshrl.u32 v34, $0x3;
	v28 =	vshrl.u32 v41, $0x3;
	v30 =	vshll.u32 v37, v2;
	v34 =	vld [tilespmem:s22+$0x70];
	[tilespmem:v16+s17+$0x0] =	vst.idx.msk $0xffff, v29;
	v10 =	vmovc v36  }
0x1a1: {  	v31 =	vmax.f32 v31, $0.0e+00;
	s3 =	sadd.s32 $0x8, s25;
	v16 =	vshrl.u32 v35, $0x3;
	v28 =	vshll.u32 v28, v2;
	v29 =	vld [tilespmem:s1+$0x60]  }
0x1a2: {  	v27 =	vmax.f32 v27, $0.0e+00;
	v35 =	vmov s3;
	s3 =	sadd.s32 $0x9, s25;
	v28 =	vbroadcast v28, $0x0;
	v36 =	vld [tilespmem:s22+$0x0];
	[tilespmem:s30+$0x10] =	vst v31  }
0x1a3: {  	v26 =	vadd.f32 v32, v26;
	v35 =	vshrl.u32 v35, $0x3;
	v41 =	vmov s3;
	s3 =	sadd.s32 $0xA, s25;
	v37 =	vld [tilespmem:s1+$0x0];
	[tilespmem:v19+s17+$0x0] =	vst.idx.msk $0xffff, v31  }
0x1a4: {  	v19 =	vadd.s32 v7, v28;
	v28 =	vmov s3;
	s3 =	sadd.s32 $0xB, s25;
	v31 =	vld [tilespmem:s22+$0x20];
	[tilespmem:v14+s17+$0x0] =	vst.idx.msk $0xffff, v33;
	v14 =	vmax.f32 v24, $0.0e+00  }
0x1a5: {  	s6 =	sadd.s32 $0xC, s25;
	v24 =	vmov s16;
	v33 =	vshll.u32 v35, v2;
	v28 =	vshrl.u32 v28, $0x3;
	v32 =	vld [tilespmem:s1+$0xFFFFFFF0];
	[tilespmem:s30+$0xFFFFFF80] =	vst v27  }
0x1a6: {  	v39 =	vmax.f32 v39, $0.0e+00;
	v35 =	vmov s3;
	s3 =	sadd.s32 $0xD, s25;
	v28 =	vshll.u32 v28, v2;
	v42 =	vld [tilespmem:s1+$0x30];
	[tilespmem:s30+$0x60] =	vst v14  }
0x1a7: {  	v26 =	vmax.f32 v26, $0.0e+00;
	v44 =	vmov s3;
	v28 =	vbroadcast v28, $0x0;
	v43 =	vld [tilespmem:s22+$0x30];
	[tilespmem:v13+s17+$0x0] =	vst.idx.msk $0xffff, v14  }
0x1a8: {  	v41 =	vshrl.u32 v41, $0x3;
	s3 =	sadd.s32 $0xF, s25;
	v13 =	vshll.u32 v16, v2;
	v16 =	vmov s6;
	v14 =	vld [tilespmem:s22+$0xFFFFFFC0];
	[tilespmem:s30+$0xFFFFFFD0] =	vst v26  }
0x1a9: {  	v46 =	vmov s3;
	v13 =	vbroadcast v13, $0x0;
	v28 =	vadd.s32 v4, v28;
	v45 =	vld [tilespmem:s22+$0xFFFFFFF0];
	[tilespmem:s30+$0xFFFFFFE0] =	vst v39;
	s30 =	smov.u32 s2  }
0x1aa: {  	v47 =	vshrl.u32 v24, $0x3;
	v44 =	vshrl.u32 v44, $0x3;
	v16 =	vshrl.u32 v16, $0x3;
	v48 =	vld [tilespmem:s1+$0x20];
	[tilespmem:v15+s17+$0x0] =	vst.idx.msk $0xffff, v27  }
0x1ab: {  	v24 =	vadd.s32 v3, v13;
	v13 =	vshll.u32 v16, v2;
	v16 =	vshrl.u32 v46, $0x3;
	v15 =	vld [tilespmem:s1+$0x40];
	[tilespmem:v11+s17+$0x0] =	vst.idx.msk $0xffff, v26  }
0x1ac: {  	v44 =	vshll.u32 v44, v2;
	v26 =	vshll.u32 v47, v2;
	v13 =	vbroadcast v13, $0x0;
	v27 =	vld [tilespmem:s22+$0x60];
	[tilespmem:v12+s17+$0x0] =	vst.idx.msk $0xffff, v39  }
0x1ad: {  	v34 =	vadd.f32 v38, v34;
	v11 =	vmovc v19;
	v12 =	vbroadcast v33, $0x0;
	v33 =	vbroadcast v44, $0x0;
	v39 =	vld [tilespmem:s1+$0x50]  }
0x1ae: {  	v19 =	vshrl.u32 v35, $0x3;
	v16 =	vshll.u32 v16, v2;
	v25 =	vadd.f32 v25, v14;
	v14 =	vld.idx.msk [tilespmem:v28+s21+$0x0], $0xffff  }
0x1af: {  	v19 =	vshll.u32 v19, v2;
	v35 =	vadd.f32 v42, v43;
	v13 =	vadd.s32 v6, v13;
	v38 =	vld [tilespmem:s22+$0x50]  }
0x1b0: {  	v26 =	vbroadcast v26, $0x0;
	v19 =	vbroadcast v19, $0x0;
	v33 =	vadd.s32 v7, v33;
	v42 =	vld [tilespmem:s22+$0x40]  }
0x1b1: {  	v16 =	vbroadcast v16, $0x0;
	v43 =	vadd.s32 v0, v12;
	v31 =	vadd.f32 v48, v31;
	v12 =	vld [tilespmem:s22+$0x10]  }
0x1b2: {  	v17 =	vshll.u32 v17, v2;
	v26 =	vadd.s32 v5, v26;
	v32 =	vadd.f32 v32, v45;
	v44 =	vld.idx.msk [tilespmem:v24+s21+$0x0], $0xffff  }
0x1b3: {  	v40 =	vbroadcast v40, $0x0;
	v17 =	vbroadcast v17, $0x0;
	v46 =	vadd.s32 v9, v16;
	v45 =	vld [tilespmem:s1+$0xFFFFFFB0]  }
0x1b4: {  	v30 =	vbroadcast v30, $0x0;
	v14 =	vadd.f32 v31, v14;
	v16 =	vld.idx.msk [tilespmem:v13+s21+$0x0], $0xffff;
	v31 =	vadd.f32 v39, v38  }
0x1b5: {  	v21 =	vshrl.u32 v21, $0x3;
	v36 =	vadd.f32 v37, v36;
	v15 =	vadd.f32 v15, v42;
	v37 =	vld.idx.msk [tilespmem:v33+s21+$0x0], $0xffff  }
0x1b6: {  	v39 =	vadd.f32 v29, v27;
	v38 =	vld.idx.msk [tilespmem:v43+s21+$0x0], $0xffff;
	v23 =	vadd.f32 v23, v12;
	v12 =	vmax.f32 v14, $0.0e+00  }
0x1b7: {  	v27 =	vshll.u32 v20, v2;
	v20 =	vshll.u32 v21, v2;
	v14 =	vmov s29;
	v29 =	vld.idx.msk [tilespmem:v26+s21+$0x0], $0xffff;
	[tilespmem:s2+$0x20] =	vst v12  }
0x1b8: {  	v18 =	vadd.f32 v18, v22;
	v20 =	vbroadcast v20, $0x0;
	v14 =	vshrl.u32 v14, $0x3;
	[tilespmem:v28+s17+$0x0] =	vst.idx.msk $0xffff, v12;
	v22 =	vld.idx.msk [tilespmem:v46+s21+$0x0], $0xffff  }
0x1b9: {  	v12 =	vshll.u32 v14, v2;
	v28 =	vld [tilespmem:s22+$0xFFFFFFB0]  }
0x1ba: {  	v12 =	vbroadcast v12, $0x0;
	v15 =	vadd.f32 v15, v16;
	v42 =	vld [tilespmem:s1+$0xFFFFFFA0]  }
0x1bb: {  	v17 =	vadd.s32 v6, v17;
	v16 =	vadd.s32 v5, v19;
	v19 =	vadd.f32 v31, v37;
	v47 =	vld [tilespmem:s22+$0xFFFFFFA0]  }
0x1bc: {  	v14 =	vadd.s32 v4, v12;
	v12 =	vadd.f32 v36, v38;
	v15 =	vmax.f32 v15, $0.0e+00;
	v31 =	vld [tilespmem:s1+$0xFFFFFF90]  }
0x1bd: {  	v21 =	vadd.s32 v9, v40;
	v37 =	vshll.u32 v41, v2;
	v19 =	vmax.f32 v19, $0.0e+00;
	v36 =	vld [tilespmem:s22+$0xFFFFFF90];
	[tilespmem:s2+$0x40] =	vst v15  }
0x1be: {  	v40 =	vmax.f32 v12, $0.0e+00;
	v38 =	vld [tilespmem:s1+$0xFFFFFF80];
	v28 =	vadd.f32 v45, v28;
	[tilespmem:v13+s17+$0x0] =	vst.idx.msk $0xffff, v15;
	v13 =	vadd.s32 v8, v30  }
0x1bf: {  	v12 =	vadd.s32 v8, v20;
	v22 =	vadd.f32 v34, v22;
	v15 =	vbroadcast v37, $0x0;
	v30 =	vld [tilespmem:s22+$0xFFFFFF80];
	[tilespmem:s2+$0x50] =	vst v19  }
0x1c0: {  	v20 =	vadd.f32 v42, v47;
	v28 =	vadd.f32 v28, v29;
	v29 =	vld.idx.msk [tilespmem:v16+s21+$0x0], $0xffff;
	[tilespmem:v33+s17+$0x0] =	vst.idx.msk $0xffff, v19  }
0x1c1: {  	v27 =	vbroadcast v27, $0x0;
	v37 =	vmax.f32 v22, $0.0e+00;
	v19 =	vadd.s32 v3, v15;
	v34 =	vld.idx.msk [tilespmem:v17+s21+$0x0], $0xffff  }
0x1c2: {  	v22 =	vadd.f32 v31, v36;
	v28 =	vmax.f32 v28, $0.0e+00;
	v36 =	vld.idx.msk [tilespmem:v21+s21+$0x0], $0xffff;
	[tilespmem:s2+$0x0] =	vst v40  }
0x1c3: {  	v15 =	vadd.s32 v0, v27;
	[tilespmem:s2+$0xFFFFFFB0] =	vst v28;
	v41 =	vld.idx.msk [tilespmem:v13+s21+$0x0], $0xffff  }
0x1c4: {  	v27 =	vadd.f32 v38, v30;
	v30 =	vadd.f32 v22, v44;
	v33 =	vld.idx.msk [tilespmem:v14+s21+$0x0], $0xffff;
	[tilespmem:v26+s17+$0x0] =	vst.idx.msk $0xffff, v28  }
.Ltmp1:
0x1c5: {  	v22 =	vld.idx.msk [tilespmem:v12+s21+$0x0], $0xffff;
	[tilespmem:v43+s17+$0x0] =	vst.idx.msk $0xffff, v40;
	(pc) =	sbr.rel @p0 .LBB2_5-.Ltmp1, $4  }
0x1c6: {  	v29 =	vadd.f32 v35, v29;
	v30 =	vmax.f32 v30, $0.0e+00;
	v31 =	vld.idx.msk [tilespmem:v19+s21+$0x0], $0xffff;
	[tilespmem:s2+$0x70] =	vst v37  }
0x1c7: {  	v25 =	vadd.f32 v25, v34;
	[tilespmem:s2+$0xFFFFFF90] =	vst v30;
	v26 =	vld.idx.msk [tilespmem:v11+s21+$0x0], $0xffff  }
0x1c8: {  	v34 =	vadd.f32 v32, v36;
	v29 =	vmax.f32 v29, $0.0e+00;
	v28 =	vld.idx.msk [tilespmem:v15+s21+$0x0], $0xffff;
	[tilespmem:v24+s17+$0x0] =	vst.idx.msk $0xffff, v30  }
0x1c9: {  	s22 =	sadd.s32 $0x100, s22;
	s2 =	sadd.s32 $0x100, s2;
	v30 =	vmax.f32 v25, $0.0e+00;
	v24 =	vadd.f32 v39, v41;
	v32 =	vld [tilespmem:s1+$0xFFFFFFD0];
	[tilespmem:v46+s17+$0x0] =	vst.idx.msk $0xffff, v37;
	s1 =	sadd.s32 $0x100, s1  }
0x1ca: {  	_ = 	snop  }
0x1cb: {  	[tilespmem:s30+$0xFFFFFFC0] =	vst v30  }
0x1cc: {  	v25 =	vmax.f32 v34, $0.0e+00;
	[tilespmem:s30+$0x30] =	vst v29  }
0x1cd: {  	[tilespmem:s30+$0xFFFFFFF0] =	vst v25  }
0x1ce: {  	v20 =	vadd.f32 v20, v33;
	[tilespmem:v17+s17+$0x0] =	vst.idx.msk $0xffff, v30  }
0x1cf: {  	[tilespmem:v16+s17+$0x0] =	vst.idx.msk $0xffff, v29  }
0x1d0: {  	v20 =	vmax.f32 v20, $0.0e+00;
	[tilespmem:v21+s17+$0x0] =	vst.idx.msk $0xffff, v25;
	v21 =	vadd.f32 v23, v31  }
0x1d1: {  	[tilespmem:s30+$0xFFFFFFA0] =	vst v20  }
0x1d2: {  	v16 =	vmax.f32 v21, $0.0e+00;
	[tilespmem:v14+s17+$0x0] =	vst.idx.msk $0xffff, v20  }
0x1d3: {  	v14 =	vmax.f32 v24, $0.0e+00;
	[tilespmem:s30+$0x10] =	vst v16  }
0x1d4: {  	v17 =	vadd.f32 v27, v28;
	v10 =	vadd.f32 v32, v10;
	[tilespmem:s30+$0x60] =	vst v14  }
0x1d5: {  	[tilespmem:v19+s17+$0x0] =	vst.idx.msk $0xffff, v16  }
0x1d6: {  	v16 =	vmax.f32 v17, $0.0e+00;
	v10 =	vadd.f32 v10, v26;
	[tilespmem:v13+s17+$0x0] =	vst.idx.msk $0xffff, v14  }
0x1d7: {  	v17 =	vadd.f32 v18, v22;
	[tilespmem:s30+$0xFFFFFF80] =	vst v16  }
0x1d8: {  	v10 =	vmax.f32 v10, $0.0e+00;
	[tilespmem:v15+s17+$0x0] =	vst.idx.msk $0xffff, v16  }
0x1d9: {  	v13 =	vmax.f32 v17, $0.0e+00;
	[tilespmem:s30+$0xFFFFFFD0] =	vst v10  }
0x1da: {  	[tilespmem:s30+$0xFFFFFFE0] =	vst v13  }
0x1db: {  	[tilespmem:v11+s17+$0x0] =	vst.idx.msk $0xffff, v10  }
0x1dc: {  	[tilespmem:v12+s17+$0x0] =	vst.idx.msk $0xffff, v13  }
0x1dd: {  	s1 =	rddreg [dreg:$0x13]  }
0x1de: {  	s22 =	simm.s32 $0x0;
	s1 =	sadd.s32 s1, s23  }
0x1df: {  	[hbm4b:s1+s22] =	stream.linear.scatter [tilespmem:s17], [sflag:$0x3], $0x190, $0x38;
	[tilespmem:$0x1EE40] =	vst v63  }
0x1e0: {  	s8 =	simm.s32 $0x1A458;
	s2 =	sadd.s32 $0x9C40, s1  }
0x1e1: {  	[hbm4b:s2+s22] =	stream.linear.scatter [tilespmem:s8], [sflag:$0x3], $0x190, $0x38;
	[tilespmem:$0x1EE40] =	vst v63  }
0x1e2: {  	s3 =	simm.s32 $0x1A5F0;
	s6 =	sadd.s32 $0x13880, s1  }
0x1e3: {  	[hbm4b:s6+s22] =	stream.linear.scatter [tilespmem:s3], [sflag:$0x3], $0x190, $0x38;
	[tilespmem:$0x1EE40] =	vst v63  }
0x1e4: {  	s10 =	simm.s32 $0x1A788;
	s7 =	sadd.s32 $0x1D4C0, s1  }
0x1e5: {  	[hbm4b:s7+s22] =	stream.linear.scatter [tilespmem:s10], [sflag:$0x3], $0x190, $0x38;
	[tilespmem:$0x1EE40] =	vst v63  }
0x1e6: {  	s18 =	simm.s32 $0x1A920;
	s16 =	sadd.s32 $0x27100, s1  }
0x1e7: {  	[hbm4b:s16+s22] =	stream.linear.scatter [tilespmem:s18], [sflag:$0x3], $0x190, $0x38;
	[tilespmem:$0x1EE40] =	vst v63  }
0x1e8: {  	s23 =	simm.s32 $0x1AAB8;
	s20 =	sadd.s32 $0x30D40, s1  }
0x1e9: {  	[hbm4b:s20+s22] =	stream.linear.scatter [tilespmem:s23], [sflag:$0x3], $0x190, $0x38;
	[tilespmem:$0x1EE40] =	vst v63  }
0x1ea: {  	s26 =	simm.s32 $0x1AC50;
	s25 =	sadd.s32 $0x3A980, s1  }
0x1eb: {  	[hbm4b:s25+s22] =	stream.linear.scatter [tilespmem:s26], [sflag:$0x3], $0x190, $0x38;
	[tilespmem:$0x1EE40] =	vst v63  }
0x1ec: {  	s30 =	simm.s32 $0x1ADE8;
	s29 =	sadd.s32 $0x445C0, s1  }
0x1ed: {  	[hbm4b:s29+s22] =	stream.linear.scatter [tilespmem:s30], [sflag:$0x3], $0x190, $0x38;
	[tilespmem:$0x1EE40] =	vst v63  }
0x1ee: {  	s4 =	sadd.s32 $0x4E200, s1;
	s6 =	simm.s32 $0x1AF80  }
0x1ef: {  	[hbm4b:s4+s22] =	stream.linear.scatter [tilespmem:s6], [sflag:$0x3], $0x190, $0x38;
	[tilespmem:$0x1EE40] =	vst v63  }
0x1f0: {  	s7 =	sadd.s32 $0x57E40, s1;
	s10 =	simm.s32 $0x1B118  }
0x1f1: {  	[hbm4b:s7+s22] =	stream.linear.scatter [tilespmem:s10], [sflag:$0x3], $0x190, $0x38;
	[tilespmem:$0x1EE40] =	vst v63  }
0x1f2: {  	s16 =	sadd.s32 $0x61A80, s1;
	s18 =	simm.s32 $0x1B2B0  }
0x1f3: {  	[hbm4b:s16+s22] =	stream.linear.scatter [tilespmem:s18], [sflag:$0x3], $0x190, $0x38;
	[tilespmem:$0x1EE40] =	vst v63  }
0x1f4: {  	s20 =	sadd.s32 $0x6B6C0, s1;
	s23 =	simm.s32 $0x1B448  }
0x1f5: {  	[hbm4b:s20+s22] =	stream.linear.scatter [tilespmem:s23], [sflag:$0x3], $0x190, $0x38;
	[tilespmem:$0x1EE40] =	vst v63  }
0x1f6: {  	s25 =	sadd.s32 $0x75300, s1;
	s26 =	simm.s32 $0x1B5E0  }
0x1f7: {  	[hbm4b:s25+s22] =	stream.linear.scatter [tilespmem:s26], [sflag:$0x3], $0x190, $0x38;
	[tilespmem:$0x1EE40] =	vst v63  }
0x1f8: {  	s29 =	sadd.s32 $0x7EF40, s1;
	s30 =	simm.s32 $0x1B778  }
0x1f9: {  	[hbm4b:s29+s22] =	stream.linear.scatter [tilespmem:s30], [sflag:$0x3], $0x190, $0x38;
	[tilespmem:$0x1EE40] =	vst v63  }
0x1fa: {  	s4 =	sadd.s32 $0x88B80, s1;
	s6 =	simm.s32 $0x1B910  }
0x1fb: {  	[hbm4b:s4+s22] =	stream.linear.scatter [tilespmem:s6], [sflag:$0x3], $0x190, $0x38;
	[tilespmem:$0x1EE40] =	vst v63  }
0x1fc: {  	s1 =	sadd.s32 $0x927C0, s1;
	s7 =	simm.s32 $0x1BAA8  }
0x1fd: {  	[hbm4b:s1+s22] =	stream.linear.scatter [tilespmem:s7], [sflag:$0x3], $0x190, $0x38;
	[tilespmem:$0x1EE40] =	vst v63  }
0x1fe: {  	_ =	swait.ge [sflag:s19], $0x1900  }
0x1ff: {  	[sflag:s19] =	ssyncset.done $0x0  }
0x200: {  	[sflag:s19] =	ssyncadd.s32 $0xFFFFE700  }
0x201: {  	s10 =	simm.s32 $0x820;
	s16 =	simm.s32 $0x189C0;
	s4 =	rddreg [dreg:$0x3]  }
0x202: {  	[spmem:s4] =	stream.indirect.scatter.add.f32 [tilespmem:s16], [sflag:$0x3], $0x10, s10, s15, $0xb8;
	[tilespmem:$0x1EE40] =	vst v63  }
0x203: {  	_ =	swait.ge [sflag:s19], $0x640  }
0x204: {  	[sflag:s19] =	ssyncset.done $0x0  }
0x205: {  	s18 =	simm.s32 $0x888;
	s20 =	simm.s32 $0x19000;
	[sflag:s19] =	ssyncadd.s32 $0xFFFFF9C0  }
0x206: {  	[spmem:s4] =	stream.indirect.scatter.add.f32 [tilespmem:s20], [sflag:$0x3], $0x10, s18, s15, $0xb8;
	[tilespmem:$0x1EE40] =	vst v63  }
0x207: {  	_ =	swait.ge [sflag:s19], $0x640  }
0x208: {  	[sflag:s19] =	ssyncset.done $0x0  }
0x209: {  	s23 =	simm.s32 $0x8F0;
	s25 =	simm.s32 $0x19640;
	[sflag:s19] =	ssyncadd.s32 $0xFFFFF9C0  }
0x20a: {  	[spmem:s4] =	stream.indirect.scatter.add.f32 [tilespmem:s25], [sflag:$0x3], $0x10, s23, s15, $0xb8;
	[tilespmem:$0x1EE40] =	vst v63  }
0x20b: {  	_ =	swait.ge [sflag:s19], $0x640  }
0x20c: {  	[sflag:s19] =	ssyncset.done $0x0  }
0x20d: {  	s26 =	simm.s32 $0x958;
	s29 =	simm.s32 $0x19C80;
	[sflag:s19] =	ssyncadd.s32 $0xFFFFF9C0  }
0x20e: {  	[spmem:s4] =	stream.indirect.scatter.add.f32 [tilespmem:s29], [sflag:$0x3], $0x10, s26, s15, $0xb8;
	[tilespmem:$0x1EE40] =	vst v63  }
0x20f: {  	_ =	swait.ge [sflag:s19], $0x640  }
0x210: {  	[sflag:s19] =	ssyncset.done $0x0  }
0x211: {  	[sflag:s19] =	ssyncadd.s32 $0xFFFFF9C0  }
0x212: {  	_ =	swait.ge [sflag:s11], $0x640  }
0x213: {  	[sflag:s11] =	ssyncset.done $0x0  }
0x214: {  	[sflag:s11] =	ssyncadd.s32 $0xFFFFF9C0  }
0x215: {  	_ =	swait.ge [sflag:s11], $0x640  }
0x216: {  	[sflag:s11] =	ssyncset.done $0x0  }
0x217: {  	[sflag:s11] =	ssyncadd.s32 $0xFFFFF9C0  }
0x218: {  	_ =	swait.ge [sflag:s11], $0x640  }
0x219: {  	[sflag:s11] =	ssyncset.done $0x0  }
0x21a: {  	[sflag:s11] =	ssyncadd.s32 $0xFFFFF9C0  }
0x21b: {  	_ =	swait.ge [sflag:s11], $0x640  }
0x21c: {  	[sflag:s11] =	ssyncset.done $0x0  }
0x21d: {  	[sflag:s11] =	ssyncadd.s32 $0xFFFFF9C0  }
0x21e: {  	_ =	swait.ge [sflag:s11], $0x640  }
0x21f: {  	[sflag:s11] =	ssyncset.done $0x0  }
0x220: {  	[sflag:s11] =	ssyncadd.s32 $0xFFFFF9C0  }
0x221: {  	_ =	swait.ge [sflag:s11], $0x640  }
0x222: {  	[sflag:s11] =	ssyncset.done $0x0  }
0x223: {  	[sflag:s11] =	ssyncadd.s32 $0xFFFFF9C0  }
0x224: {  	_ =	swait.ge [sflag:s11], $0x640  }
0x225: {  	[sflag:s11] =	ssyncset.done $0x0  }
0x226: {  	[sflag:s11] =	ssyncadd.s32 $0xFFFFF9C0  }
0x227: {  	_ =	swait.ge [sflag:s11], $0x640  }
0x228: {  	[sflag:s11] =	ssyncset.done $0x0  }
0x229: {  	[sflag:s11] =	ssyncadd.s32 $0xFFFFF9C0  }
0x22a: {  	_ =	swait.ge [sflag:s14], $0x1900  }
0x22b: {  	[sflag:s14] =	ssyncset.done $0x0  }
0x22c: {  	s1 =	simm.s32 $0x126B0;
	[sflag:s14] =	ssyncadd.s32 $0xFFFFE700  }
0x22d: {  	s2 =	simm.s32 $0xA9B0;
	v11 =	vld [tilespmem:s1+$0xFFFFFF50]  }
0x22e: {  	v10 =	vld [tilespmem:s2+$0xFFFFFF60]  }
0x22f: {  	v18 =	vld [tilespmem:s1+$0xFFFFFF70]  }
0x230: {  	v20 =	vld [tilespmem:s2+$0xFFFFFF70]  }
0x231: {  	v12 =	vld [tilespmem:s1+$0x0]  }
0x232: {  	v22 =	vld [tilespmem:s1+$0xFFFFFFA0]  }
0x233: {  	v13 =	vld [tilespmem:s2+$0x0]  }
0x234: {  	v14 =	vmov s22;
	s30 =	simm.s32 $0x7;
	v24 =	vld [tilespmem:s1+$0xFFFFFFF0]  }
0x235: {  	v14 =	vshrl.u32 v14, $0x3;
	v15 =	vmov s30;
	s7 =	simm.s32 $0x1;
	v17 =	vld [tilespmem:s2+$0xFFFFFF90]  }
0x236: {  	v62 =	vshll.u32 v14, v2;
	s6 =	simm.s32 $0xE;
	v15 =	vshrl.u32 v15, $0x3;
	v19 =	vmov s7;
	s7 =	simm.s32 $0xA;
	v21 =	vld [tilespmem:s1+$0xFFFFFF90]  }
0x237: {  	v16 =	vmov s6;
	s6 =	simm.s32 $0x4;
	v15 =	vshll.u32 v15, v2;
	v25 =	vmov s7;
	v26 =	vld [tilespmem:s2+$0xFFFFFFB0]  }
0x238: {  	v16 =	vshrl.u32 v16, $0x3;
	v23 =	vmov s6;
	v25 =	vshrl.u32 v25, $0x3;
	v29 =	vld [tilespmem:s1+$0xFFFFFF80]  }
0x239: {  	s22 =	simm.s32 $0xC;
	v15 =	vbroadcast v15, $0x0;
	v23 =	vshrl.u32 v23, $0x3;
	v25 =	vshll.u32 v25, v2;
	v30 =	vld [tilespmem:s1+$0xFFFFFFC0]  }
0x23a: {  	v16 =	vshll.u32 v16, v2;
	v36 =	vmov s22;
	v25 =	vbroadcast v25, $0x0;
	v31 =	vld [tilespmem:s2+$0xFFFFFFC0]  }
0x23b: {  	v19 =	vshrl.u32 v19, $0x3;
	v36 =	vshrl.u32 v36, $0x3;
	v23 =	vshll.u32 v23, v2;
	s18 =	simm.s32 $0x8;
	v53 =	vld [tilespmem:s2+$0xFFFFFF50]  }
0x23c: {  	v59 =	vbroadcast v16, $0x0;
	v25 =	vadd.s32 v4, v25;
	s20 =	simm.s32 $0x3;
	v52 =	vmov s18;
	v35 =	vld [tilespmem:s2+$0xFFFFFF80]  }
0x23d: {  	v19 =	vshll.u32 v19, v2;
	v54 =	vmov s20;
	v32 =	vshrl.u32 v52, $0x3;
	v37 =	vld [tilespmem:s1+$0xFFFFFFB0]  }
0x23e: {  	v19 =	vbroadcast v19, $0x0;
	v34 =	vshrl.u32 v54, $0x3;
	v32 =	vshll.u32 v32, v2;
	s23 =	simm.s32 $0xD;
	v39 =	vld [tilespmem:s1+$0xFFFFFFD0]  }
0x23f: {  	v34 =	vshll.u32 v34, v2;
	v32 =	vbroadcast v32, $0x0;
	v38 =	vmov s23;
	v41 =	vld [tilespmem:s2+$0xFFFFFFF0]  }
0x240: {  	v42 =	vadd.s32 v3, v19;
	v34 =	vbroadcast v34, $0x0;
	v38 =	vshrl.u32 v38, $0x3;
	v56 =	vld [tilespmem:s1+$0xFFFFFFE0]  }
0x241: {  	v36 =	vshll.u32 v36, v2;
	v32 =	vadd.s32 v0, v32;
	v55 =	vshll.u32 v38, v2;
	v43 =	vld.idx.msk [tilespmem:v25+s12+$0x0], $0xffff  }
0x242: {  	s10 =	simm.s32 $0x6;
	v19 =	vbroadcast v36, $0x0;
	s25 =	simm.s32 $0xF;
	v34 =	vadd.s32 v5, v34;
	v36 =	vbroadcast v55, $0x0;
	v44 =	vld [tilespmem:s2+$0xFFFFFFE0]  }
0x243: {  	v23 =	vbroadcast v23, $0x0;
	s16 =	simm.s32 $0x5;
	v27 =	vmov s10;
	v40 =	vmov s25;
	v45 =	vld [tilespmem:s2+$0xFFFFFFD0]  }
0x244: {  	v28 =	vmov s16;
	v40 =	vshrl.u32 v40, $0x3;
	v36 =	vadd.s32 v7, v36;
	v47 =	vld [tilespmem:s2+$0xFFFFFFA0]  }
0x245: {  	v28 =	vshrl.u32 v28, $0x3;
	v19 =	vadd.s32 v6, v19;
	v40 =	vshll.u32 v40, v2;
	v49 =	vld.idx.msk [tilespmem:v42+s12+$0x0], $0xffff  }
0x246: {  	v16 =	vshrl.u32 v27, $0x3;
	v28 =	vshll.u32 v28, v2;
	s26 =	simm.s32 $0x9;
	s29 =	simm.s32 $0xB;
	v40 =	vbroadcast v40, $0x0;
	v57 =	vld.idx.msk [tilespmem:v32+s12+$0x0], $0xffff  }
0x247: {  	v14 =	vshll.u32 v16, v2;
	v46 =	vmov s26;
	v48 =	vmov s29;
	v60 =	vld.idx.msk [tilespmem:v34+s12+$0x0], $0xffff  }
0x248: {  	v46 =	vshrl.u32 v46, $0x3;
	v40 =	vadd.s32 v9, v40;
	v61 =	vld [tilespmem:s2+$0xFFFFFF40];
	v50 =	vadd.f32 v12, v13  }
0x249: {  	v12 =	vshrl.u32 v48, $0x3;
	v48 =	vadd.f32 v11, v53;
	v30 =	vadd.f32 v30, v31;
	v31 =	vld.idx.msk [tilespmem:v36+s12+$0x0], $0xffff  }
0x24a: {  	s30 =	simm.s32 $0x2;
	v26 =	vadd.f32 v37, v26;
	v29 =	vadd.f32 v29, v35;
	v11 =	vshll.u32 v12, v2;
	v12 =	vld.idx.msk [tilespmem:v19+s12+$0x0], $0xffff  }
0x24b: {  	v13 =	vld [tilespmem:s1+$0xFFFFFF40];
	v58 =	vadd.f32 v56, v44;
	v27 =	vadd.f32 v21, v17;
	v17 =	vmov s30  }
0x24c: {  	v63 =	vld [tilespmem:s1+$0xFFFFFF30];
	v21 =	vadd.f32 v39, v45;
	v17 =	vshrl.u32 v17, $0x3;
	v26 =	vadd.f32 v26, v43  }
0x24d: {  	v52 =	vld [tilespmem:s2+$0xFFFFFF30];
	v11 =	vbroadcast v11, $0x0;
	v16 =	vshll.u32 v17, v2;
	v17 =	vadd.s32 v6, v23  }
0x24e: {  	s23 =	simm.s32 $0x18A40;
	v56 =	vld [tilespmem:s1+$0xFFFFFF10];
	v51 =	vbroadcast v16, $0x0;
	v26 =	vmax.f32 v26, $0.0e+00;
	v23 =	vadd.f32 v58, v31  }
0x24f: {  	v43 =	vld.idx.msk [tilespmem:v40+s12+$0x0], $0xffff;
	v16 =	vadd.s32 v5, v11;
	v11 =	vbroadcast v14, $0x0;
	[tilespmem:s23+$0x20] =	vst v26;
	v12 =	vadd.f32 v21, v12  }
0x250: {  	v31 =	vld [tilespmem:s1+$0xFFFFFF20];
	v14 =	vadd.s32 v4, v51;
	[tilespmem:v25+s17+$0x0] =	vst.idx.msk $0xffff, v26;
	v26 =	vadd.f32 v13, v61;
	v23 =	vmax.f32 v23, $0.0e+00  }
0x251: {  	v25 =	vld [tilespmem:s2+$0xFFFFFF20];
	v21 =	vadd.s32 v9, v15;
	v15 =	vshll.u32 v46, v2;
	v12 =	vmax.f32 v12, $0.0e+00;
	[tilespmem:s23+$0x50] =	vst v23  }
0x252: {  	v28 =	vbroadcast v28, $0x0;
	v13 =	vadd.s32 v8, v59;
	v59 =	vld.idx.msk [tilespmem:v17+s12+$0x0], $0xffff;
	v26 =	vadd.f32 v26, v60;
	[tilespmem:s23+$0x40] =	vst v12  }
0x253: {  	v24 =	vadd.f32 v24, v41;
	v15 =	vbroadcast v15, $0x0;
	[tilespmem:v19+s17+$0x0] =	vst.idx.msk $0xffff, v12;
	v19 =	vadd.f32 v27, v57;
	v27 =	vld [tilespmem:s2+$0xFFFFFF10]  }
0x254: {  	[tilespmem:v36+s17+$0x0] =	vst.idx.msk $0xffff, v23;
	v23 =	vbroadcast v62, $0x0;
	v12 =	vadd.s32 v8, v11;
	v57 =	vld.idx.msk [tilespmem:v16+s12+$0x0], $0xffff;
	v26 =	vmax.f32 v26, $0.0e+00  }
0x255: {  	v11 =	vadd.s32 v7, v28;
	v33 =	vld.idx.msk [tilespmem:v14+s12+$0x0], $0xffff;
	[tilespmem:s23+$0xFFFFFFB0] =	vst v26;
	v58 =	vmax.f32 v19, $0.0e+00;
	v19 =	vadd.s32 v3, v15  }
0x256: {  	v28 =	vadd.f32 v50, v43;
	v25 =	vadd.f32 v31, v25;
	v60 =	vld.idx.msk [tilespmem:v21+s12+$0x0], $0xffff;
	[tilespmem:v34+s17+$0x0] =	vst.idx.msk $0xffff, v26  }
0x257: {  	v18 =	vadd.f32 v18, v20;
	v61 =	vld.idx.msk [tilespmem:v13+s12+$0x0], $0xffff;
	v15 =	vadd.s32 v0, v23;
	[tilespmem:s23+$0x0] =	vst v58  }
0x258: {  	v20 =	vadd.f32 v63, v52;
	v62 =	vmax.f32 v28, $0.0e+00;
	v25 =	vadd.f32 v25, v49;
	[tilespmem:v32+s17+$0x0] =	vst.idx.msk $0xffff, v58;
	v32 =	vld [tilespmem:s1+$0xFFFFFF60]  }
0x259: {  	v23 =	vadd.f32 v22, v47;
	v63 =	vadd.f32 v48, v59;
	[tilespmem:s23+$0x70] =	vst v62;
	v22 =	vld.idx.msk [tilespmem:v12+s12+$0x0], $0xffff  }
0x25a: {  	[tilespmem:v40+s17+$0x0] =	vst.idx.msk $0xffff, v62;
	v25 =	vmax.f32 v25, $0.0e+00;
	v30 =	vadd.f32 v30, v57;
	v31 =	vld.idx.msk [tilespmem:v19+s12+$0x0], $0xffff  }
0x25b: {  	s22 =	simm.s32 $0x18B40;
	v26 =	vld.idx.msk [tilespmem:v11+s12+$0x0], $0xffff;
	v27 =	vadd.f32 v56, v27;
	[tilespmem:s23+$0xFFFFFF90] =	vst v25;
	v34 =	vadd.f32 v29, v60  }
0x25c: {  	s26 =	simm.s32 $0x10;
	s2 =	simm.s32 $0x127B0;
	s1 =	simm.s32 $0xAAB0;
	v24 =	vadd.f32 v24, v61;
	v28 =	vld.idx.msk [tilespmem:v15+s12+$0x0], $0xffff;
	[tilespmem:v42+s17+$0x0] =	vst.idx.msk $0xffff, v25;
	v29 =	vmax.f32 v30, $0.0e+00;
	v30 =	vmax.f32 v63, $0.0e+00  }
.LBB2_7:
0x25d: {  	v35 =	vmov s26;
	s3 =	sadd.s32 $0x1, s26;
	v25 =	vld [tilespmem:s2+$0xFFFFFF50];
	s6 =	sadd.s32 $0x7, s26;
	s7 =	sadd.s32 $0xE, s26;
	v33 =	vadd.f32 v20, v33;
	[tilespmem:s23+$0xFFFFFFC0] =	vst v30;
	v34 =	vmax.f32 v34, $0.0e+00  }
0x25e: {  	s29 =	sadd.s32 $0x2, s26;
	s16 =	sadd.s32 $0x3, s26;
	s30 =	sadd.s32 $0x6, s26;
	v39 =	vadd.f32 v18, v22;
	v36 =	vld [tilespmem:s1+$0xFFFFFF60];
	v37 =	vmov s6;
	v38 =	vmov s7;
	[tilespmem:s23+$0xFFFFFFF0] =	vst v34  }
0x25f: {  	p0 =	slt.u32 s26, $0x180;
	s25 =	smov.u32 s26;
	s26 =	sadd.s32 $0x10, s26;
	v20 =	vshrl.u32 v35, $0x3;
	v35 =	vmov s3;
	v31 =	vadd.f32 v23, v31;
	v18 =	vld [tilespmem:s2+$0xFFFFFF70];
	[tilespmem:s23+$0x30] =	vst v29  }
0x260: {  	s3 =	sadd.s32 $0x4, s25;
	v23 =	vshrl.u32 v37, $0x3;
	v37 =	vshrl.u32 v38, $0x3;
	v33 =	vmax.f32 v33, $0.0e+00;
	v22 =	vld [tilespmem:s1+$0xFFFFFF70];
	[tilespmem:v21+s17+$0x0] =	vst.idx.msk $0xffff, v34  }
0x261: {  	v34 =	vmov s3;
	s3 =	sadd.s32 $0x5, s25;
	v21 =	vmov s30;
	v38 =	vld [tilespmem:s2+$0x0];
	[tilespmem:s23+$0xFFFFFFA0] =	vst v33;
	v32 =	vadd.f32 v32, v10  }
0x262: {  	v40 =	vshll.u32 v23, v2;
	v27 =	vadd.f32 v27, v28;
	v41 =	vmov s3;
	v23 =	vld [tilespmem:s2+$0xFFFFFFA0];
	[tilespmem:v17+s17+$0x0] =	vst.idx.msk $0xffff, v30  }
0x263: {  	v17 =	vshrl.u32 v34, $0x3;
	v28 =	vshrl.u32 v41, $0x3;
	v30 =	vshll.u32 v37, v2;
	v34 =	vld [tilespmem:s1+$0x0];
	[tilespmem:v16+s17+$0x0] =	vst.idx.msk $0xffff, v29;
	v10 =	vmovc v36  }
0x264: {  	v31 =	vmax.f32 v31, $0.0e+00;
	s3 =	sadd.s32 $0x8, s25;
	v16 =	vshrl.u32 v35, $0x3;
	v28 =	vshll.u32 v28, v2;
	v29 =	vld [tilespmem:s2+$0xFFFFFFF0]  }
0x265: {  	v27 =	vmax.f32 v27, $0.0e+00;
	v35 =	vmov s3;
	s3 =	sadd.s32 $0x9, s25;
	v28 =	vbroadcast v28, $0x0;
	v36 =	vld [tilespmem:s1+$0xFFFFFF90];
	[tilespmem:s23+$0x10] =	vst v31  }
0x266: {  	v26 =	vadd.f32 v32, v26;
	v35 =	vshrl.u32 v35, $0x3;
	v41 =	vmov s3;
	s3 =	sadd.s32 $0xA, s25;
	v37 =	vld [tilespmem:s2+$0xFFFFFF90];
	[tilespmem:v19+s17+$0x0] =	vst.idx.msk $0xffff, v31  }
0x267: {  	v19 =	vadd.s32 v7, v28;
	v28 =	vmov s3;
	s3 =	sadd.s32 $0xB, s25;
	v31 =	vld [tilespmem:s1+$0xFFFFFFB0];
	[tilespmem:v14+s17+$0x0] =	vst.idx.msk $0xffff, v33;
	v14 =	vmax.f32 v24, $0.0e+00  }
0x268: {  	s6 =	sadd.s32 $0xC, s25;
	v24 =	vmov s16;
	v33 =	vshll.u32 v35, v2;
	v28 =	vshrl.u32 v28, $0x3;
	v32 =	vld [tilespmem:s2+$0xFFFFFF80];
	[tilespmem:s23+$0xFFFFFF80] =	vst v27  }
0x269: {  	v39 =	vmax.f32 v39, $0.0e+00;
	v35 =	vmov s3;
	s3 =	sadd.s32 $0xD, s25;
	v28 =	vshll.u32 v28, v2;
	v42 =	vld [tilespmem:s2+$0xFFFFFFC0];
	[tilespmem:s23+$0x60] =	vst v14  }
0x26a: {  	v26 =	vmax.f32 v26, $0.0e+00;
	v44 =	vmov s3;
	v28 =	vbroadcast v28, $0x0;
	v43 =	vld [tilespmem:s1+$0xFFFFFFC0];
	[tilespmem:v13+s17+$0x0] =	vst.idx.msk $0xffff, v14  }
0x26b: {  	v41 =	vshrl.u32 v41, $0x3;
	s3 =	sadd.s32 $0xF, s25;
	v13 =	vshll.u32 v16, v2;
	v16 =	vmov s6;
	v14 =	vld [tilespmem:s1+$0xFFFFFF50];
	[tilespmem:s23+$0xFFFFFFD0] =	vst v26  }
0x26c: {  	v46 =	vmov s3;
	v13 =	vbroadcast v13, $0x0;
	v28 =	vadd.s32 v4, v28;
	v45 =	vld [tilespmem:s1+$0xFFFFFF80];
	[tilespmem:s23+$0xFFFFFFE0] =	vst v39;
	s23 =	smov.u32 s22  }
0x26d: {  	v47 =	vshrl.u32 v24, $0x3;
	v44 =	vshrl.u32 v44, $0x3;
	v16 =	vshrl.u32 v16, $0x3;
	v48 =	vld [tilespmem:s2+$0xFFFFFFB0];
	[tilespmem:v15+s17+$0x0] =	vst.idx.msk $0xffff, v27  }
0x26e: {  	v24 =	vadd.s32 v3, v13;
	v13 =	vshll.u32 v16, v2;
	v16 =	vshrl.u32 v46, $0x3;
	v15 =	vld [tilespmem:s2+$0xFFFFFFD0];
	[tilespmem:v11+s17+$0x0] =	vst.idx.msk $0xffff, v26  }
0x26f: {  	v44 =	vshll.u32 v44, v2;
	v26 =	vshll.u32 v47, v2;
	v13 =	vbroadcast v13, $0x0;
	v27 =	vld [tilespmem:s1+$0xFFFFFFF0];
	[tilespmem:v12+s17+$0x0] =	vst.idx.msk $0xffff, v39  }
0x270: {  	v34 =	vadd.f32 v38, v34;
	v11 =	vmovc v19;
	v12 =	vbroadcast v33, $0x0;
	v33 =	vbroadcast v44, $0x0;
	v39 =	vld [tilespmem:s2+$0xFFFFFFE0]  }
0x271: {  	v19 =	vshrl.u32 v35, $0x3;
	v16 =	vshll.u32 v16, v2;
	v25 =	vadd.f32 v25, v14;
	v14 =	vld.idx.msk [tilespmem:v28+s12+$0x0], $0xffff  }
0x272: {  	v19 =	vshll.u32 v19, v2;
	v35 =	vadd.f32 v42, v43;
	v13 =	vadd.s32 v6, v13;
	v38 =	vld [tilespmem:s1+$0xFFFFFFE0]  }
0x273: {  	v26 =	vbroadcast v26, $0x0;
	v19 =	vbroadcast v19, $0x0;
	v33 =	vadd.s32 v7, v33;
	v42 =	vld [tilespmem:s1+$0xFFFFFFD0]  }
0x274: {  	v16 =	vbroadcast v16, $0x0;
	v43 =	vadd.s32 v0, v12;
	v31 =	vadd.f32 v48, v31;
	v12 =	vld [tilespmem:s1+$0xFFFFFFA0]  }
0x275: {  	v17 =	vshll.u32 v17, v2;
	v26 =	vadd.s32 v5, v26;
	v32 =	vadd.f32 v32, v45;
	v44 =	vld.idx.msk [tilespmem:v24+s12+$0x0], $0xffff  }
0x276: {  	v40 =	vbroadcast v40, $0x0;
	v17 =	vbroadcast v17, $0x0;
	v46 =	vadd.s32 v9, v16;
	v45 =	vld [tilespmem:s2+$0xFFFFFF40]  }
0x277: {  	v30 =	vbroadcast v30, $0x0;
	v14 =	vadd.f32 v31, v14;
	v16 =	vld.idx.msk [tilespmem:v13+s12+$0x0], $0xffff;
	v31 =	vadd.f32 v39, v38  }
0x278: {  	v21 =	vshrl.u32 v21, $0x3;
	v36 =	vadd.f32 v37, v36;
	v15 =	vadd.f32 v15, v42;
	v37 =	vld.idx.msk [tilespmem:v33+s12+$0x0], $0xffff  }
0x279: {  	v39 =	vadd.f32 v29, v27;
	v38 =	vld.idx.msk [tilespmem:v43+s12+$0x0], $0xffff;
	v23 =	vadd.f32 v23, v12;
	v12 =	vmax.f32 v14, $0.0e+00  }
0x27a: {  	v27 =	vshll.u32 v20, v2;
	v20 =	vshll.u32 v21, v2;
	v14 =	vmov s29;
	v29 =	vld.idx.msk [tilespmem:v26+s12+$0x0], $0xffff;
	[tilespmem:s22+$0x20] =	vst v12  }
0x27b: {  	v18 =	vadd.f32 v18, v22;
	v20 =	vbroadcast v20, $0x0;
	v14 =	vshrl.u32 v14, $0x3;
	[tilespmem:v28+s17+$0x0] =	vst.idx.msk $0xffff, v12;
	v22 =	vld.idx.msk [tilespmem:v46+s12+$0x0], $0xffff  }
0x27c: {  	v12 =	vshll.u32 v14, v2;
	v28 =	vld [tilespmem:s1+$0xFFFFFF40]  }
0x27d: {  	v12 =	vbroadcast v12, $0x0;
	v15 =	vadd.f32 v15, v16;
	v42 =	vld [tilespmem:s2+$0xFFFFFF30]  }
0x27e: {  	v17 =	vadd.s32 v6, v17;
	v16 =	vadd.s32 v5, v19;
	v19 =	vadd.f32 v31, v37;
	v47 =	vld [tilespmem:s1+$0xFFFFFF30]  }
0x27f: {  	v14 =	vadd.s32 v4, v12;
	v12 =	vadd.f32 v36, v38;
	v15 =	vmax.f32 v15, $0.0e+00;
	v31 =	vld [tilespmem:s2+$0xFFFFFF20]  }
0x280: {  	v21 =	vadd.s32 v9, v40;
	v37 =	vshll.u32 v41, v2;
	v19 =	vmax.f32 v19, $0.0e+00;
	v36 =	vld [tilespmem:s1+$0xFFFFFF20];
	[tilespmem:s22+$0x40] =	vst v15  }
0x281: {  	v40 =	vmax.f32 v12, $0.0e+00;
	v38 =	vld [tilespmem:s2+$0xFFFFFF10];
	v28 =	vadd.f32 v45, v28;
	[tilespmem:v13+s17+$0x0] =	vst.idx.msk $0xffff, v15;
	v13 =	vadd.s32 v8, v30  }
0x282: {  	v12 =	vadd.s32 v8, v20;
	v22 =	vadd.f32 v34, v22;
	v15 =	vbroadcast v37, $0x0;
	v30 =	vld [tilespmem:s1+$0xFFFFFF10];
	[tilespmem:s22+$0x50] =	vst v19  }
0x283: {  	v20 =	vadd.f32 v42, v47;
	v28 =	vadd.f32 v28, v29;
	v29 =	vld.idx.msk [tilespmem:v16+s12+$0x0], $0xffff;
	[tilespmem:v33+s17+$0x0] =	vst.idx.msk $0xffff, v19  }
0x284: {  	v27 =	vbroadcast v27, $0x0;
	v37 =	vmax.f32 v22, $0.0e+00;
	v19 =	vadd.s32 v3, v15;
	v34 =	vld.idx.msk [tilespmem:v17+s12+$0x0], $0xffff  }
0x285: {  	v22 =	vadd.f32 v31, v36;
	v28 =	vmax.f32 v28, $0.0e+00;
	v36 =	vld.idx.msk [tilespmem:v21+s12+$0x0], $0xffff;
	[tilespmem:s22+$0x0] =	vst v40  }
0x286: {  	v15 =	vadd.s32 v0, v27;
	[tilespmem:s22+$0xFFFFFFB0] =	vst v28;
	v41 =	vld.idx.msk [tilespmem:v13+s12+$0x0], $0xffff  }
0x287: {  	v27 =	vadd.f32 v38, v30;
	v30 =	vadd.f32 v22, v44;
	v33 =	vld.idx.msk [tilespmem:v14+s12+$0x0], $0xffff;
	[tilespmem:v26+s17+$0x0] =	vst.idx.msk $0xffff, v28  }
.Ltmp2:
0x288: {  	v22 =	vld.idx.msk [tilespmem:v12+s12+$0x0], $0xffff;
	[tilespmem:v43+s17+$0x0] =	vst.idx.msk $0xffff, v40;
	(pc) =	sbr.rel @p0 .LBB2_7-.Ltmp2, $4  }
0x289: {  	v29 =	vadd.f32 v35, v29;
	v30 =	vmax.f32 v30, $0.0e+00;
	v31 =	vld.idx.msk [tilespmem:v19+s12+$0x0], $0xffff;
	[tilespmem:s22+$0x70] =	vst v37  }
0x28a: {  	v25 =	vadd.f32 v25, v34;
	[tilespmem:s22+$0xFFFFFF90] =	vst v30;
	v26 =	vld.idx.msk [tilespmem:v11+s12+$0x0], $0xffff  }
0x28b: {  	v34 =	vadd.f32 v32, v36;
	v29 =	vmax.f32 v29, $0.0e+00;
	v28 =	vld.idx.msk [tilespmem:v15+s12+$0x0], $0xffff;
	[tilespmem:v24+s17+$0x0] =	vst.idx.msk $0xffff, v30  }
0x28c: {  	s1 =	sadd.s32 $0x100, s1;
	s22 =	sadd.s32 $0x100, s22;
	v30 =	vmax.f32 v25, $0.0e+00;
	v24 =	vadd.f32 v39, v41;
	v32 =	vld [tilespmem:s2+$0xFFFFFF60];
	[tilespmem:v46+s17+$0x0] =	vst.idx.msk $0xffff, v37;
	s2 =	sadd.s32 $0x100, s2  }
0x28d: {  	_ = 	snop  }
0x28e: {  	[tilespmem:s23+$0xFFFFFFC0] =	vst v30  }
0x28f: {  	v25 =	vmax.f32 v34, $0.0e+00;
	[tilespmem:s23+$0x30] =	vst v29  }
0x290: {  	[tilespmem:s23+$0xFFFFFFF0] =	vst v25  }
0x291: {  	v20 =	vadd.f32 v20, v33;
	[tilespmem:v17+s17+$0x0] =	vst.idx.msk $0xffff, v30  }
0x292: {  	[tilespmem:v16+s17+$0x0] =	vst.idx.msk $0xffff, v29  }
0x293: {  	v20 =	vmax.f32 v20, $0.0e+00;
	[tilespmem:v21+s17+$0x0] =	vst.idx.msk $0xffff, v25;
	v21 =	vadd.f32 v23, v31  }
0x294: {  	[tilespmem:s23+$0xFFFFFFA0] =	vst v20  }
0x295: {  	v16 =	vmax.f32 v21, $0.0e+00;
	[tilespmem:v14+s17+$0x0] =	vst.idx.msk $0xffff, v20  }
0x296: {  	v14 =	vmax.f32 v24, $0.0e+00;
	[tilespmem:s23+$0x10] =	vst v16  }
0x297: {  	v17 =	vadd.f32 v27, v28;
	v10 =	vadd.f32 v32, v10;
	[tilespmem:s23+$0x60] =	vst v14  }
0x298: {  	[tilespmem:v19+s17+$0x0] =	vst.idx.msk $0xffff, v16  }
0x299: {  	v16 =	vmax.f32 v17, $0.0e+00;
	v10 =	vadd.f32 v10, v26;
	[tilespmem:v13+s17+$0x0] =	vst.idx.msk $0xffff, v14  }
0x29a: {  	v17 =	vadd.f32 v18, v22;
	[tilespmem:s23+$0xFFFFFF80] =	vst v16  }
0x29b: {  	v10 =	vmax.f32 v10, $0.0e+00;
	[tilespmem:v15+s17+$0x0] =	vst.idx.msk $0xffff, v16  }
0x29c: {  	v13 =	vmax.f32 v17, $0.0e+00;
	[tilespmem:s23+$0xFFFFFFD0] =	vst v10  }
0x29d: {  	[tilespmem:s23+$0xFFFFFFE0] =	vst v13  }
0x29e: {  	[tilespmem:v11+s17+$0x0] =	vst.idx.msk $0xffff, v10  }
0x29f: {  	[tilespmem:v12+s17+$0x0] =	vst.idx.msk $0xffff, v13  }
0x2a0: {  	s10 =	rddreg [dreg:$0x13]  }
0x2a1: {  	s1 =	rddreg [dreg:$0x14]  }
0x2a2: {  	s18 =	simm.s32 $0x0;
	s1 =	sadd.s32 s10, s1  }
0x2a3: {  	[hbm4b:s1+s18] =	stream.linear.scatter [tilespmem:s17], [sflag:$0x3], $0x190, $0x38;
	[tilespmem:$0x1EE40] =	vst v63  }
0x2a4: {  	s2 =	sadd.s32 $0x9C40, s1  }
0x2a5: {  	[hbm4b:s2+s18] =	stream.linear.scatter [tilespmem:s8], [sflag:$0x3], $0x190, $0x38;
	[tilespmem:$0x1EE40] =	vst v63  }
0x2a6: {  	s30 =	simm.s32 $0x1A5F0;
	s7 =	sadd.s32 $0x13880, s1  }
0x2a7: {  	[hbm4b:s7+s18] =	stream.linear.scatter [tilespmem:s30], [sflag:$0x3], $0x190, $0x38;
	[tilespmem:$0x1EE40] =	vst v63  }
0x2a8: {  	s3 =	simm.s32 $0x1A788;
	s16 =	sadd.s32 $0x1D4C0, s1  }
0x2a9: {  	[hbm4b:s16+s18] =	stream.linear.scatter [tilespmem:s3], [sflag:$0x3], $0x190, $0x38;
	[tilespmem:$0x1EE40] =	vst v63  }
0x2aa: {  	s22 =	simm.s32 $0x1A920;
	s20 =	sadd.s32 $0x27100, s1  }
0x2ab: {  	[hbm4b:s20+s18] =	stream.linear.scatter [tilespmem:s22], [sflag:$0x3], $0x190, $0x38;
	[tilespmem:$0x1EE40] =	vst v63  }
0x2ac: {  	s25 =	simm.s32 $0x1AAB8;
	s23 =	sadd.s32 $0x30D40, s1  }
0x2ad: {  	[hbm4b:s23+s18] =	stream.linear.scatter [tilespmem:s25], [sflag:$0x3], $0x190, $0x38;
	[tilespmem:$0x1EE40] =	vst v63  }
0x2ae: {  	s29 =	simm.s32 $0x1AC50;
	s26 =	sadd.s32 $0x3A980, s1  }
0x2af: {  	[hbm4b:s26+s18] =	stream.linear.scatter [tilespmem:s29], [sflag:$0x3], $0x190, $0x38;
	[tilespmem:$0x1EE40] =	vst v63  }
0x2b0: {  	s6 =	simm.s32 $0x1ADE8;
	s3 =	sadd.s32 $0x445C0, s1  }
0x2b1: {  	[hbm4b:s3+s18] =	stream.linear.scatter [tilespmem:s6], [sflag:$0x3], $0x190, $0x38;
	[tilespmem:$0x1EE40] =	vst v63  }
0x2b2: {  	s7 =	sadd.s32 $0x4E200, s1;
	s16 =	simm.s32 $0x1AF80  }
0x2b3: {  	[hbm4b:s7+s18] =	stream.linear.scatter [tilespmem:s16], [sflag:$0x3], $0x190, $0x38;
	[tilespmem:$0x1EE40] =	vst v63  }
0x2b4: {  	s20 =	sadd.s32 $0x57E40, s1;
	s22 =	simm.s32 $0x1B118  }
0x2b5: {  	[hbm4b:s20+s18] =	stream.linear.scatter [tilespmem:s22], [sflag:$0x3], $0x190, $0x38;
	[tilespmem:$0x1EE40] =	vst v63  }
0x2b6: {  	s23 =	sadd.s32 $0x61A80, s1;
	s25 =	simm.s32 $0x1B2B0  }
0x2b7: {  	[hbm4b:s23+s18] =	stream.linear.scatter [tilespmem:s25], [sflag:$0x3], $0x190, $0x38;
	[tilespmem:$0x1EE40] =	vst v63  }
0x2b8: {  	s26 =	sadd.s32 $0x6B6C0, s1;
	s29 =	simm.s32 $0x1B448  }
0x2b9: {  	[hbm4b:s26+s18] =	stream.linear.scatter [tilespmem:s29], [sflag:$0x3], $0x190, $0x38;
	[tilespmem:$0x1EE40] =	vst v63  }
0x2ba: {  	s6 =	sadd.s32 $0x75300, s1;
	s7 =	simm.s32 $0x1B5E0  }
0x2bb: {  	[hbm4b:s6+s18] =	stream.linear.scatter [tilespmem:s7], [sflag:$0x3], $0x190, $0x38;
	[tilespmem:$0x1EE40] =	vst v63  }
0x2bc: {  	s16 =	sadd.s32 $0x7EF40, s1;
	s20 =	simm.s32 $0x1B778  }
0x2bd: {  	[hbm4b:s16+s18] =	stream.linear.scatter [tilespmem:s20], [sflag:$0x3], $0x190, $0x38;
	[tilespmem:$0x1EE40] =	vst v63  }
0x2be: {  	s22 =	sadd.s32 $0x88B80, s1;
	s23 =	simm.s32 $0x1B910  }
0x2bf: {  	[hbm4b:s22+s18] =	stream.linear.scatter [tilespmem:s23], [sflag:$0x3], $0x190, $0x38;
	[tilespmem:$0x1EE40] =	vst v63  }
0x2c0: {  	s1 =	sadd.s32 $0x927C0, s1;
	s25 =	simm.s32 $0x1BAA8  }
0x2c1: {  	[hbm4b:s1+s18] =	stream.linear.scatter [tilespmem:s25], [sflag:$0x3], $0x190, $0x38;
	[tilespmem:$0x1EE40] =	vst v63  }
0x2c2: {  	_ =	swait.ge [sflag:s19], $0x1900  }
0x2c3: {  	[sflag:s19] =	ssyncset.done $0x0  }
0x2c4: {  	s26 =	simm.s32 $0x9C0;
	s29 =	simm.s32 $0x189C0;
	[sflag:s19] =	ssyncadd.s32 $0xFFFFE700  }
0x2c5: {  	[spmem:s4] =	stream.indirect.scatter.add.f32 [tilespmem:s29], [sflag:$0x3], $0x10, s26, s15, $0xb8;
	[tilespmem:$0x1EE40] =	vst v63  }
0x2c6: {  	_ =	swait.ge [sflag:s19], $0x640  }
0x2c7: {  	[sflag:s19] =	ssyncset.done $0x0  }
0x2c8: {  	s2 =	simm.s32 $0xA28;
	s3 =	simm.s32 $0x19000;
	[sflag:s19] =	ssyncadd.s32 $0xFFFFF9C0  }
0x2c9: {  	[spmem:s4] =	stream.indirect.scatter.add.f32 [tilespmem:s3], [sflag:$0x3], $0x10, s2, s15, $0xb8;
	[tilespmem:$0x1EE40] =	vst v63  }
0x2ca: {  	_ =	swait.ge [sflag:s19], $0x640  }
0x2cb: {  	[sflag:s19] =	ssyncset.done $0x0  }
0x2cc: {  	s6 =	simm.s32 $0xA90;
	s7 =	simm.s32 $0x19640;
	[sflag:s19] =	ssyncadd.s32 $0xFFFFF9C0  }
0x2cd: {  	[spmem:s4] =	stream.indirect.scatter.add.f32 [tilespmem:s7], [sflag:$0x3], $0x10, s6, s15, $0xb8;
	[tilespmem:$0x1EE40] =	vst v63  }
0x2ce: {  	_ =	swait.ge [sflag:s19], $0x640  }
0x2cf: {  	[sflag:s19] =	ssyncset.done $0x0  }
0x2d0: {  	s16 =	simm.s32 $0xAF8;
	s20 =	simm.s32 $0x19C80;
	[sflag:s19] =	ssyncadd.s32 $0xFFFFF9C0  }
0x2d1: {  	[spmem:s4] =	stream.indirect.scatter.add.f32 [tilespmem:s20], [sflag:$0x3], $0x10, s16, s15, $0xb8;
	[tilespmem:$0x1EE40] =	vst v63  }
0x2d2: {  	_ =	swait.ge [sflag:s19], $0x640  }
0x2d3: {  	[sflag:s19] =	ssyncset.done $0x0  }
0x2d4: {  	[sflag:s19] =	ssyncadd.s32 $0xFFFFF9C0  }
0x2d5: {  	_ =	swait.ge [sflag:s11], $0x640  }
0x2d6: {  	[sflag:s11] =	ssyncset.done $0x0  }
0x2d7: {  	[sflag:s11] =	ssyncadd.s32 $0xFFFFF9C0  }
0x2d8: {  	_ =	swait.ge [sflag:s11], $0x640  }
0x2d9: {  	[sflag:s11] =	ssyncset.done $0x0  }
0x2da: {  	[sflag:s11] =	ssyncadd.s32 $0xFFFFF9C0  }
0x2db: {  	_ =	swait.ge [sflag:s11], $0x640  }
0x2dc: {  	[sflag:s11] =	ssyncset.done $0x0  }
0x2dd: {  	[sflag:s11] =	ssyncadd.s32 $0xFFFFF9C0  }
0x2de: {  	_ =	swait.ge [sflag:s11], $0x640  }
0x2df: {  	[sflag:s11] =	ssyncset.done $0x0  }
0x2e0: {  	[sflag:s11] =	ssyncadd.s32 $0xFFFFF9C0  }
0x2e1: {  	_ =	swait.ge [sflag:s11], $0x640  }
0x2e2: {  	[sflag:s11] =	ssyncset.done $0x0  }
0x2e3: {  	[sflag:s11] =	ssyncadd.s32 $0xFFFFF9C0  }
0x2e4: {  	_ =	swait.ge [sflag:s11], $0x640  }
0x2e5: {  	[sflag:s11] =	ssyncset.done $0x0  }
0x2e6: {  	[sflag:s11] =	ssyncadd.s32 $0xFFFFF9C0  }
0x2e7: {  	_ =	swait.ge [sflag:s11], $0x640  }
0x2e8: {  	[sflag:s11] =	ssyncset.done $0x0  }
0x2e9: {  	[sflag:s11] =	ssyncadd.s32 $0xFFFFF9C0  }
0x2ea: {  	_ =	swait.ge [sflag:s11], $0x640  }
0x2eb: {  	[sflag:s11] =	ssyncset.done $0x0  }
0x2ec: {  	[sflag:s11] =	ssyncadd.s32 $0xFFFFF9C0  }
0x2ed: {  	_ =	swait.ge [sflag:s14], $0x1900  }
0x2ee: {  	[sflag:s14] =	ssyncset.done $0x0  }
0x2ef: {  	s1 =	simm.s32 $0x13FB0;
	[sflag:s14] =	ssyncadd.s32 $0xFFFFE700  }
0x2f0: {  	s2 =	simm.s32 $0xC2B0;
	v11 =	vld [tilespmem:s1+$0xFFFFFF50]  }
0x2f1: {  	v10 =	vld [tilespmem:s2+$0xFFFFFF60]  }
0x2f2: {  	v18 =	vld [tilespmem:s1+$0xFFFFFF70]  }
0x2f3: {  	v20 =	vld [tilespmem:s2+$0xFFFFFF70]  }
0x2f4: {  	v12 =	vld [tilespmem:s1+$0x0]  }
0x2f5: {  	v22 =	vld [tilespmem:s1+$0xFFFFFFA0]  }
0x2f6: {  	v13 =	vld [tilespmem:s2+$0x0]  }
0x2f7: {  	v14 =	vmov s18;
	s22 =	simm.s32 $0x7;
	v24 =	vld [tilespmem:s1+$0xFFFFFFF0]  }
0x2f8: {  	v14 =	vshrl.u32 v14, $0x3;
	s23 =	simm.s32 $0x4;
	v15 =	vmov s22;
	v17 =	vld [tilespmem:s2+$0xFFFFFF90]  }
0x2f9: {  	v62 =	vshll.u32 v14, v2;
	v23 =	vmov s23;
	s22 =	simm.s32 $0xD;
	v15 =	vshrl.u32 v15, $0x3;
	s25 =	simm.s32 $0xA;
	v21 =	vld [tilespmem:s1+$0xFFFFFF90]  }
0x2fa: {  	s23 =	simm.s32 $0xF;
	v23 =	vshrl.u32 v23, $0x3;
	v38 =	vmov s22;
	v25 =	vmov s25;
	v26 =	vld [tilespmem:s2+$0xFFFFFFB0]  }
0x2fb: {  	s18 =	simm.s32 $0x3;
	v40 =	vmov s23;
	v15 =	vshll.u32 v15, v2;
	v25 =	vshrl.u32 v25, $0x3;
	v29 =	vld [tilespmem:s1+$0xFFFFFF80]  }
0x2fc: {  	v54 =	vmov s18;
	v38 =	vshrl.u32 v38, $0x3;
	v25 =	vshll.u32 v25, v2;
	v30 =	vld [tilespmem:s1+$0xFFFFFFC0]  }
0x2fd: {  	v40 =	vshrl.u32 v40, $0x3;
	v23 =	vshll.u32 v23, v2;
	v25 =	vbroadcast v25, $0x0;
	s7 =	simm.s32 $0x1;
	v31 =	vld [tilespmem:s2+$0xFFFFFFC0]  }
0x2fe: {  	v55 =	vshll.u32 v38, v2;
	v34 =	vshrl.u32 v54, $0x3;
	v19 =	vmov s7;
	s16 =	simm.s32 $0x8;
	v53 =	vld [tilespmem:s2+$0xFFFFFF50]  }
0x2ff: {  	v25 =	vadd.s32 v4, v25;
	v19 =	vshrl.u32 v19, $0x3;
	v52 =	vmov s16;
	v35 =	vld [tilespmem:s2+$0xFFFFFF80]  }
0x300: {  	s25 =	simm.s32 $0x9;
	v40 =	vshll.u32 v40, v2;
	v19 =	vshll.u32 v19, v2;
	v32 =	vshrl.u32 v52, $0x3;
	v37 =	vld [tilespmem:s1+$0xFFFFFFB0]  }
0x301: {  	v46 =	vmov s25;
	s20 =	simm.s32 $0xC;
	v19 =	vbroadcast v19, $0x0;
	v32 =	vshll.u32 v32, v2;
	v39 =	vld [tilespmem:s1+$0xFFFFFFD0]  }
0x302: {  	v34 =	vshll.u32 v34, v2;
	v36 =	vmov s20;
	v32 =	vbroadcast v32, $0x0;
	v41 =	vld [tilespmem:s2+$0xFFFFFFF0]  }
0x303: {  	v34 =	vbroadcast v34, $0x0;
	v36 =	vshrl.u32 v36, $0x3;
	v42 =	vadd.s32 v3, v19;
	v56 =	vld [tilespmem:s1+$0xFFFFFFE0]  }
0x304: {  	v23 =	vbroadcast v23, $0x0;
	v36 =	vshll.u32 v36, v2;
	v32 =	vadd.s32 v0, v32;
	v43 =	vld.idx.msk [tilespmem:v25+s24+$0x0], $0xffff  }
0x305: {  	v34 =	vadd.s32 v5, v34;
	v19 =	vbroadcast v36, $0x0;
	v36 =	vbroadcast v55, $0x0;
	v44 =	vld [tilespmem:s2+$0xFFFFFFE0]  }
0x306: {  	v15 =	vbroadcast v15, $0x0;
	v40 =	vbroadcast v40, $0x0;
	v46 =	vshrl.u32 v46, $0x3;
	s26 =	simm.s32 $0x6;
	s6 =	simm.s32 $0xE;
	v45 =	vld [tilespmem:s2+$0xFFFFFFD0]  }
0x307: {  	s29 =	simm.s32 $0x5;
	v27 =	vmov s26;
	v16 =	vmov s6;
	v36 =	vadd.s32 v7, v36;
	v47 =	vld [tilespmem:s2+$0xFFFFFFA0]  }
0x308: {  	v28 =	vmov s29;
	v16 =	vshrl.u32 v16, $0x3;
	v19 =	vadd.s32 v6, v19;
	v49 =	vld.idx.msk [tilespmem:v42+s24+$0x0], $0xffff  }
0x309: {  	s26 =	simm.s32 $0xB;
	v40 =	vadd.s32 v9, v40;
	v28 =	vshrl.u32 v28, $0x3;
	v16 =	vshll.u32 v16, v2;
	v57 =	vld.idx.msk [tilespmem:v32+s24+$0x0], $0xffff  }
0x30a: {  	v48 =	vmov s26;
	v59 =	vbroadcast v16, $0x0;
	v16 =	vshrl.u32 v27, $0x3;
	v60 =	vld.idx.msk [tilespmem:v34+s24+$0x0], $0xffff  }
0x30b: {  	v28 =	vshll.u32 v28, v2;
	v14 =	vshll.u32 v16, v2;
	v61 =	vld [tilespmem:s2+$0xFFFFFF40];
	v50 =	vadd.f32 v12, v13  }
0x30c: {  	v12 =	vshrl.u32 v48, $0x3;
	v48 =	vadd.f32 v11, v53;
	v30 =	vadd.f32 v30, v31;
	v31 =	vld.idx.msk [tilespmem:v36+s24+$0x0], $0xffff  }
0x30d: {  	s29 =	simm.s32 $0x2;
	v26 =	vadd.f32 v37, v26;
	v29 =	vadd.f32 v29, v35;
	v11 =	vshll.u32 v12, v2;
	v12 =	vld.idx.msk [tilespmem:v19+s24+$0x0], $0xffff  }
0x30e: {  	v13 =	vld [tilespmem:s1+$0xFFFFFF40];
	v58 =	vadd.f32 v56, v44;
	v27 =	vadd.f32 v21, v17;
	v17 =	vmov s29  }
0x30f: {  	v63 =	vld [tilespmem:s1+$0xFFFFFF30];
	v21 =	vadd.f32 v39, v45;
	v17 =	vshrl.u32 v17, $0x3;
	v26 =	vadd.f32 v26, v43  }
0x310: {  	v52 =	vld [tilespmem:s2+$0xFFFFFF30];
	v11 =	vbroadcast v11, $0x0;
	v16 =	vshll.u32 v17, v2;
	v17 =	vadd.s32 v6, v23  }
0x311: {  	s18 =	simm.s32 $0x18A40;
	v56 =	vld [tilespmem:s1+$0xFFFFFF10];
	v51 =	vbroadcast v16, $0x0;
	v26 =	vmax.f32 v26, $0.0e+00;
	v23 =	vadd.f32 v58, v31  }
0x312: {  	v43 =	vld.idx.msk [tilespmem:v40+s24+$0x0], $0xffff;
	v16 =	vadd.s32 v5, v11;
	v11 =	vbroadcast v14, $0x0;
	[tilespmem:s18+$0x20] =	vst v26;
	v12 =	vadd.f32 v21, v12  }
0x313: {  	v31 =	vld [tilespmem:s1+$0xFFFFFF20];
	v14 =	vadd.s32 v4, v51;
	[tilespmem:v25+s17+$0x0] =	vst.idx.msk $0xffff, v26;
	v26 =	vadd.f32 v13, v61;
	v23 =	vmax.f32 v23, $0.0e+00  }
0x314: {  	v25 =	vld [tilespmem:s2+$0xFFFFFF20];
	v21 =	vadd.s32 v9, v15;
	v15 =	vshll.u32 v46, v2;
	v12 =	vmax.f32 v12, $0.0e+00;
	[tilespmem:s18+$0x50] =	vst v23  }
0x315: {  	v28 =	vbroadcast v28, $0x0;
	v13 =	vadd.s32 v8, v59;
	v59 =	vld.idx.msk [tilespmem:v17+s24+$0x0], $0xffff;
	v26 =	vadd.f32 v26, v60;
	[tilespmem:s18+$0x40] =	vst v12  }
0x316: {  	v24 =	vadd.f32 v24, v41;
	v15 =	vbroadcast v15, $0x0;
	[tilespmem:v19+s17+$0x0] =	vst.idx.msk $0xffff, v12;
	v19 =	vadd.f32 v27, v57;
	v27 =	vld [tilespmem:s2+$0xFFFFFF10]  }
0x317: {  	[tilespmem:v36+s17+$0x0] =	vst.idx.msk $0xffff, v23;
	v23 =	vbroadcast v62, $0x0;
	v12 =	vadd.s32 v8, v11;
	v57 =	vld.idx.msk [tilespmem:v16+s24+$0x0], $0xffff;
	v26 =	vmax.f32 v26, $0.0e+00  }
0x318: {  	v11 =	vadd.s32 v7, v28;
	v33 =	vld.idx.msk [tilespmem:v14+s24+$0x0], $0xffff;
	[tilespmem:s18+$0xFFFFFFB0] =	vst v26;
	v58 =	vmax.f32 v19, $0.0e+00;
	v19 =	vadd.s32 v3, v15  }
0x319: {  	v28 =	vadd.f32 v50, v43;
	v25 =	vadd.f32 v31, v25;
	v60 =	vld.idx.msk [tilespmem:v21+s24+$0x0], $0xffff;
	[tilespmem:v34+s17+$0x0] =	vst.idx.msk $0xffff, v26  }
0x31a: {  	v18 =	vadd.f32 v18, v20;
	v61 =	vld.idx.msk [tilespmem:v13+s24+$0x0], $0xffff;
	v15 =	vadd.s32 v0, v23;
	[tilespmem:s18+$0x0] =	vst v58  }
0x31b: {  	v20 =	vadd.f32 v63, v52;
	v62 =	vmax.f32 v28, $0.0e+00;
	v25 =	vadd.f32 v25, v49;
	[tilespmem:v32+s17+$0x0] =	vst.idx.msk $0xffff, v58;
	v32 =	vld [tilespmem:s1+$0xFFFFFF60]  }
0x31c: {  	v23 =	vadd.f32 v22, v47;
	v63 =	vadd.f32 v48, v59;
	[tilespmem:s18+$0x70] =	vst v62;
	v22 =	vld.idx.msk [tilespmem:v12+s24+$0x0], $0xffff  }
0x31d: {  	[tilespmem:v40+s17+$0x0] =	vst.idx.msk $0xffff, v62;
	v25 =	vmax.f32 v25, $0.0e+00;
	v30 =	vadd.f32 v30, v57;
	v31 =	vld.idx.msk [tilespmem:v19+s24+$0x0], $0xffff  }
0x31e: {  	s23 =	simm.s32 $0x10;
	v26 =	vld.idx.msk [tilespmem:v11+s24+$0x0], $0xffff;
	v27 =	vadd.f32 v56, v27;
	[tilespmem:s18+$0xFFFFFF90] =	vst v25;
	v34 =	vadd.f32 v29, v60  }
0x31f: {  	s22 =	simm.s32 $0x18B40;
	s2 =	simm.s32 $0x140B0;
	s1 =	simm.s32 $0xC3B0;
	v24 =	vadd.f32 v24, v61;
	v28 =	vld.idx.msk [tilespmem:v15+s24+$0x0], $0xffff;
	[tilespmem:v42+s17+$0x0] =	vst.idx.msk $0xffff, v25;
	v29 =	vmax.f32 v30, $0.0e+00;
	v30 =	vmax.f32 v63, $0.0e+00  }
.LBB2_9:
0x320: {  	v35 =	vmov s23;
	s3 =	sadd.s32 $0x1, s23;
	v25 =	vld [tilespmem:s2+$0xFFFFFF50];
	s6 =	sadd.s32 $0x7, s23;
	s7 =	sadd.s32 $0xE, s23;
	v33 =	vadd.f32 v20, v33;
	[tilespmem:s18+$0xFFFFFFC0] =	vst v30;
	v34 =	vmax.f32 v34, $0.0e+00  }
0x321: {  	s26 =	sadd.s32 $0x2, s23;
	s16 =	sadd.s32 $0x3, s23;
	s29 =	sadd.s32 $0x6, s23;
	v39 =	vadd.f32 v18, v22;
	v36 =	vld [tilespmem:s1+$0xFFFFFF60];
	v37 =	vmov s6;
	v38 =	vmov s7;
	[tilespmem:s18+$0xFFFFFFF0] =	vst v34  }
0x322: {  	p0 =	slt.u32 s23, $0x180;
	s25 =	smov.u32 s23;
	s23 =	sadd.s32 $0x10, s23;
	v20 =	vshrl.u32 v35, $0x3;
	v35 =	vmov s3;
	v31 =	vadd.f32 v23, v31;
	v18 =	vld [tilespmem:s2+$0xFFFFFF70];
	[tilespmem:s18+$0x30] =	vst v29  }
0x323: {  	s3 =	sadd.s32 $0x4, s25;
	v23 =	vshrl.u32 v37, $0x3;
	v37 =	vshrl.u32 v38, $0x3;
	v33 =	vmax.f32 v33, $0.0e+00;
	v22 =	vld [tilespmem:s1+$0xFFFFFF70];
	[tilespmem:v21+s17+$0x0] =	vst.idx.msk $0xffff, v34  }
0x324: {  	v34 =	vmov s3;
	s3 =	sadd.s32 $0x5, s25;
	v21 =	vmov s29;
	v38 =	vld [tilespmem:s2+$0x0];
	[tilespmem:s18+$0xFFFFFFA0] =	vst v33;
	v32 =	vadd.f32 v32, v10  }
0x325: {  	v40 =	vshll.u32 v23, v2;
	v27 =	vadd.f32 v27, v28;
	v41 =	vmov s3;
	v23 =	vld [tilespmem:s2+$0xFFFFFFA0];
	[tilespmem:v17+s17+$0x0] =	vst.idx.msk $0xffff, v30  }
0x326: {  	v17 =	vshrl.u32 v34, $0x3;
	v28 =	vshrl.u32 v41, $0x3;
	v30 =	vshll.u32 v37, v2;
	v34 =	vld [tilespmem:s1+$0x0];
	[tilespmem:v16+s17+$0x0] =	vst.idx.msk $0xffff, v29;
	v10 =	vmovc v36  }
0x327: {  	v31 =	vmax.f32 v31, $0.0e+00;
	s3 =	sadd.s32 $0x8, s25;
	v16 =	vshrl.u32 v35, $0x3;
	v28 =	vshll.u32 v28, v2;
	v29 =	vld [tilespmem:s2+$0xFFFFFFF0]  }
0x328: {  	v27 =	vmax.f32 v27, $0.0e+00;
	v35 =	vmov s3;
	s3 =	sadd.s32 $0x9, s25;
	v28 =	vbroadcast v28, $0x0;
	v36 =	vld [tilespmem:s1+$0xFFFFFF90];
	[tilespmem:s18+$0x10] =	vst v31  }
0x329: {  	v26 =	vadd.f32 v32, v26;
	v35 =	vshrl.u32 v35, $0x3;
	v41 =	vmov s3;
	s3 =	sadd.s32 $0xA, s25;
	v37 =	vld [tilespmem:s2+$0xFFFFFF90];
	[tilespmem:v19+s17+$0x0] =	vst.idx.msk $0xffff, v31  }
0x32a: {  	v19 =	vadd.s32 v7, v28;
	v28 =	vmov s3;
	s3 =	sadd.s32 $0xB, s25;
	v31 =	vld [tilespmem:s1+$0xFFFFFFB0];
	[tilespmem:v14+s17+$0x0] =	vst.idx.msk $0xffff, v33;
	v14 =	vmax.f32 v24, $0.0e+00  }
0x32b: {  	s6 =	sadd.s32 $0xC, s25;
	v24 =	vmov s16;
	v33 =	vshll.u32 v35, v2;
	v28 =	vshrl.u32 v28, $0x3;
	v32 =	vld [tilespmem:s2+$0xFFFFFF80];
	[tilespmem:s18+$0xFFFFFF80] =	vst v27  }
0x32c: {  	v39 =	vmax.f32 v39, $0.0e+00;
	v35 =	vmov s3;
	s3 =	sadd.s32 $0xD, s25;
	v28 =	vshll.u32 v28, v2;
	v42 =	vld [tilespmem:s2+$0xFFFFFFC0];
	[tilespmem:s18+$0x60] =	vst v14  }
0x32d: {  	v26 =	vmax.f32 v26, $0.0e+00;
	v44 =	vmov s3;
	v28 =	vbroadcast v28, $0x0;
	v43 =	vld [tilespmem:s1+$0xFFFFFFC0];
	[tilespmem:v13+s17+$0x0] =	vst.idx.msk $0xffff, v14  }
0x32e: {  	v41 =	vshrl.u32 v41, $0x3;
	s3 =	sadd.s32 $0xF, s25;
	v13 =	vshll.u32 v16, v2;
	v16 =	vmov s6;
	v14 =	vld [tilespmem:s1+$0xFFFFFF50];
	[tilespmem:s18+$0xFFFFFFD0] =	vst v26  }
0x32f: {  	v46 =	vmov s3;
	v13 =	vbroadcast v13, $0x0;
	v28 =	vadd.s32 v4, v28;
	v45 =	vld [tilespmem:s1+$0xFFFFFF80];
	[tilespmem:s18+$0xFFFFFFE0] =	vst v39;
	s18 =	smov.u32 s22  }
0x330: {  	v47 =	vshrl.u32 v24, $0x3;
	v44 =	vshrl.u32 v44, $0x3;
	v16 =	vshrl.u32 v16, $0x3;
	v48 =	vld [tilespmem:s2+$0xFFFFFFB0];
	[tilespmem:v15+s17+$0x0] =	vst.idx.msk $0xffff, v27  }
0x331: {  	v24 =	vadd.s32 v3, v13;
	v13 =	vshll.u32 v16, v2;
	v16 =	vshrl.u32 v46, $0x3;
	v15 =	vld [tilespmem:s2+$0xFFFFFFD0];
	[tilespmem:v11+s17+$0x0] =	vst.idx.msk $0xffff, v26  }
0x332: {  	v44 =	vshll.u32 v44, v2;
	v26 =	vshll.u32 v47, v2;
	v13 =	vbroadcast v13, $0x0;
	v27 =	vld [tilespmem:s1+$0xFFFFFFF0];
	[tilespmem:v12+s17+$0x0] =	vst.idx.msk $0xffff, v39  }
0x333: {  	v34 =	vadd.f32 v38, v34;
	v11 =	vmovc v19;
	v12 =	vbroadcast v33, $0x0;
	v33 =	vbroadcast v44, $0x0;
	v39 =	vld [tilespmem:s2+$0xFFFFFFE0]  }
0x334: {  	v19 =	vshrl.u32 v35, $0x3;
	v16 =	vshll.u32 v16, v2;
	v25 =	vadd.f32 v25, v14;
	v14 =	vld.idx.msk [tilespmem:v28+s24+$0x0], $0xffff  }
0x335: {  	v19 =	vshll.u32 v19, v2;
	v35 =	vadd.f32 v42, v43;
	v13 =	vadd.s32 v6, v13;
	v38 =	vld [tilespmem:s1+$0xFFFFFFE0]  }
0x336: {  	v26 =	vbroadcast v26, $0x0;
	v19 =	vbroadcast v19, $0x0;
	v33 =	vadd.s32 v7, v33;
	v42 =	vld [tilespmem:s1+$0xFFFFFFD0]  }
0x337: {  	v16 =	vbroadcast v16, $0x0;
	v43 =	vadd.s32 v0, v12;
	v31 =	vadd.f32 v48, v31;
	v12 =	vld [tilespmem:s1+$0xFFFFFFA0]  }
0x338: {  	v17 =	vshll.u32 v17, v2;
	v26 =	vadd.s32 v5, v26;
	v32 =	vadd.f32 v32, v45;
	v44 =	vld.idx.msk [tilespmem:v24+s24+$0x0], $0xffff  }
0x339: {  	v40 =	vbroadcast v40, $0x0;
	v17 =	vbroadcast v17, $0x0;
	v46 =	vadd.s32 v9, v16;
	v45 =	vld [tilespmem:s2+$0xFFFFFF40]  }
0x33a: {  	v30 =	vbroadcast v30, $0x0;
	v14 =	vadd.f32 v31, v14;
	v16 =	vld.idx.msk [tilespmem:v13+s24+$0x0], $0xffff;
	v31 =	vadd.f32 v39, v38  }
0x33b: {  	v21 =	vshrl.u32 v21, $0x3;
	v36 =	vadd.f32 v37, v36;
	v15 =	vadd.f32 v15, v42;
	v37 =	vld.idx.msk [tilespmem:v33+s24+$0x0], $0xffff  }
0x33c: {  	v39 =	vadd.f32 v29, v27;
	v38 =	vld.idx.msk [tilespmem:v43+s24+$0x0], $0xffff;
	v23 =	vadd.f32 v23, v12;
	v12 =	vmax.f32 v14, $0.0e+00  }
0x33d: {  	v27 =	vshll.u32 v20, v2;
	v20 =	vshll.u32 v21, v2;
	v14 =	vmov s26;
	v29 =	vld.idx.msk [tilespmem:v26+s24+$0x0], $0xffff;
	[tilespmem:s22+$0x20] =	vst v12  }
0x33e: {  	v18 =	vadd.f32 v18, v22;
	v20 =	vbroadcast v20, $0x0;
	v14 =	vshrl.u32 v14, $0x3;
	[tilespmem:v28+s17+$0x0] =	vst.idx.msk $0xffff, v12;
	v22 =	vld.idx.msk [tilespmem:v46+s24+$0x0], $0xffff  }
0x33f: {  	v12 =	vshll.u32 v14, v2;
	v28 =	vld [tilespmem:s1+$0xFFFFFF40]  }
0x340: {  	v12 =	vbroadcast v12, $0x0;
	v15 =	vadd.f32 v15, v16;
	v42 =	vld [tilespmem:s2+$0xFFFFFF30]  }
0x341: {  	v17 =	vadd.s32 v6, v17;
	v16 =	vadd.s32 v5, v19;
	v19 =	vadd.f32 v31, v37;
	v47 =	vld [tilespmem:s1+$0xFFFFFF30]  }
0x342: {  	v14 =	vadd.s32 v4, v12;
	v12 =	vadd.f32 v36, v38;
	v15 =	vmax.f32 v15, $0.0e+00;
	v31 =	vld [tilespmem:s2+$0xFFFFFF20]  }
0x343: {  	v21 =	vadd.s32 v9, v40;
	v37 =	vshll.u32 v41, v2;
	v19 =	vmax.f32 v19, $0.0e+00;
	v36 =	vld [tilespmem:s1+$0xFFFFFF20];
	[tilespmem:s22+$0x40] =	vst v15  }
0x344: {  	v40 =	vmax.f32 v12, $0.0e+00;
	v38 =	vld [tilespmem:s2+$0xFFFFFF10];
	v28 =	vadd.f32 v45, v28;
	[tilespmem:v13+s17+$0x0] =	vst.idx.msk $0xffff, v15;
	v13 =	vadd.s32 v8, v30  }
0x345: {  	v12 =	vadd.s32 v8, v20;
	v22 =	vadd.f32 v34, v22;
	v15 =	vbroadcast v37, $0x0;
	v30 =	vld [tilespmem:s1+$0xFFFFFF10];
	[tilespmem:s22+$0x50] =	vst v19  }
0x346: {  	v20 =	vadd.f32 v42, v47;
	v28 =	vadd.f32 v28, v29;
	v29 =	vld.idx.msk [tilespmem:v16+s24+$0x0], $0xffff;
	[tilespmem:v33+s17+$0x0] =	vst.idx.msk $0xffff, v19  }
0x347: {  	v27 =	vbroadcast v27, $0x0;
	v37 =	vmax.f32 v22, $0.0e+00;
	v19 =	vadd.s32 v3, v15;
	v34 =	vld.idx.msk [tilespmem:v17+s24+$0x0], $0xffff  }
0x348: {  	v22 =	vadd.f32 v31, v36;
	v28 =	vmax.f32 v28, $0.0e+00;
	v36 =	vld.idx.msk [tilespmem:v21+s24+$0x0], $0xffff;
	[tilespmem:s22+$0x0] =	vst v40  }
0x349: {  	v15 =	vadd.s32 v0, v27;
	[tilespmem:s22+$0xFFFFFFB0] =	vst v28;
	v41 =	vld.idx.msk [tilespmem:v13+s24+$0x0], $0xffff  }
0x34a: {  	v27 =	vadd.f32 v38, v30;
	v30 =	vadd.f32 v22, v44;
	v33 =	vld.idx.msk [tilespmem:v14+s24+$0x0], $0xffff;
	[tilespmem:v26+s17+$0x0] =	vst.idx.msk $0xffff, v28  }
.Ltmp3:
0x34b: {  	v22 =	vld.idx.msk [tilespmem:v12+s24+$0x0], $0xffff;
	[tilespmem:v43+s17+$0x0] =	vst.idx.msk $0xffff, v40;
	(pc) =	sbr.rel @p0 .LBB2_9-.Ltmp3, $4  }
0x34c: {  	v29 =	vadd.f32 v35, v29;
	v30 =	vmax.f32 v30, $0.0e+00;
	v31 =	vld.idx.msk [tilespmem:v19+s24+$0x0], $0xffff;
	[tilespmem:s22+$0x70] =	vst v37  }
0x34d: {  	v25 =	vadd.f32 v25, v34;
	[tilespmem:s22+$0xFFFFFF90] =	vst v30;
	v26 =	vld.idx.msk [tilespmem:v11+s24+$0x0], $0xffff  }
0x34e: {  	v34 =	vadd.f32 v32, v36;
	v29 =	vmax.f32 v29, $0.0e+00;
	v28 =	vld.idx.msk [tilespmem:v15+s24+$0x0], $0xffff;
	[tilespmem:v24+s17+$0x0] =	vst.idx.msk $0xffff, v30  }
0x34f: {  	s1 =	sadd.s32 $0x100, s1;
	s22 =	sadd.s32 $0x100, s22;
	v30 =	vmax.f32 v25, $0.0e+00;
	v24 =	vadd.f32 v39, v41;
	v32 =	vld [tilespmem:s2+$0xFFFFFF60];
	[tilespmem:v46+s17+$0x0] =	vst.idx.msk $0xffff, v37;
	s2 =	sadd.s32 $0x100, s2  }
0x350: {  	_ = 	snop  }
0x351: {  	[tilespmem:s18+$0xFFFFFFC0] =	vst v30  }
0x352: {  	v25 =	vmax.f32 v34, $0.0e+00;
	[tilespmem:s18+$0x30] =	vst v29  }
0x353: {  	[tilespmem:s18+$0xFFFFFFF0] =	vst v25  }
0x354: {  	v20 =	vadd.f32 v20, v33;
	[tilespmem:v17+s17+$0x0] =	vst.idx.msk $0xffff, v30  }
0x355: {  	[tilespmem:v16+s17+$0x0] =	vst.idx.msk $0xffff, v29  }
0x356: {  	v20 =	vmax.f32 v20, $0.0e+00;
	[tilespmem:v21+s17+$0x0] =	vst.idx.msk $0xffff, v25;
	v21 =	vadd.f32 v23, v31  }
0x357: {  	[tilespmem:s18+$0xFFFFFFA0] =	vst v20  }
0x358: {  	v16 =	vmax.f32 v21, $0.0e+00;
	[tilespmem:v14+s17+$0x0] =	vst.idx.msk $0xffff, v20  }
0x359: {  	v14 =	vmax.f32 v24, $0.0e+00;
	[tilespmem:s18+$0x10] =	vst v16  }
0x35a: {  	v17 =	vadd.f32 v27, v28;
	v10 =	vadd.f32 v32, v10;
	[tilespmem:s18+$0x60] =	vst v14  }
0x35b: {  	[tilespmem:v19+s17+$0x0] =	vst.idx.msk $0xffff, v16  }
0x35c: {  	v16 =	vmax.f32 v17, $0.0e+00;
	v10 =	vadd.f32 v10, v26;
	[tilespmem:v13+s17+$0x0] =	vst.idx.msk $0xffff, v14  }
0x35d: {  	v17 =	vadd.f32 v18, v22;
	[tilespmem:s18+$0xFFFFFF80] =	vst v16  }
0x35e: {  	v10 =	vmax.f32 v10, $0.0e+00;
	[tilespmem:v15+s17+$0x0] =	vst.idx.msk $0xffff, v16  }
0x35f: {  	v13 =	vmax.f32 v17, $0.0e+00;
	[tilespmem:s18+$0xFFFFFFD0] =	vst v10  }
0x360: {  	[tilespmem:s18+$0xFFFFFFE0] =	vst v13  }
0x361: {  	[tilespmem:v11+s17+$0x0] =	vst.idx.msk $0xffff, v10  }
0x362: {  	[tilespmem:v12+s17+$0x0] =	vst.idx.msk $0xffff, v13  }
0x363: {  	s1 =	rddreg [dreg:$0x12]  }
0x364: {  	s2 =	sadd.s32 s10, s1;
	s1 =	simm.s32 $0x0  }
0x365: {  	[hbm4b:s2+s1] =	stream.linear.scatter [tilespmem:s17], [sflag:$0x3], $0x190, $0x38;
	[tilespmem:$0x1EE40] =	vst v63  }
0x366: {  	s3 =	sadd.s32 $0x9C40, s2  }
0x367: {  	[hbm4b:s3+s1] =	stream.linear.scatter [tilespmem:s8], [sflag:$0x3], $0x190, $0x38;
	[tilespmem:$0x1EE40] =	vst v63  }
0x368: {  	s16 =	sadd.s32 $0x13880, s2  }
0x369: {  	[hbm4b:s16+s1] =	stream.linear.scatter [tilespmem:s30], [sflag:$0x3], $0x190, $0x38;
	[tilespmem:$0x1EE40] =	vst v63  }
0x36a: {  	s6 =	simm.s32 $0x1A788;
	s18 =	sadd.s32 $0x1D4C0, s2  }
0x36b: {  	[hbm4b:s18+s1] =	stream.linear.scatter [tilespmem:s6], [sflag:$0x3], $0x190, $0x38;
	[tilespmem:$0x1EE40] =	vst v63  }
0x36c: {  	s22 =	simm.s32 $0x1A920;
	s20 =	sadd.s32 $0x27100, s2  }
0x36d: {  	[hbm4b:s20+s1] =	stream.linear.scatter [tilespmem:s22], [sflag:$0x3], $0x190, $0x38;
	[tilespmem:$0x1EE40] =	vst v63  }
0x36e: {  	s25 =	simm.s32 $0x1AAB8;
	s23 =	sadd.s32 $0x30D40, s2  }
0x36f: {  	[hbm4b:s23+s1] =	stream.linear.scatter [tilespmem:s25], [sflag:$0x3], $0x190, $0x38;
	[tilespmem:$0x1EE40] =	vst v63  }
0x370: {  	s29 =	simm.s32 $0x1AC50;
	s26 =	sadd.s32 $0x3A980, s2  }
0x371: {  	[hbm4b:s26+s1] =	stream.linear.scatter [tilespmem:s29], [sflag:$0x3], $0x190, $0x38;
	[tilespmem:$0x1EE40] =	vst v63  }
0x372: {  	s7 =	simm.s32 $0x1ADE8;
	s6 =	sadd.s32 $0x445C0, s2  }
0x373: {  	[hbm4b:s6+s1] =	stream.linear.scatter [tilespmem:s7], [sflag:$0x3], $0x190, $0x38;
	[tilespmem:$0x1EE40] =	vst v63  }
0x374: {  	s16 =	sadd.s32 $0x4E200, s2;
	s18 =	simm.s32 $0x1AF80  }
0x375: {  	[hbm4b:s16+s1] =	stream.linear.scatter [tilespmem:s18], [sflag:$0x3], $0x190, $0x38;
	[tilespmem:$0x1EE40] =	vst v63  }
0x376: {  	s20 =	sadd.s32 $0x57E40, s2;
	s22 =	simm.s32 $0x1B118  }
0x377: {  	[hbm4b:s20+s1] =	stream.linear.scatter [tilespmem:s22], [sflag:$0x3], $0x190, $0x38;
	[tilespmem:$0x1EE40] =	vst v63  }
0x378: {  	s23 =	sadd.s32 $0x61A80, s2;
	s25 =	simm.s32 $0x1B2B0  }
0x379: {  	[hbm4b:s23+s1] =	stream.linear.scatter [tilespmem:s25], [sflag:$0x3], $0x190, $0x38;
	[tilespmem:$0x1EE40] =	vst v63  }
0x37a: {  	s26 =	sadd.s32 $0x6B6C0, s2;
	s29 =	simm.s32 $0x1B448  }
0x37b: {  	[hbm4b:s26+s1] =	stream.linear.scatter [tilespmem:s29], [sflag:$0x3], $0x190, $0x38;
	[tilespmem:$0x1EE40] =	vst v63  }
0x37c: {  	s7 =	sadd.s32 $0x75300, s2;
	s16 =	simm.s32 $0x1B5E0  }
0x37d: {  	[hbm4b:s7+s1] =	stream.linear.scatter [tilespmem:s16], [sflag:$0x3], $0x190, $0x38;
	[tilespmem:$0x1EE40] =	vst v63  }
0x37e: {  	s18 =	sadd.s32 $0x7EF40, s2;
	s20 =	simm.s32 $0x1B778  }
0x37f: {  	[hbm4b:s18+s1] =	stream.linear.scatter [tilespmem:s20], [sflag:$0x3], $0x190, $0x38;
	[tilespmem:$0x1EE40] =	vst v63  }
0x380: {  	s22 =	sadd.s32 $0x88B80, s2;
	s23 =	simm.s32 $0x1B910  }
0x381: {  	[hbm4b:s22+s1] =	stream.linear.scatter [tilespmem:s23], [sflag:$0x3], $0x190, $0x38;
	[tilespmem:$0x1EE40] =	vst v63  }
0x382: {  	s2 =	sadd.s32 $0x927C0, s2;
	s25 =	simm.s32 $0x1BAA8  }
0x383: {  	[hbm4b:s2+s1] =	stream.linear.scatter [tilespmem:s25], [sflag:$0x3], $0x190, $0x38;
	[tilespmem:$0x1EE40] =	vst v63  }
0x384: {  	_ =	swait.ge [sflag:s19], $0x1900  }
0x385: {  	[sflag:s19] =	ssyncset.done $0x0  }
0x386: {  	s26 =	simm.s32 $0xB60;
	s29 =	simm.s32 $0x189C0;
	[sflag:s19] =	ssyncadd.s32 $0xFFFFE700  }
0x387: {  	[spmem:s4] =	stream.indirect.scatter.add.f32 [tilespmem:s29], [sflag:$0x3], $0x10, s26, s15, $0xb8;
	[tilespmem:$0x1EE40] =	vst v63  }
0x388: {  	_ =	swait.ge [sflag:s19], $0x640  }
0x389: {  	[sflag:s19] =	ssyncset.done $0x0  }
0x38a: {  	s6 =	simm.s32 $0xBC8;
	s7 =	simm.s32 $0x19000;
	[sflag:s19] =	ssyncadd.s32 $0xFFFFF9C0  }
0x38b: {  	[spmem:s4] =	stream.indirect.scatter.add.f32 [tilespmem:s7], [sflag:$0x3], $0x10, s6, s15, $0xb8;
	[tilespmem:$0x1EE40] =	vst v63  }
0x38c: {  	_ =	swait.ge [sflag:s19], $0x640  }
0x38d: {  	[sflag:s19] =	ssyncset.done $0x0  }
0x38e: {  	s16 =	simm.s32 $0xC30;
	s18 =	simm.s32 $0x19640;
	[sflag:s19] =	ssyncadd.s32 $0xFFFFF9C0  }
0x38f: {  	[spmem:s4] =	stream.indirect.scatter.add.f32 [tilespmem:s18], [sflag:$0x3], $0x10, s16, s15, $0xb8;
	[tilespmem:$0x1EE40] =	vst v63  }
0x390: {  	_ =	swait.ge [sflag:s19], $0x640  }
0x391: {  	[sflag:s19] =	ssyncset.done $0x0  }
0x392: {  	s20 =	simm.s32 $0xC98;
	s22 =	simm.s32 $0x19C80;
	[sflag:s19] =	ssyncadd.s32 $0xFFFFF9C0  }
0x393: {  	[spmem:s4] =	stream.indirect.scatter.add.f32 [tilespmem:s22], [sflag:$0x3], $0x10, s20, s15, $0xb8;
	[tilespmem:$0x1EE40] =	vst v63  }
0x394: {  	_ =	swait.ge [sflag:s19], $0x640  }
0x395: {  	[sflag:s19] =	ssyncset.done $0x0  }
0x396: {  	[sflag:s19] =	ssyncadd.s32 $0xFFFFF9C0  }
0x397: {  	_ =	swait.ge [sflag:s11], $0x640  }
0x398: {  	[sflag:s11] =	ssyncset.done $0x0  }
0x399: {  	[sflag:s11] =	ssyncadd.s32 $0xFFFFF9C0  }
0x39a: {  	_ =	swait.ge [sflag:s11], $0x640  }
0x39b: {  	[sflag:s11] =	ssyncset.done $0x0  }
0x39c: {  	[sflag:s11] =	ssyncadd.s32 $0xFFFFF9C0  }
0x39d: {  	_ =	swait.ge [sflag:s11], $0x640  }
0x39e: {  	[sflag:s11] =	ssyncset.done $0x0  }
0x39f: {  	[sflag:s11] =	ssyncadd.s32 $0xFFFFF9C0  }
0x3a0: {  	_ =	swait.ge [sflag:s11], $0x640  }
0x3a1: {  	[sflag:s11] =	ssyncset.done $0x0  }
0x3a2: {  	[sflag:s11] =	ssyncadd.s32 $0xFFFFF9C0  }
0x3a3: {  	_ =	swait.ge [sflag:s11], $0x640  }
0x3a4: {  	[sflag:s11] =	ssyncset.done $0x0  }
0x3a5: {  	[sflag:s11] =	ssyncadd.s32 $0xFFFFF9C0  }
0x3a6: {  	_ =	swait.ge [sflag:s11], $0x640  }
0x3a7: {  	[sflag:s11] =	ssyncset.done $0x0  }
0x3a8: {  	[sflag:s11] =	ssyncadd.s32 $0xFFFFF9C0  }
0x3a9: {  	_ =	swait.ge [sflag:s11], $0x640  }
0x3aa: {  	[sflag:s11] =	ssyncset.done $0x0  }
0x3ab: {  	[sflag:s11] =	ssyncadd.s32 $0xFFFFF9C0  }
0x3ac: {  	_ =	swait.ge [sflag:s11], $0x640  }
0x3ad: {  	[sflag:s11] =	ssyncset.done $0x0  }
0x3ae: {  	[sflag:s11] =	ssyncadd.s32 $0xFFFFF9C0  }
0x3af: {  	_ =	swait.ge [sflag:s14], $0x1900  }
0x3b0: {  	[sflag:s14] =	ssyncset.done $0x0  }
0x3b1: {  	s18 =	simm.s32 $0x0;
	[sflag:s14] =	ssyncadd.s32 $0xFFFFE700  }
0x3b2: {  	v21 =	vld [tilespmem:s18+$0x15860]  }
0x3b3: {  	v22 =	vld [tilespmem:s18+$0xDB60]  }
0x3b4: {  	v15 =	vld [tilespmem:s18+$0x15800]  }
0x3b5: {  	v18 =	vld [tilespmem:s18+$0xDB00]  }
0x3b6: {  	v13 =	vld [tilespmem:s18+$0x157D0]  }
0x3b7: {  	v23 =	vld [tilespmem:s18+$0xDAD0]  }
0x3b8: {  	v12 =	vld [tilespmem:s18+$0x157C0]  }
0x3b9: {  	v24 =	vld [tilespmem:s18+$0xDAC0]  }
0x3ba: {  	v10 =	vmov s1;
	s3 =	simm.s32 $0x6;
	v25 =	vld [tilespmem:s18+$0xDBA0]  }
0x3bb: {  	v10 =	vshrl.u32 v10, $0x3;
	v16 =	vmov s3;
	v27 =	vld [tilespmem:s18+$0x157F0]  }
0x3bc: {  	v17 =	vshll.u32 v10, v2;
	v16 =	vshrl.u32 v16, $0x3;
	s23 =	simm.s32 $0x1;
	v26 =	vld [tilespmem:s18+$0x157E0]  }
0x3bd: {  	v49 =	vbroadcast v17, $0x0;
	v61 =	vshll.u32 v16, v2;
	v11 =	vmov s23;
	s23 =	simm.s32 $0xB;
	v28 =	vld [tilespmem:s18+$0xDAF0]  }
0x3be: {  	v33 =	vbroadcast v61, $0x0;
	s25 =	simm.s32 $0x4;
	v11 =	vshrl.u32 v11, $0x3;
	v40 =	vmov s23;
	v31 =	vld [tilespmem:s18+$0x158A0]  }
0x3bf: {  	s2 =	simm.s32 $0x5;
	v14 =	vmov s25;
	v40 =	vshrl.u32 v40, $0x3;
	v11 =	vshll.u32 v11, v2;
	s6 =	simm.s32 $0x8;
	v19 =	vld [tilespmem:s18+$0xDB70]  }
0x3c0: {  	s25 =	simm.s32 $0xE;
	v10 =	vshrl.u32 v14, $0x3;
	v14 =	vmov s2;
	s7 =	simm.s32 $0xA;
	v20 =	vmov s6;
	v60 =	vld [tilespmem:s18+$0x15870]  }
0x3c1: {  	v45 =	vmov s25;
	v16 =	vshrl.u32 v20, $0x3;
	v20 =	vmov s7;
	v62 =	vld [tilespmem:s18+$0xDB10]  }
0x3c2: {  	v51 =	vbroadcast v11, $0x0;
	v16 =	vshll.u32 v16, v2;
	v20 =	vshrl.u32 v20, $0x3;
	v35 =	vld [tilespmem:s18+$0x15810]  }
0x3c3: {  	v10 =	vshll.u32 v10, v2;
	v20 =	vshll.u32 v20, v2;
	v39 =	vbroadcast v16, $0x0;
	s20 =	simm.s32 $0xC;
	s22 =	simm.s32 $0xF;
	v38 =	vld [tilespmem:s18+$0xDB50]  }
0x3c4: {  	v16 =	vbroadcast v20, $0x0;
	v37 =	vmov s20;
	v20 =	vmov s22;
	v41 =	vld [tilespmem:s18+$0x15830]  }
0x3c5: {  	v52 =	vshrl.u32 v14, $0x3;
	v37 =	vshrl.u32 v37, $0x3;
	v20 =	vshrl.u32 v20, $0x3;
	v42 =	vld [tilespmem:s18+$0x15850]  }
0x3c6: {  	v10 =	vbroadcast v10, $0x0;
	v37 =	vshll.u32 v37, v2;
	v20 =	vshll.u32 v20, v2;
	v43 =	vld [tilespmem:s18+$0xDAE0]  }
0x3c7: {  	v14 =	vadd.s32 v0, v49;
	s26 =	simm.s32 $0x3;
	s29 =	simm.s32 $0xD;
	v37 =	vbroadcast v37, $0x0;
	v20 =	vbroadcast v20, $0x0;
	v44 =	vld [tilespmem:s18+$0xDB90]  }
0x3c8: {  	v29 =	vmov s26;
	v30 =	vmov s29;
	v10 =	vadd.s32 v6, v10;
	v46 =	vld [tilespmem:s18+$0x158B0]  }
0x3c9: {  	v30 =	vshrl.u32 v30, $0x3;
	s16 =	simm.s32 $0x9;
	v47 =	vadd.s32 v6, v37;
	v48 =	vadd.s32 v9, v20;
	v37 =	vld [tilespmem:s18+$0x15880]  }
0x3ca: {  	v36 =	vmov s16;
	v17 =	vadd.s32 v0, v39;
	v20 =	vshll.u32 v40, v2;
	v39 =	vld [tilespmem:s18+$0x15840]  }
0x3cb: {  	v36 =	vshrl.u32 v36, $0x3;
	v40 =	vbroadcast v20, $0x0;
	v20 =	vshrl.u32 v45, $0x3;
	v45 =	vld [tilespmem:s18+$0xDB80]  }
0x3cc: {  	v29 =	vshrl.u32 v29, $0x3;
	v30 =	vshll.u32 v30, v2;
	v36 =	vshll.u32 v36, v2;
	v63 =	vld [tilespmem:s18+$0xDBB0]  }
0x3cd: {  	v29 =	vshll.u32 v29, v2;
	v30 =	vbroadcast v30, $0x0;
	v36 =	vbroadcast v36, $0x0;
	v56 =	vld [tilespmem:s18+$0xDB40]  }
0x3ce: {  	v29 =	vbroadcast v29, $0x0;
	v16 =	vadd.s32 v4, v16;
	v50 =	vshll.u32 v20, v2;
	v57 =	vld.idx.msk [tilespmem:v48+s31+$0x0], $0xffff  }
0x3cf: {  	v20 =	vadd.s32 v3, v36;
	v49 =	vld [tilespmem:s18+$0x15820];
	v53 =	vadd.f32 v35, v62;
	v19 =	vadd.f32 v60, v19  }
0x3d0: {  	v11 =	vadd.s32 v5, v40;
	v40 =	vld [tilespmem:s18+$0x15890];
	v35 =	vadd.f32 v12, v24;
	v38 =	vadd.f32 v42, v38  }
0x3d1: {  	v58 =	vld.idx.msk [tilespmem:v14+s31+$0x0], $0xffff;
	v24 =	vshll.u32 v52, v2;
	v26 =	vadd.f32 v26, v43;
	v36 =	vadd.f32 v46, v63  }
0x3d2: {  	s26 =	simm.s32 $0x7;
	v12 =	vadd.s32 v3, v51;
	v42 =	vld [tilespmem:s18+$0xDB20];
	v25 =	vadd.f32 v31, v25;
	v46 =	vadd.f32 v15, v18  }
0x3d3: {  	v43 =	vld [tilespmem:s18+$0xDB30];
	v18 =	vmov s26;
	v24 =	vbroadcast v24, $0x0;
	v31 =	vadd.f32 v36, v57  }
0x3d4: {  	v15 =	vadd.s32 v7, v30;
	v60 =	vld.idx.msk [tilespmem:v10+s31+$0x0], $0xffff;
	v62 =	vadd.f32 v21, v22;
	v22 =	vadd.s32 v5, v29  }
0x3d5: {  	s29 =	simm.s32 $0x2;
	v63 =	vld.idx.msk [tilespmem:v20+s31+$0x0], $0xffff;
	v30 =	vshrl.u32 v18, $0x3;
	v18 =	vadd.s32 v7, v24;
	v24 =	vmax.f32 v31, $0.0e+00  }
0x3d6: {  	v61 =	vmov s29;
	v23 =	vadd.f32 v13, v23;
	v31 =	vadd.f32 v27, v28;
	v28 =	vld.idx.msk [tilespmem:v47+s31+$0x0], $0xffff;
	[tilespmem:s18+$0x18AB0] =	vst v24  }
0x3d7: {  	v30 =	vshll.u32 v30, v2;
	v59 =	vld.idx.msk [tilespmem:v12+s31+$0x0], $0xffff;
	[tilespmem:v48+s17+$0x0] =	vst.idx.msk $0xffff, v24;
	v24 =	vshrl.u32 v61, $0x3  }
0x3d8: {  	v13 =	vadd.s32 v8, v33;
	v52 =	vld.idx.msk [tilespmem:v16+s31+$0x0], $0xffff;
	v27 =	vbroadcast v30, $0x0;
	v21 =	vshll.u32 v24, v2  }
0x3d9: {  	v29 =	vadd.f32 v37, v45;
	v57 =	vld.idx.msk [tilespmem:v15+s31+$0x0], $0xffff;
	v60 =	vadd.f32 v46, v60;
	v21 =	vbroadcast v21, $0x0  }
0x3da: {  	v63 =	vadd.f32 v38, v63;
	v38 =	vld.idx.msk [tilespmem:v22+s31+$0x0], $0xffff;
	v24 =	vadd.s32 v9, v27;
	v27 =	vbroadcast v50, $0x0  }
0x3db: {  	v30 =	vadd.f32 v35, v58;
	v32 =	vmax.f32 v60, $0.0e+00;
	v58 =	vld.idx.msk [tilespmem:v18+s31+$0x0], $0xffff;
	v33 =	vadd.s32 v4, v21  }
0x3dc: {  	v28 =	vadd.f32 v29, v28;
	v23 =	vadd.f32 v23, v59;
	v59 =	vld.idx.msk [tilespmem:v17+s31+$0x0], $0xffff;
	v21 =	vadd.s32 v8, v27  }
0x3dd: {  	v61 =	vadd.f32 v40, v44;
	[tilespmem:s18+$0x18A00] =	vst v32;
	v27 =	vmax.f32 v30, $0.0e+00;
	v30 =	vld.idx.msk [tilespmem:v13+s31+$0x0], $0xffff  }
0x3de: {  	v54 =	vadd.f32 v39, v56;
	v62 =	vadd.f32 v62, v52;
	v40 =	vld.idx.msk [tilespmem:v11+s31+$0x0], $0xffff;
	[tilespmem:s18+$0x189C0] =	vst v27;
	v28 =	vmax.f32 v28, $0.0e+00  }
0x3df: {  	v34 =	vadd.f32 v41, v43;
	v36 =	vadd.f32 v61, v57;
	v23 =	vmax.f32 v23, $0.0e+00;
	v35 =	vld.idx.msk [tilespmem:v24+s31+$0x0], $0xffff;
	[tilespmem:s18+$0x18A80] =	vst v28  }
0x3e0: {  	v39 =	vmax.f32 v62, $0.0e+00;
	v29 =	vadd.f32 v49, v42;
	[tilespmem:s18+$0x189D0] =	vst v23;
	v37 =	vadd.f32 v53, v58;
	v42 =	vld.idx.msk [tilespmem:v33+s31+$0x0], $0xffff  }
0x3e1: {  	s1 =	simm.s32 $0x400;
	s20 =	simm.s32 $0x10;
	v43 =	vmax.f32 v63, $0.0e+00;
	[tilespmem:v47+s17+$0x0] =	vst.idx.msk $0xffff, v28;
	v28 =	vmax.f32 v36, $0.0e+00;
	v44 =	vadd.f32 v54, v59;
	v36 =	vld.idx.msk [tilespmem:v21+s31+$0x0], $0xffff  }
.LBB2_11:
0x3e2: {  	v41 =	vmov s20;
	s23 =	sshra.s32 s1, $0x2;
	s2 =	sadd.s32 $0x1, s20;
	s3 =	sadd.s32 $0x3, s20;
	v45 =	vadd.f32 v29, v30;
	[tilespmem:s18+$0x18A90] =	vst v28  }
0x3e3: {  	s22 =	sadd.s32 $0x7, s20;
	s6 =	sadd.s32 $0xD, s20;
	v37 =	vmax.f32 v37, $0.0e+00;
	v30 =	vshrl.u32 v41, $0x3;
	v41 =	vmov s2;
	s2 =	sadd.s32 $0x2, s20;
	v29 =	vld [tilespmem:s23+$0x15860];
	[tilespmem:s18+$0x18A60] =	vst v39  }
0x3e4: {  	p0 =	slt.u32 s20, $0x180;
	s26 =	smov.u32 s20;
	v48 =	vadd.f32 v34, v35;
	s20 =	sadd.s32 $0x10, s20;
	v46 =	vshll.u32 v30, v2;
	v47 =	vshrl.u32 v41, $0x3;
	v30 =	vld [tilespmem:s23+$0xDB60];
	[tilespmem:s18+$0x18A50] =	vst v43  }
0x3e5: {  	v34 =	vmov s3;
	s3 =	sadd.s32 $0x4, s26;
	v41 =	vmov s6;
	v49 =	vadd.f32 v31, v38;
	v35 =	vld [tilespmem:s23+$0x15800];
	[tilespmem:v16+s17+$0x0] =	vst.idx.msk $0xffff, v39  }
0x3e6: {  	v16 =	vmov s3;
	s3 =	sadd.s32 $0x5, s26;
	v26 =	vadd.f32 v26, v42;
	v42 =	vmax.f32 v44, $0.0e+00;
	v31 =	vld [tilespmem:s23+$0xDB00];
	[tilespmem:v20+s17+$0x0] =	vst.idx.msk $0xffff, v43  }
0x3e7: {  	v16 =	vshrl.u32 v16, $0x3;
	v43 =	vmov s3;
	s3 =	sadd.s32 $0x6, s26;
	v20 =	vadd.f32 v25, v36;
	v38 =	vld [tilespmem:s23+$0x157D0];
	[tilespmem:s18+$0x18A40] =	vst v42  }
0x3e8: {  	v16 =	vshll.u32 v16, v2;
	v25 =	vmov s3;
	v39 =	vld [tilespmem:s23+$0xDAD0];
	[tilespmem:v17+s17+$0x0] =	vst.idx.msk $0xffff, v42;
	v17 =	vadd.f32 v19, v40  }
0x3e9: {  	s3 =	sadd.s32 $0x8, s26;
	v16 =	vbroadcast v16, $0x0;
	v19 =	vshrl.u32 v25, $0x3;
	v25 =	vmax.f32 v26, $0.0e+00;
	v40 =	vld [tilespmem:s23+$0x157C0];
	[tilespmem:s18+$0x18A10] =	vst v37  }
0x3ea: {  	v20 =	vmax.f32 v20, $0.0e+00;
	v42 =	vshll.u32 v19, v2;
	v19 =	vmov s3;
	s3 =	sadd.s32 $0x9, s26;
	v26 =	vld [tilespmem:s23+$0xDAC0];
	[tilespmem:s18+$0x189E0] =	vst v25  }
0x3eb: {  	s6 =	sadd.s32 $0xA, s26;
	v45 =	vmax.f32 v45, $0.0e+00;
	v16 =	vadd.s32 v6, v16;
	v19 =	vshrl.u32 v19, $0x3;
	v44 =	vld [tilespmem:s23+$0xDBA0];
	[tilespmem:s18+$0x18AA0] =	vst v20  }
0x3ec: {  	v36 =	vmov s6;
	s6 =	sadd.s32 $0xB, s26;
	v19 =	vshll.u32 v19, v2;
	v50 =	vld [tilespmem:s23+$0x157F0];
	[tilespmem:v33+s17+$0x0] =	vst.idx.msk $0xffff, v25;
	v25 =	vmax.f32 v48, $0.0e+00  }
0x3ed: {  	v49 =	vmax.f32 v49, $0.0e+00;
	v36 =	vshrl.u32 v36, $0x3;
	v48 =	vmov s3;
	s3 =	sadd.s32 $0xC, s26;
	v33 =	vld [tilespmem:s23+$0x157E0];
	[tilespmem:v21+s17+$0x0] =	vst.idx.msk $0xffff, v20  }
0x3ee: {  	v19 =	vbroadcast v19, $0x0;
	v20 =	vshll.u32 v36, v2;
	v21 =	vmov s3;
	v51 =	vld [tilespmem:s23+$0xDAF0];
	[tilespmem:s18+$0x18A30] =	vst v25  }
0x3ef: {  	v36 =	vmov s6;
	s3 =	sadd.s32 $0xE, s26;
	v20 =	vbroadcast v20, $0x0;
	v21 =	vshrl.u32 v21, $0x3;
	v52 =	vld [tilespmem:s23+$0x158A0];
	[tilespmem:s18+$0x18A20] =	vst v45  }
0x3f0: {  	v48 =	vshrl.u32 v48, $0x3;
	v54 =	vmov s3;
	s3 =	sadd.s32 $0xF, s26;
	v21 =	vshll.u32 v21, v2;
	v53 =	vld [tilespmem:s23+$0xDB70];
	[tilespmem:v10+s17+$0x0] =	vst.idx.msk $0xffff, v32;
	v10 =	vmovc v16  }
0x3f1: {  	v16 =	vadd.s32 v4, v20;
	v20 =	vbroadcast v21, $0x0;
	v21 =	vmov s3;
	v32 =	vld [tilespmem:s23+$0x15870];
	[tilespmem:s18+$0x189F0] =	vst v49  }
0x3f2: {  	v48 =	vshll.u32 v48, v2;
	v21 =	vshrl.u32 v21, $0x3;
	v55 =	vld [tilespmem:s23+$0xDB10];
	[tilespmem:v24+s17+$0x0] =	vst.idx.msk $0xffff, v25;
	v24 =	vmax.f32 v17, $0.0e+00  }
0x3f3: {  	v48 =	vbroadcast v48, $0x0;
	v17 =	vshrl.u32 v36, $0x3;
	v36 =	vadd.s32 v6, v20;
	v25 =	vld [tilespmem:s23+$0x15810];
	[tilespmem:v14+s17+$0x0] =	vst.idx.msk $0xffff, v27  }
0x3f4: {  	v21 =	vshll.u32 v21, v2;
	v14 =	vbroadcast v46, $0x0;
	v20 =	vshll.u32 v17, v2;
	v27 =	vld [tilespmem:s23+$0xDB50];
	[tilespmem:v13+s17+$0x0] =	vst.idx.msk $0xffff, v45  }
0x3f5: {  	v17 =	vadd.s32 v0, v19;
	v19 =	vshrl.u32 v54, $0x3;
	v13 =	vbroadcast v20, $0x0;
	v45 =	vld [tilespmem:s23+$0x15830];
	[tilespmem:v22+s17+$0x0] =	vst.idx.msk $0xffff, v49  }
0x3f6: {  	v46 =	vbroadcast v21, $0x0;
	v20 =	vshll.u32 v47, v2;
	v19 =	vshll.u32 v19, v2;
	v22 =	vld [tilespmem:s23+$0x15850];
	[tilespmem:v12+s17+$0x0] =	vst.idx.msk $0xffff, v23  }
0x3f7: {  	v21 =	vbroadcast v19, $0x0;
	v12 =	vbroadcast v20, $0x0;
	v20 =	vadd.s32 v3, v48;
	v23 =	vld [tilespmem:s23+$0xDAE0];
	[tilespmem:s18+$0x18A70] =	vst v24;
	s18 =	smov.u32 s23  }
0x3f8: {  	v43 =	vshrl.u32 v43, $0x3;
	v13 =	vadd.s32 v5, v13;
	v47 =	vadd.f32 v25, v55;
	v48 =	vld [tilespmem:s18+$0xDB90];
	[tilespmem:v18+s17+$0x0] =	vst.idx.msk $0xffff, v37  }
0x3f9: {  	v19 =	vadd.f32 v32, v53;
	v21 =	vadd.s32 v8, v21;
	v18 =	vshrl.u32 v41, $0x3;
	v32 =	vld [tilespmem:s18+$0x158B0];
	[tilespmem:v11+s17+$0x0] =	vst.idx.msk $0xffff, v24  }
0x3fa: {  	v25 =	vbroadcast v42, $0x0;
	v24 =	vadd.f32 v40, v26;
	v26 =	vshll.u32 v43, v2;
	v37 =	vld [tilespmem:s18+$0x15880];
	[tilespmem:v15+s17+$0x0] =	vst.idx.msk $0xffff, v28  }
0x3fb: {  	v42 =	vadd.s32 v9, v46;
	v11 =	vmovc v13;
	v28 =	vbroadcast v26, $0x0;
	v15 =	vld [tilespmem:s18+$0x15840];
	v41 =	vadd.f32 v22, v27  }
0x3fc: {  	v13 =	vadd.s32 v8, v25;
	v25 =	vadd.f32 v52, v44;
	v26 =	vadd.f32 v33, v23;
	v23 =	vld [tilespmem:s18+$0xDB80]  }
0x3fd: {  	v35 =	vadd.f32 v35, v31;
	v18 =	vshll.u32 v18, v2;
	v22 =	vadd.f32 v38, v39;
	v27 =	vld [tilespmem:s18+$0xDBB0]  }
0x3fe: {  	v31 =	vshrl.u32 v34, $0x3;
	v18 =	vbroadcast v18, $0x0;
	v33 =	vmov s22;
	v34 =	vld [tilespmem:s18+$0xDB40]  }
0x3ff: {  	v31 =	vshll.u32 v31, v2;
	v14 =	vadd.s32 v0, v14;
	v33 =	vshrl.u32 v33, $0x3;
	v38 =	vld [tilespmem:s18+$0x15820]  }
0x400: {  	v12 =	vadd.s32 v3, v12;
	v39 =	vbroadcast v31, $0x0;
	v33 =	vshll.u32 v33, v2;
	v40 =	vld.idx.msk [tilespmem:v42+s31+$0x0], $0xffff  }
0x401: {  	v46 =	vadd.f32 v29, v30;
	v43 =	vmov s2;
	v31 =	vadd.f32 v50, v51;
	v44 =	vld [tilespmem:s18+$0xDB20]  }
0x402: {  	v29 =	vshrl.u32 v43, $0x3;
	v30 =	vld [tilespmem:s18+$0xDB30]  }
0x403: {  	v29 =	vshll.u32 v29, v2;
	v49 =	vadd.f32 v15, v34;
	v43 =	vld [tilespmem:s18+$0x15890]  }
0x404: {  	v51 =	vbroadcast v29, $0x0;
	v27 =	vadd.f32 v32, v27;
	v50 =	vld.idx.msk [tilespmem:v14+s31+$0x0], $0xffff  }
0x405: {  	v15 =	vadd.s32 v7, v18;
	v32 =	vld.idx.msk [tilespmem:v12+s31+$0x0], $0xffff  }
0x406: {  	v18 =	vadd.s32 v7, v28;
	v27 =	vadd.f32 v27, v40;
	v52 =	vld.idx.msk [tilespmem:v10+s31+$0x0], $0xffff;
	v29 =	vadd.f32 v38, v44  }
0x407: {  	v34 =	vadd.f32 v45, v30;
	v28 =	vld.idx.msk [tilespmem:v16+s31+$0x0], $0xffff  }
0x408: {  	v30 =	vbroadcast v33, $0x0;
	v44 =	vmax.f32 v27, $0.0e+00;
	v38 =	vld.idx.msk [tilespmem:v36+s31+$0x0], $0xffff  }
0x409: {  	v45 =	vld.idx.msk [tilespmem:v20+s31+$0x0], $0xffff  }
0x40a: {  	v27 =	vadd.f32 v24, v50;
	v24 =	vadd.s32 v9, v30;
	v50 =	vld.idx.msk [tilespmem:v15+s31+$0x0], $0xffff  }
0x40b: {  	v33 =	vadd.s32 v4, v51;
	v30 =	vadd.f32 v22, v32;
	v22 =	vadd.s32 v5, v39;
	v51 =	vld.idx.msk [tilespmem:v18+s31+$0x0], $0xffff  }
0x40c: {  	v27 =	vmax.f32 v27, $0.0e+00;
	v32 =	vadd.f32 v35, v52;
	v35 =	vadd.f32 v37, v23;
	v52 =	vld.idx.msk [tilespmem:v17+s31+$0x0], $0xffff;
	[tilespmem:s18+$0x18AB0] =	vst v44  }
0x40d: {  	v37 =	vadd.f32 v43, v48;
	v23 =	vmax.f32 v30, $0.0e+00;
	v28 =	vadd.f32 v46, v28;
	[tilespmem:s18+$0x189C0] =	vst v27;
	v30 =	vld.idx.msk [tilespmem:v13+s31+$0x0], $0xffff  }
.Ltmp4:
0x40e: {  	v32 =	vmax.f32 v32, $0.0e+00;
	v43 =	vadd.f32 v35, v38;
	v40 =	vld.idx.msk [tilespmem:v11+s31+$0x0], $0xffff;
	[tilespmem:v42+s17+$0x0] =	vst.idx.msk $0xffff, v44;
	(pc) =	sbr.rel @p0 .LBB2_11-.Ltmp4, $4  }
0x40f: {  	v41 =	vadd.f32 v41, v45;
	v39 =	vmax.f32 v28, $0.0e+00;
	[tilespmem:s18+$0x189D0] =	vst v23;
	v35 =	vld.idx.msk [tilespmem:v24+s31+$0x0], $0xffff  }
0x410: {  	v28 =	vmax.f32 v43, $0.0e+00;
	v45 =	vadd.f32 v37, v50;
	v38 =	vld.idx.msk [tilespmem:v22+s31+$0x0], $0xffff;
	[tilespmem:s18+$0x18A00] =	vst v32  }
0x411: {  	v37 =	vadd.f32 v47, v51;
	v43 =	vmax.f32 v41, $0.0e+00;
	v42 =	vld.idx.msk [tilespmem:v33+s31+$0x0], $0xffff;
	[tilespmem:s18+$0x18A80] =	vst v28  }
0x412: {  	s1 =	sadd.s32 $0x400, s1;
	v44 =	vadd.f32 v49, v52;
	[tilespmem:v36+s17+$0x0] =	vst.idx.msk $0xffff, v28;
	v28 =	vmax.f32 v45, $0.0e+00;
	v36 =	vld.idx.msk [tilespmem:v21+s31+$0x0], $0xffff  }
0x413: {  	_ = 	snop  }
0x414: {  	[tilespmem:s18+$0x18A90] =	vst v28  }
0x415: {  	[tilespmem:s18+$0x18A60] =	vst v39  }
0x416: {  	[tilespmem:s18+$0x18A50] =	vst v43  }
0x417: {  	[tilespmem:v10+s17+$0x0] =	vst.idx.msk $0xffff, v32  }
0x418: {  	[tilespmem:v14+s17+$0x0] =	vst.idx.msk $0xffff, v27  }
0x419: {  	[tilespmem:v12+s17+$0x0] =	vst.idx.msk $0xffff, v23  }
0x41a: {  	[tilespmem:v16+s17+$0x0] =	vst.idx.msk $0xffff, v39  }
0x41b: {  	[tilespmem:v20+s17+$0x0] =	vst.idx.msk $0xffff, v43  }
0x41c: {  	v10 =	vadd.f32 v19, v40;
	v16 =	vmax.f32 v44, $0.0e+00;
	[tilespmem:v15+s17+$0x0] =	vst.idx.msk $0xffff, v28  }
0x41d: {  	[tilespmem:s18+$0x18A40] =	vst v16  }
0x41e: {  	v10 =	vmax.f32 v10, $0.0e+00;
	[tilespmem:v17+s17+$0x0] =	vst.idx.msk $0xffff, v16  }
0x41f: {  	v20 =	vadd.f32 v26, v42;
	v26 =	vmax.f32 v37, $0.0e+00;
	[tilespmem:s18+$0x18A70] =	vst v10  }
0x420: {  	[tilespmem:s18+$0x18A10] =	vst v26  }
0x421: {  	v25 =	vadd.f32 v25, v36;
	[tilespmem:v11+s17+$0x0] =	vst.idx.msk $0xffff, v10  }
0x422: {  	v16 =	vmax.f32 v20, $0.0e+00;
	[tilespmem:v18+s17+$0x0] =	vst.idx.msk $0xffff, v26  }
0x423: {  	[tilespmem:s18+$0x189E0] =	vst v16;
	v17 =	vmax.f32 v25, $0.0e+00  }
0x424: {  	v20 =	vadd.f32 v34, v35;
	[tilespmem:s18+$0x18AA0] =	vst v17  }
0x425: {  	v25 =	vadd.f32 v29, v30;
	[tilespmem:v33+s17+$0x0] =	vst.idx.msk $0xffff, v16  }
0x426: {  	v16 =	vmax.f32 v20, $0.0e+00;
	[tilespmem:v21+s17+$0x0] =	vst.idx.msk $0xffff, v17  }
0x427: {  	v20 =	vmax.f32 v25, $0.0e+00;
	[tilespmem:s18+$0x18A30] =	vst v16  }
0x428: {  	v17 =	vadd.f32 v31, v38;
	[tilespmem:s18+$0x18A20] =	vst v20  }
0x429: {  	[tilespmem:v24+s17+$0x0] =	vst.idx.msk $0xffff, v16  }
0x42a: {  	v17 =	vmax.f32 v17, $0.0e+00;
	[tilespmem:v13+s17+$0x0] =	vst.idx.msk $0xffff, v20  }
0x42b: {  	[tilespmem:s18+$0x189F0] =	vst v17  }
0x42c: {  	[tilespmem:v22+s17+$0x0] =	vst.idx.msk $0xffff, v17  }
0x42d: {  	s1 =	rddreg [dreg:$0x11]  }
0x42e: {  	s2 =	sadd.s32 s10, s1;
	s1 =	simm.s32 $0x0  }
0x42f: {  	[hbm4b:s2+s1] =	stream.linear.scatter [tilespmem:s17], [sflag:$0x3], $0x190, $0x38;
	[tilespmem:$0x1EE40] =	vst v63  }
0x430: {  	s3 =	sadd.s32 $0x9C40, s2  }
0x431: {  	[hbm4b:s3+s1] =	stream.linear.scatter [tilespmem:s8], [sflag:$0x3], $0x190, $0x38;
	[tilespmem:$0x1EE40] =	vst v63  }
0x432: {  	s16 =	sadd.s32 $0x13880, s2  }
0x433: {  	[hbm4b:s16+s1] =	stream.linear.scatter [tilespmem:s30], [sflag:$0x3], $0x190, $0x38;
	[tilespmem:$0x1EE40] =	vst v63  }
0x434: {  	s6 =	simm.s32 $0x1A788;
	s18 =	sadd.s32 $0x1D4C0, s2  }
0x435: {  	[hbm4b:s18+s1] =	stream.linear.scatter [tilespmem:s6], [sflag:$0x3], $0x190, $0x38;
	[tilespmem:$0x1EE40] =	vst v63  }
0x436: {  	s22 =	simm.s32 $0x1A920;
	s20 =	sadd.s32 $0x27100, s2  }
0x437: {  	[hbm4b:s20+s1] =	stream.linear.scatter [tilespmem:s22], [sflag:$0x3], $0x190, $0x38;
	[tilespmem:$0x1EE40] =	vst v63  }
0x438: {  	s25 =	simm.s32 $0x1AAB8;
	s23 =	sadd.s32 $0x30D40, s2  }
0x439: {  	[hbm4b:s23+s1] =	stream.linear.scatter [tilespmem:s25], [sflag:$0x3], $0x190, $0x38;
	[tilespmem:$0x1EE40] =	vst v63  }
0x43a: {  	s29 =	simm.s32 $0x1AC50;
	s26 =	sadd.s32 $0x3A980, s2  }
0x43b: {  	[hbm4b:s26+s1] =	stream.linear.scatter [tilespmem:s29], [sflag:$0x3], $0x190, $0x38;
	[tilespmem:$0x1EE40] =	vst v63  }
0x43c: {  	s7 =	simm.s32 $0x1ADE8;
	s6 =	sadd.s32 $0x445C0, s2  }
0x43d: {  	[hbm4b:s6+s1] =	stream.linear.scatter [tilespmem:s7], [sflag:$0x3], $0x190, $0x38;
	[tilespmem:$0x1EE40] =	vst v63  }
0x43e: {  	s16 =	sadd.s32 $0x4E200, s2;
	s18 =	simm.s32 $0x1AF80  }
0x43f: {  	[hbm4b:s16+s1] =	stream.linear.scatter [tilespmem:s18], [sflag:$0x3], $0x190, $0x38;
	[tilespmem:$0x1EE40] =	vst v63  }
0x440: {  	s20 =	sadd.s32 $0x57E40, s2;
	s22 =	simm.s32 $0x1B118  }
0x441: {  	[hbm4b:s20+s1] =	stream.linear.scatter [tilespmem:s22], [sflag:$0x3], $0x190, $0x38;
	[tilespmem:$0x1EE40] =	vst v63  }
0x442: {  	s23 =	sadd.s32 $0x61A80, s2;
	s25 =	simm.s32 $0x1B2B0  }
0x443: {  	[hbm4b:s23+s1] =	stream.linear.scatter [tilespmem:s25], [sflag:$0x3], $0x190, $0x38;
	[tilespmem:$0x1EE40] =	vst v63  }
0x444: {  	s26 =	sadd.s32 $0x6B6C0, s2;
	s29 =	simm.s32 $0x1B448  }
0x445: {  	[hbm4b:s26+s1] =	stream.linear.scatter [tilespmem:s29], [sflag:$0x3], $0x190, $0x38;
	[tilespmem:$0x1EE40] =	vst v63  }
0x446: {  	s7 =	sadd.s32 $0x75300, s2;
	s16 =	simm.s32 $0x1B5E0  }
0x447: {  	[hbm4b:s7+s1] =	stream.linear.scatter [tilespmem:s16], [sflag:$0x3], $0x190, $0x38;
	[tilespmem:$0x1EE40] =	vst v63  }
0x448: {  	s18 =	sadd.s32 $0x7EF40, s2;
	s20 =	simm.s32 $0x1B778  }
0x449: {  	[hbm4b:s18+s1] =	stream.linear.scatter [tilespmem:s20], [sflag:$0x3], $0x190, $0x38;
	[tilespmem:$0x1EE40] =	vst v63  }
0x44a: {  	s22 =	sadd.s32 $0x88B80, s2;
	s23 =	simm.s32 $0x1B910  }
0x44b: {  	[hbm4b:s22+s1] =	stream.linear.scatter [tilespmem:s23], [sflag:$0x3], $0x190, $0x38;
	[tilespmem:$0x1EE40] =	vst v63  }
0x44c: {  	s2 =	sadd.s32 $0x927C0, s2;
	s25 =	simm.s32 $0x1BAA8  }
0x44d: {  	[hbm4b:s2+s1] =	stream.linear.scatter [tilespmem:s25], [sflag:$0x3], $0x190, $0x38;
	[tilespmem:$0x1EE40] =	vst v63  }
0x44e: {  	_ =	swait.ge [sflag:s19], $0x1900  }
0x44f: {  	[sflag:s19] =	ssyncset.done $0x0  }
0x450: {  	s26 =	simm.s32 $0xD00;
	s29 =	simm.s32 $0x189C0;
	[sflag:s19] =	ssyncadd.s32 $0xFFFFE700  }
0x451: {  	[spmem:s4] =	stream.indirect.scatter.add.f32 [tilespmem:s29], [sflag:$0x3], $0x10, s26, s15, $0xb8;
	[tilespmem:$0x1EE40] =	vst v63  }
0x452: {  	_ =	swait.ge [sflag:s19], $0x640  }
0x453: {  	[sflag:s19] =	ssyncset.done $0x0  }
0x454: {  	s6 =	simm.s32 $0xD68;
	s7 =	simm.s32 $0x19000;
	[sflag:s19] =	ssyncadd.s32 $0xFFFFF9C0  }
0x455: {  	[spmem:s4] =	stream.indirect.scatter.add.f32 [tilespmem:s7], [sflag:$0x3], $0x10, s6, s15, $0xb8;
	[tilespmem:$0x1EE40] =	vst v63  }
0x456: {  	_ =	swait.ge [sflag:s19], $0x640  }
0x457: {  	[sflag:s19] =	ssyncset.done $0x0  }
0x458: {  	s16 =	simm.s32 $0xDD0;
	s18 =	simm.s32 $0x19640;
	[sflag:s19] =	ssyncadd.s32 $0xFFFFF9C0  }
0x459: {  	[spmem:s4] =	stream.indirect.scatter.add.f32 [tilespmem:s18], [sflag:$0x3], $0x10, s16, s15, $0xb8;
	[tilespmem:$0x1EE40] =	vst v63  }
0x45a: {  	_ =	swait.ge [sflag:s19], $0x640  }
0x45b: {  	[sflag:s19] =	ssyncset.done $0x0  }
0x45c: {  	s20 =	simm.s32 $0xE38;
	s22 =	simm.s32 $0x19C80;
	[sflag:s19] =	ssyncadd.s32 $0xFFFFF9C0  }
0x45d: {  	[spmem:s4] =	stream.indirect.scatter.add.f32 [tilespmem:s22], [sflag:$0x3], $0x10, s20, s15, $0xb8;
	[tilespmem:$0x1EE40] =	vst v63  }
0x45e: {  	_ =	swait.ge [sflag:s19], $0x640  }
0x45f: {  	[sflag:s19] =	ssyncset.done $0x0  }
0x460: {  	[sflag:s19] =	ssyncadd.s32 $0xFFFFF9C0  }
0x461: {  	_ =	swait.ge [sflag:s11], $0x640  }
0x462: {  	[sflag:s11] =	ssyncset.done $0x0  }
0x463: {  	[sflag:s11] =	ssyncadd.s32 $0xFFFFF9C0  }
0x464: {  	_ =	swait.ge [sflag:s11], $0x640  }
0x465: {  	[sflag:s11] =	ssyncset.done $0x0  }
0x466: {  	[sflag:s11] =	ssyncadd.s32 $0xFFFFF9C0  }
0x467: {  	_ =	swait.ge [sflag:s11], $0x640  }
0x468: {  	[sflag:s11] =	ssyncset.done $0x0  }
0x469: {  	[sflag:s11] =	ssyncadd.s32 $0xFFFFF9C0  }
0x46a: {  	_ =	swait.ge [sflag:s11], $0x640  }
0x46b: {  	[sflag:s11] =	ssyncset.done $0x0  }
0x46c: {  	[sflag:s11] =	ssyncadd.s32 $0xFFFFF9C0  }
0x46d: {  	_ =	swait.ge [sflag:s11], $0x640  }
0x46e: {  	[sflag:s11] =	ssyncset.done $0x0  }
0x46f: {  	[sflag:s11] =	ssyncadd.s32 $0xFFFFF9C0  }
0x470: {  	_ =	swait.ge [sflag:s11], $0x640  }
0x471: {  	[sflag:s11] =	ssyncset.done $0x0  }
0x472: {  	[sflag:s11] =	ssyncadd.s32 $0xFFFFF9C0  }
0x473: {  	_ =	swait.ge [sflag:s11], $0x640  }
0x474: {  	[sflag:s11] =	ssyncset.done $0x0  }
0x475: {  	[sflag:s11] =	ssyncadd.s32 $0xFFFFF9C0  }
0x476: {  	_ =	swait.ge [sflag:s11], $0x640  }
0x477: {  	[sflag:s11] =	ssyncset.done $0x0  }
0x478: {  	[sflag:s11] =	ssyncadd.s32 $0xFFFFF9C0  }
0x479: {  	_ =	swait.ge [sflag:s14], $0x1900  }
0x47a: {  	[sflag:s14] =	ssyncset.done $0x0  }
0x47b: {  	s6 =	simm.s32 $0x0;
	[sflag:s14] =	ssyncadd.s32 $0xFFFFE700  }
0x47c: {  	v21 =	vld [tilespmem:s6+$0x17160]  }
0x47d: {  	v22 =	vld [tilespmem:s6+$0xF460]  }
0x47e: {  	v15 =	vld [tilespmem:s6+$0x17100]  }
0x47f: {  	v18 =	vld [tilespmem:s6+$0xF400]  }
0x480: {  	v13 =	vld [tilespmem:s6+$0x170D0]  }
0x481: {  	v23 =	vld [tilespmem:s6+$0xF3D0]  }
0x482: {  	v12 =	vld [tilespmem:s6+$0x170C0]  }
0x483: {  	v24 =	vld [tilespmem:s6+$0xF3C0]  }
0x484: {  	v10 =	vmov s1;
	s3 =	simm.s32 $0x6;
	v25 =	vld [tilespmem:s6+$0xF4A0]  }
0x485: {  	v10 =	vshrl.u32 v10, $0x3;
	v16 =	vmov s3;
	v27 =	vld [tilespmem:s6+$0x170F0]  }
0x486: {  	v17 =	vshll.u32 v10, v2;
	v16 =	vshrl.u32 v16, $0x3;
	s23 =	simm.s32 $0x1;
	v26 =	vld [tilespmem:s6+$0x170E0]  }
0x487: {  	v49 =	vbroadcast v17, $0x0;
	v33 =	vshll.u32 v16, v2;
	v11 =	vmov s23;
	s23 =	simm.s32 $0xB;
	v28 =	vld [tilespmem:s6+$0xF3F0]  }
0x488: {  	v33 =	vbroadcast v33, $0x0;
	s25 =	simm.s32 $0x4;
	v11 =	vshrl.u32 v11, $0x3;
	v60 =	vmov s23;
	v31 =	vld [tilespmem:s6+$0x171A0]  }
0x489: {  	s2 =	simm.s32 $0x5;
	v14 =	vmov s25;
	v40 =	vshrl.u32 v60, $0x3;
	v11 =	vshll.u32 v11, v2;
	s7 =	simm.s32 $0x8;
	v19 =	vld [tilespmem:s6+$0xF470]  }
0x48a: {  	s25 =	simm.s32 $0xE;
	v10 =	vshrl.u32 v14, $0x3;
	v14 =	vmov s2;
	v20 =	vmov s7;
	s16 =	simm.s32 $0xA;
	v32 =	vld [tilespmem:s6+$0x17170]  }
0x48b: {  	v45 =	vmov s25;
	v16 =	vshrl.u32 v20, $0x3;
	v20 =	vmov s16;
	v34 =	vld [tilespmem:s6+$0xF410]  }
0x48c: {  	v51 =	vbroadcast v11, $0x0;
	v16 =	vshll.u32 v16, v2;
	v20 =	vshrl.u32 v20, $0x3;
	v35 =	vld [tilespmem:s6+$0x17110]  }
0x48d: {  	v10 =	vshll.u32 v10, v2;
	v59 =	vbroadcast v16, $0x0;
	v20 =	vshll.u32 v20, v2;
	s20 =	simm.s32 $0xC;
	s22 =	simm.s32 $0xF;
	v58 =	vld [tilespmem:s6+$0xF450]  }
0x48e: {  	v16 =	vbroadcast v20, $0x0;
	v57 =	vmov s20;
	v20 =	vmov s22;
	v41 =	vld [tilespmem:s6+$0x17130]  }
0x48f: {  	v52 =	vshrl.u32 v14, $0x3;
	v37 =	vshrl.u32 v57, $0x3;
	v20 =	vshrl.u32 v20, $0x3;
	v61 =	vld [tilespmem:s6+$0x17150]  }
0x490: {  	v14 =	vadd.s32 v0, v49;
	s29 =	simm.s32 $0xD;
	v37 =	vshll.u32 v37, v2;
	v20 =	vshll.u32 v20, v2;
	v62 =	vld [tilespmem:s6+$0xF3E0]  }
0x491: {  	s26 =	simm.s32 $0x3;
	v30 =	vmov s29;
	v37 =	vbroadcast v37, $0x0;
	v20 =	vbroadcast v20, $0x0;
	v44 =	vld [tilespmem:s6+$0xF490]  }
0x492: {  	v10 =	vbroadcast v10, $0x0;
	v29 =	vmov s26;
	v30 =	vshrl.u32 v30, $0x3;
	v46 =	vld [tilespmem:s6+$0x171B0]  }
0x493: {  	v29 =	vshrl.u32 v29, $0x3;
	s18 =	simm.s32 $0x9;
	v47 =	vadd.s32 v6, v37;
	v48 =	vadd.s32 v9, v20;
	v37 =	vld [tilespmem:s6+$0x17180]  }
0x494: {  	v30 =	vshll.u32 v30, v2;
	v56 =	vmov s18;
	v20 =	vshll.u32 v40, v2;
	v39 =	vld [tilespmem:s6+$0x17140]  }
0x495: {  	v36 =	vshrl.u32 v56, $0x3;
	v40 =	vbroadcast v20, $0x0;
	v20 =	vshrl.u32 v45, $0x3;
	v45 =	vld [tilespmem:s6+$0xF480]  }
0x496: {  	v29 =	vshll.u32 v29, v2;
	v30 =	vbroadcast v30, $0x0;
	v36 =	vshll.u32 v36, v2;
	v63 =	vld [tilespmem:s6+$0xF4B0]  }
0x497: {  	v10 =	vadd.s32 v6, v10;
	v29 =	vbroadcast v29, $0x0;
	v36 =	vbroadcast v36, $0x0;
	v56 =	vld [tilespmem:s6+$0xF440]  }
0x498: {  	v17 =	vadd.s32 v0, v59;
	v16 =	vadd.s32 v4, v16;
	v50 =	vshll.u32 v20, v2;
	v57 =	vld.idx.msk [tilespmem:v48+s28+$0x0], $0xffff  }
0x499: {  	v20 =	vadd.s32 v3, v36;
	v49 =	vld [tilespmem:s6+$0x17120];
	v53 =	vadd.f32 v35, v34;
	v19 =	vadd.f32 v32, v19  }
0x49a: {  	v11 =	vadd.s32 v5, v40;
	v42 =	vld [tilespmem:s6+$0xF420];
	v35 =	vadd.f32 v12, v24;
	v38 =	vadd.f32 v61, v58  }
0x49b: {  	v43 =	vld [tilespmem:s6+$0xF430];
	v24 =	vshll.u32 v52, v2;
	v26 =	vadd.f32 v26, v62;
	v36 =	vadd.f32 v46, v63  }
0x49c: {  	s26 =	simm.s32 $0x7;
	v40 =	vld [tilespmem:s6+$0x17190];
	v12 =	vadd.s32 v3, v51;
	v25 =	vadd.f32 v31, v25;
	v46 =	vadd.f32 v15, v18  }
0x49d: {  	v60 =	vld.idx.msk [tilespmem:v10+s28+$0x0], $0xffff;
	v18 =	vmov s26;
	v24 =	vbroadcast v24, $0x0;
	v31 =	vadd.f32 v36, v57  }
0x49e: {  	v58 =	vld.idx.msk [tilespmem:v14+s28+$0x0], $0xffff;
	v15 =	vadd.s32 v7, v30;
	v62 =	vadd.f32 v21, v22;
	v22 =	vadd.s32 v5, v29  }
0x49f: {  	s29 =	simm.s32 $0x2;
	v63 =	vld.idx.msk [tilespmem:v20+s28+$0x0], $0xffff;
	v30 =	vshrl.u32 v18, $0x3;
	v18 =	vadd.s32 v7, v24;
	v24 =	vmax.f32 v31, $0.0e+00  }
0x4a0: {  	v23 =	vadd.f32 v13, v23;
	v61 =	vmov s29;
	v31 =	vadd.f32 v27, v28;
	v28 =	vld.idx.msk [tilespmem:v47+s28+$0x0], $0xffff;
	[tilespmem:s6+$0x18AB0] =	vst v24  }
0x4a1: {  	v30 =	vshll.u32 v30, v2;
	v59 =	vld.idx.msk [tilespmem:v12+s28+$0x0], $0xffff;
	[tilespmem:v48+s17+$0x0] =	vst.idx.msk $0xffff, v24;
	v24 =	vshrl.u32 v61, $0x3  }
0x4a2: {  	v13 =	vadd.s32 v8, v33;
	v52 =	vld.idx.msk [tilespmem:v16+s28+$0x0], $0xffff;
	v27 =	vbroadcast v30, $0x0;
	v21 =	vshll.u32 v24, v2  }
0x4a3: {  	v29 =	vadd.f32 v37, v45;
	v60 =	vadd.f32 v46, v60;
	v57 =	vld.idx.msk [tilespmem:v15+s28+$0x0], $0xffff;
	v21 =	vbroadcast v21, $0x0  }
0x4a4: {  	v63 =	vadd.f32 v38, v63;
	v38 =	vld.idx.msk [tilespmem:v22+s28+$0x0], $0xffff;
	v24 =	vadd.s32 v9, v27;
	v27 =	vbroadcast v50, $0x0  }
0x4a5: {  	v32 =	vmax.f32 v60, $0.0e+00;
	v30 =	vadd.f32 v35, v58;
	v58 =	vld.idx.msk [tilespmem:v18+s28+$0x0], $0xffff;
	v33 =	vadd.s32 v4, v21  }
0x4a6: {  	v28 =	vadd.f32 v29, v28;
	v23 =	vadd.f32 v23, v59;
	v59 =	vld.idx.msk [tilespmem:v17+s28+$0x0], $0xffff;
	v21 =	vadd.s32 v8, v27  }
0x4a7: {  	[tilespmem:s6+$0x18A00] =	vst v32;
	v61 =	vadd.f32 v40, v44;
	v27 =	vmax.f32 v30, $0.0e+00;
	v30 =	vld.idx.msk [tilespmem:v13+s28+$0x0], $0xffff  }
0x4a8: {  	v54 =	vadd.f32 v39, v56;
	v62 =	vadd.f32 v62, v52;
	v40 =	vld.idx.msk [tilespmem:v11+s28+$0x0], $0xffff;
	[tilespmem:s6+$0x189C0] =	vst v27;
	v28 =	vmax.f32 v28, $0.0e+00  }
0x4a9: {  	v34 =	vadd.f32 v41, v43;
	v36 =	vadd.f32 v61, v57;
	v23 =	vmax.f32 v23, $0.0e+00;
	v35 =	vld.idx.msk [tilespmem:v24+s28+$0x0], $0xffff;
	[tilespmem:s6+$0x18A80] =	vst v28  }
0x4aa: {  	v39 =	vmax.f32 v62, $0.0e+00;
	v29 =	vadd.f32 v49, v42;
	[tilespmem:s6+$0x189D0] =	vst v23;
	v37 =	vadd.f32 v53, v58;
	v42 =	vld.idx.msk [tilespmem:v33+s28+$0x0], $0xffff  }
0x4ab: {  	s1 =	simm.s32 $0x400;
	s18 =	simm.s32 $0x10;
	s16 =	simm.s32 $0xEA0;
	v43 =	vmax.f32 v63, $0.0e+00;
	[tilespmem:v47+s17+$0x0] =	vst.idx.msk $0xffff, v28;
	v28 =	vmax.f32 v36, $0.0e+00;
	v44 =	vadd.f32 v54, v59;
	v36 =	vld.idx.msk [tilespmem:v21+s28+$0x0], $0xffff  }
.LBB2_13:
0x4ac: {  	v41 =	vmov s18;
	s22 =	sshra.s32 s1, $0x2;
	s2 =	sadd.s32 $0x1, s18;
	s3 =	sadd.s32 $0x3, s18;
	v45 =	vadd.f32 v29, v30;
	[tilespmem:s6+$0x18A90] =	vst v28  }
0x4ad: {  	s20 =	sadd.s32 $0x7, s18;
	s7 =	sadd.s32 $0xD, s18;
	v37 =	vmax.f32 v37, $0.0e+00;
	v30 =	vshrl.u32 v41, $0x3;
	v41 =	vmov s2;
	s2 =	sadd.s32 $0x2, s18;
	v29 =	vld [tilespmem:s22+$0x17160];
	[tilespmem:s6+$0x18A60] =	vst v39  }
0x4ae: {  	p0 =	slt.u32 s18, $0x180;
	s23 =	smov.u32 s18;
	v48 =	vadd.f32 v34, v35;
	s18 =	sadd.s32 $0x10, s18;
	v46 =	vshll.u32 v30, v2;
	v47 =	vshrl.u32 v41, $0x3;
	v30 =	vld [tilespmem:s22+$0xF460];
	[tilespmem:s6+$0x18A50] =	vst v43  }
0x4af: {  	v34 =	vmov s3;
	s3 =	sadd.s32 $0x4, s23;
	v41 =	vmov s7;
	v49 =	vadd.f32 v31, v38;
	v35 =	vld [tilespmem:s22+$0x17100];
	[tilespmem:v16+s17+$0x0] =	vst.idx.msk $0xffff, v39  }
0x4b0: {  	v16 =	vmov s3;
	s3 =	sadd.s32 $0x5, s23;
	v26 =	vadd.f32 v26, v42;
	v42 =	vmax.f32 v44, $0.0e+00;
	v31 =	vld [tilespmem:s22+$0xF400];
	[tilespmem:v20+s17+$0x0] =	vst.idx.msk $0xffff, v43  }
0x4b1: {  	v16 =	vshrl.u32 v16, $0x3;
	v43 =	vmov s3;
	s3 =	sadd.s32 $0x6, s23;
	v20 =	vadd.f32 v25, v36;
	v38 =	vld [tilespmem:s22+$0x170D0];
	[tilespmem:s6+$0x18A40] =	vst v42  }
0x4b2: {  	v16 =	vshll.u32 v16, v2;
	v25 =	vmov s3;
	v39 =	vld [tilespmem:s22+$0xF3D0];
	[tilespmem:v17+s17+$0x0] =	vst.idx.msk $0xffff, v42;
	v17 =	vadd.f32 v19, v40  }
0x4b3: {  	s3 =	sadd.s32 $0x8, s23;
	v16 =	vbroadcast v16, $0x0;
	v19 =	vshrl.u32 v25, $0x3;
	v25 =	vmax.f32 v26, $0.0e+00;
	v40 =	vld [tilespmem:s22+$0x170C0];
	[tilespmem:s6+$0x18A10] =	vst v37  }
0x4b4: {  	v20 =	vmax.f32 v20, $0.0e+00;
	v42 =	vshll.u32 v19, v2;
	v19 =	vmov s3;
	s3 =	sadd.s32 $0x9, s23;
	v26 =	vld [tilespmem:s22+$0xF3C0];
	[tilespmem:s6+$0x189E0] =	vst v25  }
0x4b5: {  	s7 =	sadd.s32 $0xA, s23;
	v45 =	vmax.f32 v45, $0.0e+00;
	v16 =	vadd.s32 v6, v16;
	v19 =	vshrl.u32 v19, $0x3;
	v44 =	vld [tilespmem:s22+$0xF4A0];
	[tilespmem:s6+$0x18AA0] =	vst v20  }
0x4b6: {  	v36 =	vmov s7;
	s7 =	sadd.s32 $0xB, s23;
	v19 =	vshll.u32 v19, v2;
	v50 =	vld [tilespmem:s22+$0x170F0];
	[tilespmem:v33+s17+$0x0] =	vst.idx.msk $0xffff, v25;
	v25 =	vmax.f32 v48, $0.0e+00  }
0x4b7: {  	v49 =	vmax.f32 v49, $0.0e+00;
	v36 =	vshrl.u32 v36, $0x3;
	v48 =	vmov s3;
	s3 =	sadd.s32 $0xC, s23;
	v33 =	vld [tilespmem:s22+$0x170E0];
	[tilespmem:v21+s17+$0x0] =	vst.idx.msk $0xffff, v20  }
0x4b8: {  	v19 =	vbroadcast v19, $0x0;
	v20 =	vshll.u32 v36, v2;
	v21 =	vmov s3;
	v51 =	vld [tilespmem:s22+$0xF3F0];
	[tilespmem:s6+$0x18A30] =	vst v25  }
0x4b9: {  	v36 =	vmov s7;
	s3 =	sadd.s32 $0xE, s23;
	v20 =	vbroadcast v20, $0x0;
	v21 =	vshrl.u32 v21, $0x3;
	v52 =	vld [tilespmem:s22+$0x171A0];
	[tilespmem:s6+$0x18A20] =	vst v45  }
0x4ba: {  	v48 =	vshrl.u32 v48, $0x3;
	v54 =	vmov s3;
	s3 =	sadd.s32 $0xF, s23;
	v21 =	vshll.u32 v21, v2;
	v53 =	vld [tilespmem:s22+$0xF470];
	[tilespmem:v10+s17+$0x0] =	vst.idx.msk $0xffff, v32;
	v10 =	vmovc v16  }
0x4bb: {  	v16 =	vadd.s32 v4, v20;
	v20 =	vbroadcast v21, $0x0;
	v21 =	vmov s3;
	v32 =	vld [tilespmem:s22+$0x17170];
	[tilespmem:s6+$0x189F0] =	vst v49  }
0x4bc: {  	v48 =	vshll.u32 v48, v2;
	v21 =	vshrl.u32 v21, $0x3;
	v55 =	vld [tilespmem:s22+$0xF410];
	[tilespmem:v24+s17+$0x0] =	vst.idx.msk $0xffff, v25;
	v24 =	vmax.f32 v17, $0.0e+00  }
0x4bd: {  	v48 =	vbroadcast v48, $0x0;
	v17 =	vshrl.u32 v36, $0x3;
	v36 =	vadd.s32 v6, v20;
	v25 =	vld [tilespmem:s22+$0x17110];
	[tilespmem:v14+s17+$0x0] =	vst.idx.msk $0xffff, v27  }
0x4be: {  	v21 =	vshll.u32 v21, v2;
	v14 =	vbroadcast v46, $0x0;
	v20 =	vshll.u32 v17, v2;
	v27 =	vld [tilespmem:s22+$0xF450];
	[tilespmem:v13+s17+$0x0] =	vst.idx.msk $0xffff, v45  }
0x4bf: {  	v17 =	vadd.s32 v0, v19;
	v19 =	vshrl.u32 v54, $0x3;
	v13 =	vbroadcast v20, $0x0;
	v45 =	vld [tilespmem:s22+$0x17130];
	[tilespmem:v22+s17+$0x0] =	vst.idx.msk $0xffff, v49  }
0x4c0: {  	v46 =	vbroadcast v21, $0x0;
	v20 =	vshll.u32 v47, v2;
	v19 =	vshll.u32 v19, v2;
	v22 =	vld [tilespmem:s22+$0x17150];
	[tilespmem:v12+s17+$0x0] =	vst.idx.msk $0xffff, v23  }
0x4c1: {  	v21 =	vbroadcast v19, $0x0;
	v12 =	vbroadcast v20, $0x0;
	v20 =	vadd.s32 v3, v48;
	v23 =	vld [tilespmem:s22+$0xF3E0];
	[tilespmem:s6+$0x18A70] =	vst v24;
	s6 =	smov.u32 s22  }
0x4c2: {  	v43 =	vshrl.u32 v43, $0x3;
	v13 =	vadd.s32 v5, v13;
	v47 =	vadd.f32 v25, v55;
	v48 =	vld [tilespmem:s6+$0xF490];
	[tilespmem:v18+s17+$0x0] =	vst.idx.msk $0xffff, v37  }
0x4c3: {  	v19 =	vadd.f32 v32, v53;
	v21 =	vadd.s32 v8, v21;
	v18 =	vshrl.u32 v41, $0x3;
	v32 =	vld [tilespmem:s6+$0x171B0];
	[tilespmem:v11+s17+$0x0] =	vst.idx.msk $0xffff, v24  }
0x4c4: {  	v25 =	vbroadcast v42, $0x0;
	v24 =	vadd.f32 v40, v26;
	v26 =	vshll.u32 v43, v2;
	v37 =	vld [tilespmem:s6+$0x17180];
	[tilespmem:v15+s17+$0x0] =	vst.idx.msk $0xffff, v28  }
0x4c5: {  	v42 =	vadd.s32 v9, v46;
	v11 =	vmovc v13;
	v28 =	vbroadcast v26, $0x0;
	v15 =	vld [tilespmem:s6+$0x17140];
	v41 =	vadd.f32 v22, v27  }
0x4c6: {  	v13 =	vadd.s32 v8, v25;
	v25 =	vadd.f32 v52, v44;
	v26 =	vadd.f32 v33, v23;
	v23 =	vld [tilespmem:s6+$0xF480]  }
0x4c7: {  	v35 =	vadd.f32 v35, v31;
	v18 =	vshll.u32 v18, v2;
	v22 =	vadd.f32 v38, v39;
	v27 =	vld [tilespmem:s6+$0xF4B0]  }
0x4c8: {  	v31 =	vshrl.u32 v34, $0x3;
	v18 =	vbroadcast v18, $0x0;
	v33 =	vmov s20;
	v34 =	vld [tilespmem:s6+$0xF440]  }
0x4c9: {  	v31 =	vshll.u32 v31, v2;
	v14 =	vadd.s32 v0, v14;
	v33 =	vshrl.u32 v33, $0x3;
	v38 =	vld [tilespmem:s6+$0x17120]  }
0x4ca: {  	v12 =	vadd.s32 v3, v12;
	v39 =	vbroadcast v31, $0x0;
	v33 =	vshll.u32 v33, v2;
	v40 =	vld.idx.msk [tilespmem:v42+s28+$0x0], $0xffff  }
0x4cb: {  	v46 =	vadd.f32 v29, v30;
	v43 =	vmov s2;
	v31 =	vadd.f32 v50, v51;
	v44 =	vld [tilespmem:s6+$0xF420]  }
0x4cc: {  	v29 =	vshrl.u32 v43, $0x3;
	v30 =	vld [tilespmem:s6+$0xF430]  }
0x4cd: {  	v29 =	vshll.u32 v29, v2;
	v49 =	vadd.f32 v15, v34;
	v43 =	vld [tilespmem:s6+$0x17190]  }
0x4ce: {  	v51 =	vbroadcast v29, $0x0;
	v27 =	vadd.f32 v32, v27;
	v50 =	vld.idx.msk [tilespmem:v14+s28+$0x0], $0xffff  }
0x4cf: {  	v15 =	vadd.s32 v7, v18;
	v32 =	vld.idx.msk [tilespmem:v12+s28+$0x0], $0xffff  }
0x4d0: {  	v18 =	vadd.s32 v7, v28;
	v27 =	vadd.f32 v27, v40;
	v52 =	vld.idx.msk [tilespmem:v10+s28+$0x0], $0xffff;
	v29 =	vadd.f32 v38, v44  }
0x4d1: {  	v34 =	vadd.f32 v45, v30;
	v28 =	vld.idx.msk [tilespmem:v16+s28+$0x0], $0xffff  }
0x4d2: {  	v30 =	vbroadcast v33, $0x0;
	v44 =	vmax.f32 v27, $0.0e+00;
	v38 =	vld.idx.msk [tilespmem:v36+s28+$0x0], $0xffff  }
0x4d3: {  	v45 =	vld.idx.msk [tilespmem:v20+s28+$0x0], $0xffff  }
0x4d4: {  	v27 =	vadd.f32 v24, v50;
	v24 =	vadd.s32 v9, v30;
	v50 =	vld.idx.msk [tilespmem:v15+s28+$0x0], $0xffff  }
0x4d5: {  	v33 =	vadd.s32 v4, v51;
	v30 =	vadd.f32 v22, v32;
	v22 =	vadd.s32 v5, v39;
	v51 =	vld.idx.msk [tilespmem:v18+s28+$0x0], $0xffff  }
0x4d6: {  	v27 =	vmax.f32 v27, $0.0e+00;
	v32 =	vadd.f32 v35, v52;
	v35 =	vadd.f32 v37, v23;
	v52 =	vld.idx.msk [tilespmem:v17+s28+$0x0], $0xffff;
	[tilespmem:s6+$0x18AB0] =	vst v44  }
0x4d7: {  	v37 =	vadd.f32 v43, v48;
	v23 =	vmax.f32 v30, $0.0e+00;
	v28 =	vadd.f32 v46, v28;
	[tilespmem:s6+$0x189C0] =	vst v27;
	v30 =	vld.idx.msk [tilespmem:v13+s28+$0x0], $0xffff  }
.Ltmp5:
0x4d8: {  	v32 =	vmax.f32 v32, $0.0e+00;
	v43 =	vadd.f32 v35, v38;
	v40 =	vld.idx.msk [tilespmem:v11+s28+$0x0], $0xffff;
	[tilespmem:v42+s17+$0x0] =	vst.idx.msk $0xffff, v44;
	(pc) =	sbr.rel @p0 .LBB2_13-.Ltmp5, $4  }
0x4d9: {  	v41 =	vadd.f32 v41, v45;
	v39 =	vmax.f32 v28, $0.0e+00;
	[tilespmem:s6+$0x189D0] =	vst v23;
	v35 =	vld.idx.msk [tilespmem:v24+s28+$0x0], $0xffff  }
0x4da: {  	v28 =	vmax.f32 v43, $0.0e+00;
	v45 =	vadd.f32 v37, v50;
	v38 =	vld.idx.msk [tilespmem:v22+s28+$0x0], $0xffff;
	[tilespmem:s6+$0x18A00] =	vst v32  }
0x4db: {  	v37 =	vadd.f32 v47, v51;
	v43 =	vmax.f32 v41, $0.0e+00;
	v42 =	vld.idx.msk [tilespmem:v33+s28+$0x0], $0xffff;
	[tilespmem:s6+$0x18A80] =	vst v28  }
0x4dc: {  	s1 =	sadd.s32 $0x400, s1;
	v44 =	vadd.f32 v49, v52;
	[tilespmem:v36+s17+$0x0] =	vst.idx.msk $0xffff, v28;
	v28 =	vmax.f32 v45, $0.0e+00;
	v36 =	vld.idx.msk [tilespmem:v21+s28+$0x0], $0xffff  }
0x4dd: {  	_ = 	snop  }
0x4de: {  	[tilespmem:s6+$0x18A90] =	vst v28  }
0x4df: {  	[tilespmem:s6+$0x18A60] =	vst v39  }
0x4e0: {  	[tilespmem:s6+$0x18A50] =	vst v43  }
0x4e1: {  	[tilespmem:v10+s17+$0x0] =	vst.idx.msk $0xffff, v32  }
0x4e2: {  	[tilespmem:v14+s17+$0x0] =	vst.idx.msk $0xffff, v27  }
0x4e3: {  	[tilespmem:v12+s17+$0x0] =	vst.idx.msk $0xffff, v23  }
0x4e4: {  	[tilespmem:v16+s17+$0x0] =	vst.idx.msk $0xffff, v39  }
0x4e5: {  	v56 =	vmax.f32 v37, $0.0e+00;
	[tilespmem:v20+s17+$0x0] =	vst.idx.msk $0xffff, v43  }
0x4e6: {  	[tilespmem:s6+$0x18A10] =	vst v56  }
0x4e7: {  	v54 =	vmax.f32 v44, $0.0e+00;
	[tilespmem:v15+s17+$0x0] =	vst.idx.msk $0xffff, v28  }
0x4e8: {  	v60 =	vadd.f32 v29, v30;
	[tilespmem:s6+$0x18A40] =	vst v54  }
0x4e9: {  	v10 =	vadd.f32 v19, v40;
	[tilespmem:v18+s17+$0x0] =	vst.idx.msk $0xffff, v56  }
0x4ea: {  	v59 =	vadd.f32 v34, v35;
	v63 =	vmax.f32 v60, $0.0e+00;
	[tilespmem:v17+s17+$0x0] =	vst.idx.msk $0xffff, v54  }
0x4eb: {  	v10 =	vmax.f32 v10, $0.0e+00;
	[tilespmem:s6+$0x18A20] =	vst v63  }
0x4ec: {  	v61 =	vmax.f32 v59, $0.0e+00;
	[tilespmem:s6+$0x18A70] =	vst v10  }
0x4ed: {  	v62 =	vadd.f32 v31, v38;
	[tilespmem:s6+$0x18A30] =	vst v61  }
0x4ee: {  	[tilespmem:v13+s17+$0x0] =	vst.idx.msk $0xffff, v63  }
0x4ef: {  	v55 =	vadd.f32 v26, v42;
	v17 =	vmax.f32 v62, $0.0e+00;
	[tilespmem:v11+s17+$0x0] =	vst.idx.msk $0xffff, v10  }
0x4f0: {  	[tilespmem:s6+$0x189F0] =	vst v17  }
0x4f1: {  	v25 =	vadd.f32 v25, v36;
	v57 =	vmax.f32 v55, $0.0e+00;
	[tilespmem:v24+s17+$0x0] =	vst.idx.msk $0xffff, v61  }
0x4f2: {  	[tilespmem:s6+$0x189E0] =	vst v57  }
0x4f3: {  	v58 =	vmax.f32 v25, $0.0e+00;
	[tilespmem:v22+s17+$0x0] =	vst.idx.msk $0xffff, v17  }
0x4f4: {  	[tilespmem:s6+$0x18AA0] =	vst v58  }
0x4f5: {  	[tilespmem:v33+s17+$0x0] =	vst.idx.msk $0xffff, v57  }
0x4f6: {  	[tilespmem:v21+s17+$0x0] =	vst.idx.msk $0xffff, v58  }
0x4f7: {  	s1 =	rddreg [dreg:$0x10]  }
0x4f8: {  	s3 =	simm.s32 $0x0;
	s1 =	sadd.s32 s10, s1  }
0x4f9: {  	[hbm4b:s1+s3] =	stream.linear.scatter [tilespmem:s17], [sflag:$0x3], $0x190, $0x38;
	[tilespmem:$0x1EE40] =	vst v63  }
0x4fa: {  	s2 =	sadd.s32 $0x9C40, s1  }
0x4fb: {  	[hbm4b:s2+s3] =	stream.linear.scatter [tilespmem:s8], [sflag:$0x3], $0x190, $0x38;
	[tilespmem:$0x1EE40] =	vst v63  }
0x4fc: {  	s10 =	sadd.s32 $0x13880, s1  }
0x4fd: {  	[hbm4b:s10+s3] =	stream.linear.scatter [tilespmem:s30], [sflag:$0x3], $0x190, $0x38;
	[tilespmem:$0x1EE40] =	vst v63  }
0x4fe: {  	s20 =	simm.s32 $0x1A788;
	s18 =	sadd.s32 $0x1D4C0, s1  }
0x4ff: {  	[hbm4b:s18+s3] =	stream.linear.scatter [tilespmem:s20], [sflag:$0x3], $0x190, $0x38;
	[tilespmem:$0x1EE40] =	vst v63  }
0x500: {  	s23 =	simm.s32 $0x1A920;
	s22 =	sadd.s32 $0x27100, s1  }
0x501: {  	[hbm4b:s22+s3] =	stream.linear.scatter [tilespmem:s23], [sflag:$0x3], $0x190, $0x38;
	[tilespmem:$0x1EE40] =	vst v63  }
0x502: {  	s26 =	simm.s32 $0x1AAB8;
	s25 =	sadd.s32 $0x30D40, s1  }
0x503: {  	[hbm4b:s25+s3] =	stream.linear.scatter [tilespmem:s26], [sflag:$0x3], $0x190, $0x38;
	[tilespmem:$0x1EE40] =	vst v63  }
0x504: {  	s29 =	sadd.s32 $0x3A980, s1;
	s30 =	simm.s32 $0x1AC50  }
0x505: {  	[hbm4b:s29+s3] =	stream.linear.scatter [tilespmem:s30], [sflag:$0x3], $0x190, $0x38;
	[tilespmem:$0x1EE40] =	vst v63  }
0x506: {  	s7 =	simm.s32 $0x1ADE8;
	s6 =	sadd.s32 $0x445C0, s1  }
0x507: {  	[hbm4b:s6+s3] =	stream.linear.scatter [tilespmem:s7], [sflag:$0x3], $0x190, $0x38;
	[tilespmem:$0x1EE40] =	vst v63  }
0x508: {  	s8 =	sadd.s32 $0x4E200, s1;
	s10 =	simm.s32 $0x1AF80  }
0x509: {  	[hbm4b:s8+s3] =	stream.linear.scatter [tilespmem:s10], [sflag:$0x3], $0x190, $0x38;
	[tilespmem:$0x1EE40] =	vst v63  }
0x50a: {  	s18 =	sadd.s32 $0x57E40, s1;
	s20 =	simm.s32 $0x1B118  }
0x50b: {  	[hbm4b:s18+s3] =	stream.linear.scatter [tilespmem:s20], [sflag:$0x3], $0x190, $0x38;
	[tilespmem:$0x1EE40] =	vst v63  }
0x50c: {  	s22 =	sadd.s32 $0x61A80, s1;
	s23 =	simm.s32 $0x1B2B0  }
0x50d: {  	[hbm4b:s22+s3] =	stream.linear.scatter [tilespmem:s23], [sflag:$0x3], $0x190, $0x38;
	[tilespmem:$0x1EE40] =	vst v63  }
0x50e: {  	s25 =	sadd.s32 $0x6B6C0, s1;
	s26 =	simm.s32 $0x1B448  }
0x50f: {  	[hbm4b:s25+s3] =	stream.linear.scatter [tilespmem:s26], [sflag:$0x3], $0x190, $0x38;
	[tilespmem:$0x1EE40] =	vst v63  }
0x510: {  	s29 =	sadd.s32 $0x75300, s1;
	s30 =	simm.s32 $0x1B5E0  }
0x511: {  	[hbm4b:s29+s3] =	stream.linear.scatter [tilespmem:s30], [sflag:$0x3], $0x190, $0x38;
	[tilespmem:$0x1EE40] =	vst v63  }
0x512: {  	s6 =	sadd.s32 $0x7EF40, s1;
	s7 =	simm.s32 $0x1B778  }
0x513: {  	[hbm4b:s6+s3] =	stream.linear.scatter [tilespmem:s7], [sflag:$0x3], $0x190, $0x38;
	[tilespmem:$0x1EE40] =	vst v63  }
0x514: {  	s8 =	sadd.s32 $0x88B80, s1;
	s10 =	simm.s32 $0x1B910  }
0x515: {  	[hbm4b:s8+s3] =	stream.linear.scatter [tilespmem:s10], [sflag:$0x3], $0x190, $0x38;
	[tilespmem:$0x1EE40] =	vst v63  }
0x516: {  	s1 =	sadd.s32 $0x927C0, s1;
	s18 =	simm.s32 $0x1BAA8  }
0x517: {  	[hbm4b:s1+s3] =	stream.linear.scatter [tilespmem:s18], [sflag:$0x3], $0x190, $0x38;
	[tilespmem:$0x1EE40] =	vst v63  }
0x518: {  	_ =	swait.ge [sflag:s19], $0x1900  }
0x519: {  	[sflag:s19] =	ssyncset.done $0x0  }
0x51a: {  	s20 =	simm.s32 $0x189C0;
	[sflag:s19] =	ssyncadd.s32 $0xFFFFE700  }
0x51b: {  	[spmem:s4] =	stream.indirect.scatter.add.f32 [tilespmem:s20], [sflag:$0x3], $0x10, s16, s15, $0xb8;
	[tilespmem:$0x1EE40] =	vst v63  }
0x51c: {  	_ =	swait.ge [sflag:s19], $0x640  }
0x51d: {  	[sflag:s19] =	ssyncset.done $0x0  }
0x51e: {  	s22 =	simm.s32 $0x19000;
	[sflag:s19] =	ssyncadd.s32 $0xFFFFF9C0  }
0x51f: {  	[spmem:s4] =	stream.indirect.scatter.add.f32 [tilespmem:s22], [sflag:$0x3], $0x10, s5, s15, $0xb8;
	[tilespmem:$0x1EE40] =	vst v63  }
0x520: {  	_ =	swait.ge [sflag:s19], $0x640  }
0x521: {  	[sflag:s19] =	ssyncset.done $0x0  }
0x522: {  	s23 =	simm.s32 $0xF70;
	s25 =	simm.s32 $0x19640;
	[sflag:s19] =	ssyncadd.s32 $0xFFFFF9C0  }
0x523: {  	[spmem:s4] =	stream.indirect.scatter.add.f32 [tilespmem:s25], [sflag:$0x3], $0x10, s23, s15, $0xb8;
	[tilespmem:$0x1EE40] =	vst v63  }
0x524: {  	_ =	swait.ge [sflag:s19], $0x640  }
0x525: {  	[sflag:s19] =	ssyncset.done $0x0  }
0x526: {  	s26 =	simm.s32 $0xFD8;
	s29 =	simm.s32 $0x19C80;
	[sflag:s19] =	ssyncadd.s32 $0xFFFFF9C0  }
0x527: {  	[spmem:s4] =	stream.indirect.scatter.add.f32 [tilespmem:s29], [sflag:$0x3], $0x10, s26, s15, $0xb8;
	[tilespmem:$0x1EE40] =	vst v63  }
0x528: {  	_ =	swait.ge [sflag:s19], $0x640  }
0x529: {  	s30 =	rddreg [dreg:$0xf]  }
0x52a: {  	s1 =	sadd.s32 $0x1, s30  }
0x52b: {  	p0 =	sne.s32 s1, $0x5  }
.Ltmp6:
0x52c: {  	_ = 	snop;
	(pc) =	sbr.rel @p0 .LBB2_4-.Ltmp6, $3  }
0x52d: {  	_ =	sdelay $0x1  }
0x52e: {  	[sflag:s19] =	ssyncset.done $0x0  }
0x52f: {  	[sflag:s19] =	ssyncadd.s32 $0xFFFFF9C0  }
0x530: {  	s0 =	stileid.u32;
	[bflag:$0x0] =	sbarrier.arrive $0xFFFF  }
0x531: {  	s0 =	sshll.u32 s0, $0x6;
	s6 =	rddreg [dreg:$0x8]  }
0x532: {  	s2 =	rddreg [dreg:$0xc];
	s0 =	sor.u32 $0x1C03, s0;
	s1 =	sshrl.u32 s6, $0x3  }
0x533: {  	[hbm:s2], [sflag:s0] =	dma.local [spmem:s1], $0x500  }
0x534: {  	_ =	swait.ge [sflag:s19], $0x500  }
0x535: {  	s29 =	rddreg [dreg:$0xe]  }
0x536: {  	s30 =	rddreg [dreg:$0xd];
	s1 =	sadd.s32 $0x1, s29  }
0x537: {  	p0 =	sne.s32 s1, s30  }
.Ltmp7:
0x538: {  	_ = 	snop;
	(pc) =	sbr.rel @p0 .LBB2_1-.Ltmp7, $3  }
0x539: {  	_ =	sdelay $0x1  }
0x53a: {  	[sflag:s19] =	ssyncset.done $0x0  }
0x53b: {  	[sflag:s19] =	ssyncadd.s32 $0xFFFFFB00  }
0x53c: {  	_ =	sfence.sel $0x180000  }
0x53d: {  	[bflag:$0x0] =	sbarrier.arrive $0xFFFF  }
0x53e: {  	_ =	strace $0x90000047  }
0x53f: {  	s0 =	stileid.u32;
	[bflag:$0x2] =	sbarrier.arrive $0xFFFF  }
0x540: {  	p0 =	sne.s32 s0, $0x0;
	s0 =	rddreg [dreg:$0x4]  }
0x541: {  	s0 =	sadd.s32 @!p0 $0x100000, s0  }
0x542: {  	[sflag:s0] =	ssyncadd.tile.s32 @!p0 $0x1;
	_ =	shalt  }
.Lfunc_end2:
_tile_overlayer_lowered:
.L_overlay_start_2:
0x543: {  	(tag) =	ssettag $0x2  }
0x544: {  	s0 =	rddreg [dreg:$0x0];
	s2 =	stileid.u32  }
0x545: {  	s1 =	rddreg [dreg:$0x1];
	p0 =	sne.s32 s2, $0x0  }
0x546: {  	s3 =	rddreg [dreg:$0x2];
	[bflag:$0x3] =	sbarrier.arrive $0xFFFF;
	s2 =	simm.s32 @!p0 $0x1C03  }
0x547: {  	[timem:s3], [sflag:s2] =	dma.local @!p0 [hbm:s0], s1  }
0x548: {  	s0 =	simm.s32 @!p0 $0x3  }
0x549: {  	_ =	swait.ge @!p0 [sflag:s0], s1  }
0x54a: {  	s1 =	ssub.s32 @!p0 $0x0, s1;
	[sflag:s0] =	ssyncset.done @!p0 $0x0  }
0x54b: {  	[sflag:s0] =	ssyncadd.s32 @!p0 s1  }
0x54c: {  	[bflag:$0x3] =	sbarrier.arrive $0xFFFF  }
0x54d: {  	_ =	shalt  }

</sc_bundles>
